<compile_context>
chip_gen: v7x
topology: tpu7x:2x2x1
jax: 0.10.2.dev20260603
libtpu: 0.0.44.dev20260713+nightly
codegen_flags: <defaults>
</compile_context>

<pallas_src>
import functools

import jax
import jax.numpy as jnp
from jax import lax
from jax.experimental import pallas as pl
from jax.experimental.pallas import tpu as pltpu
from jax.experimental.pallas import tpu_sc as plsc

N = 10000
E = 320000
D = 128
ED = 10

NC = 2
NS = 16
NW = NC * NS
EPW = E // NW
CH = 80
NCHUNK = EPW // CH
NP = 10240
ROWS_PT = NP // NS


EB = 2560


def _edge_lin_body(attr_ref, w_ref, b_ref, out_ref):
    out_ref[...] = (
        jnp.dot(attr_ref[...], w_ref[...], preferred_element_type=jnp.float32)
        + b_ref[...]
    )


def _edge_lin(edge_attr, W_edge, b_edge):
    return pl.pallas_call(
        _edge_lin_body,
        grid=(E // EB,),
        in_specs=[
            pl.BlockSpec((EB, ED), lambda i: (i, 0)),
            pl.BlockSpec((ED, D), lambda i: (0, 0)),
            pl.BlockSpec((1, D), lambda i: (0, 0)),
        ],
        out_specs=pl.BlockSpec((EB, D), lambda i: (i, 0)),
        out_shape=jax.ShapeDtypeStruct((E, D), jnp.float32),
    )(edge_attr, W_edge, b_edge.reshape(1, D))


def _sc_edge_body(src_hbm, dst_hbm, e_hbm, x_hbm, zeros_hbm, out_hbm,
                  src_v, dst_v, dst_s, rows_v, e_v, aggr_sh,
                  sem_i, sem_g, sem_e, sem_s):
    cid = lax.axis_index("c")
    sid = lax.axis_index("s")
    wid = sid * NC + cid

    r0 = sid * ROWS_PT
    pltpu.sync_copy(zeros_hbm.at[pl.ds(r0, ROWS_PT)],
                    aggr_sh.at[pl.ds(r0, ROWS_PT)])
    plsc.subcore_barrier()

    base = wid * EPW

    def off(c):
        return base + jnp.minimum(c, NCHUNK - 1) * CH

    def issue_idx(b, c):
        o = off(c)
        pltpu.async_copy(src_hbm.at[pl.ds(o, CH)], src_v[b], sem_i[b])
        pltpu.async_copy(dst_hbm.at[pl.ds(o, CH)], dst_v[b], sem_i[b])

    def wait_idx(b):
        pltpu.make_async_copy(src_hbm.at[pl.ds(base, CH)], src_v[b],
                              sem_i[b]).wait()
        pltpu.make_async_copy(dst_hbm.at[pl.ds(base, CH)], dst_v[b],
                              sem_i[b]).wait()

    def issue_ge(b, c):
        pltpu.async_copy(x_hbm.at[src_v[b]], rows_v[b], sem_g[b])
        pltpu.async_copy(e_hbm.at[pl.ds(off(c), CH)], e_v[b], sem_e[b])

    def wait_ge(b):
        pltpu.make_async_copy(x_hbm.at[src_v[b]], rows_v[b], sem_g[b]).wait()
        pltpu.make_async_copy(e_hbm.at[pl.ds(base, CH)], e_v[b],
                              sem_e[b]).wait()

    def copy_dst(b):
        for k in range(CH // 16):
            sl = pl.ds(k * 16, 16)
            dst_s[b][sl] = dst_v[b][sl]

    def compute(b):
        def row4(k, carry):
            i = k * 4
            for r in range(4):
                for j in range(D // 16):
                    sl = pl.ds(j * 16, 16)
                    rows_v[b][i + r, sl] = jnp.maximum(
                        rows_v[b][i + r, sl] + e_v[b][i + r, sl], 0.0)
            return carry

        lax.fori_loop(0, CH // 4, row4, 0)

    def issue_s(b):
        pltpu.async_copy(rows_v[b], aggr_sh.at[dst_s[b]], sem_s[b], add=True)

    def wait_s(b):
        pltpu.make_async_copy(rows_v[b], aggr_sh.at[dst_s[b]],
                              sem_s[b]).wait()

    issue_idx(0, 0)
    issue_idx(1, 1)
    wait_idx(0)
    issue_ge(0, 0)
    wait_idx(1)
    issue_ge(1, 1)
    wait_ge(0)
    copy_dst(0)
    issue_idx(0, 2)
    compute(0)
    issue_s(0)
    wait_ge(1)
    copy_dst(1)
    issue_idx(1, 3)
    compute(1)
    issue_s(1)
    wait_s(0)
    wait_idx(0)
    issue_ge(0, 2)

    def pair(it, carry):
        c = 2 + 2 * it
        wait_s(1)
        wait_idx(1)
        issue_ge(1, c + 1)
        wait_ge(0)
        copy_dst(0)
        issue_idx(0, c + 2)
        compute(0)
        issue_s(0)
        wait_ge(1)
        copy_dst(1)
        issue_idx(1, c + 3)
        compute(1)
        issue_s(1)
        wait_s(0)
        wait_idx(0)
        issue_ge(0, c + 2)
        return carry

    lax.fori_loop(0, (NCHUNK - 3) // 2, pair, 0)

    wait_ge(0)
    copy_dst(0)
    compute(0)
    issue_s(0)
    wait_s(1)
    wait_idx(1)
    wait_s(0)

    plsc.subcore_barrier()
    pltpu.sync_copy(aggr_sh.at[pl.ds(r0, ROWS_PT)],
                    out_hbm.at[cid, pl.ds(r0, ROWS_PT)])


def _sc_edge(src, dst, e, x, zeros):
    mesh = plsc.VectorSubcoreMesh(core_axis_name="c", subcore_axis_name="s")
    call = pl.kernel(
        _sc_edge_body,
        out_type=jax.ShapeDtypeStruct((NC, NP, D), jnp.float32),
        mesh=mesh,
        scratch_types=[
            [pltpu.VMEM((CH,), jnp.int32) for _ in range(2)],
            [pltpu.VMEM((CH,), jnp.int32) for _ in range(2)],
            [pltpu.VMEM((CH,), jnp.int32) for _ in range(2)],
            [pltpu.VMEM((CH, D), jnp.float32) for _ in range(2)],
            [pltpu.VMEM((CH, D), jnp.float32) for _ in range(2)],
            pltpu.VMEM_SHARED((NP, D), jnp.float32),
            [pltpu.SemaphoreType.DMA for _ in range(2)],
            [pltpu.SemaphoreType.DMA for _ in range(2)],
            [pltpu.SemaphoreType.DMA for _ in range(2)],
            [pltpu.SemaphoreType.DMA for _ in range(2)],
        ],
    )
    return call(src, dst, e, x, zeros)


NB = 2000


def _mlp_body(x_ref, a0_ref, a1_ref, w1_ref, b1_ref, w2_ref, b2_ref,
              h_ref, s_ref, ss_ref):
    out = x_ref[...] + a0_ref[0] + a1_ref[0]
    h = jnp.maximum(
        jnp.dot(out, w1_ref[...], preferred_element_type=jnp.float32)
        + b1_ref[...], 0.0)
    h = jnp.maximum(
        jnp.dot(h, w2_ref[...], preferred_element_type=jnp.float32)
        + b2_ref[...], 0.0)
    h_ref[...] = h

    @pl.when(pl.program_id(0) == 0)
    def _():
        s_ref[...] = jnp.zeros_like(s_ref)
        ss_ref[...] = jnp.zeros_like(ss_ref)

    s_ref[...] += jnp.sum(h, axis=0, keepdims=True)
    ss_ref[...] += jnp.sum(h * h, axis=0, keepdims=True)


def _node_mlp(x, partials, W1, b1, W2, b2):
    return pl.pallas_call(
        _mlp_body,
        grid=(N // NB,),
        in_specs=[
            pl.BlockSpec((NB, D), lambda i: (i, 0)),
            pl.BlockSpec((1, NB, D), lambda i: (0, i, 0)),
            pl.BlockSpec((1, NB, D), lambda i: (1, i, 0)),
            pl.BlockSpec((D, D), lambda i: (0, 0)),
            pl.BlockSpec((1, D), lambda i: (0, 0)),
            pl.BlockSpec((D, D), lambda i: (0, 0)),
            pl.BlockSpec((1, D), lambda i: (0, 0)),
        ],
        out_specs=[
            pl.BlockSpec((NB, D), lambda i: (i, 0)),
            pl.BlockSpec((1, D), lambda i: (0, 0)),
            pl.BlockSpec((1, D), lambda i: (0, 0)),
        ],
        out_shape=[
            jax.ShapeDtypeStruct((N, D), jnp.float32),
            jax.ShapeDtypeStruct((1, D), jnp.float32),
            jax.ShapeDtypeStruct((1, D), jnp.float32),
        ],
    )(x, partials, partials, W1, b1.reshape(1, D), W2, b2.reshape(1, D))


def _bn_body(h_ref, s_ref, ss_ref, g_ref, bt_ref, o_ref):
    mean = s_ref[...] * (1.0 / N)
    var = ss_ref[...] * (1.0 / N) - mean * mean
    inv = lax.rsqrt(var + 1e-5)
    o_ref[...] = (h_ref[...] - mean) * inv * g_ref[...] + bt_ref[...]


def _bn(h, s, ss, gamma, beta):
    return pl.pallas_call(
        _bn_body,
        grid=(N // NB,),
        in_specs=[
            pl.BlockSpec((NB, D), lambda i: (i, 0)),
            pl.BlockSpec((1, D), lambda i: (0, 0)),
            pl.BlockSpec((1, D), lambda i: (0, 0)),
            pl.BlockSpec((1, D), lambda i: (0, 0)),
            pl.BlockSpec((1, D), lambda i: (0, 0)),
        ],
        out_specs=pl.BlockSpec((NB, D), lambda i: (i, 0)),
        out_shape=jax.ShapeDtypeStruct((N, D), jnp.float32),
    )(h, s, ss, gamma.reshape(1, D), beta.reshape(1, D))


def kernel(x, edge_index, edge_attr, W_edge, b_edge, W1, b1, W2, b2, gamma,
           beta):
    src = edge_index[0]
    dst = edge_index[1]
    e = _edge_lin(edge_attr, W_edge, b_edge)
    zeros = jnp.zeros((NP, D), jnp.float32)
    partials = _sc_edge(src, dst, e, x, zeros)
    h, s, ss = _node_mlp(x, partials, W1, b1, W2, b2)
    return _bn(h, s, ss, gamma, beta)

# --- scband reference (transcript-rebuilt; emitter-appended) ---
"""Pipeline reference for scband-gineblock-309237645715 (READ-ONLY COPY).

The authoritative reference and input builder live on the scoring server;
editing this copy changes nothing except your own understanding.
"""

import jax, jax.numpy as jnp
import numpy as np

N = 10000
E = 320000
D = 128
H = 128
ED = 10


def setup_inputs(seed: int = 0) -> dict:
    key = jax.random.key(seed)
    ks = jax.random.split(key, 12)
    x = jax.random.normal(ks[0], (N, D), dtype=jnp.float32)
    edge_index = jax.random.randint(ks[1], (2, E), 0, N, dtype=jnp.int32)
    edge_attr = jax.random.normal(ks[2], (E, ED), dtype=jnp.float32)
    # GINEConv internal linear mapping edge_dim -> in_channels (since edge_dim != indim)
    W_edge = jax.random.normal(ks[3], (ED, D), dtype=jnp.float32) / np.sqrt(ED)
    b_edge = jnp.zeros((D,), dtype=jnp.float32)
    # nn = Sequential(Linear(indim, hiddendim), ReLU(), Linear(hiddendim, hiddendim))
    W1 = jax.random.normal(ks[4], (D, H), dtype=jnp.float32) / np.sqrt(D)
    b1 = jnp.zeros((H,), dtype=jnp.float32)
    W2 = jax.random.normal(ks[5], (H, H), dtype=jnp.float32) / np.sqrt(H)
    b2 = jnp.zeros((H,), dtype=jnp.float32)
    # BatchNorm1d affine params
    gamma = jnp.ones((H,), dtype=jnp.float32)
    beta = jnp.zeros((H,), dtype=jnp.float32)
    return {
        "x": x,
        "edge_index": edge_index,
        "edge_attr": edge_attr,
        "W_edge": W_edge,
        "b_edge": b_edge,
        "W1": W1,
        "b1": b1,
        "W2": W2,
        "b2": b2,
        "gamma": gamma,
        "beta": beta,
    }


def reference(x, edge_index, edge_attr, W_edge, b_edge, W1, b1, W2, b2, gamma, beta):
    src = edge_index[0]
    dst = edge_index[1]
    # GINEConv message: ReLU(x_j + lin(edge_attr))
    e = edge_attr @ W_edge + b_edge
    m = jax.nn.relu(jnp.take(x, src, axis=0) + e)
    # sum-aggregate messages at destination nodes (scatter-add)
    aggr = jnp.zeros_like(x).at[dst].add(m)
    # (1 + eps) * x + aggr, eps = 0 (train_eps=False default)
    out = x + aggr
    # apply MLP nn
    h = jax.nn.relu(out @ W1 + b1)
    h = h @ W2 + b2
    # block-level ReLU
    h = jax.nn.relu(h)
    # BatchNorm1d (training mode: batch statistics, biased variance)
    mean = jnp.mean(h, axis=0)
    var = jnp.var(h, axis=0)
    h = (h - mean) / jnp.sqrt(var + 1e-5) * gamma + beta
    return h

if __name__ == "__main__":
    import jax
    _d = setup_inputs()
    print(jax.jit(kernel)(*tuple(_d.values())))

</pallas_src>

<mosaic_0001>
#map = affine_map<(d0, d1) -> (0)>
#map1 = affine_map<(d0, d1) -> (0, 0)>
#map2 = affine_map<(d0, d1) -> (0, 0, 0)>
module attributes {stable_mosaic.version = 14 : i64} {
  func.func @_sc_edge_body(%arg0: i32, %arg1: i32, %arg2: memref<320000xi32, #tpu.memory_space<hbm>>, %arg3: memref<320000xi32, #tpu.memory_space<hbm>>, %arg4: memref<320000x128xf32, #tpu.memory_space<hbm>>, %arg5: memref<10000x128xf32, #tpu.memory_space<hbm>>, %arg6: memref<10240x128xf32, #tpu.memory_space<hbm>>, %arg7: memref<2x10240x128xf32, #tpu.memory_space<hbm>>, %arg8: memref<80xi32, #tpu.memory_space<vmem>>, %arg9: memref<80xi32, #tpu.memory_space<vmem>>, %arg10: memref<80xi32, #tpu.memory_space<vmem>>, %arg11: memref<80xi32, #tpu.memory_space<vmem>>, %arg12: memref<80xi32, #tpu.memory_space<vmem>>, %arg13: memref<80xi32, #tpu.memory_space<vmem>>, %arg14: memref<80x128xf32, #tpu.memory_space<vmem>>, %arg15: memref<80x128xf32, #tpu.memory_space<vmem>>, %arg16: memref<80x128xf32, #tpu.memory_space<vmem>>, %arg17: memref<80x128xf32, #tpu.memory_space<vmem>>, %arg18: memref<10240x128xf32, #tpu.memory_space<vmem_shared>>, %arg19: memref<!tpu.dma_semaphore, #tpu.memory_space<semaphore_mem>>, %arg20: memref<!tpu.dma_semaphore, #tpu.memory_space<semaphore_mem>>, %arg21: memref<!tpu.dma_semaphore, #tpu.memory_space<semaphore_mem>>, %arg22: memref<!tpu.dma_semaphore, #tpu.memory_space<semaphore_mem>>, %arg23: memref<!tpu.dma_semaphore, #tpu.memory_space<semaphore_mem>>, %arg24: memref<!tpu.dma_semaphore, #tpu.memory_space<semaphore_mem>>, %arg25: memref<!tpu.dma_semaphore, #tpu.memory_space<semaphore_mem>>, %arg26: memref<!tpu.dma_semaphore, #tpu.memory_space<semaphore_mem>>) attributes {dimension_semantics = [#tpu.dimension_semantics<core_parallel>, #tpu.dimension_semantics<subcore_parallel>], iteration_bounds = array<i64: 2, 16>, scalar_prefetch = 0 : i64, scratch_operands = 19 : i64, tpu.core_type = #tpu.core_type<sc_vector_subcore>, window_params = [{transform_indices = #map}, {transform_indices = #map}, {transform_indices = #map1}, {transform_indices = #map1}, {transform_indices = #map1}, {transform_indices = #map2}]} {
    %mul3A = arith.constant 2 : i32
    %mul3A_0 = arith.muli %arg1, %mul3A : i32
    %add3A = arith.addi %mul3A_0, %arg0 : i32
    %mul3A_1 = arith.constant 640 : i32
    %mul3A_2 = arith.muli %arg1, %mul3A_1 : i32
    "tpu.region"() ({
      %run_scoped3A = tpu.sem_alloc : memref<!tpu.dma_semaphore, #tpu.memory_space<semaphore_mem>>
      %dma_start3A_263 = arith.constant 0 : i32
      %dma_start3A_264 = tpu.memref_slice %arg18[%mul3A_2, %dma_start3A_263] : memref<10240x128xf32, #tpu.memory_space<vmem_shared>> -> memref<640x128xf32, #tpu.memory_space<vmem_shared>>
      %dma_start3A_265 = arith.constant 0 : i32
      %dma_start3A_266 = tpu.memref_slice %arg6[%mul3A_2, %dma_start3A_265] : memref<10240x128xf32, #tpu.memory_space<hbm>> -> memref<640x128xf32, #tpu.memory_space<hbm>>
      tpu.enqueue_dma source(%dma_start3A_266 : memref<640x128xf32, #tpu.memory_space<hbm>>) target(%dma_start3A_264 : memref<640x128xf32, #tpu.memory_space<vmem_shared>>) target_semaphore(%run_scoped3A : memref<!tpu.dma_semaphore, #tpu.memory_space<semaphore_mem>>)
      %dma_wait3A_267 = arith.constant 0 : i32
      %dma_wait3A_268 = tpu.memref_slice %arg18[%mul3A_2, %dma_wait3A_267] : memref<10240x128xf32, #tpu.memory_space<vmem_shared>> -> memref<640x128xf32, #tpu.memory_space<vmem_shared>>
      %dma_wait3A_269 = arith.constant 0 : i32
      %dma_wait3A_270 = tpu.memref_slice %arg6[%mul3A_2, %dma_wait3A_269] : memref<10240x128xf32, #tpu.memory_space<hbm>> -> memref<640x128xf32, #tpu.memory_space<hbm>>
      tpu.wait_dma2 semaphore(%run_scoped3A : memref<!tpu.dma_semaphore, #tpu.memory_space<semaphore_mem>>) src(%dma_wait3A_270 : memref<640x128xf32, #tpu.memory_space<hbm>>) dst(%dma_wait3A_268 : memref<640x128xf32, #tpu.memory_space<vmem_shared>>)
      tpu.yield
    }) : () -> ()
    %barrier3A = arith.constant 0 : index
    tpu.barrier barrier_id(%barrier3A)
    %mul3A_3 = arith.constant 10000 : i32
    %mul3A_4 = arith.muli %add3A, %mul3A_3 : i32
    %min3A = arith.constant 0 : i32
    %min3A_5 = arith.constant 124 : i32
    %min3A_6 = arith.minsi %min3A, %min3A_5 : i32
    %mul3A_7 = arith.constant 80 : i32
    %mul3A_8 = arith.muli %min3A_6, %mul3A_7 : i32
    %add3A_9 = arith.addi %mul3A_4, %mul3A_8 : i32
    %dma_start3A = tpu.memref_slice %arg2[%add3A_9] : memref<320000xi32, #tpu.memory_space<hbm>> -> memref<80xi32, #tpu.memory_space<hbm>>
    %dma_start3A_10 = tpu.memref_slice %arg2[%add3A_9] : memref<320000xi32, #tpu.memory_space<hbm>> -> memref<80xi32, #tpu.memory_space<hbm>>
    tpu.enqueue_dma source(%dma_start3A_10 : memref<80xi32, #tpu.memory_space<hbm>>) target(%arg8 : memref<80xi32, #tpu.memory_space<vmem>>) target_semaphore(%arg19 : memref<!tpu.dma_semaphore, #tpu.memory_space<semaphore_mem>>)
    %dma_start3A_11 = tpu.memref_slice %arg3[%add3A_9] : memref<320000xi32, #tpu.memory_space<hbm>> -> memref<80xi32, #tpu.memory_space<hbm>>
    %dma_start3A_12 = tpu.memref_slice %arg3[%add3A_9] : memref<320000xi32, #tpu.memory_space<hbm>> -> memref<80xi32, #tpu.memory_space<hbm>>
    tpu.enqueue_dma source(%dma_start3A_12 : memref<80xi32, #tpu.memory_space<hbm>>) target(%arg10 : memref<80xi32, #tpu.memory_space<vmem>>) target_semaphore(%arg19 : memref<!tpu.dma_semaphore, #tpu.memory_space<semaphore_mem>>)
    %min3A_13 = arith.constant 1 : i32
    %min3A_14 = arith.constant 124 : i32
    %min3A_15 = arith.minsi %min3A_13, %min3A_14 : i32
    %mul3A_16 = arith.constant 80 : i32
    %mul3A_17 = arith.muli %min3A_15, %mul3A_16 : i32
    %add3A_18 = arith.addi %mul3A_4, %mul3A_17 : i32
    %dma_start3A_19 = tpu.memref_slice %arg2[%add3A_18] : memref<320000xi32, #tpu.memory_space<hbm>> -> memref<80xi32, #tpu.memory_space<hbm>>
    %dma_start3A_20 = tpu.memref_slice %arg2[%add3A_18] : memref<320000xi32, #tpu.memory_space<hbm>> -> memref<80xi32, #tpu.memory_space<hbm>>
    tpu.enqueue_dma source(%dma_start3A_20 : memref<80xi32, #tpu.memory_space<hbm>>) target(%arg9 : memref<80xi32, #tpu.memory_space<vmem>>) target_semaphore(%arg20 : memref<!tpu.dma_semaphore, #tpu.memory_space<semaphore_mem>>)
    %dma_start3A_21 = tpu.memref_slice %arg3[%add3A_18] : memref<320000xi32, #tpu.memory_space<hbm>> -> memref<80xi32, #tpu.memory_space<hbm>>
    %dma_start3A_22 = tpu.memref_slice %arg3[%add3A_18] : memref<320000xi32, #tpu.memory_space<hbm>> -> memref<80xi32, #tpu.memory_space<hbm>>
    tpu.enqueue_dma source(%dma_start3A_22 : memref<80xi32, #tpu.memory_space<hbm>>) target(%arg11 : memref<80xi32, #tpu.memory_space<vmem>>) target_semaphore(%arg20 : memref<!tpu.dma_semaphore, #tpu.memory_space<semaphore_mem>>)
    %dma_wait3A = tpu.memref_slice %arg2[%mul3A_4] : memref<320000xi32, #tpu.memory_space<hbm>> -> memref<80xi32, #tpu.memory_space<hbm>>
    %dma_wait3A_23 = tpu.memref_slice %arg2[%mul3A_4] : memref<320000xi32, #tpu.memory_space<hbm>> -> memref<80xi32, #tpu.memory_space<hbm>>
    tpu.wait_dma2 semaphore(%arg19 : memref<!tpu.dma_semaphore, #tpu.memory_space<semaphore_mem>>) src(%dma_wait3A_23 : memref<80xi32, #tpu.memory_space<hbm>>) dst(%arg8 : memref<80xi32, #tpu.memory_space<vmem>>)
    %dma_wait3A_24 = tpu.memref_slice %arg3[%mul3A_4] : memref<320000xi32, #tpu.memory_space<hbm>> -> memref<80xi32, #tpu.memory_space<hbm>>
    %dma_wait3A_25 = tpu.memref_slice %arg3[%mul3A_4] : memref<320000xi32, #tpu.memory_space<hbm>> -> memref<80xi32, #tpu.memory_space<hbm>>
    tpu.wait_dma2 semaphore(%arg19 : memref<!tpu.dma_semaphore, #tpu.memory_space<semaphore_mem>>) src(%dma_wait3A_25 : memref<80xi32, #tpu.memory_space<hbm>>) dst(%arg10 : memref<80xi32, #tpu.memory_space<vmem>>)
    %dma_start3A_26 = arith.constant 0 : i32
    %dma_start3A_27 = arith.constant 0 : i32
    %dma_start3A_28 = tpu.memref_slice %arg5[%dma_start3A_26, %dma_start3A_27] : memref<10000x128xf32, #tpu.memory_space<hbm>> -> memref<10000x128xf32, #tpu.memory_space<hbm>>
    tpu.enqueue_indirect_dma source(%dma_start3A_28 : memref<10000x128xf32, #tpu.memory_space<hbm>>) target(%arg14 : memref<80x128xf32, #tpu.memory_space<vmem>>) offsets(%arg8 : memref<80xi32, #tpu.memory_space<vmem>>) semaphore(%arg21 : memref<!tpu.dma_semaphore, #tpu.memory_space<semaphore_mem>>)
    %min3A_29 = arith.constant 0 : i32
    %min3A_30 = arith.constant 124 : i32
    %min3A_31 = arith.minsi %min3A_29, %min3A_30 : i32
    %mul3A_32 = arith.constant 80 : i32
    %mul3A_33 = arith.muli %min3A_31, %mul3A_32 : i32
    %add3A_34 = arith.addi %mul3A_4, %mul3A_33 : i32
    %dma_start3A_35 = arith.constant 0 : i32
    %dma_start3A_36 = tpu.memref_slice %arg4[%add3A_34, %dma_start3A_35] : memref<320000x128xf32, #tpu.memory_space<hbm>> -> memref<80x128xf32, #tpu.memory_space<hbm>>
    %dma_start3A_37 = arith.constant 0 : i32
    %dma_start3A_38 = tpu.memref_slice %arg4[%add3A_34, %dma_start3A_37] : memref<320000x128xf32, #tpu.memory_space<hbm>> -> memref<80x128xf32, #tpu.memory_space<hbm>>
    tpu.enqueue_dma source(%dma_start3A_38 : memref<80x128xf32, #tpu.memory_space<hbm>>) target(%arg16 : memref<80x128xf32, #tpu.memory_space<vmem>>) target_semaphore(%arg23 : memref<!tpu.dma_semaphore, #tpu.memory_space<semaphore_mem>>)
    %dma_wait3A_39 = tpu.memref_slice %arg2[%mul3A_4] : memref<320000xi32, #tpu.memory_space<hbm>> -> memref<80xi32, #tpu.memory_space<hbm>>
    %dma_wait3A_40 = tpu.memref_slice %arg2[%mul3A_4] : memref<320000xi32, #tpu.memory_space<hbm>> -> memref<80xi32, #tpu.memory_space<hbm>>
    tpu.wait_dma2 semaphore(%arg20 : memref<!tpu.dma_semaphore, #tpu.memory_space<semaphore_mem>>) src(%dma_wait3A_40 : memref<80xi32, #tpu.memory_space<hbm>>) dst(%arg9 : memref<80xi32, #tpu.memory_space<vmem>>)
    %dma_wait3A_41 = tpu.memref_slice %arg3[%mul3A_4] : memref<320000xi32, #tpu.memory_space<hbm>> -> memref<80xi32, #tpu.memory_space<hbm>>
    %dma_wait3A_42 = tpu.memref_slice %arg3[%mul3A_4] : memref<320000xi32, #tpu.memory_space<hbm>> -> memref<80xi32, #tpu.memory_space<hbm>>
    tpu.wait_dma2 semaphore(%arg20 : memref<!tpu.dma_semaphore, #tpu.memory_space<semaphore_mem>>) src(%dma_wait3A_42 : memref<80xi32, #tpu.memory_space<hbm>>) dst(%arg11 : memref<80xi32, #tpu.memory_space<vmem>>)
    %dma_start3A_43 = arith.constant 0 : i32
    %dma_start3A_44 = arith.constant 0 : i32
    %dma_start3A_45 = tpu.memref_slice %arg5[%dma_start3A_43, %dma_start3A_44] : memref<10000x128xf32, #tpu.memory_space<hbm>> -> memref<10000x128xf32, #tpu.memory_space<hbm>>
    tpu.enqueue_indirect_dma source(%dma_start3A_45 : memref<10000x128xf32, #tpu.memory_space<hbm>>) target(%arg15 : memref<80x128xf32, #tpu.memory_space<vmem>>) offsets(%arg9 : memref<80xi32, #tpu.memory_space<vmem>>) semaphore(%arg22 : memref<!tpu.dma_semaphore, #tpu.memory_space<semaphore_mem>>)
    %min3A_46 = arith.constant 1 : i32
    %min3A_47 = arith.constant 124 : i32
    %min3A_48 = arith.minsi %min3A_46, %min3A_47 : i32
    %mul3A_49 = arith.constant 80 : i32
    %mul3A_50 = arith.muli %min3A_48, %mul3A_49 : i32
    %add3A_51 = arith.addi %mul3A_4, %mul3A_50 : i32
    %dma_start3A_52 = arith.constant 0 : i32
    %dma_start3A_53 = tpu.memref_slice %arg4[%add3A_51, %dma_start3A_52] : memref<320000x128xf32, #tpu.memory_space<hbm>> -> memref<80x128xf32, #tpu.memory_space<hbm>>
    %dma_start3A_54 = arith.constant 0 : i32
    %dma_start3A_55 = tpu.memref_slice %arg4[%add3A_51, %dma_start3A_54] : memref<320000x128xf32, #tpu.memory_space<hbm>> -> memref<80x128xf32, #tpu.memory_space<hbm>>
    tpu.enqueue_dma source(%dma_start3A_55 : memref<80x128xf32, #tpu.memory_space<hbm>>) target(%arg17 : memref<80x128xf32, #tpu.memory_space<vmem>>) target_semaphore(%arg24 : memref<!tpu.dma_semaphore, #tpu.memory_space<semaphore_mem>>)
    %dma_wait3A_56 = arith.constant 0 : i32
    %dma_wait3A_57 = arith.constant 0 : i32
    %dma_wait3A_58 = tpu.memref_slice %arg5[%dma_wait3A_56, %dma_wait3A_57] : memref<10000x128xf32, #tpu.memory_space<hbm>> -> memref<10000x128xf32, #tpu.memory_space<hbm>>
    tpu.wait_indirect_dma semaphore(%arg21 : memref<!tpu.dma_semaphore, #tpu.memory_space<semaphore_mem>>) src(%dma_wait3A_58 : memref<10000x128xf32, #tpu.memory_space<hbm>>) dst(%arg14 : memref<80x128xf32, #tpu.memory_space<vmem>>)
    %dma_wait3A_59 = arith.constant 0 : i32
    %dma_wait3A_60 = tpu.memref_slice %arg4[%mul3A_4, %dma_wait3A_59] : memref<320000x128xf32, #tpu.memory_space<hbm>> -> memref<80x128xf32, #tpu.memory_space<hbm>>
    %dma_wait3A_61 = arith.constant 0 : i32
    %dma_wait3A_62 = tpu.memref_slice %arg4[%mul3A_4, %dma_wait3A_61] : memref<320000x128xf32, #tpu.memory_space<hbm>> -> memref<80x128xf32, #tpu.memory_space<hbm>>
    tpu.wait_dma2 semaphore(%arg23 : memref<!tpu.dma_semaphore, #tpu.memory_space<semaphore_mem>>) src(%dma_wait3A_62 : memref<80x128xf32, #tpu.memory_space<hbm>>) dst(%arg16 : memref<80x128xf32, #tpu.memory_space<vmem>>)
    %get3A = arith.constant 0 : index
    %get3A_63 = tpu.vector_load %arg10[%get3A] {strides = array<i32>} : memref<80xi32, #tpu.memory_space<vmem>>, vector<16xi32>,
    %get3A_64 = vector.shape_cast %get3A_63 : vector<16xi32> to vector<16xi32>
    %swap3A = arith.constant 0 : index
    %swap3A_65 = tpu.vector_load %arg12[%swap3A] {strides = array<i32>} : memref<80xi32, #tpu.memory_space<vmem>>, vector<16xi32>,
    %swap3A_66 = vector.shape_cast %swap3A_65 : vector<16xi32> to vector<16xi32>
    %swap3A_67 = vector.shape_cast %get3A_64 : vector<16xi32> to vector<16xi32>
    tpu.vector_store %arg12[%swap3A], %swap3A_67 {strides = array<i32>} : memref<80xi32, #tpu.memory_space<vmem>>, vector<16xi32>,
    %get3A_68 = arith.constant 16 : index
    %get3A_69 = tpu.vector_load %arg10[%get3A_68] {strides = array<i32>} : memref<80xi32, #tpu.memory_space<vmem>>, vector<16xi32>,
    %get3A_70 = vector.shape_cast %get3A_69 : vector<16xi32> to vector<16xi32>
    %swap3A_71 = arith.constant 16 : index
    %swap3A_72 = tpu.vector_load %arg12[%swap3A_71] {strides = array<i32>} : memref<80xi32, #tpu.memory_space<vmem>>, vector<16xi32>,
    %swap3A_73 = vector.shape_cast %swap3A_72 : vector<16xi32> to vector<16xi32>
    %swap3A_74 = vector.shape_cast %get3A_70 : vector<16xi32> to vector<16xi32>
    tpu.vector_store %arg12[%swap3A_71], %swap3A_74 {strides = array<i32>} : memref<80xi32, #tpu.memory_space<vmem>>, vector<16xi32>,
    %get3A_75 = arith.constant 32 : index
    %get3A_76 = tpu.vector_load %arg10[%get3A_75] {strides = array<i32>} : memref<80xi32, #tpu.memory_space<vmem>>, vector<16xi32>,
    %get3A_77 = vector.shape_cast %get3A_76 : vector<16xi32> to vector<16xi32>
    %swap3A_78 = arith.constant 32 : index
    %swap3A_79 = tpu.vector_load %arg12[%swap3A_78] {strides = array<i32>} : memref<80xi32, #tpu.memory_space<vmem>>, vector<16xi32>,
    %swap3A_80 = vector.shape_cast %swap3A_79 : vector<16xi32> to vector<16xi32>
    %swap3A_81 = vector.shape_cast %get3A_77 : vector<16xi32> to vector<16xi32>
    tpu.vector_store %arg12[%swap3A_78], %swap3A_81 {strides = array<i32>} : memref<80xi32, #tpu.memory_space<vmem>>, vector<16xi32>,
    %get3A_82 = arith.constant 48 : index
    %get3A_83 = tpu.vector_load %arg10[%get3A_82] {strides = array<i32>} : memref<80xi32, #tpu.memory_space<vmem>>, vector<16xi32>,
    %get3A_84 = vector.shape_cast %get3A_83 : vector<16xi32> to vector<16xi32>
    %swap3A_85 = arith.constant 48 : index
    %swap3A_86 = tpu.vector_load %arg12[%swap3A_85] {strides = array<i32>} : memref<80xi32, #tpu.memory_space<vmem>>, vector<16xi32>,
    %swap3A_87 = vector.shape_cast %swap3A_86 : vector<16xi32> to vector<16xi32>
    %swap3A_88 = vector.shape_cast %get3A_84 : vector<16xi32> to vector<16xi32>
    tpu.vector_store %arg12[%swap3A_85], %swap3A_88 {strides = array<i32>} : memref<80xi32, #tpu.memory_space<vmem>>, vector<16xi32>,
    %get3A_89 = arith.constant 64 : index
    %get3A_90 = tpu.vector_load %arg10[%get3A_89] {strides = array<i32>} : memref<80xi32, #tpu.memory_space<vmem>>, vector<16xi32>,
    %get3A_91 = vector.shape_cast %get3A_90 : vector<16xi32> to vector<16xi32>
    %swap3A_92 = arith.constant 64 : index
    %swap3A_93 = tpu.vector_load %arg12[%swap3A_92] {strides = array<i32>} : memref<80xi32, #tpu.memory_space<vmem>>, vector<16xi32>,
    %swap3A_94 = vector.shape_cast %swap3A_93 : vector<16xi32> to vector<16xi32>
    %swap3A_95 = vector.shape_cast %get3A_91 : vector<16xi32> to vector<16xi32>
    tpu.vector_store %arg12[%swap3A_92], %swap3A_95 {strides = array<i32>} : memref<80xi32, #tpu.memory_space<vmem>>, vector<16xi32>,
    %min3A_96 = arith.constant 2 : i32
    %min3A_97 = arith.constant 124 : i32
    %min3A_98 = arith.minsi %min3A_96, %min3A_97 : i32
    %mul3A_99 = arith.constant 80 : i32
    %mul3A_100 = arith.muli %min3A_98, %mul3A_99 : i32
    %add3A_101 = arith.addi %mul3A_4, %mul3A_100 : i32
    %dma_start3A_102 = tpu.memref_slice %arg2[%add3A_101] : memref<320000xi32, #tpu.memory_space<hbm>> -> memref<80xi32, #tpu.memory_space<hbm>>
    %dma_start3A_103 = tpu.memref_slice %arg2[%add3A_101] : memref<320000xi32, #tpu.memory_space<hbm>> -> memref<80xi32, #tpu.memory_space<hbm>>
    tpu.enqueue_dma source(%dma_start3A_103 : memref<80xi32, #tpu.memory_space<hbm>>) target(%arg8 : memref<80xi32, #tpu.memory_space<vmem>>) target_semaphore(%arg19 : memref<!tpu.dma_semaphore, #tpu.memory_space<semaphore_mem>>)
    %dma_start3A_104 = tpu.memref_slice %arg3[%add3A_101] : memref<320000xi32, #tpu.memory_space<hbm>> -> memref<80xi32, #tpu.memory_space<hbm>>
    %dma_start3A_105 = tpu.memref_slice %arg3[%add3A_101] : memref<320000xi32, #tpu.memory_space<hbm>> -> memref<80xi32, #tpu.memory_space<hbm>>
    tpu.enqueue_dma source(%dma_start3A_105 : memref<80xi32, #tpu.memory_space<hbm>>) target(%arg10 : memref<80xi32, #tpu.memory_space<vmem>>) target_semaphore(%arg19 : memref<!tpu.dma_semaphore, #tpu.memory_space<semaphore_mem>>)
    %scan3A = arith.constant 0 : i32
    %scan3A_106 = arith.constant 0 : i32
    %scan3A_107 = arith.constant 20 : i32
    %scan3A_108 = arith.addi %scan3A_106, %scan3A_107 : i32
    %scan3A_109 = arith.constant 1 : i32
    scf.for %scan3A_263 = %scan3A_106 to %scan3A_108 step %scan3A_109  : i32 {
      %mul3A_264 = arith.constant 4 : i32
      %mul3A_265 = arith.muli %scan3A_263, %mul3A_264 : i32
      %add3A_266 = arith.constant 0 : i32
      %add3A_267 = arith.addi %mul3A_265, %add3A_266 : i32
      %get3A_268 = arith.index_cast %add3A_267 : i32 to index
      %get3A_269 = arith.constant 0 : index
      %get3A_270 = tpu.vector_load %arg14[%get3A_268, %get3A_269] {strides = array<i32>} : memref<80x128xf32, #tpu.memory_space<vmem>>, vector<1x16xf32>,
      %get3A_271 = vector.shape_cast %get3A_270 : vector<1x16xf32> to vector<16xf32>
      %add3A_272 = arith.constant 0 : i32
      %add3A_273 = arith.addi %mul3A_265, %add3A_272 : i32
      %get3A_274 = arith.index_cast %add3A_273 : i32 to index
      %get3A_275 = arith.constant 0 : index
      %get3A_276 = tpu.vector_load %arg16[%get3A_274, %get3A_275] {strides = array<i32>} : memref<80x128xf32, #tpu.memory_space<vmem>>, vector<1x16xf32>,
      %get3A_277 = vector.shape_cast %get3A_276 : vector<1x16xf32> to vector<16xf32>
      %add3A_278 = arith.addf %get3A_271, %get3A_277 : vector<16xf32>
      %max3A = arith.constant 0.000000e+00 : f32
      %max3A_279 = vector.broadcast %max3A : f32 to vector<16xf32>
      %max3A_280 = arith.maximumf %add3A_278, %max3A_279 : vector<16xf32>
      %add3A_281 = arith.constant 0 : i32
      %add3A_282 = arith.addi %mul3A_265, %add3A_281 : i32
      %swap3A_283 = arith.index_cast %add3A_282 : i32 to index
      %swap3A_284 = arith.constant 0 : index
      %swap3A_285 = tpu.vector_load %arg14[%swap3A_283, %swap3A_284] {strides = array<i32>} : memref<80x128xf32, #tpu.memory_space<vmem>>, vector<1x16xf32>,
      %swap3A_286 = vector.shape_cast %swap3A_285 : vector<1x16xf32> to vector<16xf32>
      %swap3A_287 = vector.shape_cast %max3A_280 : vector<16xf32> to vector<1x16xf32>
      tpu.vector_store %arg14[%swap3A_283, %swap3A_284], %swap3A_287 {strides = array<i32>} : memref<80x128xf32, #tpu.memory_space<vmem>>, vector<1x16xf32>,
      %add3A_288 = arith.constant 0 : i32
      %add3A_289 = arith.addi %mul3A_265, %add3A_288 : i32
      %get3A_290 = arith.index_cast %add3A_289 : i32 to index
      %get3A_291 = arith.constant 16 : index
      %get3A_292 = tpu.vector_load %arg14[%get3A_290, %get3A_291] {strides = array<i32>} : memref<80x128xf32, #tpu.memory_space<vmem>>, vector<1x16xf32>,
      %get3A_293 = vector.shape_cast %get3A_292 : vector<1x16xf32> to vector<16xf32>
      %add3A_294 = arith.constant 0 : i32
      %add3A_295 = arith.addi %mul3A_265, %add3A_294 : i32
      %get3A_296 = arith.index_cast %add3A_295 : i32 to index
      %get3A_297 = arith.constant 16 : index
      %get3A_298 = tpu.vector_load %arg16[%get3A_296, %get3A_297] {strides = array<i32>} : memref<80x128xf32, #tpu.memory_space<vmem>>, vector<1x16xf32>,
      %get3A_299 = vector.shape_cast %get3A_298 : vector<1x16xf32> to vector<16xf32>
      %add3A_300 = arith.addf %get3A_293, %get3A_299 : vector<16xf32>
      %max3A_301 = arith.constant 0.000000e+00 : f32
      %max3A_302 = vector.broadcast %max3A_301 : f32 to vector<16xf32>
      %max3A_303 = arith.maximumf %add3A_300, %max3A_302 : vector<16xf32>
      %add3A_304 = arith.constant 0 : i32
      %add3A_305 = arith.addi %mul3A_265, %add3A_304 : i32
      %swap3A_306 = arith.index_cast %add3A_305 : i32 to index
      %swap3A_307 = arith.constant 16 : index
      %swap3A_308 = tpu.vector_load %arg14[%swap3A_306, %swap3A_307] {strides = array<i32>} : memref<80x128xf32, #tpu.memory_space<vmem>>, vector<1x16xf32>,
      %swap3A_309 = vector.shape_cast %swap3A_308 : vector<1x16xf32> to vector<16xf32>
      %swap3A_310 = vector.shape_cast %max3A_303 : vector<16xf32> to vector<1x16xf32>
      tpu.vector_store %arg14[%swap3A_306, %swap3A_307], %swap3A_310 {strides = array<i32>} : memref<80x128xf32, #tpu.memory_space<vmem>>, vector<1x16xf32>,
      %add3A_311 = arith.constant 0 : i32
      %add3A_312 = arith.addi %mul3A_265, %add3A_311 : i32
      %get3A_313 = arith.index_cast %add3A_312 : i32 to index
      %get3A_314 = arith.constant 32 : index
      %get3A_315 = tpu.vector_load %arg14[%get3A_313, %get3A_314] {strides = array<i32>} : memref<80x128xf32, #tpu.memory_space<vmem>>, vector<1x16xf32>,
      %get3A_316 = vector.shape_cast %get3A_315 : vector<1x16xf32> to vector<16xf32>
      %add3A_317 = arith.constant 0 : i32
      %add3A_318 = arith.addi %mul3A_265, %add3A_317 : i32
      %get3A_319 = arith.index_cast %add3A_318 : i32 to index
      %get3A_320 = arith.constant 32 : index
      %get3A_321 = tpu.vector_load %arg16[%get3A_319, %get3A_320] {strides = array<i32>} : memref<80x128xf32, #tpu.memory_space<vmem>>, vector<1x16xf32>,
      %get3A_322 = vector.shape_cast %get3A_321 : vector<1x16xf32> to vector<16xf32>
      %add3A_323 = arith.addf %get3A_316, %get3A_322 : vector<16xf32>
      %max3A_324 = arith.constant 0.000000e+00 : f32
      %max3A_325 = vector.broadcast %max3A_324 : f32 to vector<16xf32>
      %max3A_326 = arith.maximumf %add3A_323, %max3A_325 : vector<16xf32>
      %add3A_327 = arith.constant 0 : i32
      %add3A_328 = arith.addi %mul3A_265, %add3A_327 : i32
      %swap3A_329 = arith.index_cast %add3A_328 : i32 to index
      %swap3A_330 = arith.constant 32 : index
      %swap3A_331 = tpu.vector_load %arg14[%swap3A_329, %swap3A_330] {strides = array<i32>} : memref<80x128xf32, #tpu.memory_space<vmem>>, vector<1x16xf32>,
      %swap3A_332 = vector.shape_cast %swap3A_331 : vector<1x16xf32> to vector<16xf32>
      %swap3A_333 = vector.shape_cast %max3A_326 : vector<16xf32> to vector<1x16xf32>
      tpu.vector_store %arg14[%swap3A_329, %swap3A_330], %swap3A_333 {strides = array<i32>} : memref<80x128xf32, #tpu.memory_space<vmem>>, vector<1x16xf32>,
      %add3A_334 = arith.constant 0 : i32
      %add3A_335 = arith.addi %mul3A_265, %add3A_334 : i32
      %get3A_336 = arith.index_cast %add3A_335 : i32 to index
      %get3A_337 = arith.constant 48 : index
      %get3A_338 = tpu.vector_load %arg14[%get3A_336, %get3A_337] {strides = array<i32>} : memref<80x128xf32, #tpu.memory_space<vmem>>, vector<1x16xf32>,
      %get3A_339 = vector.shape_cast %get3A_338 : vector<1x16xf32> to vector<16xf32>
      %add3A_340 = arith.constant 0 : i32
      %add3A_341 = arith.addi %mul3A_265, %add3A_340 : i32
      %get3A_342 = arith.index_cast %add3A_341 : i32 to index
      %get3A_343 = arith.constant 48 : index
      %get3A_344 = tpu.vector_load %arg16[%get3A_342, %get3A_343] {strides = array<i32>} : memref<80x128xf32, #tpu.memory_space<vmem>>, vector<1x16xf32>,
      %get3A_345 = vector.shape_cast %get3A_344 : vector<1x16xf32> to vector<16xf32>
      %add3A_346 = arith.addf %get3A_339, %get3A_345 : vector<16xf32>
      %max3A_347 = arith.constant 0.000000e+00 : f32
      %max3A_348 = vector.broadcast %max3A_347 : f32 to vector<16xf32>
      %max3A_349 = arith.maximumf %add3A_346, %max3A_348 : vector<16xf32>
      %add3A_350 = arith.constant 0 : i32
      %add3A_351 = arith.addi %mul3A_265, %add3A_350 : i32
      %swap3A_352 = arith.index_cast %add3A_351 : i32 to index
      %swap3A_353 = arith.constant 48 : index
      %swap3A_354 = tpu.vector_load %arg14[%swap3A_352, %swap3A_353] {strides = array<i32>} : memref<80x128xf32, #tpu.memory_space<vmem>>, vector<1x16xf32>,
      %swap3A_355 = vector.shape_cast %swap3A_354 : vector<1x16xf32> to vector<16xf32>
      %swap3A_356 = vector.shape_cast %max3A_349 : vector<16xf32> to vector<1x16xf32>
      tpu.vector_store %arg14[%swap3A_352, %swap3A_353], %swap3A_356 {strides = array<i32>} : memref<80x128xf32, #tpu.memory_space<vmem>>, vector<1x16xf32>,
      %add3A_357 = arith.constant 0 : i32
      %add3A_358 = arith.addi %mul3A_265, %add3A_357 : i32
      %get3A_359 = arith.index_cast %add3A_358 : i32 to index
      %get3A_360 = arith.constant 64 : index
      %get3A_361 = tpu.vector_load %arg14[%get3A_359, %get3A_360] {strides = array<i32>} : memref<80x128xf32, #tpu.memory_space<vmem>>, vector<1x16xf32>,
      %get3A_362 = vector.shape_cast %get3A_361 : vector<1x16xf32> to vector<16xf32>
      %add3A_363 = arith.constant 0 : i32
      %add3A_364 = arith.addi %mul3A_265, %add3A_363 : i32
      %get3A_365 = arith.index_cast %add3A_364 : i32 to index
      %get3A_366 = arith.constant 64 : index
      %get3A_367 = tpu.vector_load %arg16[%get3A_365, %get3A_366] {strides = array<i32>} : memref<80x128xf32, #tpu.memory_space<vmem>>, vector<1x16xf32>,
      %get3A_368 = vector.shape_cast %get3A_367 : vector<1x16xf32> to vector<16xf32>
      %add3A_369 = arith.addf %get3A_362, %get3A_368 : vector<16xf32>
      %max3A_370 = arith.constant 0.000000e+00 : f32
      %max3A_371 = vector.broadcast %max3A_370 : f32 to vector<16xf32>
      %max3A_372 = arith.maximumf %add3A_369, %max3A_371 : vector<16xf32>
      %add3A_373 = arith.constant 0 : i32
      %add3A_374 = arith.addi %mul3A_265, %add3A_373 : i32
      %swap3A_375 = arith.index_cast %add3A_374 : i32 to index
      %swap3A_376 = arith.constant 64 : index
      %swap3A_377 = tpu.vector_load %arg14[%swap3A_375, %swap3A_376] {strides = array<i32>} : memref<80x128xf32, #tpu.memory_space<vmem>>, vector<1x16xf32>,
      %swap3A_378 = vector.shape_cast %swap3A_377 : vector<1x16xf32> to vector<16xf32>
      %swap3A_379 = vector.shape_cast %max3A_372 : vector<16xf32> to vector<1x16xf32>
      tpu.vector_store %arg14[%swap3A_375, %swap3A_376], %swap3A_379 {strides = array<i32>} : memref<80x128xf32, #tpu.memory_space<vmem>>, vector<1x16xf32>,
      %add3A_380 = arith.constant 0 : i32
      %add3A_381 = arith.addi %mul3A_265, %add3A_380 : i32
      %get3A_382 = arith.index_cast %add3A_381 : i32 to index
      %get3A_383 = arith.constant 80 : index
      %get3A_384 = tpu.vector_load %arg14[%get3A_382, %get3A_383] {strides = array<i32>} : memref<80x128xf32, #tpu.memory_space<vmem>>, vector<1x16xf32>,
      %get3A_385 = vector.shape_cast %get3A_384 : vector<1x16xf32> to vector<16xf32>
      %add3A_386 = arith.constant 0 : i32
      %add3A_387 = arith.addi %mul3A_265, %add3A_386 : i32
      %get3A_388 = arith.index_cast %add3A_387 : i32 to index
      %get3A_389 = arith.constant 80 : index
      %get3A_390 = tpu.vector_load %arg16[%get3A_388, %get3A_389] {strides = array<i32>} : memref<80x128xf32, #tpu.memory_space<vmem>>, vector<1x16xf32>,
      %get3A_391 = vector.shape_cast %get3A_390 : vector<1x16xf32> to vector<16xf32>
      %add3A_392 = arith.addf %get3A_385, %get3A_391 : vector<16xf32>
      %max3A_393 = arith.constant 0.000000e+00 : f32
      %max3A_394 = vector.broadcast %max3A_393 : f32 to vector<16xf32>
      %max3A_395 = arith.maximumf %add3A_392, %max3A_394 : vector<16xf32>
      %add3A_396 = arith.constant 0 : i32
      %add3A_397 = arith.addi %mul3A_265, %add3A_396 : i32
      %swap3A_398 = arith.index_cast %add3A_397 : i32 to index
      %swap3A_399 = arith.constant 80 : index
      %swap3A_400 = tpu.vector_load %arg14[%swap3A_398, %swap3A_399] {strides = array<i32>} : memref<80x128xf32, #tpu.memory_space<vmem>>, vector<1x16xf32>,
      %swap3A_401 = vector.shape_cast %swap3A_400 : vector<1x16xf32> to vector<16xf32>
      %swap3A_402 = vector.shape_cast %max3A_395 : vector<16xf32> to vector<1x16xf32>
      tpu.vector_store %arg14[%swap3A_398, %swap3A_399], %swap3A_402 {strides = array<i32>} : memref<80x128xf32, #tpu.memory_space<vmem>>, vector<1x16xf32>,
      %add3A_403 = arith.constant 0 : i32
      %add3A_404 = arith.addi %mul3A_265, %add3A_403 : i32
      %get3A_405 = arith.index_cast %add3A_404 : i32 to index
      %get3A_406 = arith.constant 96 : index
      %get3A_407 = tpu.vector_load %arg14[%get3A_405, %get3A_406] {strides = array<i32>} : memref<80x128xf32, #tpu.memory_space<vmem>>, vector<1x16xf32>,
      %get3A_408 = vector.shape_cast %get3A_407 : vector<1x16xf32> to vector<16xf32>
      %add3A_409 = arith.constant 0 : i32
      %add3A_410 = arith.addi %mul3A_265, %add3A_409 : i32
      %get3A_411 = arith.index_cast %add3A_410 : i32 to index
      %get3A_412 = arith.constant 96 : index
      %get3A_413 = tpu.vector_load %arg16[%get3A_411, %get3A_412] {strides = array<i32>} : memref<80x128xf32, #tpu.memory_space<vmem>>, vector<1x16xf32>,
      %get3A_414 = vector.shape_cast %get3A_413 : vector<1x16xf32> to vector<16xf32>
      %add3A_415 = arith.addf %get3A_408, %get3A_414 : vector<16xf32>
      %max3A_416 = arith.constant 0.000000e+00 : f32
      %max3A_417 = vector.broadcast %max3A_416 : f32 to vector<16xf32>
      %max3A_418 = arith.maximumf %add3A_415, %max3A_417 : vector<16xf32>
      %add3A_419 = arith.constant 0 : i32
      %add3A_420 = arith.addi %mul3A_265, %add3A_419 : i32
      %swap3A_421 = arith.index_cast %add3A_420 : i32 to index
      %swap3A_422 = arith.constant 96 : index
      %swap3A_423 = tpu.vector_load %arg14[%swap3A_421, %swap3A_422] {strides = array<i32>} : memref<80x128xf32, #tpu.memory_space<vmem>>, vector<1x16xf32>,
      %swap3A_424 = vector.shape_cast %swap3A_423 : vector<1x16xf32> to vector<16xf32>
      %swap3A_425 = vector.shape_cast %max3A_418 : vector<16xf32> to vector<1x16xf32>
      tpu.vector_store %arg14[%swap3A_421, %swap3A_422], %swap3A_425 {strides = array<i32>} : memref<80x128xf32, #tpu.memory_space<vmem>>, vector<1x16xf32>,
      %add3A_426 = arith.constant 0 : i32
      %add3A_427 = arith.addi %mul3A_265, %add3A_426 : i32
      %get3A_428 = arith.index_cast %add3A_427 : i32 to index
      %get3A_429 = arith.constant 112 : index
      %get3A_430 = tpu.vector_load %arg14[%get3A_428, %get3A_429] {strides = array<i32>} : memref<80x128xf32, #tpu.memory_space<vmem>>, vector<1x16xf32>,
      %get3A_431 = vector.shape_cast %get3A_430 : vector<1x16xf32> to vector<16xf32>
      %add3A_432 = arith.constant 0 : i32
      %add3A_433 = arith.addi %mul3A_265, %add3A_432 : i32
      %get3A_434 = arith.index_cast %add3A_433 : i32 to index
      %get3A_435 = arith.constant 112 : index
      %get3A_436 = tpu.vector_load %arg16[%get3A_434, %get3A_435] {strides = array<i32>} : memref<80x128xf32, #tpu.memory_space<vmem>>, vector<1x16xf32>,
      %get3A_437 = vector.shape_cast %get3A_436 : vector<1x16xf32> to vector<16xf32>
      %add3A_438 = arith.addf %get3A_431, %get3A_437 : vector<16xf32>
      %max3A_439 = arith.constant 0.000000e+00 : f32
      %max3A_440 = vector.broadcast %max3A_439 : f32 to vector<16xf32>
      %max3A_441 = arith.maximumf %add3A_438, %max3A_440 : vector<16xf32>
      %add3A_442 = arith.constant 0 : i32
      %add3A_443 = arith.addi %mul3A_265, %add3A_442 : i32
      %swap3A_444 = arith.index_cast %add3A_443 : i32 to index
      %swap3A_445 = arith.constant 112 : index
      %swap3A_446 = tpu.vector_load %arg14[%swap3A_444, %swap3A_445] {strides = array<i32>} : memref<80x128xf32, #tpu.memory_space<vmem>>, vector<1x16xf32>,
      %swap3A_447 = vector.shape_cast %swap3A_446 : vector<1x16xf32> to vector<16xf32>
      %swap3A_448 = vector.shape_cast %max3A_441 : vector<16xf32> to vector<1x16xf32>
      tpu.vector_store %arg14[%swap3A_444, %swap3A_445], %swap3A_448 {strides = array<i32>} : memref<80x128xf32, #tpu.memory_space<vmem>>, vector<1x16xf32>,
      %add3A_449 = arith.constant 1 : i32
      %add3A_450 = arith.addi %mul3A_265, %add3A_449 : i32
      %get3A_451 = arith.index_cast %add3A_450 : i32 to index
      %get3A_452 = arith.constant 0 : index
      %get3A_453 = tpu.vector_load %arg14[%get3A_451, %get3A_452] {strides = array<i32>} : memref<80x128xf32, #tpu.memory_space<vmem>>, vector<1x16xf32>,
      %get3A_454 = vector.shape_cast %get3A_453 : vector<1x16xf32> to vector<16xf32>
      %add3A_455 = arith.constant 1 : i32
      %add3A_456 = arith.addi %mul3A_265, %add3A_455 : i32
      %get3A_457 = arith.index_cast %add3A_456 : i32 to index
      %get3A_458 = arith.constant 0 : index
      %get3A_459 = tpu.vector_load %arg16[%get3A_457, %get3A_458] {strides = array<i32>} : memref<80x128xf32, #tpu.memory_space<vmem>>, vector<1x16xf32>,
      %get3A_460 = vector.shape_cast %get3A_459 : vector<1x16xf32> to vector<16xf32>
      %add3A_461 = arith.addf %get3A_454, %get3A_460 : vector<16xf32>
      %max3A_462 = arith.constant 0.000000e+00 : f32
      %max3A_463 = vector.broadcast %max3A_462 : f32 to vector<16xf32>
      %max3A_464 = arith.maximumf %add3A_461, %max3A_463 : vector<16xf32>
      %add3A_465 = arith.constant 1 : i32
      %add3A_466 = arith.addi %mul3A_265, %add3A_465 : i32
      %swap3A_467 = arith.index_cast %add3A_466 : i32 to index
      %swap3A_468 = arith.constant 0 : index
      %swap3A_469 = tpu.vector_load %arg14[%swap3A_467, %swap3A_468] {strides = array<i32>} : memref<80x128xf32, #tpu.memory_space<vmem>>, vector<1x16xf32>,
      %swap3A_470 = vector.shape_cast %swap3A_469 : vector<1x16xf32> to vector<16xf32>
      %swap3A_471 = vector.shape_cast %max3A_464 : vector<16xf32> to vector<1x16xf32>
      tpu.vector_store %arg14[%swap3A_467, %swap3A_468], %swap3A_471 {strides = array<i32>} : memref<80x128xf32, #tpu.memory_space<vmem>>, vector<1x16xf32>,
      %add3A_472 = arith.constant 1 : i32
      %add3A_473 = arith.addi %mul3A_265, %add3A_472 : i32
      %get3A_474 = arith.index_cast %add3A_473 : i32 to index
      %get3A_475 = arith.constant 16 : index
      %get3A_476 = tpu.vector_load %arg14[%get3A_474, %get3A_475] {strides = array<i32>} : memref<80x128xf32, #tpu.memory_space<vmem>>, vector<1x16xf32>,
      %get3A_477 = vector.shape_cast %get3A_476 : vector<1x16xf32> to vector<16xf32>
      %add3A_478 = arith.constant 1 : i32
      %add3A_479 = arith.addi %mul3A_265, %add3A_478 : i32
      %get3A_480 = arith.index_cast %add3A_479 : i32 to index
      %get3A_481 = arith.constant 16 : index
      %get3A_482 = tpu.vector_load %arg16[%get3A_480, %get3A_481] {strides = array<i32>} : memref<80x128xf32, #tpu.memory_space<vmem>>, vector<1x16xf32>,
      %get3A_483 = vector.shape_cast %get3A_482 : vector<1x16xf32> to vector<16xf32>
      %add3A_484 = arith.addf %get3A_477, %get3A_483 : vector<16xf32>
      %max3A_485 = arith.constant 0.000000e+00 : f32
      %max3A_486 = vector.broadcast %max3A_485 : f32 to vector<16xf32>
      %max3A_487 = arith.maximumf %add3A_484, %max3A_486 : vector<16xf32>
      %add3A_488 = arith.constant 1 : i32
      %add3A_489 = arith.addi %mul3A_265, %add3A_488 : i32
      %swap3A_490 = arith.index_cast %add3A_489 : i32 to index
      %swap3A_491 = arith.constant 16 : index
      %swap3A_492 = tpu.vector_load %arg14[%swap3A_490, %swap3A_491] {strides = array<i32>} : memref<80x128xf32, #tpu.memory_space<vmem>>, vector<1x16xf32>,
      %swap3A_493 = vector.shape_cast %swap3A_492 : vector<1x16xf32> to vector<16xf32>
      %swap3A_494 = vector.shape_cast %max3A_487 : vector<16xf32> to vector<1x16xf32>
      tpu.vector_store %arg14[%swap3A_490, %swap3A_491], %swap3A_494 {strides = array<i32>} : memref<80x128xf32, #tpu.memory_space<vmem>>, vector<1x16xf32>,
      %add3A_495 = arith.constant 1 : i32
      %add3A_496 = arith.addi %mul3A_265, %add3A_495 : i32
      %get3A_497 = arith.index_cast %add3A_496 : i32 to index
      %get3A_498 = arith.constant 32 : index
      %get3A_499 = tpu.vector_load %arg14[%get3A_497, %get3A_498] {strides = array<i32>} : memref<80x128xf32, #tpu.memory_space<vmem>>, vector<1x16xf32>,
      %get3A_500 = vector.shape_cast %get3A_499 : vector<1x16xf32> to vector<16xf32>
      %add3A_501 = arith.constant 1 : i32
      %add3A_502 = arith.addi %mul3A_265, %add3A_501 : i32
      %get3A_503 = arith.index_cast %add3A_502 : i32 to index
      %get3A_504 = arith.constant 32 : index
      %get3A_505 = tpu.vector_load %arg16[%get3A_503, %get3A_504] {strides = array<i32>} : memref<80x128xf32, #tpu.memory_space<vmem>>, vector<1x16xf32>,
      %get3A_506 = vector.shape_cast %get3A_505 : vector<1x16xf32> to vector<16xf32>
      %add3A_507 = arith.addf %get3A_500, %get3A_506 : vector<16xf32>
      %max3A_508 = arith.constant 0.000000e+00 : f32
      %max3A_509 = vector.broadcast %max3A_508 : f32 to vector<16xf32>
      %max3A_510 = arith.maximumf %add3A_507, %max3A_509 : vector<16xf32>
      %add3A_511 = arith.constant 1 : i32
      %add3A_512 = arith.addi %mul3A_265, %add3A_511 : i32
      %swap3A_513 = arith.index_cast %add3A_512 : i32 to index
      %swap3A_514 = arith.constant 32 : index
      %swap3A_515 = tpu.vector_load %arg14[%swap3A_513, %swap3A_514] {strides = array<i32>} : memref<80x128xf32, #tpu.memory_space<vmem>>, vector<1x16xf32>,
      %swap3A_516 = vector.shape_cast %swap3A_515 : vector<1x16xf32> to vector<16xf32>
      %swap3A_517 = vector.shape_cast %max3A_510 : vector<16xf32> to vector<1x16xf32>
      tpu.vector_store %arg14[%swap3A_513, %swap3A_514], %swap3A_517 {strides = array<i32>} : memref<80x128xf32, #tpu.memory_space<vmem>>, vector<1x16xf32>,
      %add3A_518 = arith.constant 1 : i32
      %add3A_519 = arith.addi %mul3A_265, %add3A_518 : i32
      %get3A_520 = arith.index_cast %add3A_519 : i32 to index
      %get3A_521 = arith.constant 48 : index
      %get3A_522 = tpu.vector_load %arg14[%get3A_520, %get3A_521] {strides = array<i32>} : memref<80x128xf32, #tpu.memory_space<vmem>>, vector<1x16xf32>,
      %get3A_523 = vector.shape_cast %get3A_522 : vector<1x16xf32> to vector<16xf32>
      %add3A_524 = arith.constant 1 : i32
      %add3A_525 = arith.addi %mul3A_265, %add3A_524 : i32
      %get3A_526 = arith.index_cast %add3A_525 : i32 to index
      %get3A_527 = arith.constant 48 : index
      %get3A_528 = tpu.vector_load %arg16[%get3A_526, %get3A_527] {strides = array<i32>} : memref<80x128xf32, #tpu.memory_space<vmem>>, vector<1x16xf32>,
      %get3A_529 = vector.shape_cast %get3A_528 : vector<1x16xf32> to vector<16xf32>
      %add3A_530 = arith.addf %get3A_523, %get3A_529 : vector<16xf32>
      %max3A_531 = arith.constant 0.000000e+00 : f32
      %max3A_532 = vector.broadcast %max3A_531 : f32 to vector<16xf32>
      %max3A_533 = arith.maximumf %add3A_530, %max3A_532 : vector<16xf32>
      %add3A_534 = arith.constant 1 : i32
      %add3A_535 = arith.addi %mul3A_265, %add3A_534 : i32
      %swap3A_536 = arith.index_cast %add3A_535 : i32 to index
      %swap3A_537 = arith.constant 48 : index
      %swap3A_538 = tpu.vector_load %arg14[%swap3A_536, %swap3A_537] {strides = array<i32>} : memref<80x128xf32, #tpu.memory_space<vmem>>, vector<1x16xf32>,
      %swap3A_539 = vector.shape_cast %swap3A_538 : vector<1x16xf32> to vector<16xf32>
      %swap3A_540 = vector.shape_cast %max3A_533 : vector<16xf32> to vector<1x16xf32>
      tpu.vector_store %arg14[%swap3A_536, %swap3A_537], %swap3A_540 {strides = array<i32>} : memref<80x128xf32, #tpu.memory_space<vmem>>, vector<1x16xf32>,
      %add3A_541 = arith.constant 1 : i32
      %add3A_542 = arith.addi %mul3A_265, %add3A_541 : i32
      %get3A_543 = arith.index_cast %add3A_542 : i32 to index
      %get3A_544 = arith.constant 64 : index
      %get3A_545 = tpu.vector_load %arg14[%get3A_543, %get3A_544] {strides = array<i32>} : memref<80x128xf32, #tpu.memory_space<vmem>>, vector<1x16xf32>,
      %get3A_546 = vector.shape_cast %get3A_545 : vector<1x16xf32> to vector<16xf32>
      %add3A_547 = arith.constant 1 : i32
      %add3A_548 = arith.addi %mul3A_265, %add3A_547 : i32
      %get3A_549 = arith.index_cast %add3A_548 : i32 to index
      %get3A_550 = arith.constant 64 : index
      %get3A_551 = tpu.vector_load %arg16[%get3A_549, %get3A_550] {strides = array<i32>} : memref<80x128xf32, #tpu.memory_space<vmem>>, vector<1x16xf32>,
      %get3A_552 = vector.shape_cast %get3A_551 : vector<1x16xf32> to vector<16xf32>
      %add3A_553 = arith.addf %get3A_546, %get3A_552 : vector<16xf32>
      %max3A_554 = arith.constant 0.000000e+00 : f32
      %max3A_555 = vector.broadcast %max3A_554 : f32 to vector<16xf32>
      %max3A_556 = arith.maximumf %add3A_553, %max3A_555 : vector<16xf32>
      %add3A_557 = arith.constant 1 : i32
      %add3A_558 = arith.addi %mul3A_265, %add3A_557 : i32
      %swap3A_559 = arith.index_cast %add3A_558 : i32 to index
      %swap3A_560 = arith.constant 64 : index
      %swap3A_561 = tpu.vector_load %arg14[%swap3A_559, %swap3A_560] {strides = array<i32>} : memref<80x128xf32, #tpu.memory_space<vmem>>, vector<1x16xf32>,
      %swap3A_562 = vector.shape_cast %swap3A_561 : vector<1x16xf32> to vector<16xf32>
      %swap3A_563 = vector.shape_cast %max3A_556 : vector<16xf32> to vector<1x16xf32>
      tpu.vector_store %arg14[%swap3A_559, %swap3A_560], %swap3A_563 {strides = array<i32>} : memref<80x128xf32, #tpu.memory_space<vmem>>, vector<1x16xf32>,
      %add3A_564 = arith.constant 1 : i32
      %add3A_565 = arith.addi %mul3A_265, %add3A_564 : i32
      %get3A_566 = arith.index_cast %add3A_565 : i32 to index
      %get3A_567 = arith.constant 80 : index
      %get3A_568 = tpu.vector_load %arg14[%get3A_566, %get3A_567] {strides = array<i32>} : memref<80x128xf32, #tpu.memory_space<vmem>>, vector<1x16xf32>,
      %get3A_569 = vector.shape_cast %get3A_568 : vector<1x16xf32> to vector<16xf32>
      %add3A_570 = arith.constant 1 : i32
      %add3A_571 = arith.addi %mul3A_265, %add3A_570 : i32
      %get3A_572 = arith.index_cast %add3A_571 : i32 to index
      %get3A_573 = arith.constant 80 : index
      %get3A_574 = tpu.vector_load %arg16[%get3A_572, %get3A_573] {strides = array<i32>} : memref<80x128xf32, #tpu.memory_space<vmem>>, vector<1x16xf32>,
      %get3A_575 = vector.shape_cast %get3A_574 : vector<1x16xf32> to vector<16xf32>
      %add3A_576 = arith.addf %get3A_569, %get3A_575 : vector<16xf32>
      %max3A_577 = arith.constant 0.000000e+00 : f32
      %max3A_578 = vector.broadcast %max3A_577 : f32 to vector<16xf32>
      %max3A_579 = arith.maximumf %add3A_576, %max3A_578 : vector<16xf32>
      %add3A_580 = arith.constant 1 : i32
      %add3A_581 = arith.addi %mul3A_265, %add3A_580 : i32
      %swap3A_582 = arith.index_cast %add3A_581 : i32 to index
      %swap3A_583 = arith.constant 80 : index
      %swap3A_584 = tpu.vector_load %arg14[%swap3A_582, %swap3A_583] {strides = array<i32>} : memref<80x128xf32, #tpu.memory_space<vmem>>, vector<1x16xf32>,
      %swap3A_585 = vector.shape_cast %swap3A_584 : vector<1x16xf32> to vector<16xf32>
      %swap3A_586 = vector.shape_cast %max3A_579 : vector<16xf32> to vector<1x16xf32>
      tpu.vector_store %arg14[%swap3A_582, %swap3A_583], %swap3A_586 {strides = array<i32>} : memref<80x128xf32, #tpu.memory_space<vmem>>, vector<1x16xf32>,
      %add3A_587 = arith.constant 1 : i32
      %add3A_588 = arith.addi %mul3A_265, %add3A_587 : i32
      %get3A_589 = arith.index_cast %add3A_588 : i32 to index
      %get3A_590 = arith.constant 96 : index
      %get3A_591 = tpu.vector_load %arg14[%get3A_589, %get3A_590] {strides = array<i32>} : memref<80x128xf32, #tpu.memory_space<vmem>>, vector<1x16xf32>,
      %get3A_592 = vector.shape_cast %get3A_591 : vector<1x16xf32> to vector<16xf32>
      %add3A_593 = arith.constant 1 : i32
      %add3A_594 = arith.addi %mul3A_265, %add3A_593 : i32
      %get3A_595 = arith.index_cast %add3A_594 : i32 to index
      %get3A_596 = arith.constant 96 : index
      %get3A_597 = tpu.vector_load %arg16[%get3A_595, %get3A_596] {strides = array<i32>} : memref<80x128xf32, #tpu.memory_space<vmem>>, vector<1x16xf32>,
      %get3A_598 = vector.shape_cast %get3A_597 : vector<1x16xf32> to vector<16xf32>
      %add3A_599 = arith.addf %get3A_592, %get3A_598 : vector<16xf32>
      %max3A_600 = arith.constant 0.000000e+00 : f32
      %max3A_601 = vector.broadcast %max3A_600 : f32 to vector<16xf32>
      %max3A_602 = arith.maximumf %add3A_599, %max3A_601 : vector<16xf32>
      %add3A_603 = arith.constant 1 : i32
      %add3A_604 = arith.addi %mul3A_265, %add3A_603 : i32
      %swap3A_605 = arith.index_cast %add3A_604 : i32 to index
      %swap3A_606 = arith.constant 96 : index
      %swap3A_607 = tpu.vector_load %arg14[%swap3A_605, %swap3A_606] {strides = array<i32>} : memref<80x128xf32, #tpu.memory_space<vmem>>, vector<1x16xf32>,
      %swap3A_608 = vector.shape_cast %swap3A_607 : vector<1x16xf32> to vector<16xf32>
      %swap3A_609 = vector.shape_cast %max3A_602 : vector<16xf32> to vector<1x16xf32>
      tpu.vector_store %arg14[%swap3A_605, %swap3A_606], %swap3A_609 {strides = array<i32>} : memref<80x128xf32, #tpu.memory_space<vmem>>, vector<1x16xf32>,
      %add3A_610 = arith.constant 1 : i32
      %add3A_611 = arith.addi %mul3A_265, %add3A_610 : i32
      %get3A_612 = arith.index_cast %add3A_611 : i32 to index
      %get3A_613 = arith.constant 112 : index
      %get3A_614 = tpu.vector_load %arg14[%get3A_612, %get3A_613] {strides = array<i32>} : memref<80x128xf32, #tpu.memory_space<vmem>>, vector<1x16xf32>,
      %get3A_615 = vector.shape_cast %get3A_614 : vector<1x16xf32> to vector<16xf32>
      %add3A_616 = arith.constant 1 : i32
      %add3A_617 = arith.addi %mul3A_265, %add3A_616 : i32
      %get3A_618 = arith.index_cast %add3A_617 : i32 to index
      %get3A_619 = arith.constant 112 : index
      %get3A_620 = tpu.vector_load %arg16[%get3A_618, %get3A_619] {strides = array<i32>} : memref<80x128xf32, #tpu.memory_space<vmem>>, vector<1x16xf32>,
      %get3A_621 = vector.shape_cast %get3A_620 : vector<1x16xf32> to vector<16xf32>
      %add3A_622 = arith.addf %get3A_615, %get3A_621 : vector<16xf32>
      %max3A_623 = arith.constant 0.000000e+00 : f32
      %max3A_624 = vector.broadcast %max3A_623 : f32 to vector<16xf32>
      %max3A_625 = arith.maximumf %add3A_622, %max3A_624 : vector<16xf32>
      %add3A_626 = arith.constant 1 : i32
      %add3A_627 = arith.addi %mul3A_265, %add3A_626 : i32
      %swap3A_628 = arith.index_cast %add3A_627 : i32 to index
      %swap3A_629 = arith.constant 112 : index
      %swap3A_630 = tpu.vector_load %arg14[%swap3A_628, %swap3A_629] {strides = array<i32>} : memref<80x128xf32, #tpu.memory_space<vmem>>, vector<1x16xf32>,
      %swap3A_631 = vector.shape_cast %swap3A_630 : vector<1x16xf32> to vector<16xf32>
      %swap3A_632 = vector.shape_cast %max3A_625 : vector<16xf32> to vector<1x16xf32>
      tpu.vector_store %arg14[%swap3A_628, %swap3A_629], %swap3A_632 {strides = array<i32>} : memref<80x128xf32, #tpu.memory_space<vmem>>, vector<1x16xf32>,
      %add3A_633 = arith.constant 2 : i32
      %add3A_634 = arith.addi %mul3A_265, %add3A_633 : i32
      %get3A_635 = arith.index_cast %add3A_634 : i32 to index
      %get3A_636 = arith.constant 0 : index
      %get3A_637 = tpu.vector_load %arg14[%get3A_635, %get3A_636] {strides = array<i32>} : memref<80x128xf32, #tpu.memory_space<vmem>>, vector<1x16xf32>,
      %get3A_638 = vector.shape_cast %get3A_637 : vector<1x16xf32> to vector<16xf32>
      %add3A_639 = arith.constant 2 : i32
      %add3A_640 = arith.addi %mul3A_265, %add3A_639 : i32
      %get3A_641 = arith.index_cast %add3A_640 : i32 to index
      %get3A_642 = arith.constant 0 : index
      %get3A_643 = tpu.vector_load %arg16[%get3A_641, %get3A_642] {strides = array<i32>} : memref<80x128xf32, #tpu.memory_space<vmem>>, vector<1x16xf32>,
      %get3A_644 = vector.shape_cast %get3A_643 : vector<1x16xf32> to vector<16xf32>
      %add3A_645 = arith.addf %get3A_638, %get3A_644 : vector<16xf32>
      %max3A_646 = arith.constant 0.000000e+00 : f32
      %max3A_647 = vector.broadcast %max3A_646 : f32 to vector<16xf32>
      %max3A_648 = arith.maximumf %add3A_645, %max3A_647 : vector<16xf32>
      %add3A_649 = arith.constant 2 : i32
      %add3A_650 = arith.addi %mul3A_265, %add3A_649 : i32
      %swap3A_651 = arith.index_cast %add3A_650 : i32 to index
      %swap3A_652 = arith.constant 0 : index
      %swap3A_653 = tpu.vector_load %arg14[%swap3A_651, %swap3A_652] {strides = array<i32>} : memref<80x128xf32, #tpu.memory_space<vmem>>, vector<1x16xf32>,
      %swap3A_654 = vector.shape_cast %swap3A_653 : vector<1x16xf32> to vector<16xf32>
      %swap3A_655 = vector.shape_cast %max3A_648 : vector<16xf32> to vector<1x16xf32>
      tpu.vector_store %arg14[%swap3A_651, %swap3A_652], %swap3A_655 {strides = array<i32>} : memref<80x128xf32, #tpu.memory_space<vmem>>, vector<1x16xf32>,
      %add3A_656 = arith.constant 2 : i32
      %add3A_657 = arith.addi %mul3A_265, %add3A_656 : i32
      %get3A_658 = arith.index_cast %add3A_657 : i32 to index
      %get3A_659 = arith.constant 16 : index
      %get3A_660 = tpu.vector_load %arg14[%get3A_658, %get3A_659] {strides = array<i32>} : memref<80x128xf32, #tpu.memory_space<vmem>>, vector<1x16xf32>,
      %get3A_661 = vector.shape_cast %get3A_660 : vector<1x16xf32> to vector<16xf32>
      %add3A_662 = arith.constant 2 : i32
      %add3A_663 = arith.addi %mul3A_265, %add3A_662 : i32
      %get3A_664 = arith.index_cast %add3A_663 : i32 to index
      %get3A_665 = arith.constant 16 : index
      %get3A_666 = tpu.vector_load %arg16[%get3A_664, %get3A_665] {strides = array<i32>} : memref<80x128xf32, #tpu.memory_space<vmem>>, vector<1x16xf32>,
      %get3A_667 = vector.shape_cast %get3A_666 : vector<1x16xf32> to vector<16xf32>
      %add3A_668 = arith.addf %get3A_661, %get3A_667 : vector<16xf32>
      %max3A_669 = arith.constant 0.000000e+00 : f32
      %max3A_670 = vector.broadcast %max3A_669 : f32 to vector<16xf32>
      %max3A_671 = arith.maximumf %add3A_668, %max3A_670 : vector<16xf32>
      %add3A_672 = arith.constant 2 : i32
      %add3A_673 = arith.addi %mul3A_265, %add3A_672 : i32
      %swap3A_674 = arith.index_cast %add3A_673 : i32 to index
      %swap3A_675 = arith.constant 16 : index
      %swap3A_676 = tpu.vector_load %arg14[%swap3A_674, %swap3A_675] {strides = array<i32>} : memref<80x128xf32, #tpu.memory_space<vmem>>, vector<1x16xf32>,
      %swap3A_677 = vector.shape_cast %swap3A_676 : vector<1x16xf32> to vector<16xf32>
      %swap3A_678 = vector.shape_cast %max3A_671 : vector<16xf32> to vector<1x16xf32>
      tpu.vector_store %arg14[%swap3A_674, %swap3A_675], %swap3A_678 {strides = array<i32>} : memref<80x128xf32, #tpu.memory_space<vmem>>, vector<1x16xf32>,
      %add3A_679 = arith.constant 2 : i32
      %add3A_680 = arith.addi %mul3A_265, %add3A_679 : i32
      %get3A_681 = arith.index_cast %add3A_680 : i32 to index
      %get3A_682 = arith.constant 32 : index
      %get3A_683 = tpu.vector_load %arg14[%get3A_681, %get3A_682] {strides = array<i32>} : memref<80x128xf32, #tpu.memory_space<vmem>>, vector<1x16xf32>,
      %get3A_684 = vector.shape_cast %get3A_683 : vector<1x16xf32> to vector<16xf32>
      %add3A_685 = arith.constant 2 : i32
      %add3A_686 = arith.addi %mul3A_265, %add3A_685 : i32
      %get3A_687 = arith.index_cast %add3A_686 : i32 to index
      %get3A_688 = arith.constant 32 : index
      %get3A_689 = tpu.vector_load %arg16[%get3A_687, %get3A_688] {strides = array<i32>} : memref<80x128xf32, #tpu.memory_space<vmem>>, vector<1x16xf32>,
      %get3A_690 = vector.shape_cast %get3A_689 : vector<1x16xf32> to vector<16xf32>
      %add3A_691 = arith.addf %get3A_684, %get3A_690 : vector<16xf32>
      %max3A_692 = arith.constant 0.000000e+00 : f32
      %max3A_693 = vector.broadcast %max3A_692 : f32 to vector<16xf32>
      %max3A_694 = arith.maximumf %add3A_691, %max3A_693 : vector<16xf32>
      %add3A_695 = arith.constant 2 : i32
      %add3A_696 = arith.addi %mul3A_265, %add3A_695 : i32
      %swap3A_697 = arith.index_cast %add3A_696 : i32 to index
      %swap3A_698 = arith.constant 32 : index
      %swap3A_699 = tpu.vector_load %arg14[%swap3A_697, %swap3A_698] {strides = array<i32>} : memref<80x128xf32, #tpu.memory_space<vmem>>, vector<1x16xf32>,
      %swap3A_700 = vector.shape_cast %swap3A_699 : vector<1x16xf32> to vector<16xf32>
      %swap3A_701 = vector.shape_cast %max3A_694 : vector<16xf32> to vector<1x16xf32>
      tpu.vector_store %arg14[%swap3A_697, %swap3A_698], %swap3A_701 {strides = array<i32>} : memref<80x128xf32, #tpu.memory_space<vmem>>, vector<1x16xf32>,
      %add3A_702 = arith.constant 2 : i32
      %add3A_703 = arith.addi %mul3A_265, %add3A_702 : i32
      %get3A_704 = arith.index_cast %add3A_703 : i32 to index
      %get3A_705 = arith.constant 48 : index
      %get3A_706 = tpu.vector_load %arg14[%get3A_704, %get3A_705] {strides = array<i32>} : memref<80x128xf32, #tpu.memory_space<vmem>>, vector<1x16xf32>,
      %get3A_707 = vector.shape_cast %get3A_706 : vector<1x16xf32> to vector<16xf32>
      %add3A_708 = arith.constant 2 : i32
      %add3A_709 = arith.addi %mul3A_265, %add3A_708 : i32
      %get3A_710 = arith.index_cast %add3A_709 : i32 to index
      %get3A_711 = arith.constant 48 : index
      %get3A_712 = tpu.vector_load %arg16[%get3A_710, %get3A_711] {strides = array<i32>} : memref<80x128xf32, #tpu.memory_space<vmem>>, vector<1x16xf32>,
      %get3A_713 = vector.shape_cast %get3A_712 : vector<1x16xf32> to vector<16xf32>
      %add3A_714 = arith.addf %get3A_707, %get3A_713 : vector<16xf32>
      %max3A_715 = arith.constant 0.000000e+00 : f32
      %max3A_716 = vector.broadcast %max3A_715 : f32 to vector<16xf32>
      %max3A_717 = arith.maximumf %add3A_714, %max3A_716 : vector<16xf32>
      %add3A_718 = arith.constant 2 : i32
      %add3A_719 = arith.addi %mul3A_265, %add3A_718 : i32
      %swap3A_720 = arith.index_cast %add3A_719 : i32 to index
      %swap3A_721 = arith.constant 48 : index
      %swap3A_722 = tpu.vector_load %arg14[%swap3A_720, %swap3A_721] {strides = array<i32>} : memref<80x128xf32, #tpu.memory_space<vmem>>, vector<1x16xf32>,
      %swap3A_723 = vector.shape_cast %swap3A_722 : vector<1x16xf32> to vector<16xf32>
      %swap3A_724 = vector.shape_cast %max3A_717 : vector<16xf32> to vector<1x16xf32>
      tpu.vector_store %arg14[%swap3A_720, %swap3A_721], %swap3A_724 {strides = array<i32>} : memref<80x128xf32, #tpu.memory_space<vmem>>, vector<1x16xf32>,
      %add3A_725 = arith.constant 2 : i32
      %add3A_726 = arith.addi %mul3A_265, %add3A_725 : i32
      %get3A_727 = arith.index_cast %add3A_726 : i32 to index
      %get3A_728 = arith.constant 64 : index
      %get3A_729 = tpu.vector_load %arg14[%get3A_727, %get3A_728] {strides = array<i32>} : memref<80x128xf32, #tpu.memory_space<vmem>>, vector<1x16xf32>,
      %get3A_730 = vector.shape_cast %get3A_729 : vector<1x16xf32> to vector<16xf32>
      %add3A_731 = arith.constant 2 : i32
      %add3A_732 = arith.addi %mul3A_265, %add3A_731 : i32
      %get3A_733 = arith.index_cast %add3A_732 : i32 to index
      %get3A_734 = arith.constant 64 : index
      %get3A_735 = tpu.vector_load %arg16[%get3A_733, %get3A_734] {strides = array<i32>} : memref<80x128xf32, #tpu.memory_space<vmem>>, vector<1x16xf32>,
      %get3A_736 = vector.shape_cast %get3A_735 : vector<1x16xf32> to vector<16xf32>
      %add3A_737 = arith.addf %get3A_730, %get3A_736 : vector<16xf32>
      %max3A_738 = arith.constant 0.000000e+00 : f32
      %max3A_739 = vector.broadcast %max3A_738 : f32 to vector<16xf32>
      %max3A_740 = arith.maximumf %add3A_737, %max3A_739 : vector<16xf32>
      %add3A_741 = arith.constant 2 : i32
      %add3A_742 = arith.addi %mul3A_265, %add3A_741 : i32
      %swap3A_743 = arith.index_cast %add3A_742 : i32 to index
      %swap3A_744 = arith.constant 64 : index
      %swap3A_745 = tpu.vector_load %arg14[%swap3A_743, %swap3A_744] {strides = array<i32>} : memref<80x128xf32, #tpu.memory_space<vmem>>, vector<1x16xf32>,
      %swap3A_746 = vector.shape_cast %swap3A_745 : vector<1x16xf32> to vector<16xf32>
      %swap3A_747 = vector.shape_cast %max3A_740 : vector<16xf32> to vector<1x16xf32>
      tpu.vector_store %arg14[%swap3A_743, %swap3A_744], %swap3A_747 {strides = array<i32>} : memref<80x128xf32, #tpu.memory_space<vmem>>, vector<1x16xf32>,
      %add3A_748 = arith.constant 2 : i32
      %add3A_749 = arith.addi %mul3A_265, %add3A_748 : i32
      %get3A_750 = arith.index_cast %add3A_749 : i32 to index
      %get3A_751 = arith.constant 80 : index
      %get3A_752 = tpu.vector_load %arg14[%get3A_750, %get3A_751] {strides = array<i32>} : memref<80x128xf32, #tpu.memory_space<vmem>>, vector<1x16xf32>,
      %get3A_753 = vector.shape_cast %get3A_752 : vector<1x16xf32> to vector<16xf32>
      %add3A_754 = arith.constant 2 : i32
      %add3A_755 = arith.addi %mul3A_265, %add3A_754 : i32
      %get3A_756 = arith.index_cast %add3A_755 : i32 to index
      %get3A_757 = arith.constant 80 : index
      %get3A_758 = tpu.vector_load %arg16[%get3A_756, %get3A_757] {strides = array<i32>} : memref<80x128xf32, #tpu.memory_space<vmem>>, vector<1x16xf32>,
      %get3A_759 = vector.shape_cast %get3A_758 : vector<1x16xf32> to vector<16xf32>
      %add3A_760 = arith.addf %get3A_753, %get3A_759 : vector<16xf32>
      %max3A_761 = arith.constant 0.000000e+00 : f32
      %max3A_762 = vector.broadcast %max3A_761 : f32 to vector<16xf32>
      %max3A_763 = arith.maximumf %add3A_760, %max3A_762 : vector<16xf32>
      %add3A_764 = arith.constant 2 : i32
      %add3A_765 = arith.addi %mul3A_265, %add3A_764 : i32
      %swap3A_766 = arith.index_cast %add3A_765 : i32 to index
      %swap3A_767 = arith.constant 80 : index
      %swap3A_768 = tpu.vector_load %arg14[%swap3A_766, %swap3A_767] {strides = array<i32>} : memref<80x128xf32, #tpu.memory_space<vmem>>, vector<1x16xf32>,
      %swap3A_769 = vector.shape_cast %swap3A_768 : vector<1x16xf32> to vector<16xf32>
      %swap3A_770 = vector.shape_cast %max3A_763 : vector<16xf32> to vector<1x16xf32>
      tpu.vector_store %arg14[%swap3A_766, %swap3A_767], %swap3A_770 {strides = array<i32>} : memref<80x128xf32, #tpu.memory_space<vmem>>, vector<1x16xf32>,
      %add3A_771 = arith.constant 2 : i32
      %add3A_772 = arith.addi %mul3A_265, %add3A_771 : i32
      %get3A_773 = arith.index_cast %add3A_772 : i32 to index
      %get3A_774 = arith.constant 96 : index
      %get3A_775 = tpu.vector_load %arg14[%get3A_773, %get3A_774] {strides = array<i32>} : memref<80x128xf32, #tpu.memory_space<vmem>>, vector<1x16xf32>,
      %get3A_776 = vector.shape_cast %get3A_775 : vector<1x16xf32> to vector<16xf32>
      %add3A_777 = arith.constant 2 : i32
      %add3A_778 = arith.addi %mul3A_265, %add3A_777 : i32
      %get3A_779 = arith.index_cast %add3A_778 : i32 to index
      %get3A_780 = arith.constant 96 : index
      %get3A_781 = tpu.vector_load %arg16[%get3A_779, %get3A_780] {strides = array<i32>} : memref<80x128xf32, #tpu.memory_space<vmem>>, vector<1x16xf32>,
      %get3A_782 = vector.shape_cast %get3A_781 : vector<1x16xf32> to vector<16xf32>
      %add3A_783 = arith.addf %get3A_776, %get3A_782 : vector<16xf32>
      %max3A_784 = arith.constant 0.000000e+00 : f32
      %max3A_785 = vector.broadcast %max3A_784 : f32 to vector<16xf32>
      %max3A_786 = arith.maximumf %add3A_783, %max3A_785 : vector<16xf32>
      %add3A_787 = arith.constant 2 : i32
      %add3A_788 = arith.addi %mul3A_265, %add3A_787 : i32
      %swap3A_789 = arith.index_cast %add3A_788 : i32 to index
      %swap3A_790 = arith.constant 96 : index
      %swap3A_791 = tpu.vector_load %arg14[%swap3A_789, %swap3A_790] {strides = array<i32>} : memref<80x128xf32, #tpu.memory_space<vmem>>, vector<1x16xf32>,
      %swap3A_792 = vector.shape_cast %swap3A_791 : vector<1x16xf32> to vector<16xf32>
      %swap3A_793 = vector.shape_cast %max3A_786 : vector<16xf32> to vector<1x16xf32>
      tpu.vector_store %arg14[%swap3A_789, %swap3A_790], %swap3A_793 {strides = array<i32>} : memref<80x128xf32, #tpu.memory_space<vmem>>, vector<1x16xf32>,
      %add3A_794 = arith.constant 2 : i32
      %add3A_795 = arith.addi %mul3A_265, %add3A_794 : i32
      %get3A_796 = arith.index_cast %add3A_795 : i32 to index
      %get3A_797 = arith.constant 112 : index
      %get3A_798 = tpu.vector_load %arg14[%get3A_796, %get3A_797] {strides = array<i32>} : memref<80x128xf32, #tpu.memory_space<vmem>>, vector<1x16xf32>,
      %get3A_799 = vector.shape_cast %get3A_798 : vector<1x16xf32> to vector<16xf32>
      %add3A_800 = arith.constant 2 : i32
      %add3A_801 = arith.addi %mul3A_265, %add3A_800 : i32
      %get3A_802 = arith.index_cast %add3A_801 : i32 to index
      %get3A_803 = arith.constant 112 : index
      %get3A_804 = tpu.vector_load %arg16[%get3A_802, %get3A_803] {strides = array<i32>} : memref<80x128xf32, #tpu.memory_space<vmem>>, vector<1x16xf32>,
      %get3A_805 = vector.shape_cast %get3A_804 : vector<1x16xf32> to vector<16xf32>
      %add3A_806 = arith.addf %get3A_799, %get3A_805 : vector<16xf32>
      %max3A_807 = arith.constant 0.000000e+00 : f32
      %max3A_808 = vector.broadcast %max3A_807 : f32 to vector<16xf32>
      %max3A_809 = arith.maximumf %add3A_806, %max3A_808 : vector<16xf32>
      %add3A_810 = arith.constant 2 : i32
      %add3A_811 = arith.addi %mul3A_265, %add3A_810 : i32
      %swap3A_812 = arith.index_cast %add3A_811 : i32 to index
      %swap3A_813 = arith.constant 112 : index
      %swap3A_814 = tpu.vector_load %arg14[%swap3A_812, %swap3A_813] {strides = array<i32>} : memref<80x128xf32, #tpu.memory_space<vmem>>, vector<1x16xf32>,
      %swap3A_815 = vector.shape_cast %swap3A_814 : vector<1x16xf32> to vector<16xf32>
      %swap3A_816 = vector.shape_cast %max3A_809 : vector<16xf32> to vector<1x16xf32>
      tpu.vector_store %arg14[%swap3A_812, %swap3A_813], %swap3A_816 {strides = array<i32>} : memref<80x128xf32, #tpu.memory_space<vmem>>, vector<1x16xf32>,
      %add3A_817 = arith.constant 3 : i32
      %add3A_818 = arith.addi %mul3A_265, %add3A_817 : i32
      %get3A_819 = arith.index_cast %add3A_818 : i32 to index
      %get3A_820 = arith.constant 0 : index
      %get3A_821 = tpu.vector_load %arg14[%get3A_819, %get3A_820] {strides = array<i32>} : memref<80x128xf32, #tpu.memory_space<vmem>>, vector<1x16xf32>,
      %get3A_822 = vector.shape_cast %get3A_821 : vector<1x16xf32> to vector<16xf32>
      %add3A_823 = arith.constant 3 : i32
      %add3A_824 = arith.addi %mul3A_265, %add3A_823 : i32
      %get3A_825 = arith.index_cast %add3A_824 : i32 to index
      %get3A_826 = arith.constant 0 : index
      %get3A_827 = tpu.vector_load %arg16[%get3A_825, %get3A_826] {strides = array<i32>} : memref<80x128xf32, #tpu.memory_space<vmem>>, vector<1x16xf32>,
      %get3A_828 = vector.shape_cast %get3A_827 : vector<1x16xf32> to vector<16xf32>
      %add3A_829 = arith.addf %get3A_822, %get3A_828 : vector<16xf32>
      %max3A_830 = arith.constant 0.000000e+00 : f32
      %max3A_831 = vector.broadcast %max3A_830 : f32 to vector<16xf32>
      %max3A_832 = arith.maximumf %add3A_829, %max3A_831 : vector<16xf32>
      %add3A_833 = arith.constant 3 : i32
      %add3A_834 = arith.addi %mul3A_265, %add3A_833 : i32
      %swap3A_835 = arith.index_cast %add3A_834 : i32 to index
      %swap3A_836 = arith.constant 0 : index
      %swap3A_837 = tpu.vector_load %arg14[%swap3A_835, %swap3A_836] {strides = array<i32>} : memref<80x128xf32, #tpu.memory_space<vmem>>, vector<1x16xf32>,
      %swap3A_838 = vector.shape_cast %swap3A_837 : vector<1x16xf32> to vector<16xf32>
      %swap3A_839 = vector.shape_cast %max3A_832 : vector<16xf32> to vector<1x16xf32>
      tpu.vector_store %arg14[%swap3A_835, %swap3A_836], %swap3A_839 {strides = array<i32>} : memref<80x128xf32, #tpu.memory_space<vmem>>, vector<1x16xf32>,
      %add3A_840 = arith.constant 3 : i32
      %add3A_841 = arith.addi %mul3A_265, %add3A_840 : i32
      %get3A_842 = arith.index_cast %add3A_841 : i32 to index
      %get3A_843 = arith.constant 16 : index
      %get3A_844 = tpu.vector_load %arg14[%get3A_842, %get3A_843] {strides = array<i32>} : memref<80x128xf32, #tpu.memory_space<vmem>>, vector<1x16xf32>,
      %get3A_845 = vector.shape_cast %get3A_844 : vector<1x16xf32> to vector<16xf32>
      %add3A_846 = arith.constant 3 : i32
      %add3A_847 = arith.addi %mul3A_265, %add3A_846 : i32
      %get3A_848 = arith.index_cast %add3A_847 : i32 to index
      %get3A_849 = arith.constant 16 : index
      %get3A_850 = tpu.vector_load %arg16[%get3A_848, %get3A_849] {strides = array<i32>} : memref<80x128xf32, #tpu.memory_space<vmem>>, vector<1x16xf32>,
      %get3A_851 = vector.shape_cast %get3A_850 : vector<1x16xf32> to vector<16xf32>
      %add3A_852 = arith.addf %get3A_845, %get3A_851 : vector<16xf32>
      %max3A_853 = arith.constant 0.000000e+00 : f32
      %max3A_854 = vector.broadcast %max3A_853 : f32 to vector<16xf32>
      %max3A_855 = arith.maximumf %add3A_852, %max3A_854 : vector<16xf32>
      %add3A_856 = arith.constant 3 : i32
      %add3A_857 = arith.addi %mul3A_265, %add3A_856 : i32
      %swap3A_858 = arith.index_cast %add3A_857 : i32 to index
      %swap3A_859 = arith.constant 16 : index
      %swap3A_860 = tpu.vector_load %arg14[%swap3A_858, %swap3A_859] {strides = array<i32>} : memref<80x128xf32, #tpu.memory_space<vmem>>, vector<1x16xf32>,
      %swap3A_861 = vector.shape_cast %swap3A_860 : vector<1x16xf32> to vector<16xf32>
      %swap3A_862 = vector.shape_cast %max3A_855 : vector<16xf32> to vector<1x16xf32>
      tpu.vector_store %arg14[%swap3A_858, %swap3A_859], %swap3A_862 {strides = array<i32>} : memref<80x128xf32, #tpu.memory_space<vmem>>, vector<1x16xf32>,
      %add3A_863 = arith.constant 3 : i32
      %add3A_864 = arith.addi %mul3A_265, %add3A_863 : i32
      %get3A_865 = arith.index_cast %add3A_864 : i32 to index
      %get3A_866 = arith.constant 32 : index
      %get3A_867 = tpu.vector_load %arg14[%get3A_865, %get3A_866] {strides = array<i32>} : memref<80x128xf32, #tpu.memory_space<vmem>>, vector<1x16xf32>,
      %get3A_868 = vector.shape_cast %get3A_867 : vector<1x16xf32> to vector<16xf32>
      %add3A_869 = arith.constant 3 : i32
      %add3A_870 = arith.addi %mul3A_265, %add3A_869 : i32
      %get3A_871 = arith.index_cast %add3A_870 : i32 to index
      %get3A_872 = arith.constant 32 : index
      %get3A_873 = tpu.vector_load %arg16[%get3A_871, %get3A_872] {strides = array<i32>} : memref<80x128xf32, #tpu.memory_space<vmem>>, vector<1x16xf32>,
      %get3A_874 = vector.shape_cast %get3A_873 : vector<1x16xf32> to vector<16xf32>
      %add3A_875 = arith.addf %get3A_868, %get3A_874 : vector<16xf32>
      %max3A_876 = arith.constant 0.000000e+00 : f32
      %max3A_877 = vector.broadcast %max3A_876 : f32 to vector<16xf32>
      %max3A_878 = arith.maximumf %add3A_875, %max3A_877 : vector<16xf32>
      %add3A_879 = arith.constant 3 : i32
      %add3A_880 = arith.addi %mul3A_265, %add3A_879 : i32
      %swap3A_881 = arith.index_cast %add3A_880 : i32 to index
      %swap3A_882 = arith.constant 32 : index
      %swap3A_883 = tpu.vector_load %arg14[%swap3A_881, %swap3A_882] {strides = array<i32>} : memref<80x128xf32, #tpu.memory_space<vmem>>, vector<1x16xf32>,
      %swap3A_884 = vector.shape_cast %swap3A_883 : vector<1x16xf32> to vector<16xf32>
      %swap3A_885 = vector.shape_cast %max3A_878 : vector<16xf32> to vector<1x16xf32>
      tpu.vector_store %arg14[%swap3A_881, %swap3A_882], %swap3A_885 {strides = array<i32>} : memref<80x128xf32, #tpu.memory_space<vmem>>, vector<1x16xf32>,
      %add3A_886 = arith.constant 3 : i32
      %add3A_887 = arith.addi %mul3A_265, %add3A_886 : i32
      %get3A_888 = arith.index_cast %add3A_887 : i32 to index
      %get3A_889 = arith.constant 48 : index
      %get3A_890 = tpu.vector_load %arg14[%get3A_888, %get3A_889] {strides = array<i32>} : memref<80x128xf32, #tpu.memory_space<vmem>>, vector<1x16xf32>,
      %get3A_891 = vector.shape_cast %get3A_890 : vector<1x16xf32> to vector<16xf32>
      %add3A_892 = arith.constant 3 : i32
      %add3A_893 = arith.addi %mul3A_265, %add3A_892 : i32
      %get3A_894 = arith.index_cast %add3A_893 : i32 to index
      %get3A_895 = arith.constant 48 : index
      %get3A_896 = tpu.vector_load %arg16[%get3A_894, %get3A_895] {strides = array<i32>} : memref<80x128xf32, #tpu.memory_space<vmem>>, vector<1x16xf32>,
      %get3A_897 = vector.shape_cast %get3A_896 : vector<1x16xf32> to vector<16xf32>
      %add3A_898 = arith.addf %get3A_891, %get3A_897 : vector<16xf32>
      %max3A_899 = arith.constant 0.000000e+00 : f32
      %max3A_900 = vector.broadcast %max3A_899 : f32 to vector<16xf32>
      %max3A_901 = arith.maximumf %add3A_898, %max3A_900 : vector<16xf32>
      %add3A_902 = arith.constant 3 : i32
      %add3A_903 = arith.addi %mul3A_265, %add3A_902 : i32
      %swap3A_904 = arith.index_cast %add3A_903 : i32 to index
      %swap3A_905 = arith.constant 48 : index
      %swap3A_906 = tpu.vector_load %arg14[%swap3A_904, %swap3A_905] {strides = array<i32>} : memref<80x128xf32, #tpu.memory_space<vmem>>, vector<1x16xf32>,
      %swap3A_907 = vector.shape_cast %swap3A_906 : vector<1x16xf32> to vector<16xf32>
      %swap3A_908 = vector.shape_cast %max3A_901 : vector<16xf32> to vector<1x16xf32>
      tpu.vector_store %arg14[%swap3A_904, %swap3A_905], %swap3A_908 {strides = array<i32>} : memref<80x128xf32, #tpu.memory_space<vmem>>, vector<1x16xf32>,
      %add3A_909 = arith.constant 3 : i32
      %add3A_910 = arith.addi %mul3A_265, %add3A_909 : i32
      %get3A_911 = arith.index_cast %add3A_910 : i32 to index
      %get3A_912 = arith.constant 64 : index
      %get3A_913 = tpu.vector_load %arg14[%get3A_911, %get3A_912] {strides = array<i32>} : memref<80x128xf32, #tpu.memory_space<vmem>>, vector<1x16xf32>,
      %get3A_914 = vector.shape_cast %get3A_913 : vector<1x16xf32> to vector<16xf32>
      %add3A_915 = arith.constant 3 : i32
      %add3A_916 = arith.addi %mul3A_265, %add3A_915 : i32
      %get3A_917 = arith.index_cast %add3A_916 : i32 to index
      %get3A_918 = arith.constant 64 : index
      %get3A_919 = tpu.vector_load %arg16[%get3A_917, %get3A_918] {strides = array<i32>} : memref<80x128xf32, #tpu.memory_space<vmem>>, vector<1x16xf32>,
      %get3A_920 = vector.shape_cast %get3A_919 : vector<1x16xf32> to vector<16xf32>
      %add3A_921 = arith.addf %get3A_914, %get3A_920 : vector<16xf32>
      %max3A_922 = arith.constant 0.000000e+00 : f32
      %max3A_923 = vector.broadcast %max3A_922 : f32 to vector<16xf32>
      %max3A_924 = arith.maximumf %add3A_921, %max3A_923 : vector<16xf32>
      %add3A_925 = arith.constant 3 : i32
      %add3A_926 = arith.addi %mul3A_265, %add3A_925 : i32
      %swap3A_927 = arith.index_cast %add3A_926 : i32 to index
      %swap3A_928 = arith.constant 64 : index
      %swap3A_929 = tpu.vector_load %arg14[%swap3A_927, %swap3A_928] {strides = array<i32>} : memref<80x128xf32, #tpu.memory_space<vmem>>, vector<1x16xf32>,
      %swap3A_930 = vector.shape_cast %swap3A_929 : vector<1x16xf32> to vector<16xf32>
      %swap3A_931 = vector.shape_cast %max3A_924 : vector<16xf32> to vector<1x16xf32>
      tpu.vector_store %arg14[%swap3A_927, %swap3A_928], %swap3A_931 {strides = array<i32>} : memref<80x128xf32, #tpu.memory_space<vmem>>, vector<1x16xf32>,
      %add3A_932 = arith.constant 3 : i32
      %add3A_933 = arith.addi %mul3A_265, %add3A_932 : i32
      %get3A_934 = arith.index_cast %add3A_933 : i32 to index
      %get3A_935 = arith.constant 80 : index
      %get3A_936 = tpu.vector_load %arg14[%get3A_934, %get3A_935] {strides = array<i32>} : memref<80x128xf32, #tpu.memory_space<vmem>>, vector<1x16xf32>,
      %get3A_937 = vector.shape_cast %get3A_936 : vector<1x16xf32> to vector<16xf32>
      %add3A_938 = arith.constant 3 : i32
      %add3A_939 = arith.addi %mul3A_265, %add3A_938 : i32
      %get3A_940 = arith.index_cast %add3A_939 : i32 to index
      %get3A_941 = arith.constant 80 : index
      %get3A_942 = tpu.vector_load %arg16[%get3A_940, %get3A_941] {strides = array<i32>} : memref<80x128xf32, #tpu.memory_space<vmem>>, vector<1x16xf32>,
      %get3A_943 = vector.shape_cast %get3A_942 : vector<1x16xf32> to vector<16xf32>
      %add3A_944 = arith.addf %get3A_937, %get3A_943 : vector<16xf32>
      %max3A_945 = arith.constant 0.000000e+00 : f32
      %max3A_946 = vector.broadcast %max3A_945 : f32 to vector<16xf32>
      %max3A_947 = arith.maximumf %add3A_944, %max3A_946 : vector<16xf32>
      %add3A_948 = arith.constant 3 : i32
      %add3A_949 = arith.addi %mul3A_265, %add3A_948 : i32
      %swap3A_950 = arith.index_cast %add3A_949 : i32 to index
      %swap3A_951 = arith.constant 80 : index
      %swap3A_952 = tpu.vector_load %arg14[%swap3A_950, %swap3A_951] {strides = array<i32>} : memref<80x128xf32, #tpu.memory_space<vmem>>, vector<1x16xf32>,
      %swap3A_953 = vector.shape_cast %swap3A_952 : vector<1x16xf32> to vector<16xf32>
      %swap3A_954 = vector.shape_cast %max3A_947 : vector<16xf32> to vector<1x16xf32>
      tpu.vector_store %arg14[%swap3A_950, %swap3A_951], %swap3A_954 {strides = array<i32>} : memref<80x128xf32, #tpu.memory_space<vmem>>, vector<1x16xf32>,
      %add3A_955 = arith.constant 3 : i32
      %add3A_956 = arith.addi %mul3A_265, %add3A_955 : i32
      %get3A_957 = arith.index_cast %add3A_956 : i32 to index
      %get3A_958 = arith.constant 96 : index
      %get3A_959 = tpu.vector_load %arg14[%get3A_957, %get3A_958] {strides = array<i32>} : memref<80x128xf32, #tpu.memory_space<vmem>>, vector<1x16xf32>,
      %get3A_960 = vector.shape_cast %get3A_959 : vector<1x16xf32> to vector<16xf32>
      %add3A_961 = arith.constant 3 : i32
      %add3A_962 = arith.addi %mul3A_265, %add3A_961 : i32
      %get3A_963 = arith.index_cast %add3A_962 : i32 to index
      %get3A_964 = arith.constant 96 : index
      %get3A_965 = tpu.vector_load %arg16[%get3A_963, %get3A_964] {strides = array<i32>} : memref<80x128xf32, #tpu.memory_space<vmem>>, vector<1x16xf32>,
      %get3A_966 = vector.shape_cast %get3A_965 : vector<1x16xf32> to vector<16xf32>
      %add3A_967 = arith.addf %get3A_960, %get3A_966 : vector<16xf32>
      %max3A_968 = arith.constant 0.000000e+00 : f32
      %max3A_969 = vector.broadcast %max3A_968 : f32 to vector<16xf32>
      %max3A_970 = arith.maximumf %add3A_967, %max3A_969 : vector<16xf32>
      %add3A_971 = arith.constant 3 : i32
      %add3A_972 = arith.addi %mul3A_265, %add3A_971 : i32
      %swap3A_973 = arith.index_cast %add3A_972 : i32 to index
      %swap3A_974 = arith.constant 96 : index
      %swap3A_975 = tpu.vector_load %arg14[%swap3A_973, %swap3A_974] {strides = array<i32>} : memref<80x128xf32, #tpu.memory_space<vmem>>, vector<1x16xf32>,
      %swap3A_976 = vector.shape_cast %swap3A_975 : vector<1x16xf32> to vector<16xf32>
      %swap3A_977 = vector.shape_cast %max3A_970 : vector<16xf32> to vector<1x16xf32>
      tpu.vector_store %arg14[%swap3A_973, %swap3A_974], %swap3A_977 {strides = array<i32>} : memref<80x128xf32, #tpu.memory_space<vmem>>, vector<1x16xf32>,
      %add3A_978 = arith.constant 3 : i32
      %add3A_979 = arith.addi %mul3A_265, %add3A_978 : i32
      %get3A_980 = arith.index_cast %add3A_979 : i32 to index
      %get3A_981 = arith.constant 112 : index
      %get3A_982 = tpu.vector_load %arg14[%get3A_980, %get3A_981] {strides = array<i32>} : memref<80x128xf32, #tpu.memory_space<vmem>>, vector<1x16xf32>,
      %get3A_983 = vector.shape_cast %get3A_982 : vector<1x16xf32> to vector<16xf32>
      %add3A_984 = arith.constant 3 : i32
      %add3A_985 = arith.addi %mul3A_265, %add3A_984 : i32
      %get3A_986 = arith.index_cast %add3A_985 : i32 to index
      %get3A_987 = arith.constant 112 : index
      %get3A_988 = tpu.vector_load %arg16[%get3A_986, %get3A_987] {strides = array<i32>} : memref<80x128xf32, #tpu.memory_space<vmem>>, vector<1x16xf32>,
      %get3A_989 = vector.shape_cast %get3A_988 : vector<1x16xf32> to vector<16xf32>
      %add3A_990 = arith.addf %get3A_983, %get3A_989 : vector<16xf32>
      %max3A_991 = arith.constant 0.000000e+00 : f32
      %max3A_992 = vector.broadcast %max3A_991 : f32 to vector<16xf32>
      %max3A_993 = arith.maximumf %add3A_990, %max3A_992 : vector<16xf32>
      %add3A_994 = arith.constant 3 : i32
      %add3A_995 = arith.addi %mul3A_265, %add3A_994 : i32
      %swap3A_996 = arith.index_cast %add3A_995 : i32 to index
      %swap3A_997 = arith.constant 112 : index
      %swap3A_998 = tpu.vector_load %arg14[%swap3A_996, %swap3A_997] {strides = array<i32>} : memref<80x128xf32, #tpu.memory_space<vmem>>, vector<1x16xf32>,
      %swap3A_999 = vector.shape_cast %swap3A_998 : vector<1x16xf32> to vector<16xf32>
      %swap3A_1000 = vector.shape_cast %max3A_993 : vector<16xf32> to vector<1x16xf32>
      tpu.vector_store %arg14[%swap3A_996, %swap3A_997], %swap3A_1000 {strides = array<i32>} : memref<80x128xf32, #tpu.memory_space<vmem>>, vector<1x16xf32>,
    }
    %scan3A_110 = arith.constant 20 : i32
    %dma_start3A_111 = arith.constant 0 : i32
    %dma_start3A_112 = arith.constant 0 : i32
    %dma_start3A_113 = tpu.memref_slice %arg18[%dma_start3A_111, %dma_start3A_112] : memref<10240x128xf32, #tpu.memory_space<vmem_shared>> -> memref<10240x128xf32, #tpu.memory_space<vmem_shared>>
    tpu.enqueue_indirect_dma source(%arg14 : memref<80x128xf32, #tpu.memory_space<vmem>>) target(%dma_start3A_113 : memref<10240x128xf32, #tpu.memory_space<vmem_shared>>) offsets(%arg12 : memref<80xi32, #tpu.memory_space<vmem>>) semaphore(%arg25 : memref<!tpu.dma_semaphore, #tpu.memory_space<semaphore_mem>>) {add = true}
    %dma_wait3A_114 = arith.constant 0 : i32
    %dma_wait3A_115 = arith.constant 0 : i32
    %dma_wait3A_116 = tpu.memref_slice %arg5[%dma_wait3A_114, %dma_wait3A_115] : memref<10000x128xf32, #tpu.memory_space<hbm>> -> memref<10000x128xf32, #tpu.memory_space<hbm>>
    tpu.wait_indirect_dma semaphore(%arg22 : memref<!tpu.dma_semaphore, #tpu.memory_space<semaphore_mem>>) src(%dma_wait3A_116 : memref<10000x128xf32, #tpu.memory_space<hbm>>) dst(%arg15 : memref<80x128xf32, #tpu.memory_space<vmem>>)
    %dma_wait3A_117 = arith.constant 0 : i32
    %dma_wait3A_118 = tpu.memref_slice %arg4[%mul3A_4, %dma_wait3A_117] : memref<320000x128xf32, #tpu.memory_space<hbm>> -> memref<80x128xf32, #tpu.memory_space<hbm>>
    %dma_wait3A_119 = arith.constant 0 : i32
    %dma_wait3A_120 = tpu.memref_slice %arg4[%mul3A_4, %dma_wait3A_119] : memref<320000x128xf32, #tpu.memory_space<hbm>> -> memref<80x128xf32, #tpu.memory_space<hbm>>
    tpu.wait_dma2 semaphore(%arg24 : memref<!tpu.dma_semaphore, #tpu.memory_space<semaphore_mem>>) src(%dma_wait3A_120 : memref<80x128xf32, #tpu.memory_space<hbm>>) dst(%arg17 : memref<80x128xf32, #tpu.memory_space<vmem>>)
    %get3A_121 = arith.constant 0 : index
    %get3A_122 = tpu.vector_load %arg11[%get3A_121] {strides = array<i32>} : memref<80xi32, #tpu.memory_space<vmem>>, vector<16xi32>,
    %get3A_123 = vector.shape_cast %get3A_122 : vector<16xi32> to vector<16xi32>
    %swap3A_124 = arith.constant 0 : index
    %swap3A_125 = tpu.vector_load %arg13[%swap3A_124] {strides = array<i32>} : memref<80xi32, #tpu.memory_space<vmem>>, vector<16xi32>,
    %swap3A_126 = vector.shape_cast %swap3A_125 : vector<16xi32> to vector<16xi32>
    %swap3A_127 = vector.shape_cast %get3A_123 : vector<16xi32> to vector<16xi32>
    tpu.vector_store %arg13[%swap3A_124], %swap3A_127 {strides = array<i32>} : memref<80xi32, #tpu.memory_space<vmem>>, vector<16xi32>,
    %get3A_128 = arith.constant 16 : index
    %get3A_129 = tpu.vector_load %arg11[%get3A_128] {strides = array<i32>} : memref<80xi32, #tpu.memory_space<vmem>>, vector<16xi32>,
    %get3A_130 = vector.shape_cast %get3A_129 : vector<16xi32> to vector<16xi32>
    %swap3A_131 = arith.constant 16 : index
    %swap3A_132 = tpu.vector_load %arg13[%swap3A_131] {strides = array<i32>} : memref<80xi32, #tpu.memory_space<vmem>>, vector<16xi32>,
    %swap3A_133 = vector.shape_cast %swap3A_132 : vector<16xi32> to vector<16xi32>
    %swap3A_134 = vector.shape_cast %get3A_130 : vector<16xi32> to vector<16xi32>
    tpu.vector_store %arg13[%swap3A_131], %swap3A_134 {strides = array<i32>} : memref<80xi32, #tpu.memory_space<vmem>>, vector<16xi32>,
    %get3A_135 = arith.constant 32 : index
    %get3A_136 = tpu.vector_load %arg11[%get3A_135] {strides = array<i32>} : memref<80xi32, #tpu.memory_space<vmem>>, vector<16xi32>,
    %get3A_137 = vector.shape_cast %get3A_136 : vector<16xi32> to vector<16xi32>
    %swap3A_138 = arith.constant 32 : index
    %swap3A_139 = tpu.vector_load %arg13[%swap3A_138] {strides = array<i32>} : memref<80xi32, #tpu.memory_space<vmem>>, vector<16xi32>,
    %swap3A_140 = vector.shape_cast %swap3A_139 : vector<16xi32> to vector<16xi32>
    %swap3A_141 = vector.shape_cast %get3A_137 : vector<16xi32> to vector<16xi32>
    tpu.vector_store %arg13[%swap3A_138], %swap3A_141 {strides = array<i32>} : memref<80xi32, #tpu.memory_space<vmem>>, vector<16xi32>,
    %get3A_142 = arith.constant 48 : index
    %get3A_143 = tpu.vector_load %arg11[%get3A_142] {strides = array<i32>} : memref<80xi32, #tpu.memory_space<vmem>>, vector<16xi32>,
    %get3A_144 = vector.shape_cast %get3A_143 : vector<16xi32> to vector<16xi32>
    %swap3A_145 = arith.constant 48 : index
    %swap3A_146 = tpu.vector_load %arg13[%swap3A_145] {strides = array<i32>} : memref<80xi32, #tpu.memory_space<vmem>>, vector<16xi32>,
    %swap3A_147 = vector.shape_cast %swap3A_146 : vector<16xi32> to vector<16xi32>
    %swap3A_148 = vector.shape_cast %get3A_144 : vector<16xi32> to vector<16xi32>
    tpu.vector_store %arg13[%swap3A_145], %swap3A_148 {strides = array<i32>} : memref<80xi32, #tpu.memory_space<vmem>>, vector<16xi32>,
    %get3A_149 = arith.constant 64 : index
    %get3A_150 = tpu.vector_load %arg11[%get3A_149] {strides = array<i32>} : memref<80xi32, #tpu.memory_space<vmem>>, vector<16xi32>,
    %get3A_151 = vector.shape_cast %get3A_150 : vector<16xi32> to vector<16xi32>
    %swap3A_152 = arith.constant 64 : index
    %swap3A_153 = tpu.vector_load %arg13[%swap3A_152] {strides = array<i32>} : memref<80xi32, #tpu.memory_space<vmem>>, vector<16xi32>,
    %swap3A_154 = vector.shape_cast %swap3A_153 : vector<16xi32> to vector<16xi32>
    %swap3A_155 = vector.shape_cast %get3A_151 : vector<16xi32> to vector<16xi32>
    tpu.vector_store %arg13[%swap3A_152], %swap3A_155 {strides = array<i32>} : memref<80xi32, #tpu.memory_space<vmem>>, vector<16xi32>,
    %min3A_156 = arith.constant 3 : i32
    %min3A_157 = arith.constant 124 : i32
    %min3A_158 = arith.minsi %min3A_156, %min3A_157 : i32
    %mul3A_159 = arith.constant 80 : i32
    %mul3A_160 = arith.muli %min3A_158, %mul3A_159 : i32
    %add3A_161 = arith.addi %mul3A_4, %mul3A_160 : i32
    %dma_start3A_162 = tpu.memref_slice %arg2[%add3A_161] : memref<320000xi32, #tpu.memory_space<hbm>> -> memref<80xi32, #tpu.memory_space<hbm>>
    %dma_start3A_163 = tpu.memref_slice %arg2[%add3A_161] : memref<320000xi32, #tpu.memory_space<hbm>> -> memref<80xi32, #tpu.memory_space<hbm>>
    tpu.enqueue_dma source(%dma_start3A_163 : memref<80xi32, #tpu.memory_space<hbm>>) target(%arg9 : memref<80xi32, #tpu.memory_space<vmem>>) target_semaphore(%arg20 : memref<!tpu.dma_semaphore, #tpu.memory_space<semaphore_mem>>)
    %dma_start3A_164 = tpu.memref_slice %arg3[%add3A_161] : memref<320000xi32, #tpu.memory_space<hbm>> -> memref<80xi32, #tpu.memory_space<hbm>>
    %dma_start3A_165 = tpu.memref_slice %arg3[%add3A_161] : memref<320000xi32, #tpu.memory_space<hbm>> -> memref<80xi32, #tpu.memory_space<hbm>>
    tpu.enqueue_dma source(%dma_start3A_165 : memref<80xi32, #tpu.memory_space<hbm>>) target(%arg11 : memref<80xi32, #tpu.memory_space<vmem>>) target_semaphore(%arg20 : memref<!tpu.dma_semaphore, #tpu.memory_space<semaphore_mem>>)
    %scan3A_166 = arith.constant 0 : i32
    %scan3A_167 = arith.constant 0 : i32
    %scan3A_168 = arith.constant 20 : i32
    %scan3A_169 = arith.addi %scan3A_167, %scan3A_168 : i32
    %scan3A_170 = arith.constant 1 : i32
    scf.for %scan3A_263 = %scan3A_167 to %scan3A_169 step %scan3A_170  : i32 {
      %mul3A_264 = arith.constant 4 : i32
      %mul3A_265 = arith.muli %scan3A_263, %mul3A_264 : i32
      %add3A_266 = arith.constant 0 : i32
      %add3A_267 = arith.addi %mul3A_265, %add3A_266 : i32
      %get3A_268 = arith.index_cast %add3A_267 : i32 to index
      %get3A_269 = arith.constant 0 : index
      %get3A_270 = tpu.vector_load %arg15[%get3A_268, %get3A_269] {strides = array<i32>} : memref<80x128xf32, #tpu.memory_space<vmem>>, vector<1x16xf32>,
      %get3A_271 = vector.shape_cast %get3A_270 : vector<1x16xf32> to vector<16xf32>
      %add3A_272 = arith.constant 0 : i32
      %add3A_273 = arith.addi %mul3A_265, %add3A_272 : i32
      %get3A_274 = arith.index_cast %add3A_273 : i32 to index
      %get3A_275 = arith.constant 0 : index
      %get3A_276 = tpu.vector_load %arg17[%get3A_274, %get3A_275] {strides = array<i32>} : memref<80x128xf32, #tpu.memory_space<vmem>>, vector<1x16xf32>,
      %get3A_277 = vector.shape_cast %get3A_276 : vector<1x16xf32> to vector<16xf32>
      %add3A_278 = arith.addf %get3A_271, %get3A_277 : vector<16xf32>
      %max3A = arith.constant 0.000000e+00 : f32
      %max3A_279 = vector.broadcast %max3A : f32 to vector<16xf32>
      %max3A_280 = arith.maximumf %add3A_278, %max3A_279 : vector<16xf32>
      %add3A_281 = arith.constant 0 : i32
      %add3A_282 = arith.addi %mul3A_265, %add3A_281 : i32
      %swap3A_283 = arith.index_cast %add3A_282 : i32 to index
      %swap3A_284 = arith.constant 0 : index
      %swap3A_285 = tpu.vector_load %arg15[%swap3A_283, %swap3A_284] {strides = array<i32>} : memref<80x128xf32, #tpu.memory_space<vmem>>, vector<1x16xf32>,
      %swap3A_286 = vector.shape_cast %swap3A_285 : vector<1x16xf32> to vector<16xf32>
      %swap3A_287 = vector.shape_cast %max3A_280 : vector<16xf32> to vector<1x16xf32>
      tpu.vector_store %arg15[%swap3A_283, %swap3A_284], %swap3A_287 {strides = array<i32>} : memref<80x128xf32, #tpu.memory_space<vmem>>, vector<1x16xf32>,
      %add3A_288 = arith.constant 0 : i32
      %add3A_289 = arith.addi %mul3A_265, %add3A_288 : i32
      %get3A_290 = arith.index_cast %add3A_289 : i32 to index
      %get3A_291 = arith.constant 16 : index
      %get3A_292 = tpu.vector_load %arg15[%get3A_290, %get3A_291] {strides = array<i32>} : memref<80x128xf32, #tpu.memory_space<vmem>>, vector<1x16xf32>,
      %get3A_293 = vector.shape_cast %get3A_292 : vector<1x16xf32> to vector<16xf32>
      %add3A_294 = arith.constant 0 : i32
      %add3A_295 = arith.addi %mul3A_265, %add3A_294 : i32
      %get3A_296 = arith.index_cast %add3A_295 : i32 to index
      %get3A_297 = arith.constant 16 : index
      %get3A_298 = tpu.vector_load %arg17[%get3A_296, %get3A_297] {strides = array<i32>} : memref<80x128xf32, #tpu.memory_space<vmem>>, vector<1x16xf32>,
      %get3A_299 = vector.shape_cast %get3A_298 : vector<1x16xf32> to vector<16xf32>
      %add3A_300 = arith.addf %get3A_293, %get3A_299 : vector<16xf32>
      %max3A_301 = arith.constant 0.000000e+00 : f32
      %max3A_302 = vector.broadcast %max3A_301 : f32 to vector<16xf32>
      %max3A_303 = arith.maximumf %add3A_300, %max3A_302 : vector<16xf32>
      %add3A_304 = arith.constant 0 : i32
      %add3A_305 = arith.addi %mul3A_265, %add3A_304 : i32
      %swap3A_306 = arith.index_cast %add3A_305 : i32 to index
      %swap3A_307 = arith.constant 16 : index
      %swap3A_308 = tpu.vector_load %arg15[%swap3A_306, %swap3A_307] {strides = array<i32>} : memref<80x128xf32, #tpu.memory_space<vmem>>, vector<1x16xf32>,
      %swap3A_309 = vector.shape_cast %swap3A_308 : vector<1x16xf32> to vector<16xf32>
      %swap3A_310 = vector.shape_cast %max3A_303 : vector<16xf32> to vector<1x16xf32>
      tpu.vector_store %arg15[%swap3A_306, %swap3A_307], %swap3A_310 {strides = array<i32>} : memref<80x128xf32, #tpu.memory_space<vmem>>, vector<1x16xf32>,
      %add3A_311 = arith.constant 0 : i32
      %add3A_312 = arith.addi %mul3A_265, %add3A_311 : i32
      %get3A_313 = arith.index_cast %add3A_312 : i32 to index
      %get3A_314 = arith.constant 32 : index
      %get3A_315 = tpu.vector_load %arg15[%get3A_313, %get3A_314] {strides = array<i32>} : memref<80x128xf32, #tpu.memory_space<vmem>>, vector<1x16xf32>,
      %get3A_316 = vector.shape_cast %get3A_315 : vector<1x16xf32> to vector<16xf32>
      %add3A_317 = arith.constant 0 : i32
      %add3A_318 = arith.addi %mul3A_265, %add3A_317 : i32
      %get3A_319 = arith.index_cast %add3A_318 : i32 to index
      %get3A_320 = arith.constant 32 : index
      %get3A_321 = tpu.vector_load %arg17[%get3A_319, %get3A_320] {strides = array<i32>} : memref<80x128xf32, #tpu.memory_space<vmem>>, vector<1x16xf32>,
      %get3A_322 = vector.shape_cast %get3A_321 : vector<1x16xf32> to vector<16xf32>
      %add3A_323 = arith.addf %get3A_316, %get3A_322 : vector<16xf32>
      %max3A_324 = arith.constant 0.000000e+00 : f32
      %max3A_325 = vector.broadcast %max3A_324 : f32 to vector<16xf32>
      %max3A_326 = arith.maximumf %add3A_323, %max3A_325 : vector<16xf32>
      %add3A_327 = arith.constant 0 : i32
      %add3A_328 = arith.addi %mul3A_265, %add3A_327 : i32
      %swap3A_329 = arith.index_cast %add3A_328 : i32 to index
      %swap3A_330 = arith.constant 32 : index
      %swap3A_331 = tpu.vector_load %arg15[%swap3A_329, %swap3A_330] {strides = array<i32>} : memref<80x128xf32, #tpu.memory_space<vmem>>, vector<1x16xf32>,
      %swap3A_332 = vector.shape_cast %swap3A_331 : vector<1x16xf32> to vector<16xf32>
      %swap3A_333 = vector.shape_cast %max3A_326 : vector<16xf32> to vector<1x16xf32>
      tpu.vector_store %arg15[%swap3A_329, %swap3A_330], %swap3A_333 {strides = array<i32>} : memref<80x128xf32, #tpu.memory_space<vmem>>, vector<1x16xf32>,
      %add3A_334 = arith.constant 0 : i32
      %add3A_335 = arith.addi %mul3A_265, %add3A_334 : i32
      %get3A_336 = arith.index_cast %add3A_335 : i32 to index
      %get3A_337 = arith.constant 48 : index
      %get3A_338 = tpu.vector_load %arg15[%get3A_336, %get3A_337] {strides = array<i32>} : memref<80x128xf32, #tpu.memory_space<vmem>>, vector<1x16xf32>,
      %get3A_339 = vector.shape_cast %get3A_338 : vector<1x16xf32> to vector<16xf32>
      %add3A_340 = arith.constant 0 : i32
      %add3A_341 = arith.addi %mul3A_265, %add3A_340 : i32
      %get3A_342 = arith.index_cast %add3A_341 : i32 to index
      %get3A_343 = arith.constant 48 : index
      %get3A_344 = tpu.vector_load %arg17[%get3A_342, %get3A_343] {strides = array<i32>} : memref<80x128xf32, #tpu.memory_space<vmem>>, vector<1x16xf32>,
      %get3A_345 = vector.shape_cast %get3A_344 : vector<1x16xf32> to vector<16xf32>
      %add3A_346 = arith.addf %get3A_339, %get3A_345 : vector<16xf32>
      %max3A_347 = arith.constant 0.000000e+00 : f32
      %max3A_348 = vector.broadcast %max3A_347 : f32 to vector<16xf32>
      %max3A_349 = arith.maximumf %add3A_346, %max3A_348 : vector<16xf32>
      %add3A_350 = arith.constant 0 : i32
      %add3A_351 = arith.addi %mul3A_265, %add3A_350 : i32
      %swap3A_352 = arith.index_cast %add3A_351 : i32 to index
      %swap3A_353 = arith.constant 48 : index
      %swap3A_354 = tpu.vector_load %arg15[%swap3A_352, %swap3A_353] {strides = array<i32>} : memref<80x128xf32, #tpu.memory_space<vmem>>, vector<1x16xf32>,
      %swap3A_355 = vector.shape_cast %swap3A_354 : vector<1x16xf32> to vector<16xf32>
      %swap3A_356 = vector.shape_cast %max3A_349 : vector<16xf32> to vector<1x16xf32>
      tpu.vector_store %arg15[%swap3A_352, %swap3A_353], %swap3A_356 {strides = array<i32>} : memref<80x128xf32, #tpu.memory_space<vmem>>, vector<1x16xf32>,
      %add3A_357 = arith.constant 0 : i32
      %add3A_358 = arith.addi %mul3A_265, %add3A_357 : i32
      %get3A_359 = arith.index_cast %add3A_358 : i32 to index
      %get3A_360 = arith.constant 64 : index
      %get3A_361 = tpu.vector_load %arg15[%get3A_359, %get3A_360] {strides = array<i32>} : memref<80x128xf32, #tpu.memory_space<vmem>>, vector<1x16xf32>,
      %get3A_362 = vector.shape_cast %get3A_361 : vector<1x16xf32> to vector<16xf32>
      %add3A_363 = arith.constant 0 : i32
      %add3A_364 = arith.addi %mul3A_265, %add3A_363 : i32
      %get3A_365 = arith.index_cast %add3A_364 : i32 to index
      %get3A_366 = arith.constant 64 : index
      %get3A_367 = tpu.vector_load %arg17[%get3A_365, %get3A_366] {strides = array<i32>} : memref<80x128xf32, #tpu.memory_space<vmem>>, vector<1x16xf32>,
      %get3A_368 = vector.shape_cast %get3A_367 : vector<1x16xf32> to vector<16xf32>
      %add3A_369 = arith.addf %get3A_362, %get3A_368 : vector<16xf32>
      %max3A_370 = arith.constant 0.000000e+00 : f32
      %max3A_371 = vector.broadcast %max3A_370 : f32 to vector<16xf32>
      %max3A_372 = arith.maximumf %add3A_369, %max3A_371 : vector<16xf32>
      %add3A_373 = arith.constant 0 : i32
      %add3A_374 = arith.addi %mul3A_265, %add3A_373 : i32
      %swap3A_375 = arith.index_cast %add3A_374 : i32 to index
      %swap3A_376 = arith.constant 64 : index
      %swap3A_377 = tpu.vector_load %arg15[%swap3A_375, %swap3A_376] {strides = array<i32>} : memref<80x128xf32, #tpu.memory_space<vmem>>, vector<1x16xf32>,
      %swap3A_378 = vector.shape_cast %swap3A_377 : vector<1x16xf32> to vector<16xf32>
      %swap3A_379 = vector.shape_cast %max3A_372 : vector<16xf32> to vector<1x16xf32>
      tpu.vector_store %arg15[%swap3A_375, %swap3A_376], %swap3A_379 {strides = array<i32>} : memref<80x128xf32, #tpu.memory_space<vmem>>, vector<1x16xf32>,
      %add3A_380 = arith.constant 0 : i32
      %add3A_381 = arith.addi %mul3A_265, %add3A_380 : i32
      %get3A_382 = arith.index_cast %add3A_381 : i32 to index
      %get3A_383 = arith.constant 80 : index
      %get3A_384 = tpu.vector_load %arg15[%get3A_382, %get3A_383] {strides = array<i32>} : memref<80x128xf32, #tpu.memory_space<vmem>>, vector<1x16xf32>,
      %get3A_385 = vector.shape_cast %get3A_384 : vector<1x16xf32> to vector<16xf32>
      %add3A_386 = arith.constant 0 : i32
      %add3A_387 = arith.addi %mul3A_265, %add3A_386 : i32
      %get3A_388 = arith.index_cast %add3A_387 : i32 to index
      %get3A_389 = arith.constant 80 : index
      %get3A_390 = tpu.vector_load %arg17[%get3A_388, %get3A_389] {strides = array<i32>} : memref<80x128xf32, #tpu.memory_space<vmem>>, vector<1x16xf32>,
      %get3A_391 = vector.shape_cast %get3A_390 : vector<1x16xf32> to vector<16xf32>
      %add3A_392 = arith.addf %get3A_385, %get3A_391 : vector<16xf32>
      %max3A_393 = arith.constant 0.000000e+00 : f32
      %max3A_394 = vector.broadcast %max3A_393 : f32 to vector<16xf32>
      %max3A_395 = arith.maximumf %add3A_392, %max3A_394 : vector<16xf32>
      %add3A_396 = arith.constant 0 : i32
      %add3A_397 = arith.addi %mul3A_265, %add3A_396 : i32
      %swap3A_398 = arith.index_cast %add3A_397 : i32 to index
      %swap3A_399 = arith.constant 80 : index
      %swap3A_400 = tpu.vector_load %arg15[%swap3A_398, %swap3A_399] {strides = array<i32>} : memref<80x128xf32, #tpu.memory_space<vmem>>, vector<1x16xf32>,
      %swap3A_401 = vector.shape_cast %swap3A_400 : vector<1x16xf32> to vector<16xf32>
      %swap3A_402 = vector.shape_cast %max3A_395 : vector<16xf32> to vector<1x16xf32>
      tpu.vector_store %arg15[%swap3A_398, %swap3A_399], %swap3A_402 {strides = array<i32>} : memref<80x128xf32, #tpu.memory_space<vmem>>, vector<1x16xf32>,
      %add3A_403 = arith.constant 0 : i32
      %add3A_404 = arith.addi %mul3A_265, %add3A_403 : i32
      %get3A_405 = arith.index_cast %add3A_404 : i32 to index
      %get3A_406 = arith.constant 96 : index
      %get3A_407 = tpu.vector_load %arg15[%get3A_405, %get3A_406] {strides = array<i32>} : memref<80x128xf32, #tpu.memory_space<vmem>>, vector<1x16xf32>,
      %get3A_408 = vector.shape_cast %get3A_407 : vector<1x16xf32> to vector<16xf32>
      %add3A_409 = arith.constant 0 : i32
      %add3A_410 = arith.addi %mul3A_265, %add3A_409 : i32
      %get3A_411 = arith.index_cast %add3A_410 : i32 to index
      %get3A_412 = arith.constant 96 : index
      %get3A_413 = tpu.vector_load %arg17[%get3A_411, %get3A_412] {strides = array<i32>} : memref<80x128xf32, #tpu.memory_space<vmem>>, vector<1x16xf32>,
      %get3A_414 = vector.shape_cast %get3A_413 : vector<1x16xf32> to vector<16xf32>
      %add3A_415 = arith.addf %get3A_408, %get3A_414 : vector<16xf32>
      %max3A_416 = arith.constant 0.000000e+00 : f32
      %max3A_417 = vector.broadcast %max3A_416 : f32 to vector<16xf32>
      %max3A_418 = arith.maximumf %add3A_415, %max3A_417 : vector<16xf32>
      %add3A_419 = arith.constant 0 : i32
      %add3A_420 = arith.addi %mul3A_265, %add3A_419 : i32
      %swap3A_421 = arith.index_cast %add3A_420 : i32 to index
      %swap3A_422 = arith.constant 96 : index
      %swap3A_423 = tpu.vector_load %arg15[%swap3A_421, %swap3A_422] {strides = array<i32>} : memref<80x128xf32, #tpu.memory_space<vmem>>, vector<1x16xf32>,
      %swap3A_424 = vector.shape_cast %swap3A_423 : vector<1x16xf32> to vector<16xf32>
      %swap3A_425 = vector.shape_cast %max3A_418 : vector<16xf32> to vector<1x16xf32>
      tpu.vector_store %arg15[%swap3A_421, %swap3A_422], %swap3A_425 {strides = array<i32>} : memref<80x128xf32, #tpu.memory_space<vmem>>, vector<1x16xf32>,
      %add3A_426 = arith.constant 0 : i32
      %add3A_427 = arith.addi %mul3A_265, %add3A_426 : i32
      %get3A_428 = arith.index_cast %add3A_427 : i32 to index
      %get3A_429 = arith.constant 112 : index
      %get3A_430 = tpu.vector_load %arg15[%get3A_428, %get3A_429] {strides = array<i32>} : memref<80x128xf32, #tpu.memory_space<vmem>>, vector<1x16xf32>,
      %get3A_431 = vector.shape_cast %get3A_430 : vector<1x16xf32> to vector<16xf32>
      %add3A_432 = arith.constant 0 : i32
      %add3A_433 = arith.addi %mul3A_265, %add3A_432 : i32
      %get3A_434 = arith.index_cast %add3A_433 : i32 to index
      %get3A_435 = arith.constant 112 : index
      %get3A_436 = tpu.vector_load %arg17[%get3A_434, %get3A_435] {strides = array<i32>} : memref<80x128xf32, #tpu.memory_space<vmem>>, vector<1x16xf32>,
      %get3A_437 = vector.shape_cast %get3A_436 : vector<1x16xf32> to vector<16xf32>
      %add3A_438 = arith.addf %get3A_431, %get3A_437 : vector<16xf32>
      %max3A_439 = arith.constant 0.000000e+00 : f32
      %max3A_440 = vector.broadcast %max3A_439 : f32 to vector<16xf32>
      %max3A_441 = arith.maximumf %add3A_438, %max3A_440 : vector<16xf32>
      %add3A_442 = arith.constant 0 : i32
      %add3A_443 = arith.addi %mul3A_265, %add3A_442 : i32
      %swap3A_444 = arith.index_cast %add3A_443 : i32 to index
      %swap3A_445 = arith.constant 112 : index
      %swap3A_446 = tpu.vector_load %arg15[%swap3A_444, %swap3A_445] {strides = array<i32>} : memref<80x128xf32, #tpu.memory_space<vmem>>, vector<1x16xf32>,
      %swap3A_447 = vector.shape_cast %swap3A_446 : vector<1x16xf32> to vector<16xf32>
      %swap3A_448 = vector.shape_cast %max3A_441 : vector<16xf32> to vector<1x16xf32>
      tpu.vector_store %arg15[%swap3A_444, %swap3A_445], %swap3A_448 {strides = array<i32>} : memref<80x128xf32, #tpu.memory_space<vmem>>, vector<1x16xf32>,
      %add3A_449 = arith.constant 1 : i32
      %add3A_450 = arith.addi %mul3A_265, %add3A_449 : i32
      %get3A_451 = arith.index_cast %add3A_450 : i32 to index
      %get3A_452 = arith.constant 0 : index
      %get3A_453 = tpu.vector_load %arg15[%get3A_451, %get3A_452] {strides = array<i32>} : memref<80x128xf32, #tpu.memory_space<vmem>>, vector<1x16xf32>,
      %get3A_454 = vector.shape_cast %get3A_453 : vector<1x16xf32> to vector<16xf32>
      %add3A_455 = arith.constant 1 : i32
      %add3A_456 = arith.addi %mul3A_265, %add3A_455 : i32
      %get3A_457 = arith.index_cast %add3A_456 : i32 to index
      %get3A_458 = arith.constant 0 : index
      %get3A_459 = tpu.vector_load %arg17[%get3A_457, %get3A_458] {strides = array<i32>} : memref<80x128xf32, #tpu.memory_space<vmem>>, vector<1x16xf32>,
      %get3A_460 = vector.shape_cast %get3A_459 : vector<1x16xf32> to vector<16xf32>
      %add3A_461 = arith.addf %get3A_454, %get3A_460 : vector<16xf32>
      %max3A_462 = arith.constant 0.000000e+00 : f32
      %max3A_463 = vector.broadcast %max3A_462 : f32 to vector<16xf32>
      %max3A_464 = arith.maximumf %add3A_461, %max3A_463 : vector<16xf32>
      %add3A_465 = arith.constant 1 : i32
      %add3A_466 = arith.addi %mul3A_265, %add3A_465 : i32
      %swap3A_467 = arith.index_cast %add3A_466 : i32 to index
      %swap3A_468 = arith.constant 0 : index
      %swap3A_469 = tpu.vector_load %arg15[%swap3A_467, %swap3A_468] {strides = array<i32>} : memref<80x128xf32, #tpu.memory_space<vmem>>, vector<1x16xf32>,
      %swap3A_470 = vector.shape_cast %swap3A_469 : vector<1x16xf32> to vector<16xf32>
      %swap3A_471 = vector.shape_cast %max3A_464 : vector<16xf32> to vector<1x16xf32>
      tpu.vector_store %arg15[%swap3A_467, %swap3A_468], %swap3A_471 {strides = array<i32>} : memref<80x128xf32, #tpu.memory_space<vmem>>, vector<1x16xf32>,
      %add3A_472 = arith.constant 1 : i32
      %add3A_473 = arith.addi %mul3A_265, %add3A_472 : i32
      %get3A_474 = arith.index_cast %add3A_473 : i32 to index
      %get3A_475 = arith.constant 16 : index
      %get3A_476 = tpu.vector_load %arg15[%get3A_474, %get3A_475] {strides = array<i32>} : memref<80x128xf32, #tpu.memory_space<vmem>>, vector<1x16xf32>,
      %get3A_477 = vector.shape_cast %get3A_476 : vector<1x16xf32> to vector<16xf32>
      %add3A_478 = arith.constant 1 : i32
      %add3A_479 = arith.addi %mul3A_265, %add3A_478 : i32
      %get3A_480 = arith.index_cast %add3A_479 : i32 to index
      %get3A_481 = arith.constant 16 : index
      %get3A_482 = tpu.vector_load %arg17[%get3A_480, %get3A_481] {strides = array<i32>} : memref<80x128xf32, #tpu.memory_space<vmem>>, vector<1x16xf32>,
      %get3A_483 = vector.shape_cast %get3A_482 : vector<1x16xf32> to vector<16xf32>
      %add3A_484 = arith.addf %get3A_477, %get3A_483 : vector<16xf32>
      %max3A_485 = arith.constant 0.000000e+00 : f32
      %max3A_486 = vector.broadcast %max3A_485 : f32 to vector<16xf32>
      %max3A_487 = arith.maximumf %add3A_484, %max3A_486 : vector<16xf32>
      %add3A_488 = arith.constant 1 : i32
      %add3A_489 = arith.addi %mul3A_265, %add3A_488 : i32
      %swap3A_490 = arith.index_cast %add3A_489 : i32 to index
      %swap3A_491 = arith.constant 16 : index
      %swap3A_492 = tpu.vector_load %arg15[%swap3A_490, %swap3A_491] {strides = array<i32>} : memref<80x128xf32, #tpu.memory_space<vmem>>, vector<1x16xf32>,
      %swap3A_493 = vector.shape_cast %swap3A_492 : vector<1x16xf32> to vector<16xf32>
      %swap3A_494 = vector.shape_cast %max3A_487 : vector<16xf32> to vector<1x16xf32>
      tpu.vector_store %arg15[%swap3A_490, %swap3A_491], %swap3A_494 {strides = array<i32>} : memref<80x128xf32, #tpu.memory_space<vmem>>, vector<1x16xf32>,
      %add3A_495 = arith.constant 1 : i32
      %add3A_496 = arith.addi %mul3A_265, %add3A_495 : i32
      %get3A_497 = arith.index_cast %add3A_496 : i32 to index
      %get3A_498 = arith.constant 32 : index
      %get3A_499 = tpu.vector_load %arg15[%get3A_497, %get3A_498] {strides = array<i32>} : memref<80x128xf32, #tpu.memory_space<vmem>>, vector<1x16xf32>,
      %get3A_500 = vector.shape_cast %get3A_499 : vector<1x16xf32> to vector<16xf32>
      %add3A_501 = arith.constant 1 : i32
      %add3A_502 = arith.addi %mul3A_265, %add3A_501 : i32
      %get3A_503 = arith.index_cast %add3A_502 : i32 to index
      %get3A_504 = arith.constant 32 : index
      %get3A_505 = tpu.vector_load %arg17[%get3A_503, %get3A_504] {strides = array<i32>} : memref<80x128xf32, #tpu.memory_space<vmem>>, vector<1x16xf32>,
      %get3A_506 = vector.shape_cast %get3A_505 : vector<1x16xf32> to vector<16xf32>
      %add3A_507 = arith.addf %get3A_500, %get3A_506 : vector<16xf32>
      %max3A_508 = arith.constant 0.000000e+00 : f32
      %max3A_509 = vector.broadcast %max3A_508 : f32 to vector<16xf32>
      %max3A_510 = arith.maximumf %add3A_507, %max3A_509 : vector<16xf32>
      %add3A_511 = arith.constant 1 : i32
      %add3A_512 = arith.addi %mul3A_265, %add3A_511 : i32
      %swap3A_513 = arith.index_cast %add3A_512 : i32 to index
      %swap3A_514 = arith.constant 32 : index
      %swap3A_515 = tpu.vector_load %arg15[%swap3A_513, %swap3A_514] {strides = array<i32>} : memref<80x128xf32, #tpu.memory_space<vmem>>, vector<1x16xf32>,
      %swap3A_516 = vector.shape_cast %swap3A_515 : vector<1x16xf32> to vector<16xf32>
      %swap3A_517 = vector.shape_cast %max3A_510 : vector<16xf32> to vector<1x16xf32>
      tpu.vector_store %arg15[%swap3A_513, %swap3A_514], %swap3A_517 {strides = array<i32>} : memref<80x128xf32, #tpu.memory_space<vmem>>, vector<1x16xf32>,
      %add3A_518 = arith.constant 1 : i32
      %add3A_519 = arith.addi %mul3A_265, %add3A_518 : i32
      %get3A_520 = arith.index_cast %add3A_519 : i32 to index
      %get3A_521 = arith.constant 48 : index
      %get3A_522 = tpu.vector_load %arg15[%get3A_520, %get3A_521] {strides = array<i32>} : memref<80x128xf32, #tpu.memory_space<vmem>>, vector<1x16xf32>,
      %get3A_523 = vector.shape_cast %get3A_522 : vector<1x16xf32> to vector<16xf32>
      %add3A_524 = arith.constant 1 : i32
      %add3A_525 = arith.addi %mul3A_265, %add3A_524 : i32
      %get3A_526 = arith.index_cast %add3A_525 : i32 to index
      %get3A_527 = arith.constant 48 : index
      %get3A_528 = tpu.vector_load %arg17[%get3A_526, %get3A_527] {strides = array<i32>} : memref<80x128xf32, #tpu.memory_space<vmem>>, vector<1x16xf32>,
      %get3A_529 = vector.shape_cast %get3A_528 : vector<1x16xf32> to vector<16xf32>
      %add3A_530 = arith.addf %get3A_523, %get3A_529 : vector<16xf32>
      %max3A_531 = arith.constant 0.000000e+00 : f32
      %max3A_532 = vector.broadcast %max3A_531 : f32 to vector<16xf32>
      %max3A_533 = arith.maximumf %add3A_530, %max3A_532 : vector<16xf32>
      %add3A_534 = arith.constant 1 : i32
      %add3A_535 = arith.addi %mul3A_265, %add3A_534 : i32
      %swap3A_536 = arith.index_cast %add3A_535 : i32 to index
      %swap3A_537 = arith.constant 48 : index
      %swap3A_538 = tpu.vector_load %arg15[%swap3A_536, %swap3A_537] {strides = array<i32>} : memref<80x128xf32, #tpu.memory_space<vmem>>, vector<1x16xf32>,
      %swap3A_539 = vector.shape_cast %swap3A_538 : vector<1x16xf32> to vector<16xf32>
      %swap3A_540 = vector.shape_cast %max3A_533 : vector<16xf32> to vector<1x16xf32>
      tpu.vector_store %arg15[%swap3A_536, %swap3A_537], %swap3A_540 {strides = array<i32>} : memref<80x128xf32, #tpu.memory_space<vmem>>, vector<1x16xf32>,
      %add3A_541 = arith.constant 1 : i32
      %add3A_542 = arith.addi %mul3A_265, %add3A_541 : i32
      %get3A_543 = arith.index_cast %add3A_542 : i32 to index
      %get3A_544 = arith.constant 64 : index
      %get3A_545 = tpu.vector_load %arg15[%get3A_543, %get3A_544] {strides = array<i32>} : memref<80x128xf32, #tpu.memory_space<vmem>>, vector<1x16xf32>,
      %get3A_546 = vector.shape_cast %get3A_545 : vector<1x16xf32> to vector<16xf32>
      %add3A_547 = arith.constant 1 : i32
      %add3A_548 = arith.addi %mul3A_265, %add3A_547 : i32
      %get3A_549 = arith.index_cast %add3A_548 : i32 to index
      %get3A_550 = arith.constant 64 : index
      %get3A_551 = tpu.vector_load %arg17[%get3A_549, %get3A_550] {strides = array<i32>} : memref<80x128xf32, #tpu.memory_space<vmem>>, vector<1x16xf32>,
      %get3A_552 = vector.shape_cast %get3A_551 : vector<1x16xf32> to vector<16xf32>
      %add3A_553 = arith.addf %get3A_546, %get3A_552 : vector<16xf32>
      %max3A_554 = arith.constant 0.000000e+00 : f32
      %max3A_555 = vector.broadcast %max3A_554 : f32 to vector<16xf32>
      %max3A_556 = arith.maximumf %add3A_553, %max3A_555 : vector<16xf32>
      %add3A_557 = arith.constant 1 : i32
      %add3A_558 = arith.addi %mul3A_265, %add3A_557 : i32
      %swap3A_559 = arith.index_cast %add3A_558 : i32 to index
      %swap3A_560 = arith.constant 64 : index
      %swap3A_561 = tpu.vector_load %arg15[%swap3A_559, %swap3A_560] {strides = array<i32>} : memref<80x128xf32, #tpu.memory_space<vmem>>, vector<1x16xf32>,
      %swap3A_562 = vector.shape_cast %swap3A_561 : vector<1x16xf32> to vector<16xf32>
      %swap3A_563 = vector.shape_cast %max3A_556 : vector<16xf32> to vector<1x16xf32>
      tpu.vector_store %arg15[%swap3A_559, %swap3A_560], %swap3A_563 {strides = array<i32>} : memref<80x128xf32, #tpu.memory_space<vmem>>, vector<1x16xf32>,
      %add3A_564 = arith.constant 1 : i32
      %add3A_565 = arith.addi %mul3A_265, %add3A_564 : i32
      %get3A_566 = arith.index_cast %add3A_565 : i32 to index
      %get3A_567 = arith.constant 80 : index
      %get3A_568 = tpu.vector_load %arg15[%get3A_566, %get3A_567] {strides = array<i32>} : memref<80x128xf32, #tpu.memory_space<vmem>>, vector<1x16xf32>,
      %get3A_569 = vector.shape_cast %get3A_568 : vector<1x16xf32> to vector<16xf32>
      %add3A_570 = arith.constant 1 : i32
      %add3A_571 = arith.addi %mul3A_265, %add3A_570 : i32
      %get3A_572 = arith.index_cast %add3A_571 : i32 to index
      %get3A_573 = arith.constant 80 : index
      %get3A_574 = tpu.vector_load %arg17[%get3A_572, %get3A_573] {strides = array<i32>} : memref<80x128xf32, #tpu.memory_space<vmem>>, vector<1x16xf32>,
      %get3A_575 = vector.shape_cast %get3A_574 : vector<1x16xf32> to vector<16xf32>
      %add3A_576 = arith.addf %get3A_569, %get3A_575 : vector<16xf32>
      %max3A_577 = arith.constant 0.000000e+00 : f32
      %max3A_578 = vector.broadcast %max3A_577 : f32 to vector<16xf32>
      %max3A_579 = arith.maximumf %add3A_576, %max3A_578 : vector<16xf32>
      %add3A_580 = arith.constant 1 : i32
      %add3A_581 = arith.addi %mul3A_265, %add3A_580 : i32
      %swap3A_582 = arith.index_cast %add3A_581 : i32 to index
      %swap3A_583 = arith.constant 80 : index
      %swap3A_584 = tpu.vector_load %arg15[%swap3A_582, %swap3A_583] {strides = array<i32>} : memref<80x128xf32, #tpu.memory_space<vmem>>, vector<1x16xf32>,
      %swap3A_585 = vector.shape_cast %swap3A_584 : vector<1x16xf32> to vector<16xf32>
      %swap3A_586 = vector.shape_cast %max3A_579 : vector<16xf32> to vector<1x16xf32>
      tpu.vector_store %arg15[%swap3A_582, %swap3A_583], %swap3A_586 {strides = array<i32>} : memref<80x128xf32, #tpu.memory_space<vmem>>, vector<1x16xf32>,
      %add3A_587 = arith.constant 1 : i32
      %add3A_588 = arith.addi %mul3A_265, %add3A_587 : i32
      %get3A_589 = arith.index_cast %add3A_588 : i32 to index
      %get3A_590 = arith.constant 96 : index
      %get3A_591 = tpu.vector_load %arg15[%get3A_589, %get3A_590] {strides = array<i32>} : memref<80x128xf32, #tpu.memory_space<vmem>>, vector<1x16xf32>,
      %get3A_592 = vector.shape_cast %get3A_591 : vector<1x16xf32> to vector<16xf32>
      %add3A_593 = arith.constant 1 : i32
      %add3A_594 = arith.addi %mul3A_265, %add3A_593 : i32
      %get3A_595 = arith.index_cast %add3A_594 : i32 to index
      %get3A_596 = arith.constant 96 : index
      %get3A_597 = tpu.vector_load %arg17[%get3A_595, %get3A_596] {strides = array<i32>} : memref<80x128xf32, #tpu.memory_space<vmem>>, vector<1x16xf32>,
      %get3A_598 = vector.shape_cast %get3A_597 : vector<1x16xf32> to vector<16xf32>
      %add3A_599 = arith.addf %get3A_592, %get3A_598 : vector<16xf32>
      %max3A_600 = arith.constant 0.000000e+00 : f32
      %max3A_601 = vector.broadcast %max3A_600 : f32 to vector<16xf32>
      %max3A_602 = arith.maximumf %add3A_599, %max3A_601 : vector<16xf32>
      %add3A_603 = arith.constant 1 : i32
      %add3A_604 = arith.addi %mul3A_265, %add3A_603 : i32
      %swap3A_605 = arith.index_cast %add3A_604 : i32 to index
      %swap3A_606 = arith.constant 96 : index
      %swap3A_607 = tpu.vector_load %arg15[%swap3A_605, %swap3A_606] {strides = array<i32>} : memref<80x128xf32, #tpu.memory_space<vmem>>, vector<1x16xf32>,
      %swap3A_608 = vector.shape_cast %swap3A_607 : vector<1x16xf32> to vector<16xf32>
      %swap3A_609 = vector.shape_cast %max3A_602 : vector<16xf32> to vector<1x16xf32>
      tpu.vector_store %arg15[%swap3A_605, %swap3A_606], %swap3A_609 {strides = array<i32>} : memref<80x128xf32, #tpu.memory_space<vmem>>, vector<1x16xf32>,
      %add3A_610 = arith.constant 1 : i32
      %add3A_611 = arith.addi %mul3A_265, %add3A_610 : i32
      %get3A_612 = arith.index_cast %add3A_611 : i32 to index
      %get3A_613 = arith.constant 112 : index
      %get3A_614 = tpu.vector_load %arg15[%get3A_612, %get3A_613] {strides = array<i32>} : memref<80x128xf32, #tpu.memory_space<vmem>>, vector<1x16xf32>,
      %get3A_615 = vector.shape_cast %get3A_614 : vector<1x16xf32> to vector<16xf32>
      %add3A_616 = arith.constant 1 : i32
      %add3A_617 = arith.addi %mul3A_265, %add3A_616 : i32
      %get3A_618 = arith.index_cast %add3A_617 : i32 to index
      %get3A_619 = arith.constant 112 : index
      %get3A_620 = tpu.vector_load %arg17[%get3A_618, %get3A_619] {strides = array<i32>} : memref<80x128xf32, #tpu.memory_space<vmem>>, vector<1x16xf32>,
      %get3A_621 = vector.shape_cast %get3A_620 : vector<1x16xf32> to vector<16xf32>
      %add3A_622 = arith.addf %get3A_615, %get3A_621 : vector<16xf32>
      %max3A_623 = arith.constant 0.000000e+00 : f32
      %max3A_624 = vector.broadcast %max3A_623 : f32 to vector<16xf32>
      %max3A_625 = arith.maximumf %add3A_622, %max3A_624 : vector<16xf32>
      %add3A_626 = arith.constant 1 : i32
      %add3A_627 = arith.addi %mul3A_265, %add3A_626 : i32
      %swap3A_628 = arith.index_cast %add3A_627 : i32 to index
      %swap3A_629 = arith.constant 112 : index
      %swap3A_630 = tpu.vector_load %arg15[%swap3A_628, %swap3A_629] {strides = array<i32>} : memref<80x128xf32, #tpu.memory_space<vmem>>, vector<1x16xf32>,
      %swap3A_631 = vector.shape_cast %swap3A_630 : vector<1x16xf32> to vector<16xf32>
      %swap3A_632 = vector.shape_cast %max3A_625 : vector<16xf32> to vector<1x16xf32>
      tpu.vector_store %arg15[%swap3A_628, %swap3A_629], %swap3A_632 {strides = array<i32>} : memref<80x128xf32, #tpu.memory_space<vmem>>, vector<1x16xf32>,
      %add3A_633 = arith.constant 2 : i32
      %add3A_634 = arith.addi %mul3A_265, %add3A_633 : i32
      %get3A_635 = arith.index_cast %add3A_634 : i32 to index
      %get3A_636 = arith.constant 0 : index
      %get3A_637 = tpu.vector_load %arg15[%get3A_635, %get3A_636] {strides = array<i32>} : memref<80x128xf32, #tpu.memory_space<vmem>>, vector<1x16xf32>,
      %get3A_638 = vector.shape_cast %get3A_637 : vector<1x16xf32> to vector<16xf32>
      %add3A_639 = arith.constant 2 : i32
      %add3A_640 = arith.addi %mul3A_265, %add3A_639 : i32
      %get3A_641 = arith.index_cast %add3A_640 : i32 to index
      %get3A_642 = arith.constant 0 : index
      %get3A_643 = tpu.vector_load %arg17[%get3A_641, %get3A_642] {strides = array<i32>} : memref<80x128xf32, #tpu.memory_space<vmem>>, vector<1x16xf32>,
      %get3A_644 = vector.shape_cast %get3A_643 : vector<1x16xf32> to vector<16xf32>
      %add3A_645 = arith.addf %get3A_638, %get3A_644 : vector<16xf32>
      %max3A_646 = arith.constant 0.000000e+00 : f32
      %max3A_647 = vector.broadcast %max3A_646 : f32 to vector<16xf32>
      %max3A_648 = arith.maximumf %add3A_645, %max3A_647 : vector<16xf32>
      %add3A_649 = arith.constant 2 : i32
      %add3A_650 = arith.addi %mul3A_265, %add3A_649 : i32
      %swap3A_651 = arith.index_cast %add3A_650 : i32 to index
      %swap3A_652 = arith.constant 0 : index
      %swap3A_653 = tpu.vector_load %arg15[%swap3A_651, %swap3A_652] {strides = array<i32>} : memref<80x128xf32, #tpu.memory_space<vmem>>, vector<1x16xf32>,
      %swap3A_654 = vector.shape_cast %swap3A_653 : vector<1x16xf32> to vector<16xf32>
      %swap3A_655 = vector.shape_cast %max3A_648 : vector<16xf32> to vector<1x16xf32>
      tpu.vector_store %arg15[%swap3A_651, %swap3A_652], %swap3A_655 {strides = array<i32>} : memref<80x128xf32, #tpu.memory_space<vmem>>, vector<1x16xf32>,
      %add3A_656 = arith.constant 2 : i32
      %add3A_657 = arith.addi %mul3A_265, %add3A_656 : i32
      %get3A_658 = arith.index_cast %add3A_657 : i32 to index
      %get3A_659 = arith.constant 16 : index
      %get3A_660 = tpu.vector_load %arg15[%get3A_658, %get3A_659] {strides = array<i32>} : memref<80x128xf32, #tpu.memory_space<vmem>>, vector<1x16xf32>,
      %get3A_661 = vector.shape_cast %get3A_660 : vector<1x16xf32> to vector<16xf32>
      %add3A_662 = arith.constant 2 : i32
      %add3A_663 = arith.addi %mul3A_265, %add3A_662 : i32
      %get3A_664 = arith.index_cast %add3A_663 : i32 to index
      %get3A_665 = arith.constant 16 : index
      %get3A_666 = tpu.vector_load %arg17[%get3A_664, %get3A_665] {strides = array<i32>} : memref<80x128xf32, #tpu.memory_space<vmem>>, vector<1x16xf32>,
      %get3A_667 = vector.shape_cast %get3A_666 : vector<1x16xf32> to vector<16xf32>
      %add3A_668 = arith.addf %get3A_661, %get3A_667 : vector<16xf32>
      %max3A_669 = arith.constant 0.000000e+00 : f32
      %max3A_670 = vector.broadcast %max3A_669 : f32 to vector<16xf32>
      %max3A_671 = arith.maximumf %add3A_668, %max3A_670 : vector<16xf32>
      %add3A_672 = arith.constant 2 : i32
      %add3A_673 = arith.addi %mul3A_265, %add3A_672 : i32
      %swap3A_674 = arith.index_cast %add3A_673 : i32 to index
      %swap3A_675 = arith.constant 16 : index
      %swap3A_676 = tpu.vector_load %arg15[%swap3A_674, %swap3A_675] {strides = array<i32>} : memref<80x128xf32, #tpu.memory_space<vmem>>, vector<1x16xf32>,
      %swap3A_677 = vector.shape_cast %swap3A_676 : vector<1x16xf32> to vector<16xf32>
      %swap3A_678 = vector.shape_cast %max3A_671 : vector<16xf32> to vector<1x16xf32>
      tpu.vector_store %arg15[%swap3A_674, %swap3A_675], %swap3A_678 {strides = array<i32>} : memref<80x128xf32, #tpu.memory_space<vmem>>, vector<1x16xf32>,
      %add3A_679 = arith.constant 2 : i32
      %add3A_680 = arith.addi %mul3A_265, %add3A_679 : i32
      %get3A_681 = arith.index_cast %add3A_680 : i32 to index
      %get3A_682 = arith.constant 32 : index
      %get3A_683 = tpu.vector_load %arg15[%get3A_681, %get3A_682] {strides = array<i32>} : memref<80x128xf32, #tpu.memory_space<vmem>>, vector<1x16xf32>,
      %get3A_684 = vector.shape_cast %get3A_683 : vector<1x16xf32> to vector<16xf32>
      %add3A_685 = arith.constant 2 : i32
      %add3A_686 = arith.addi %mul3A_265, %add3A_685 : i32
      %get3A_687 = arith.index_cast %add3A_686 : i32 to index
      %get3A_688 = arith.constant 32 : index
      %get3A_689 = tpu.vector_load %arg17[%get3A_687, %get3A_688] {strides = array<i32>} : memref<80x128xf32, #tpu.memory_space<vmem>>, vector<1x16xf32>,
      %get3A_690 = vector.shape_cast %get3A_689 : vector<1x16xf32> to vector<16xf32>
      %add3A_691 = arith.addf %get3A_684, %get3A_690 : vector<16xf32>
      %max3A_692 = arith.constant 0.000000e+00 : f32
      %max3A_693 = vector.broadcast %max3A_692 : f32 to vector<16xf32>
      %max3A_694 = arith.maximumf %add3A_691, %max3A_693 : vector<16xf32>
      %add3A_695 = arith.constant 2 : i32
      %add3A_696 = arith.addi %mul3A_265, %add3A_695 : i32
      %swap3A_697 = arith.index_cast %add3A_696 : i32 to index
      %swap3A_698 = arith.constant 32 : index
      %swap3A_699 = tpu.vector_load %arg15[%swap3A_697, %swap3A_698] {strides = array<i32>} : memref<80x128xf32, #tpu.memory_space<vmem>>, vector<1x16xf32>,
      %swap3A_700 = vector.shape_cast %swap3A_699 : vector<1x16xf32> to vector<16xf32>
      %swap3A_701 = vector.shape_cast %max3A_694 : vector<16xf32> to vector<1x16xf32>
      tpu.vector_store %arg15[%swap3A_697, %swap3A_698], %swap3A_701 {strides = array<i32>} : memref<80x128xf32, #tpu.memory_space<vmem>>, vector<1x16xf32>,
      %add3A_702 = arith.constant 2 : i32
      %add3A_703 = arith.addi %mul3A_265, %add3A_702 : i32
      %get3A_704 = arith.index_cast %add3A_703 : i32 to index
      %get3A_705 = arith.constant 48 : index
      %get3A_706 = tpu.vector_load %arg15[%get3A_704, %get3A_705] {strides = array<i32>} : memref<80x128xf32, #tpu.memory_space<vmem>>, vector<1x16xf32>,
      %get3A_707 = vector.shape_cast %get3A_706 : vector<1x16xf32> to vector<16xf32>
      %add3A_708 = arith.constant 2 : i32
      %add3A_709 = arith.addi %mul3A_265, %add3A_708 : i32
      %get3A_710 = arith.index_cast %add3A_709 : i32 to index
      %get3A_711 = arith.constant 48 : index
      %get3A_712 = tpu.vector_load %arg17[%get3A_710, %get3A_711] {strides = array<i32>} : memref<80x128xf32, #tpu.memory_space<vmem>>, vector<1x16xf32>,
      %get3A_713 = vector.shape_cast %get3A_712 : vector<1x16xf32> to vector<16xf32>
      %add3A_714 = arith.addf %get3A_707, %get3A_713 : vector<16xf32>
      %max3A_715 = arith.constant 0.000000e+00 : f32
      %max3A_716 = vector.broadcast %max3A_715 : f32 to vector<16xf32>
      %max3A_717 = arith.maximumf %add3A_714, %max3A_716 : vector<16xf32>
      %add3A_718 = arith.constant 2 : i32
      %add3A_719 = arith.addi %mul3A_265, %add3A_718 : i32
      %swap3A_720 = arith.index_cast %add3A_719 : i32 to index
      %swap3A_721 = arith.constant 48 : index
      %swap3A_722 = tpu.vector_load %arg15[%swap3A_720, %swap3A_721] {strides = array<i32>} : memref<80x128xf32, #tpu.memory_space<vmem>>, vector<1x16xf32>,
      %swap3A_723 = vector.shape_cast %swap3A_722 : vector<1x16xf32> to vector<16xf32>
      %swap3A_724 = vector.shape_cast %max3A_717 : vector<16xf32> to vector<1x16xf32>
      tpu.vector_store %arg15[%swap3A_720, %swap3A_721], %swap3A_724 {strides = array<i32>} : memref<80x128xf32, #tpu.memory_space<vmem>>, vector<1x16xf32>,
      %add3A_725 = arith.constant 2 : i32
      %add3A_726 = arith.addi %mul3A_265, %add3A_725 : i32
      %get3A_727 = arith.index_cast %add3A_726 : i32 to index
      %get3A_728 = arith.constant 64 : index
      %get3A_729 = tpu.vector_load %arg15[%get3A_727, %get3A_728] {strides = array<i32>} : memref<80x128xf32, #tpu.memory_space<vmem>>, vector<1x16xf32>,
      %get3A_730 = vector.shape_cast %get3A_729 : vector<1x16xf32> to vector<16xf32>
      %add3A_731 = arith.constant 2 : i32
      %add3A_732 = arith.addi %mul3A_265, %add3A_731 : i32
      %get3A_733 = arith.index_cast %add3A_732 : i32 to index
      %get3A_734 = arith.constant 64 : index
      %get3A_735 = tpu.vector_load %arg17[%get3A_733, %get3A_734] {strides = array<i32>} : memref<80x128xf32, #tpu.memory_space<vmem>>, vector<1x16xf32>,
      %get3A_736 = vector.shape_cast %get3A_735 : vector<1x16xf32> to vector<16xf32>
      %add3A_737 = arith.addf %get3A_730, %get3A_736 : vector<16xf32>
      %max3A_738 = arith.constant 0.000000e+00 : f32
      %max3A_739 = vector.broadcast %max3A_738 : f32 to vector<16xf32>
      %max3A_740 = arith.maximumf %add3A_737, %max3A_739 : vector<16xf32>
      %add3A_741 = arith.constant 2 : i32
      %add3A_742 = arith.addi %mul3A_265, %add3A_741 : i32
      %swap3A_743 = arith.index_cast %add3A_742 : i32 to index
      %swap3A_744 = arith.constant 64 : index
      %swap3A_745 = tpu.vector_load %arg15[%swap3A_743, %swap3A_744] {strides = array<i32>} : memref<80x128xf32, #tpu.memory_space<vmem>>, vector<1x16xf32>,
      %swap3A_746 = vector.shape_cast %swap3A_745 : vector<1x16xf32> to vector<16xf32>
      %swap3A_747 = vector.shape_cast %max3A_740 : vector<16xf32> to vector<1x16xf32>
      tpu.vector_store %arg15[%swap3A_743, %swap3A_744], %swap3A_747 {strides = array<i32>} : memref<80x128xf32, #tpu.memory_space<vmem>>, vector<1x16xf32>,
      %add3A_748 = arith.constant 2 : i32
      %add3A_749 = arith.addi %mul3A_265, %add3A_748 : i32
      %get3A_750 = arith.index_cast %add3A_749 : i32 to index
      %get3A_751 = arith.constant 80 : index
      %get3A_752 = tpu.vector_load %arg15[%get3A_750, %get3A_751] {strides = array<i32>} : memref<80x128xf32, #tpu.memory_space<vmem>>, vector<1x16xf32>,
      %get3A_753 = vector.shape_cast %get3A_752 : vector<1x16xf32> to vector<16xf32>
      %add3A_754 = arith.constant 2 : i32
      %add3A_755 = arith.addi %mul3A_265, %add3A_754 : i32
      %get3A_756 = arith.index_cast %add3A_755 : i32 to index
      %get3A_757 = arith.constant 80 : index
      %get3A_758 = tpu.vector_load %arg17[%get3A_756, %get3A_757] {strides = array<i32>} : memref<80x128xf32, #tpu.memory_space<vmem>>, vector<1x16xf32>,
      %get3A_759 = vector.shape_cast %get3A_758 : vector<1x16xf32> to vector<16xf32>
      %add3A_760 = arith.addf %get3A_753, %get3A_759 : vector<16xf32>
      %max3A_761 = arith.constant 0.000000e+00 : f32
      %max3A_762 = vector.broadcast %max3A_761 : f32 to vector<16xf32>
      %max3A_763 = arith.maximumf %add3A_760, %max3A_762 : vector<16xf32>
      %add3A_764 = arith.constant 2 : i32
      %add3A_765 = arith.addi %mul3A_265, %add3A_764 : i32
      %swap3A_766 = arith.index_cast %add3A_765 : i32 to index
      %swap3A_767 = arith.constant 80 : index
      %swap3A_768 = tpu.vector_load %arg15[%swap3A_766, %swap3A_767] {strides = array<i32>} : memref<80x128xf32, #tpu.memory_space<vmem>>, vector<1x16xf32>,
      %swap3A_769 = vector.shape_cast %swap3A_768 : vector<1x16xf32> to vector<16xf32>
      %swap3A_770 = vector.shape_cast %max3A_763 : vector<16xf32> to vector<1x16xf32>
      tpu.vector_store %arg15[%swap3A_766, %swap3A_767], %swap3A_770 {strides = array<i32>} : memref<80x128xf32, #tpu.memory_space<vmem>>, vector<1x16xf32>,
      %add3A_771 = arith.constant 2 : i32
      %add3A_772 = arith.addi %mul3A_265, %add3A_771 : i32
      %get3A_773 = arith.index_cast %add3A_772 : i32 to index
      %get3A_774 = arith.constant 96 : index
      %get3A_775 = tpu.vector_load %arg15[%get3A_773, %get3A_774] {strides = array<i32>} : memref<80x128xf32, #tpu.memory_space<vmem>>, vector<1x16xf32>,
      %get3A_776 = vector.shape_cast %get3A_775 : vector<1x16xf32> to vector<16xf32>
      %add3A_777 = arith.constant 2 : i32
      %add3A_778 = arith.addi %mul3A_265, %add3A_777 : i32
      %get3A_779 = arith.index_cast %add3A_778 : i32 to index
      %get3A_780 = arith.constant 96 : index
      %get3A_781 = tpu.vector_load %arg17[%get3A_779, %get3A_780] {strides = array<i32>} : memref<80x128xf32, #tpu.memory_space<vmem>>, vector<1x16xf32>,
      %get3A_782 = vector.shape_cast %get3A_781 : vector<1x16xf32> to vector<16xf32>
      %add3A_783 = arith.addf %get3A_776, %get3A_782 : vector<16xf32>
      %max3A_784 = arith.constant 0.000000e+00 : f32
      %max3A_785 = vector.broadcast %max3A_784 : f32 to vector<16xf32>
      %max3A_786 = arith.maximumf %add3A_783, %max3A_785 : vector<16xf32>
      %add3A_787 = arith.constant 2 : i32
      %add3A_788 = arith.addi %mul3A_265, %add3A_787 : i32
      %swap3A_789 = arith.index_cast %add3A_788 : i32 to index
      %swap3A_790 = arith.constant 96 : index
      %swap3A_791 = tpu.vector_load %arg15[%swap3A_789, %swap3A_790] {strides = array<i32>} : memref<80x128xf32, #tpu.memory_space<vmem>>, vector<1x16xf32>,
      %swap3A_792 = vector.shape_cast %swap3A_791 : vector<1x16xf32> to vector<16xf32>
      %swap3A_793 = vector.shape_cast %max3A_786 : vector<16xf32> to vector<1x16xf32>
      tpu.vector_store %arg15[%swap3A_789, %swap3A_790], %swap3A_793 {strides = array<i32>} : memref<80x128xf32, #tpu.memory_space<vmem>>, vector<1x16xf32>,
      %add3A_794 = arith.constant 2 : i32
      %add3A_795 = arith.addi %mul3A_265, %add3A_794 : i32
      %get3A_796 = arith.index_cast %add3A_795 : i32 to index
      %get3A_797 = arith.constant 112 : index
      %get3A_798 = tpu.vector_load %arg15[%get3A_796, %get3A_797] {strides = array<i32>} : memref<80x128xf32, #tpu.memory_space<vmem>>, vector<1x16xf32>,
      %get3A_799 = vector.shape_cast %get3A_798 : vector<1x16xf32> to vector<16xf32>
      %add3A_800 = arith.constant 2 : i32
      %add3A_801 = arith.addi %mul3A_265, %add3A_800 : i32
      %get3A_802 = arith.index_cast %add3A_801 : i32 to index
      %get3A_803 = arith.constant 112 : index
      %get3A_804 = tpu.vector_load %arg17[%get3A_802, %get3A_803] {strides = array<i32>} : memref<80x128xf32, #tpu.memory_space<vmem>>, vector<1x16xf32>,
      %get3A_805 = vector.shape_cast %get3A_804 : vector<1x16xf32> to vector<16xf32>
      %add3A_806 = arith.addf %get3A_799, %get3A_805 : vector<16xf32>
      %max3A_807 = arith.constant 0.000000e+00 : f32
      %max3A_808 = vector.broadcast %max3A_807 : f32 to vector<16xf32>
      %max3A_809 = arith.maximumf %add3A_806, %max3A_808 : vector<16xf32>
      %add3A_810 = arith.constant 2 : i32
      %add3A_811 = arith.addi %mul3A_265, %add3A_810 : i32
      %swap3A_812 = arith.index_cast %add3A_811 : i32 to index
      %swap3A_813 = arith.constant 112 : index
      %swap3A_814 = tpu.vector_load %arg15[%swap3A_812, %swap3A_813] {strides = array<i32>} : memref<80x128xf32, #tpu.memory_space<vmem>>, vector<1x16xf32>,
      %swap3A_815 = vector.shape_cast %swap3A_814 : vector<1x16xf32> to vector<16xf32>
      %swap3A_816 = vector.shape_cast %max3A_809 : vector<16xf32> to vector<1x16xf32>
      tpu.vector_store %arg15[%swap3A_812, %swap3A_813], %swap3A_816 {strides = array<i32>} : memref<80x128xf32, #tpu.memory_space<vmem>>, vector<1x16xf32>,
      %add3A_817 = arith.constant 3 : i32
      %add3A_818 = arith.addi %mul3A_265, %add3A_817 : i32
      %get3A_819 = arith.index_cast %add3A_818 : i32 to index
      %get3A_820 = arith.constant 0 : index
      %get3A_821 = tpu.vector_load %arg15[%get3A_819, %get3A_820] {strides = array<i32>} : memref<80x128xf32, #tpu.memory_space<vmem>>, vector<1x16xf32>,
      %get3A_822 = vector.shape_cast %get3A_821 : vector<1x16xf32> to vector<16xf32>
      %add3A_823 = arith.constant 3 : i32
      %add3A_824 = arith.addi %mul3A_265, %add3A_823 : i32
      %get3A_825 = arith.index_cast %add3A_824 : i32 to index
      %get3A_826 = arith.constant 0 : index
      %get3A_827 = tpu.vector_load %arg17[%get3A_825, %get3A_826] {strides = array<i32>} : memref<80x128xf32, #tpu.memory_space<vmem>>, vector<1x16xf32>,
      %get3A_828 = vector.shape_cast %get3A_827 : vector<1x16xf32> to vector<16xf32>
      %add3A_829 = arith.addf %get3A_822, %get3A_828 : vector<16xf32>
      %max3A_830 = arith.constant 0.000000e+00 : f32
      %max3A_831 = vector.broadcast %max3A_830 : f32 to vector<16xf32>
      %max3A_832 = arith.maximumf %add3A_829, %max3A_831 : vector<16xf32>
      %add3A_833 = arith.constant 3 : i32
      %add3A_834 = arith.addi %mul3A_265, %add3A_833 : i32
      %swap3A_835 = arith.index_cast %add3A_834 : i32 to index
      %swap3A_836 = arith.constant 0 : index
      %swap3A_837 = tpu.vector_load %arg15[%swap3A_835, %swap3A_836] {strides = array<i32>} : memref<80x128xf32, #tpu.memory_space<vmem>>, vector<1x16xf32>,
      %swap3A_838 = vector.shape_cast %swap3A_837 : vector<1x16xf32> to vector<16xf32>
      %swap3A_839 = vector.shape_cast %max3A_832 : vector<16xf32> to vector<1x16xf32>
      tpu.vector_store %arg15[%swap3A_835, %swap3A_836], %swap3A_839 {strides = array<i32>} : memref<80x128xf32, #tpu.memory_space<vmem>>, vector<1x16xf32>,
      %add3A_840 = arith.constant 3 : i32
      %add3A_841 = arith.addi %mul3A_265, %add3A_840 : i32
      %get3A_842 = arith.index_cast %add3A_841 : i32 to index
      %get3A_843 = arith.constant 16 : index
      %get3A_844 = tpu.vector_load %arg15[%get3A_842, %get3A_843] {strides = array<i32>} : memref<80x128xf32, #tpu.memory_space<vmem>>, vector<1x16xf32>,
      %get3A_845 = vector.shape_cast %get3A_844 : vector<1x16xf32> to vector<16xf32>
      %add3A_846 = arith.constant 3 : i32
      %add3A_847 = arith.addi %mul3A_265, %add3A_846 : i32
      %get3A_848 = arith.index_cast %add3A_847 : i32 to index
      %get3A_849 = arith.constant 16 : index
      %get3A_850 = tpu.vector_load %arg17[%get3A_848, %get3A_849] {strides = array<i32>} : memref<80x128xf32, #tpu.memory_space<vmem>>, vector<1x16xf32>,
      %get3A_851 = vector.shape_cast %get3A_850 : vector<1x16xf32> to vector<16xf32>
      %add3A_852 = arith.addf %get3A_845, %get3A_851 : vector<16xf32>
      %max3A_853 = arith.constant 0.000000e+00 : f32
      %max3A_854 = vector.broadcast %max3A_853 : f32 to vector<16xf32>
      %max3A_855 = arith.maximumf %add3A_852, %max3A_854 : vector<16xf32>
      %add3A_856 = arith.constant 3 : i32
      %add3A_857 = arith.addi %mul3A_265, %add3A_856 : i32
      %swap3A_858 = arith.index_cast %add3A_857 : i32 to index
      %swap3A_859 = arith.constant 16 : index
      %swap3A_860 = tpu.vector_load %arg15[%swap3A_858, %swap3A_859] {strides = array<i32>} : memref<80x128xf32, #tpu.memory_space<vmem>>, vector<1x16xf32>,
      %swap3A_861 = vector.shape_cast %swap3A_860 : vector<1x16xf32> to vector<16xf32>
      %swap3A_862 = vector.shape_cast %max3A_855 : vector<16xf32> to vector<1x16xf32>
      tpu.vector_store %arg15[%swap3A_858, %swap3A_859], %swap3A_862 {strides = array<i32>} : memref<80x128xf32, #tpu.memory_space<vmem>>, vector<1x16xf32>,
      %add3A_863 = arith.constant 3 : i32
      %add3A_864 = arith.addi %mul3A_265, %add3A_863 : i32
      %get3A_865 = arith.index_cast %add3A_864 : i32 to index
      %get3A_866 = arith.constant 32 : index
      %get3A_867 = tpu.vector_load %arg15[%get3A_865, %get3A_866] {strides = array<i32>} : memref<80x128xf32, #tpu.memory_space<vmem>>, vector<1x16xf32>,
      %get3A_868 = vector.shape_cast %get3A_867 : vector<1x16xf32> to vector<16xf32>
      %add3A_869 = arith.constant 3 : i32
      %add3A_870 = arith.addi %mul3A_265, %add3A_869 : i32
      %get3A_871 = arith.index_cast %add3A_870 : i32 to index
      %get3A_872 = arith.constant 32 : index
      %get3A_873 = tpu.vector_load %arg17[%get3A_871, %get3A_872] {strides = array<i32>} : memref<80x128xf32, #tpu.memory_space<vmem>>, vector<1x16xf32>,
      %get3A_874 = vector.shape_cast %get3A_873 : vector<1x16xf32> to vector<16xf32>
      %add3A_875 = arith.addf %get3A_868, %get3A_874 : vector<16xf32>
      %max3A_876 = arith.constant 0.000000e+00 : f32
      %max3A_877 = vector.broadcast %max3A_876 : f32 to vector<16xf32>
      %max3A_878 = arith.maximumf %add3A_875, %max3A_877 : vector<16xf32>
      %add3A_879 = arith.constant 3 : i32
      %add3A_880 = arith.addi %mul3A_265, %add3A_879 : i32
      %swap3A_881 = arith.index_cast %add3A_880 : i32 to index
      %swap3A_882 = arith.constant 32 : index
      %swap3A_883 = tpu.vector_load %arg15[%swap3A_881, %swap3A_882] {strides = array<i32>} : memref<80x128xf32, #tpu.memory_space<vmem>>, vector<1x16xf32>,
      %swap3A_884 = vector.shape_cast %swap3A_883 : vector<1x16xf32> to vector<16xf32>
      %swap3A_885 = vector.shape_cast %max3A_878 : vector<16xf32> to vector<1x16xf32>
      tpu.vector_store %arg15[%swap3A_881, %swap3A_882], %swap3A_885 {strides = array<i32>} : memref<80x128xf32, #tpu.memory_space<vmem>>, vector<1x16xf32>,
      %add3A_886 = arith.constant 3 : i32
      %add3A_887 = arith.addi %mul3A_265, %add3A_886 : i32
      %get3A_888 = arith.index_cast %add3A_887 : i32 to index
      %get3A_889 = arith.constant 48 : index
      %get3A_890 = tpu.vector_load %arg15[%get3A_888, %get3A_889] {strides = array<i32>} : memref<80x128xf32, #tpu.memory_space<vmem>>, vector<1x16xf32>,
      %get3A_891 = vector.shape_cast %get3A_890 : vector<1x16xf32> to vector<16xf32>
      %add3A_892 = arith.constant 3 : i32
      %add3A_893 = arith.addi %mul3A_265, %add3A_892 : i32
      %get3A_894 = arith.index_cast %add3A_893 : i32 to index
      %get3A_895 = arith.constant 48 : index
      %get3A_896 = tpu.vector_load %arg17[%get3A_894, %get3A_895] {strides = array<i32>} : memref<80x128xf32, #tpu.memory_space<vmem>>, vector<1x16xf32>,
      %get3A_897 = vector.shape_cast %get3A_896 : vector<1x16xf32> to vector<16xf32>
      %add3A_898 = arith.addf %get3A_891, %get3A_897 : vector<16xf32>
      %max3A_899 = arith.constant 0.000000e+00 : f32
      %max3A_900 = vector.broadcast %max3A_899 : f32 to vector<16xf32>
      %max3A_901 = arith.maximumf %add3A_898, %max3A_900 : vector<16xf32>
      %add3A_902 = arith.constant 3 : i32
      %add3A_903 = arith.addi %mul3A_265, %add3A_902 : i32
      %swap3A_904 = arith.index_cast %add3A_903 : i32 to index
      %swap3A_905 = arith.constant 48 : index
      %swap3A_906 = tpu.vector_load %arg15[%swap3A_904, %swap3A_905] {strides = array<i32>} : memref<80x128xf32, #tpu.memory_space<vmem>>, vector<1x16xf32>,
      %swap3A_907 = vector.shape_cast %swap3A_906 : vector<1x16xf32> to vector<16xf32>
      %swap3A_908 = vector.shape_cast %max3A_901 : vector<16xf32> to vector<1x16xf32>
      tpu.vector_store %arg15[%swap3A_904, %swap3A_905], %swap3A_908 {strides = array<i32>} : memref<80x128xf32, #tpu.memory_space<vmem>>, vector<1x16xf32>,
      %add3A_909 = arith.constant 3 : i32
      %add3A_910 = arith.addi %mul3A_265, %add3A_909 : i32
      %get3A_911 = arith.index_cast %add3A_910 : i32 to index
      %get3A_912 = arith.constant 64 : index
      %get3A_913 = tpu.vector_load %arg15[%get3A_911, %get3A_912] {strides = array<i32>} : memref<80x128xf32, #tpu.memory_space<vmem>>, vector<1x16xf32>,
      %get3A_914 = vector.shape_cast %get3A_913 : vector<1x16xf32> to vector<16xf32>
      %add3A_915 = arith.constant 3 : i32
      %add3A_916 = arith.addi %mul3A_265, %add3A_915 : i32
      %get3A_917 = arith.index_cast %add3A_916 : i32 to index
      %get3A_918 = arith.constant 64 : index
      %get3A_919 = tpu.vector_load %arg17[%get3A_917, %get3A_918] {strides = array<i32>} : memref<80x128xf32, #tpu.memory_space<vmem>>, vector<1x16xf32>,
      %get3A_920 = vector.shape_cast %get3A_919 : vector<1x16xf32> to vector<16xf32>
      %add3A_921 = arith.addf %get3A_914, %get3A_920 : vector<16xf32>
      %max3A_922 = arith.constant 0.000000e+00 : f32
      %max3A_923 = vector.broadcast %max3A_922 : f32 to vector<16xf32>
      %max3A_924 = arith.maximumf %add3A_921, %max3A_923 : vector<16xf32>
      %add3A_925 = arith.constant 3 : i32
      %add3A_926 = arith.addi %mul3A_265, %add3A_925 : i32
      %swap3A_927 = arith.index_cast %add3A_926 : i32 to index
      %swap3A_928 = arith.constant 64 : index
      %swap3A_929 = tpu.vector_load %arg15[%swap3A_927, %swap3A_928] {strides = array<i32>} : memref<80x128xf32, #tpu.memory_space<vmem>>, vector<1x16xf32>,
      %swap3A_930 = vector.shape_cast %swap3A_929 : vector<1x16xf32> to vector<16xf32>
      %swap3A_931 = vector.shape_cast %max3A_924 : vector<16xf32> to vector<1x16xf32>
      tpu.vector_store %arg15[%swap3A_927, %swap3A_928], %swap3A_931 {strides = array<i32>} : memref<80x128xf32, #tpu.memory_space<vmem>>, vector<1x16xf32>,
      %add3A_932 = arith.constant 3 : i32
      %add3A_933 = arith.addi %mul3A_265, %add3A_932 : i32
      %get3A_934 = arith.index_cast %add3A_933 : i32 to index
      %get3A_935 = arith.constant 80 : index
      %get3A_936 = tpu.vector_load %arg15[%get3A_934, %get3A_935] {strides = array<i32>} : memref<80x128xf32, #tpu.memory_space<vmem>>, vector<1x16xf32>,
      %get3A_937 = vector.shape_cast %get3A_936 : vector<1x16xf32> to vector<16xf32>
      %add3A_938 = arith.constant 3 : i32
      %add3A_939 = arith.addi %mul3A_265, %add3A_938 : i32
      %get3A_940 = arith.index_cast %add3A_939 : i32 to index
      %get3A_941 = arith.constant 80 : index
      %get3A_942 = tpu.vector_load %arg17[%get3A_940, %get3A_941] {strides = array<i32>} : memref<80x128xf32, #tpu.memory_space<vmem>>, vector<1x16xf32>,
      %get3A_943 = vector.shape_cast %get3A_942 : vector<1x16xf32> to vector<16xf32>
      %add3A_944 = arith.addf %get3A_937, %get3A_943 : vector<16xf32>
      %max3A_945 = arith.constant 0.000000e+00 : f32
      %max3A_946 = vector.broadcast %max3A_945 : f32 to vector<16xf32>
      %max3A_947 = arith.maximumf %add3A_944, %max3A_946 : vector<16xf32>
      %add3A_948 = arith.constant 3 : i32
      %add3A_949 = arith.addi %mul3A_265, %add3A_948 : i32
      %swap3A_950 = arith.index_cast %add3A_949 : i32 to index
      %swap3A_951 = arith.constant 80 : index
      %swap3A_952 = tpu.vector_load %arg15[%swap3A_950, %swap3A_951] {strides = array<i32>} : memref<80x128xf32, #tpu.memory_space<vmem>>, vector<1x16xf32>,
      %swap3A_953 = vector.shape_cast %swap3A_952 : vector<1x16xf32> to vector<16xf32>
      %swap3A_954 = vector.shape_cast %max3A_947 : vector<16xf32> to vector<1x16xf32>
      tpu.vector_store %arg15[%swap3A_950, %swap3A_951], %swap3A_954 {strides = array<i32>} : memref<80x128xf32, #tpu.memory_space<vmem>>, vector<1x16xf32>,
      %add3A_955 = arith.constant 3 : i32
      %add3A_956 = arith.addi %mul3A_265, %add3A_955 : i32
      %get3A_957 = arith.index_cast %add3A_956 : i32 to index
      %get3A_958 = arith.constant 96 : index
      %get3A_959 = tpu.vector_load %arg15[%get3A_957, %get3A_958] {strides = array<i32>} : memref<80x128xf32, #tpu.memory_space<vmem>>, vector<1x16xf32>,
      %get3A_960 = vector.shape_cast %get3A_959 : vector<1x16xf32> to vector<16xf32>
      %add3A_961 = arith.constant 3 : i32
      %add3A_962 = arith.addi %mul3A_265, %add3A_961 : i32
      %get3A_963 = arith.index_cast %add3A_962 : i32 to index
      %get3A_964 = arith.constant 96 : index
      %get3A_965 = tpu.vector_load %arg17[%get3A_963, %get3A_964] {strides = array<i32>} : memref<80x128xf32, #tpu.memory_space<vmem>>, vector<1x16xf32>,
      %get3A_966 = vector.shape_cast %get3A_965 : vector<1x16xf32> to vector<16xf32>
      %add3A_967 = arith.addf %get3A_960, %get3A_966 : vector<16xf32>
      %max3A_968 = arith.constant 0.000000e+00 : f32
      %max3A_969 = vector.broadcast %max3A_968 : f32 to vector<16xf32>
      %max3A_970 = arith.maximumf %add3A_967, %max3A_969 : vector<16xf32>
      %add3A_971 = arith.constant 3 : i32
      %add3A_972 = arith.addi %mul3A_265, %add3A_971 : i32
      %swap3A_973 = arith.index_cast %add3A_972 : i32 to index
      %swap3A_974 = arith.constant 96 : index
      %swap3A_975 = tpu.vector_load %arg15[%swap3A_973, %swap3A_974] {strides = array<i32>} : memref<80x128xf32, #tpu.memory_space<vmem>>, vector<1x16xf32>,
      %swap3A_976 = vector.shape_cast %swap3A_975 : vector<1x16xf32> to vector<16xf32>
      %swap3A_977 = vector.shape_cast %max3A_970 : vector<16xf32> to vector<1x16xf32>
      tpu.vector_store %arg15[%swap3A_973, %swap3A_974], %swap3A_977 {strides = array<i32>} : memref<80x128xf32, #tpu.memory_space<vmem>>, vector<1x16xf32>,
      %add3A_978 = arith.constant 3 : i32
      %add3A_979 = arith.addi %mul3A_265, %add3A_978 : i32
      %get3A_980 = arith.index_cast %add3A_979 : i32 to index
      %get3A_981 = arith.constant 112 : index
      %get3A_982 = tpu.vector_load %arg15[%get3A_980, %get3A_981] {strides = array<i32>} : memref<80x128xf32, #tpu.memory_space<vmem>>, vector<1x16xf32>,
      %get3A_983 = vector.shape_cast %get3A_982 : vector<1x16xf32> to vector<16xf32>
      %add3A_984 = arith.constant 3 : i32
      %add3A_985 = arith.addi %mul3A_265, %add3A_984 : i32
      %get3A_986 = arith.index_cast %add3A_985 : i32 to index
      %get3A_987 = arith.constant 112 : index
      %get3A_988 = tpu.vector_load %arg17[%get3A_986, %get3A_987] {strides = array<i32>} : memref<80x128xf32, #tpu.memory_space<vmem>>, vector<1x16xf32>,
      %get3A_989 = vector.shape_cast %get3A_988 : vector<1x16xf32> to vector<16xf32>
      %add3A_990 = arith.addf %get3A_983, %get3A_989 : vector<16xf32>
      %max3A_991 = arith.constant 0.000000e+00 : f32
      %max3A_992 = vector.broadcast %max3A_991 : f32 to vector<16xf32>
      %max3A_993 = arith.maximumf %add3A_990, %max3A_992 : vector<16xf32>
      %add3A_994 = arith.constant 3 : i32
      %add3A_995 = arith.addi %mul3A_265, %add3A_994 : i32
      %swap3A_996 = arith.index_cast %add3A_995 : i32 to index
      %swap3A_997 = arith.constant 112 : index
      %swap3A_998 = tpu.vector_load %arg15[%swap3A_996, %swap3A_997] {strides = array<i32>} : memref<80x128xf32, #tpu.memory_space<vmem>>, vector<1x16xf32>,
      %swap3A_999 = vector.shape_cast %swap3A_998 : vector<1x16xf32> to vector<16xf32>
      %swap3A_1000 = vector.shape_cast %max3A_993 : vector<16xf32> to vector<1x16xf32>
      tpu.vector_store %arg15[%swap3A_996, %swap3A_997], %swap3A_1000 {strides = array<i32>} : memref<80x128xf32, #tpu.memory_space<vmem>>, vector<1x16xf32>,
    }
    %scan3A_171 = arith.constant 20 : i32
    %dma_start3A_172 = arith.constant 0 : i32
    %dma_start3A_173 = arith.constant 0 : i32
    %dma_start3A_174 = tpu.memref_slice %arg18[%dma_start3A_172, %dma_start3A_173] : memref<10240x128xf32, #tpu.memory_space<vmem_shared>> -> memref<10240x128xf32, #tpu.memory_space<vmem_shared>>
    tpu.enqueue_indirect_dma source(%arg15 : memref<80x128xf32, #tpu.memory_space<vmem>>) target(%dma_start3A_174 : memref<10240x128xf32, #tpu.memory_space<vmem_shared>>) offsets(%arg13 : memref<80xi32, #tpu.memory_space<vmem>>) semaphore(%arg26 : memref<!tpu.dma_semaphore, #tpu.memory_space<semaphore_mem>>) {add = true}
    %dma_wait3A_175 = arith.constant 0 : i32
    %dma_wait3A_176 = arith.constant 0 : i32
    %dma_wait3A_177 = tpu.memref_slice %arg18[%dma_wait3A_175, %dma_wait3A_176] : memref<10240x128xf32, #tpu.memory_space<vmem_shared>> -> memref<10240x128xf32, #tpu.memory_space<vmem_shared>>
    tpu.wait_indirect_dma semaphore(%arg25 : memref<!tpu.dma_semaphore, #tpu.memory_space<semaphore_mem>>) src(%arg14 : memref<80x128xf32, #tpu.memory_space<vmem>>) dst(%dma_wait3A_177 : memref<10240x128xf32, #tpu.memory_space<vmem_shared>>)
    %dma_wait3A_178 = tpu.memref_slice %arg2[%mul3A_4] : memref<320000xi32, #tpu.memory_space<hbm>> -> memref<80xi32, #tpu.memory_space<hbm>>
    %dma_wait3A_179 = tpu.memref_slice %arg2[%mul3A_4] : memref<320000xi32, #tpu.memory_space<hbm>> -> memref<80xi32, #tpu.memory_space<hbm>>
    tpu.wait_dma2 semaphore(%arg19 : memref<!tpu.dma_semaphore, #tpu.memory_space<semaphore_mem>>) src(%dma_wait3A_179 : memref<80xi32, #tpu.memory_space<hbm>>) dst(%arg8 : memref<80xi32, #tpu.memory_space<vmem>>)
    %dma_wait3A_180 = tpu.memref_slice %arg3[%mul3A_4] : memref<320000xi32, #tpu.memory_space<hbm>> -> memref<80xi32, #tpu.memory_space<hbm>>
    %dma_wait3A_181 = tpu.memref_slice %arg3[%mul3A_4] : memref<320000xi32, #tpu.memory_space<hbm>> -> memref<80xi32, #tpu.memory_space<hbm>>
    tpu.wait_dma2 semaphore(%arg19 : memref<!tpu.dma_semaphore, #tpu.memory_space<semaphore_mem>>) src(%dma_wait3A_181 : memref<80xi32, #tpu.memory_space<hbm>>) dst(%arg10 : memref<80xi32, #tpu.memory_space<vmem>>)
    %dma_start3A_182 = arith.constant 0 : i32
    %dma_start3A_183 = arith.constant 0 : i32
    %dma_start3A_184 = tpu.memref_slice %arg5[%dma_start3A_182, %dma_start3A_183] : memref<10000x128xf32, #tpu.memory_space<hbm>> -> memref<10000x128xf32, #tpu.memory_space<hbm>>
    tpu.enqueue_indirect_dma source(%dma_start3A_184 : memref<10000x128xf32, #tpu.memory_space<hbm>>) target(%arg14 : memref<80x128xf32, #tpu.memory_space<vmem>>) offsets(%arg8 : memref<80xi32, #tpu.memory_space<vmem>>) semaphore(%arg21 : memref<!tpu.dma_semaphore, #tpu.memory_space<semaphore_mem>>)
    %min3A_185 = arith.constant 2 : i32
    %min3A_186 = arith.constant 124 : i32
    %min3A_187 = arith.minsi %min3A_185, %min3A_186 : i32
    %mul3A_188 = arith.constant 80 : i32
    %mul3A_189 = arith.muli %min3A_187, %mul3A_188 : i32
    %add3A_190 = arith.addi %mul3A_4, %mul3A_189 : i32
    %dma_start3A_191 = arith.constant 0 : i32
    %dma_start3A_192 = tpu.memref_slice %arg4[%add3A_190, %dma_start3A_191] : memref<320000x128xf32, #tpu.memory_space<hbm>> -> memref<80x128xf32, #tpu.memory_space<hbm>>
    %dma_start3A_193 = arith.constant 0 : i32
    %dma_start3A_194 = tpu.memref_slice %arg4[%add3A_190, %dma_start3A_193] : memref<320000x128xf32, #tpu.memory_space<hbm>> -> memref<80x128xf32, #tpu.memory_space<hbm>>
    tpu.enqueue_dma source(%dma_start3A_194 : memref<80x128xf32, #tpu.memory_space<hbm>>) target(%arg16 : memref<80x128xf32, #tpu.memory_space<vmem>>) target_semaphore(%arg23 : memref<!tpu.dma_semaphore, #tpu.memory_space<semaphore_mem>>)
    %scan3A_195 = arith.constant 0 : i32
    %scan3A_196 = arith.constant 0 : i32
    %scan3A_197 = arith.constant 61 : i32
    %scan3A_198 = arith.addi %scan3A_196, %scan3A_197 : i32
    %scan3A_199 = arith.constant 1 : i32
    scf.for %scan3A_263 = %scan3A_196 to %scan3A_198 step %scan3A_199  : i32 {
      %mul3A_264 = arith.constant 2 : i32
      %mul3A_265 = arith.muli %mul3A_264, %scan3A_263 : i32
      %add3A_266 = arith.constant 2 : i32
      %add3A_267 = arith.addi %add3A_266, %mul3A_265 : i32
      %dma_wait3A_268 = arith.constant 0 : i32
      %dma_wait3A_269 = arith.constant 0 : i32
      %dma_wait3A_270 = tpu.memref_slice %arg18[%dma_wait3A_268, %dma_wait3A_269] : memref<10240x128xf32, #tpu.memory_space<vmem_shared>> -> memref<10240x128xf32, #tpu.memory_space<vmem_shared>>
      tpu.wait_indirect_dma semaphore(%arg26 : memref<!tpu.dma_semaphore, #tpu.memory_space<semaphore_mem>>) src(%arg15 : memref<80x128xf32, #tpu.memory_space<vmem>>) dst(%dma_wait3A_270 : memref<10240x128xf32, #tpu.memory_space<vmem_shared>>)
      %dma_wait3A_271 = tpu.memref_slice %arg2[%mul3A_4] : memref<320000xi32, #tpu.memory_space<hbm>> -> memref<80xi32, #tpu.memory_space<hbm>>
      %dma_wait3A_272 = tpu.memref_slice %arg2[%mul3A_4] : memref<320000xi32, #tpu.memory_space<hbm>> -> memref<80xi32, #tpu.memory_space<hbm>>
      tpu.wait_dma2 semaphore(%arg20 : memref<!tpu.dma_semaphore, #tpu.memory_space<semaphore_mem>>) src(%dma_wait3A_272 : memref<80xi32, #tpu.memory_space<hbm>>) dst(%arg9 : memref<80xi32, #tpu.memory_space<vmem>>)
      %dma_wait3A_273 = tpu.memref_slice %arg3[%mul3A_4] : memref<320000xi32, #tpu.memory_space<hbm>> -> memref<80xi32, #tpu.memory_space<hbm>>
      %dma_wait3A_274 = tpu.memref_slice %arg3[%mul3A_4] : memref<320000xi32, #tpu.memory_space<hbm>> -> memref<80xi32, #tpu.memory_space<hbm>>
      tpu.wait_dma2 semaphore(%arg20 : memref<!tpu.dma_semaphore, #tpu.memory_space<semaphore_mem>>) src(%dma_wait3A_274 : memref<80xi32, #tpu.memory_space<hbm>>) dst(%arg11 : memref<80xi32, #tpu.memory_space<vmem>>)
      %add3A_275 = arith.constant 1 : i32
      %add3A_276 = arith.addi %add3A_267, %add3A_275 : i32
      %dma_start3A_277 = arith.constant 0 : i32
      %dma_start3A_278 = arith.constant 0 : i32
      %dma_start3A_279 = tpu.memref_slice %arg5[%dma_start3A_277, %dma_start3A_278] : memref<10000x128xf32, #tpu.memory_space<hbm>> -> memref<10000x128xf32, #tpu.memory_space<hbm>>
      tpu.enqueue_indirect_dma source(%dma_start3A_279 : memref<10000x128xf32, #tpu.memory_space<hbm>>) target(%arg15 : memref<80x128xf32, #tpu.memory_space<vmem>>) offsets(%arg9 : memref<80xi32, #tpu.memory_space<vmem>>) semaphore(%arg22 : memref<!tpu.dma_semaphore, #tpu.memory_space<semaphore_mem>>)
      %min3A_280 = arith.constant 124 : i32
      %min3A_281 = arith.minsi %add3A_276, %min3A_280 : i32
      %mul3A_282 = arith.constant 80 : i32
      %mul3A_283 = arith.muli %min3A_281, %mul3A_282 : i32
      %add3A_284 = arith.addi %mul3A_4, %mul3A_283 : i32
      %dma_start3A_285 = arith.constant 0 : i32
      %dma_start3A_286 = tpu.memref_slice %arg4[%add3A_284, %dma_start3A_285] : memref<320000x128xf32, #tpu.memory_space<hbm>> -> memref<80x128xf32, #tpu.memory_space<hbm>>
      %dma_start3A_287 = arith.constant 0 : i32
      %dma_start3A_288 = tpu.memref_slice %arg4[%add3A_284, %dma_start3A_287] : memref<320000x128xf32, #tpu.memory_space<hbm>> -> memref<80x128xf32, #tpu.memory_space<hbm>>
      tpu.enqueue_dma source(%dma_start3A_288 : memref<80x128xf32, #tpu.memory_space<hbm>>) target(%arg17 : memref<80x128xf32, #tpu.memory_space<vmem>>) target_semaphore(%arg24 : memref<!tpu.dma_semaphore, #tpu.memory_space<semaphore_mem>>)
      %dma_wait3A_289 = arith.constant 0 : i32
      %dma_wait3A_290 = arith.constant 0 : i32
      %dma_wait3A_291 = tpu.memref_slice %arg5[%dma_wait3A_289, %dma_wait3A_290] : memref<10000x128xf32, #tpu.memory_space<hbm>> -> memref<10000x128xf32, #tpu.memory_space<hbm>>
      tpu.wait_indirect_dma semaphore(%arg21 : memref<!tpu.dma_semaphore, #tpu.memory_space<semaphore_mem>>) src(%dma_wait3A_291 : memref<10000x128xf32, #tpu.memory_space<hbm>>) dst(%arg14 : memref<80x128xf32, #tpu.memory_space<vmem>>)
      %dma_wait3A_292 = arith.constant 0 : i32
      %dma_wait3A_293 = tpu.memref_slice %arg4[%mul3A_4, %dma_wait3A_292] : memref<320000x128xf32, #tpu.memory_space<hbm>> -> memref<80x128xf32, #tpu.memory_space<hbm>>
      %dma_wait3A_294 = arith.constant 0 : i32
      %dma_wait3A_295 = tpu.memref_slice %arg4[%mul3A_4, %dma_wait3A_294] : memref<320000x128xf32, #tpu.memory_space<hbm>> -> memref<80x128xf32, #tpu.memory_space<hbm>>
      tpu.wait_dma2 semaphore(%arg23 : memref<!tpu.dma_semaphore, #tpu.memory_space<semaphore_mem>>) src(%dma_wait3A_295 : memref<80x128xf32, #tpu.memory_space<hbm>>) dst(%arg16 : memref<80x128xf32, #tpu.memory_space<vmem>>)
      %get3A_296 = arith.constant 0 : index
      %get3A_297 = tpu.vector_load %arg10[%get3A_296] {strides = array<i32>} : memref<80xi32, #tpu.memory_space<vmem>>, vector<16xi32>,
      %get3A_298 = vector.shape_cast %get3A_297 : vector<16xi32> to vector<16xi32>
      %swap3A_299 = arith.constant 0 : index
      %swap3A_300 = tpu.vector_load %arg12[%swap3A_299] {strides = array<i32>} : memref<80xi32, #tpu.memory_space<vmem>>, vector<16xi32>,
      %swap3A_301 = vector.shape_cast %swap3A_300 : vector<16xi32> to vector<16xi32>
      %swap3A_302 = vector.shape_cast %get3A_298 : vector<16xi32> to vector<16xi32>
      tpu.vector_store %arg12[%swap3A_299], %swap3A_302 {strides = array<i32>} : memref<80xi32, #tpu.memory_space<vmem>>, vector<16xi32>,
      %get3A_303 = arith.constant 16 : index
      %get3A_304 = tpu.vector_load %arg10[%get3A_303] {strides = array<i32>} : memref<80xi32, #tpu.memory_space<vmem>>, vector<16xi32>,
      %get3A_305 = vector.shape_cast %get3A_304 : vector<16xi32> to vector<16xi32>
      %swap3A_306 = arith.constant 16 : index
      %swap3A_307 = tpu.vector_load %arg12[%swap3A_306] {strides = array<i32>} : memref<80xi32, #tpu.memory_space<vmem>>, vector<16xi32>,
      %swap3A_308 = vector.shape_cast %swap3A_307 : vector<16xi32> to vector<16xi32>
      %swap3A_309 = vector.shape_cast %get3A_305 : vector<16xi32> to vector<16xi32>
      tpu.vector_store %arg12[%swap3A_306], %swap3A_309 {strides = array<i32>} : memref<80xi32, #tpu.memory_space<vmem>>, vector<16xi32>,
      %get3A_310 = arith.constant 32 : index
      %get3A_311 = tpu.vector_load %arg10[%get3A_310] {strides = array<i32>} : memref<80xi32, #tpu.memory_space<vmem>>, vector<16xi32>,
      %get3A_312 = vector.shape_cast %get3A_311 : vector<16xi32> to vector<16xi32>
      %swap3A_313 = arith.constant 32 : index
      %swap3A_314 = tpu.vector_load %arg12[%swap3A_313] {strides = array<i32>} : memref<80xi32, #tpu.memory_space<vmem>>, vector<16xi32>,
      %swap3A_315 = vector.shape_cast %swap3A_314 : vector<16xi32> to vector<16xi32>
      %swap3A_316 = vector.shape_cast %get3A_312 : vector<16xi32> to vector<16xi32>
      tpu.vector_store %arg12[%swap3A_313], %swap3A_316 {strides = array<i32>} : memref<80xi32, #tpu.memory_space<vmem>>, vector<16xi32>,
      %get3A_317 = arith.constant 48 : index
      %get3A_318 = tpu.vector_load %arg10[%get3A_317] {strides = array<i32>} : memref<80xi32, #tpu.memory_space<vmem>>, vector<16xi32>,
      %get3A_319 = vector.shape_cast %get3A_318 : vector<16xi32> to vector<16xi32>
      %swap3A_320 = arith.constant 48 : index
      %swap3A_321 = tpu.vector_load %arg12[%swap3A_320] {strides = array<i32>} : memref<80xi32, #tpu.memory_space<vmem>>, vector<16xi32>,
      %swap3A_322 = vector.shape_cast %swap3A_321 : vector<16xi32> to vector<16xi32>
      %swap3A_323 = vector.shape_cast %get3A_319 : vector<16xi32> to vector<16xi32>
      tpu.vector_store %arg12[%swap3A_320], %swap3A_323 {strides = array<i32>} : memref<80xi32, #tpu.memory_space<vmem>>, vector<16xi32>,
      %get3A_324 = arith.constant 64 : index
      %get3A_325 = tpu.vector_load %arg10[%get3A_324] {strides = array<i32>} : memref<80xi32, #tpu.memory_space<vmem>>, vector<16xi32>,
      %get3A_326 = vector.shape_cast %get3A_325 : vector<16xi32> to vector<16xi32>
      %swap3A_327 = arith.constant 64 : index
      %swap3A_328 = tpu.vector_load %arg12[%swap3A_327] {strides = array<i32>} : memref<80xi32, #tpu.memory_space<vmem>>, vector<16xi32>,
      %swap3A_329 = vector.shape_cast %swap3A_328 : vector<16xi32> to vector<16xi32>
      %swap3A_330 = vector.shape_cast %get3A_326 : vector<16xi32> to vector<16xi32>
      tpu.vector_store %arg12[%swap3A_327], %swap3A_330 {strides = array<i32>} : memref<80xi32, #tpu.memory_space<vmem>>, vector<16xi32>,
      %add3A_331 = arith.constant 2 : i32
      %add3A_332 = arith.addi %add3A_267, %add3A_331 : i32
      %min3A_333 = arith.constant 124 : i32
      %min3A_334 = arith.minsi %add3A_332, %min3A_333 : i32
      %mul3A_335 = arith.constant 80 : i32
      %mul3A_336 = arith.muli %min3A_334, %mul3A_335 : i32
      %add3A_337 = arith.addi %mul3A_4, %mul3A_336 : i32
      %dma_start3A_338 = tpu.memref_slice %arg2[%add3A_337] : memref<320000xi32, #tpu.memory_space<hbm>> -> memref<80xi32, #tpu.memory_space<hbm>>
      %dma_start3A_339 = tpu.memref_slice %arg2[%add3A_337] : memref<320000xi32, #tpu.memory_space<hbm>> -> memref<80xi32, #tpu.memory_space<hbm>>
      tpu.enqueue_dma source(%dma_start3A_339 : memref<80xi32, #tpu.memory_space<hbm>>) target(%arg8 : memref<80xi32, #tpu.memory_space<vmem>>) target_semaphore(%arg19 : memref<!tpu.dma_semaphore, #tpu.memory_space<semaphore_mem>>)
      %dma_start3A_340 = tpu.memref_slice %arg3[%add3A_337] : memref<320000xi32, #tpu.memory_space<hbm>> -> memref<80xi32, #tpu.memory_space<hbm>>
      %dma_start3A_341 = tpu.memref_slice %arg3[%add3A_337] : memref<320000xi32, #tpu.memory_space<hbm>> -> memref<80xi32, #tpu.memory_space<hbm>>
      tpu.enqueue_dma source(%dma_start3A_341 : memref<80xi32, #tpu.memory_space<hbm>>) target(%arg10 : memref<80xi32, #tpu.memory_space<vmem>>) target_semaphore(%arg19 : memref<!tpu.dma_semaphore, #tpu.memory_space<semaphore_mem>>)
      %scan3A_342 = arith.constant 0 : i32
      %scan3A_343 = arith.constant 0 : i32
      %scan3A_344 = arith.constant 20 : i32
      %scan3A_345 = arith.addi %scan3A_343, %scan3A_344 : i32
      %scan3A_346 = arith.constant 1 : i32
      scf.for %scan3A_434 = %scan3A_343 to %scan3A_345 step %scan3A_346  : i32 {
        %mul3A_435 = arith.constant 4 : i32
        %mul3A_436 = arith.muli %scan3A_434, %mul3A_435 : i32
        %add3A_437 = arith.constant 0 : i32
        %add3A_438 = arith.addi %mul3A_436, %add3A_437 : i32
        %get3A_439 = arith.index_cast %add3A_438 : i32 to index
        %get3A_440 = arith.constant 0 : index
        %get3A_441 = tpu.vector_load %arg14[%get3A_439, %get3A_440] {strides = array<i32>} : memref<80x128xf32, #tpu.memory_space<vmem>>, vector<1x16xf32>,
        %get3A_442 = vector.shape_cast %get3A_441 : vector<1x16xf32> to vector<16xf32>
        %add3A_443 = arith.constant 0 : i32
        %add3A_444 = arith.addi %mul3A_436, %add3A_443 : i32
        %get3A_445 = arith.index_cast %add3A_444 : i32 to index
        %get3A_446 = arith.constant 0 : index
        %get3A_447 = tpu.vector_load %arg16[%get3A_445, %get3A_446] {strides = array<i32>} : memref<80x128xf32, #tpu.memory_space<vmem>>, vector<1x16xf32>,
        %get3A_448 = vector.shape_cast %get3A_447 : vector<1x16xf32> to vector<16xf32>
        %add3A_449 = arith.addf %get3A_442, %get3A_448 : vector<16xf32>
        %max3A = arith.constant 0.000000e+00 : f32
        %max3A_450 = vector.broadcast %max3A : f32 to vector<16xf32>
        %max3A_451 = arith.maximumf %add3A_449, %max3A_450 : vector<16xf32>
        %add3A_452 = arith.constant 0 : i32
        %add3A_453 = arith.addi %mul3A_436, %add3A_452 : i32
        %swap3A_454 = arith.index_cast %add3A_453 : i32 to index
        %swap3A_455 = arith.constant 0 : index
        %swap3A_456 = tpu.vector_load %arg14[%swap3A_454, %swap3A_455] {strides = array<i32>} : memref<80x128xf32, #tpu.memory_space<vmem>>, vector<1x16xf32>,
        %swap3A_457 = vector.shape_cast %swap3A_456 : vector<1x16xf32> to vector<16xf32>
        %swap3A_458 = vector.shape_cast %max3A_451 : vector<16xf32> to vector<1x16xf32>
        tpu.vector_store %arg14[%swap3A_454, %swap3A_455], %swap3A_458 {strides = array<i32>} : memref<80x128xf32, #tpu.memory_space<vmem>>, vector<1x16xf32>,
        %add3A_459 = arith.constant 0 : i32
        %add3A_460 = arith.addi %mul3A_436, %add3A_459 : i32
        %get3A_461 = arith.index_cast %add3A_460 : i32 to index
        %get3A_462 = arith.constant 16 : index
        %get3A_463 = tpu.vector_load %arg14[%get3A_461, %get3A_462] {strides = array<i32>} : memref<80x128xf32, #tpu.memory_space<vmem>>, vector<1x16xf32>,
        %get3A_464 = vector.shape_cast %get3A_463 : vector<1x16xf32> to vector<16xf32>
        %add3A_465 = arith.constant 0 : i32
        %add3A_466 = arith.addi %mul3A_436, %add3A_465 : i32
        %get3A_467 = arith.index_cast %add3A_466 : i32 to index
        %get3A_468 = arith.constant 16 : index
        %get3A_469 = tpu.vector_load %arg16[%get3A_467, %get3A_468] {strides = array<i32>} : memref<80x128xf32, #tpu.memory_space<vmem>>, vector<1x16xf32>,
        %get3A_470 = vector.shape_cast %get3A_469 : vector<1x16xf32> to vector<16xf32>
        %add3A_471 = arith.addf %get3A_464, %get3A_470 : vector<16xf32>
        %max3A_472 = arith.constant 0.000000e+00 : f32
        %max3A_473 = vector.broadcast %max3A_472 : f32 to vector<16xf32>
        %max3A_474 = arith.maximumf %add3A_471, %max3A_473 : vector<16xf32>
        %add3A_475 = arith.constant 0 : i32
        %add3A_476 = arith.addi %mul3A_436, %add3A_475 : i32
        %swap3A_477 = arith.index_cast %add3A_476 : i32 to index
        %swap3A_478 = arith.constant 16 : index
        %swap3A_479 = tpu.vector_load %arg14[%swap3A_477, %swap3A_478] {strides = array<i32>} : memref<80x128xf32, #tpu.memory_space<vmem>>, vector<1x16xf32>,
        %swap3A_480 = vector.shape_cast %swap3A_479 : vector<1x16xf32> to vector<16xf32>
        %swap3A_481 = vector.shape_cast %max3A_474 : vector<16xf32> to vector<1x16xf32>
        tpu.vector_store %arg14[%swap3A_477, %swap3A_478], %swap3A_481 {strides = array<i32>} : memref<80x128xf32, #tpu.memory_space<vmem>>, vector<1x16xf32>,
        %add3A_482 = arith.constant 0 : i32
        %add3A_483 = arith.addi %mul3A_436, %add3A_482 : i32
        %get3A_484 = arith.index_cast %add3A_483 : i32 to index
        %get3A_485 = arith.constant 32 : index
        %get3A_486 = tpu.vector_load %arg14[%get3A_484, %get3A_485] {strides = array<i32>} : memref<80x128xf32, #tpu.memory_space<vmem>>, vector<1x16xf32>,
        %get3A_487 = vector.shape_cast %get3A_486 : vector<1x16xf32> to vector<16xf32>
        %add3A_488 = arith.constant 0 : i32
        %add3A_489 = arith.addi %mul3A_436, %add3A_488 : i32
        %get3A_490 = arith.index_cast %add3A_489 : i32 to index
        %get3A_491 = arith.constant 32 : index
        %get3A_492 = tpu.vector_load %arg16[%get3A_490, %get3A_491] {strides = array<i32>} : memref<80x128xf32, #tpu.memory_space<vmem>>, vector<1x16xf32>,
        %get3A_493 = vector.shape_cast %get3A_492 : vector<1x16xf32> to vector<16xf32>
        %add3A_494 = arith.addf %get3A_487, %get3A_493 : vector<16xf32>
        %max3A_495 = arith.constant 0.000000e+00 : f32
        %max3A_496 = vector.broadcast %max3A_495 : f32 to vector<16xf32>
        %max3A_497 = arith.maximumf %add3A_494, %max3A_496 : vector<16xf32>
        %add3A_498 = arith.constant 0 : i32
        %add3A_499 = arith.addi %mul3A_436, %add3A_498 : i32
        %swap3A_500 = arith.index_cast %add3A_499 : i32 to index
        %swap3A_501 = arith.constant 32 : index
        %swap3A_502 = tpu.vector_load %arg14[%swap3A_500, %swap3A_501] {strides = array<i32>} : memref<80x128xf32, #tpu.memory_space<vmem>>, vector<1x16xf32>,
        %swap3A_503 = vector.shape_cast %swap3A_502 : vector<1x16xf32> to vector<16xf32>
        %swap3A_504 = vector.shape_cast %max3A_497 : vector<16xf32> to vector<1x16xf32>
        tpu.vector_store %arg14[%swap3A_500, %swap3A_501], %swap3A_504 {strides = array<i32>} : memref<80x128xf32, #tpu.memory_space<vmem>>, vector<1x16xf32>,
        %add3A_505 = arith.constant 0 : i32
        %add3A_506 = arith.addi %mul3A_436, %add3A_505 : i32
        %get3A_507 = arith.index_cast %add3A_506 : i32 to index
        %get3A_508 = arith.constant 48 : index
        %get3A_509 = tpu.vector_load %arg14[%get3A_507, %get3A_508] {strides = array<i32>} : memref<80x128xf32, #tpu.memory_space<vmem>>, vector<1x16xf32>,
        %get3A_510 = vector.shape_cast %get3A_509 : vector<1x16xf32> to vector<16xf32>
        %add3A_511 = arith.constant 0 : i32
        %add3A_512 = arith.addi %mul3A_436, %add3A_511 : i32
        %get3A_513 = arith.index_cast %add3A_512 : i32 to index
        %get3A_514 = arith.constant 48 : index
        %get3A_515 = tpu.vector_load %arg16[%get3A_513, %get3A_514] {strides = array<i32>} : memref<80x128xf32, #tpu.memory_space<vmem>>, vector<1x16xf32>,
        %get3A_516 = vector.shape_cast %get3A_515 : vector<1x16xf32> to vector<16xf32>
        %add3A_517 = arith.addf %get3A_510, %get3A_516 : vector<16xf32>
        %max3A_518 = arith.constant 0.000000e+00 : f32
        %max3A_519 = vector.broadcast %max3A_518 : f32 to vector<16xf32>
        %max3A_520 = arith.maximumf %add3A_517, %max3A_519 : vector<16xf32>
        %add3A_521 = arith.constant 0 : i32
        %add3A_522 = arith.addi %mul3A_436, %add3A_521 : i32
        %swap3A_523 = arith.index_cast %add3A_522 : i32 to index
        %swap3A_524 = arith.constant 48 : index
        %swap3A_525 = tpu.vector_load %arg14[%swap3A_523, %swap3A_524] {strides = array<i32>} : memref<80x128xf32, #tpu.memory_space<vmem>>, vector<1x16xf32>,
        %swap3A_526 = vector.shape_cast %swap3A_525 : vector<1x16xf32> to vector<16xf32>
        %swap3A_527 = vector.shape_cast %max3A_520 : vector<16xf32> to vector<1x16xf32>
        tpu.vector_store %arg14[%swap3A_523, %swap3A_524], %swap3A_527 {strides = array<i32>} : memref<80x128xf32, #tpu.memory_space<vmem>>, vector<1x16xf32>,
        %add3A_528 = arith.constant 0 : i32
        %add3A_529 = arith.addi %mul3A_436, %add3A_528 : i32
        %get3A_530 = arith.index_cast %add3A_529 : i32 to index
        %get3A_531 = arith.constant 64 : index
        %get3A_532 = tpu.vector_load %arg14[%get3A_530, %get3A_531] {strides = array<i32>} : memref<80x128xf32, #tpu.memory_space<vmem>>, vector<1x16xf32>,
        %get3A_533 = vector.shape_cast %get3A_532 : vector<1x16xf32> to vector<16xf32>
        %add3A_534 = arith.constant 0 : i32
        %add3A_535 = arith.addi %mul3A_436, %add3A_534 : i32
        %get3A_536 = arith.index_cast %add3A_535 : i32 to index
        %get3A_537 = arith.constant 64 : index
        %get3A_538 = tpu.vector_load %arg16[%get3A_536, %get3A_537] {strides = array<i32>} : memref<80x128xf32, #tpu.memory_space<vmem>>, vector<1x16xf32>,
        %get3A_539 = vector.shape_cast %get3A_538 : vector<1x16xf32> to vector<16xf32>
        %add3A_540 = arith.addf %get3A_533, %get3A_539 : vector<16xf32>
        %max3A_541 = arith.constant 0.000000e+00 : f32
        %max3A_542 = vector.broadcast %max3A_541 : f32 to vector<16xf32>
        %max3A_543 = arith.maximumf %add3A_540, %max3A_542 : vector<16xf32>
        %add3A_544 = arith.constant 0 : i32
        %add3A_545 = arith.addi %mul3A_436, %add3A_544 : i32
        %swap3A_546 = arith.index_cast %add3A_545 : i32 to index
        %swap3A_547 = arith.constant 64 : index
        %swap3A_548 = tpu.vector_load %arg14[%swap3A_546, %swap3A_547] {strides = array<i32>} : memref<80x128xf32, #tpu.memory_space<vmem>>, vector<1x16xf32>,
        %swap3A_549 = vector.shape_cast %swap3A_548 : vector<1x16xf32> to vector<16xf32>
        %swap3A_550 = vector.shape_cast %max3A_543 : vector<16xf32> to vector<1x16xf32>
        tpu.vector_store %arg14[%swap3A_546, %swap3A_547], %swap3A_550 {strides = array<i32>} : memref<80x128xf32, #tpu.memory_space<vmem>>, vector<1x16xf32>,
        %add3A_551 = arith.constant 0 : i32
        %add3A_552 = arith.addi %mul3A_436, %add3A_551 : i32
        %get3A_553 = arith.index_cast %add3A_552 : i32 to index
        %get3A_554 = arith.constant 80 : index
        %get3A_555 = tpu.vector_load %arg14[%get3A_553, %get3A_554] {strides = array<i32>} : memref<80x128xf32, #tpu.memory_space<vmem>>, vector<1x16xf32>,
        %get3A_556 = vector.shape_cast %get3A_555 : vector<1x16xf32> to vector<16xf32>
        %add3A_557 = arith.constant 0 : i32
        %add3A_558 = arith.addi %mul3A_436, %add3A_557 : i32
        %get3A_559 = arith.index_cast %add3A_558 : i32 to index
        %get3A_560 = arith.constant 80 : index
        %get3A_561 = tpu.vector_load %arg16[%get3A_559, %get3A_560] {strides = array<i32>} : memref<80x128xf32, #tpu.memory_space<vmem>>, vector<1x16xf32>,
        %get3A_562 = vector.shape_cast %get3A_561 : vector<1x16xf32> to vector<16xf32>
        %add3A_563 = arith.addf %get3A_556, %get3A_562 : vector<16xf32>
        %max3A_564 = arith.constant 0.000000e+00 : f32
        %max3A_565 = vector.broadcast %max3A_564 : f32 to vector<16xf32>
        %max3A_566 = arith.maximumf %add3A_563, %max3A_565 : vector<16xf32>
        %add3A_567 = arith.constant 0 : i32
        %add3A_568 = arith.addi %mul3A_436, %add3A_567 : i32
        %swap3A_569 = arith.index_cast %add3A_568 : i32 to index
        %swap3A_570 = arith.constant 80 : index
        %swap3A_571 = tpu.vector_load %arg14[%swap3A_569, %swap3A_570] {strides = array<i32>} : memref<80x128xf32, #tpu.memory_space<vmem>>, vector<1x16xf32>,
        %swap3A_572 = vector.shape_cast %swap3A_571 : vector<1x16xf32> to vector<16xf32>
        %swap3A_573 = vector.shape_cast %max3A_566 : vector<16xf32> to vector<1x16xf32>
        tpu.vector_store %arg14[%swap3A_569, %swap3A_570], %swap3A_573 {strides = array<i32>} : memref<80x128xf32, #tpu.memory_space<vmem>>, vector<1x16xf32>,
        %add3A_574 = arith.constant 0 : i32
        %add3A_575 = arith.addi %mul3A_436, %add3A_574 : i32
        %get3A_576 = arith.index_cast %add3A_575 : i32 to index
        %get3A_577 = arith.constant 96 : index
        %get3A_578 = tpu.vector_load %arg14[%get3A_576, %get3A_577] {strides = array<i32>} : memref<80x128xf32, #tpu.memory_space<vmem>>, vector<1x16xf32>,
        %get3A_579 = vector.shape_cast %get3A_578 : vector<1x16xf32> to vector<16xf32>
        %add3A_580 = arith.constant 0 : i32
        %add3A_581 = arith.addi %mul3A_436, %add3A_580 : i32
        %get3A_582 = arith.index_cast %add3A_581 : i32 to index
        %get3A_583 = arith.constant 96 : index
        %get3A_584 = tpu.vector_load %arg16[%get3A_582, %get3A_583] {strides = array<i32>} : memref<80x128xf32, #tpu.memory_space<vmem>>, vector<1x16xf32>,
        %get3A_585 = vector.shape_cast %get3A_584 : vector<1x16xf32> to vector<16xf32>
        %add3A_586 = arith.addf %get3A_579, %get3A_585 : vector<16xf32>
        %max3A_587 = arith.constant 0.000000e+00 : f32
        %max3A_588 = vector.broadcast %max3A_587 : f32 to vector<16xf32>
        %max3A_589 = arith.maximumf %add3A_586, %max3A_588 : vector<16xf32>
        %add3A_590 = arith.constant 0 : i32
        %add3A_591 = arith.addi %mul3A_436, %add3A_590 : i32
        %swap3A_592 = arith.index_cast %add3A_591 : i32 to index
        %swap3A_593 = arith.constant 96 : index
        %swap3A_594 = tpu.vector_load %arg14[%swap3A_592, %swap3A_593] {strides = array<i32>} : memref<80x128xf32, #tpu.memory_space<vmem>>, vector<1x16xf32>,
        %swap3A_595 = vector.shape_cast %swap3A_594 : vector<1x16xf32> to vector<16xf32>
        %swap3A_596 = vector.shape_cast %max3A_589 : vector<16xf32> to vector<1x16xf32>
        tpu.vector_store %arg14[%swap3A_592, %swap3A_593], %swap3A_596 {strides = array<i32>} : memref<80x128xf32, #tpu.memory_space<vmem>>, vector<1x16xf32>,
        %add3A_597 = arith.constant 0 : i32
        %add3A_598 = arith.addi %mul3A_436, %add3A_597 : i32
        %get3A_599 = arith.index_cast %add3A_598 : i32 to index
        %get3A_600 = arith.constant 112 : index
        %get3A_601 = tpu.vector_load %arg14[%get3A_599, %get3A_600] {strides = array<i32>} : memref<80x128xf32, #tpu.memory_space<vmem>>, vector<1x16xf32>,
        %get3A_602 = vector.shape_cast %get3A_601 : vector<1x16xf32> to vector<16xf32>
        %add3A_603 = arith.constant 0 : i32
        %add3A_604 = arith.addi %mul3A_436, %add3A_603 : i32
        %get3A_605 = arith.index_cast %add3A_604 : i32 to index
        %get3A_606 = arith.constant 112 : index
        %get3A_607 = tpu.vector_load %arg16[%get3A_605, %get3A_606] {strides = array<i32>} : memref<80x128xf32, #tpu.memory_space<vmem>>, vector<1x16xf32>,
        %get3A_608 = vector.shape_cast %get3A_607 : vector<1x16xf32> to vector<16xf32>
        %add3A_609 = arith.addf %get3A_602, %get3A_608 : vector<16xf32>
        %max3A_610 = arith.constant 0.000000e+00 : f32
        %max3A_611 = vector.broadcast %max3A_610 : f32 to vector<16xf32>
        %max3A_612 = arith.maximumf %add3A_609, %max3A_611 : vector<16xf32>
        %add3A_613 = arith.constant 0 : i32
        %add3A_614 = arith.addi %mul3A_436, %add3A_613 : i32
        %swap3A_615 = arith.index_cast %add3A_614 : i32 to index
        %swap3A_616 = arith.constant 112 : index
        %swap3A_617 = tpu.vector_load %arg14[%swap3A_615, %swap3A_616] {strides = array<i32>} : memref<80x128xf32, #tpu.memory_space<vmem>>, vector<1x16xf32>,
        %swap3A_618 = vector.shape_cast %swap3A_617 : vector<1x16xf32> to vector<16xf32>
        %swap3A_619 = vector.shape_cast %max3A_612 : vector<16xf32> to vector<1x16xf32>
        tpu.vector_store %arg14[%swap3A_615, %swap3A_616], %swap3A_619 {strides = array<i32>} : memref<80x128xf32, #tpu.memory_space<vmem>>, vector<1x16xf32>,
        %add3A_620 = arith.constant 1 : i32
        %add3A_621 = arith.addi %mul3A_436, %add3A_620 : i32
        %get3A_622 = arith.index_cast %add3A_621 : i32 to index
        %get3A_623 = arith.constant 0 : index
        %get3A_624 = tpu.vector_load %arg14[%get3A_622, %get3A_623] {strides = array<i32>} : memref<80x128xf32, #tpu.memory_space<vmem>>, vector<1x16xf32>,
        %get3A_625 = vector.shape_cast %get3A_624 : vector<1x16xf32> to vector<16xf32>
        %add3A_626 = arith.constant 1 : i32
        %add3A_627 = arith.addi %mul3A_436, %add3A_626 : i32
        %get3A_628 = arith.index_cast %add3A_627 : i32 to index
        %get3A_629 = arith.constant 0 : index
        %get3A_630 = tpu.vector_load %arg16[%get3A_628, %get3A_629] {strides = array<i32>} : memref<80x128xf32, #tpu.memory_space<vmem>>, vector<1x16xf32>,
        %get3A_631 = vector.shape_cast %get3A_630 : vector<1x16xf32> to vector<16xf32>
        %add3A_632 = arith.addf %get3A_625, %get3A_631 : vector<16xf32>
        %max3A_633 = arith.constant 0.000000e+00 : f32
        %max3A_634 = vector.broadcast %max3A_633 : f32 to vector<16xf32>
        %max3A_635 = arith.maximumf %add3A_632, %max3A_634 : vector<16xf32>
        %add3A_636 = arith.constant 1 : i32
        %add3A_637 = arith.addi %mul3A_436, %add3A_636 : i32
        %swap3A_638 = arith.index_cast %add3A_637 : i32 to index
        %swap3A_639 = arith.constant 0 : index
        %swap3A_640 = tpu.vector_load %arg14[%swap3A_638, %swap3A_639] {strides = array<i32>} : memref<80x128xf32, #tpu.memory_space<vmem>>, vector<1x16xf32>,
        %swap3A_641 = vector.shape_cast %swap3A_640 : vector<1x16xf32> to vector<16xf32>
        %swap3A_642 = vector.shape_cast %max3A_635 : vector<16xf32> to vector<1x16xf32>
        tpu.vector_store %arg14[%swap3A_638, %swap3A_639], %swap3A_642 {strides = array<i32>} : memref<80x128xf32, #tpu.memory_space<vmem>>, vector<1x16xf32>,
        %add3A_643 = arith.constant 1 : i32
        %add3A_644 = arith.addi %mul3A_436, %add3A_643 : i32
        %get3A_645 = arith.index_cast %add3A_644 : i32 to index
        %get3A_646 = arith.constant 16 : index
        %get3A_647 = tpu.vector_load %arg14[%get3A_645, %get3A_646] {strides = array<i32>} : memref<80x128xf32, #tpu.memory_space<vmem>>, vector<1x16xf32>,
        %get3A_648 = vector.shape_cast %get3A_647 : vector<1x16xf32> to vector<16xf32>
        %add3A_649 = arith.constant 1 : i32
        %add3A_650 = arith.addi %mul3A_436, %add3A_649 : i32
        %get3A_651 = arith.index_cast %add3A_650 : i32 to index
        %get3A_652 = arith.constant 16 : index
        %get3A_653 = tpu.vector_load %arg16[%get3A_651, %get3A_652] {strides = array<i32>} : memref<80x128xf32, #tpu.memory_space<vmem>>, vector<1x16xf32>,
        %get3A_654 = vector.shape_cast %get3A_653 : vector<1x16xf32> to vector<16xf32>
        %add3A_655 = arith.addf %get3A_648, %get3A_654 : vector<16xf32>
        %max3A_656 = arith.constant 0.000000e+00 : f32
        %max3A_657 = vector.broadcast %max3A_656 : f32 to vector<16xf32>
        %max3A_658 = arith.maximumf %add3A_655, %max3A_657 : vector<16xf32>
        %add3A_659 = arith.constant 1 : i32
        %add3A_660 = arith.addi %mul3A_436, %add3A_659 : i32
        %swap3A_661 = arith.index_cast %add3A_660 : i32 to index
        %swap3A_662 = arith.constant 16 : index
        %swap3A_663 = tpu.vector_load %arg14[%swap3A_661, %swap3A_662] {strides = array<i32>} : memref<80x128xf32, #tpu.memory_space<vmem>>, vector<1x16xf32>,
        %swap3A_664 = vector.shape_cast %swap3A_663 : vector<1x16xf32> to vector<16xf32>
        %swap3A_665 = vector.shape_cast %max3A_658 : vector<16xf32> to vector<1x16xf32>
        tpu.vector_store %arg14[%swap3A_661, %swap3A_662], %swap3A_665 {strides = array<i32>} : memref<80x128xf32, #tpu.memory_space<vmem>>, vector<1x16xf32>,
        %add3A_666 = arith.constant 1 : i32
        %add3A_667 = arith.addi %mul3A_436, %add3A_666 : i32
        %get3A_668 = arith.index_cast %add3A_667 : i32 to index
        %get3A_669 = arith.constant 32 : index
        %get3A_670 = tpu.vector_load %arg14[%get3A_668, %get3A_669] {strides = array<i32>} : memref<80x128xf32, #tpu.memory_space<vmem>>, vector<1x16xf32>,
        %get3A_671 = vector.shape_cast %get3A_670 : vector<1x16xf32> to vector<16xf32>
        %add3A_672 = arith.constant 1 : i32
        %add3A_673 = arith.addi %mul3A_436, %add3A_672 : i32
        %get3A_674 = arith.index_cast %add3A_673 : i32 to index
        %get3A_675 = arith.constant 32 : index
        %get3A_676 = tpu.vector_load %arg16[%get3A_674, %get3A_675] {strides = array<i32>} : memref<80x128xf32, #tpu.memory_space<vmem>>, vector<1x16xf32>,
        %get3A_677 = vector.shape_cast %get3A_676 : vector<1x16xf32> to vector<16xf32>
        %add3A_678 = arith.addf %get3A_671, %get3A_677 : vector<16xf32>
        %max3A_679 = arith.constant 0.000000e+00 : f32
        %max3A_680 = vector.broadcast %max3A_679 : f32 to vector<16xf32>
        %max3A_681 = arith.maximumf %add3A_678, %max3A_680 : vector<16xf32>
        %add3A_682 = arith.constant 1 : i32
        %add3A_683 = arith.addi %mul3A_436, %add3A_682 : i32
        %swap3A_684 = arith.index_cast %add3A_683 : i32 to index
        %swap3A_685 = arith.constant 32 : index
        %swap3A_686 = tpu.vector_load %arg14[%swap3A_684, %swap3A_685] {strides = array<i32>} : memref<80x128xf32, #tpu.memory_space<vmem>>, vector<1x16xf32>,
        %swap3A_687 = vector.shape_cast %swap3A_686 : vector<1x16xf32> to vector<16xf32>
        %swap3A_688 = vector.shape_cast %max3A_681 : vector<16xf32> to vector<1x16xf32>
        tpu.vector_store %arg14[%swap3A_684, %swap3A_685], %swap3A_688 {strides = array<i32>} : memref<80x128xf32, #tpu.memory_space<vmem>>, vector<1x16xf32>,
        %add3A_689 = arith.constant 1 : i32
        %add3A_690 = arith.addi %mul3A_436, %add3A_689 : i32
        %get3A_691 = arith.index_cast %add3A_690 : i32 to index
        %get3A_692 = arith.constant 48 : index
        %get3A_693 = tpu.vector_load %arg14[%get3A_691, %get3A_692] {strides = array<i32>} : memref<80x128xf32, #tpu.memory_space<vmem>>, vector<1x16xf32>,
        %get3A_694 = vector.shape_cast %get3A_693 : vector<1x16xf32> to vector<16xf32>
        %add3A_695 = arith.constant 1 : i32
        %add3A_696 = arith.addi %mul3A_436, %add3A_695 : i32
        %get3A_697 = arith.index_cast %add3A_696 : i32 to index
        %get3A_698 = arith.constant 48 : index
        %get3A_699 = tpu.vector_load %arg16[%get3A_697, %get3A_698] {strides = array<i32>} : memref<80x128xf32, #tpu.memory_space<vmem>>, vector<1x16xf32>,
        %get3A_700 = vector.shape_cast %get3A_699 : vector<1x16xf32> to vector<16xf32>
        %add3A_701 = arith.addf %get3A_694, %get3A_700 : vector<16xf32>
        %max3A_702 = arith.constant 0.000000e+00 : f32
        %max3A_703 = vector.broadcast %max3A_702 : f32 to vector<16xf32>
        %max3A_704 = arith.maximumf %add3A_701, %max3A_703 : vector<16xf32>
        %add3A_705 = arith.constant 1 : i32
        %add3A_706 = arith.addi %mul3A_436, %add3A_705 : i32
        %swap3A_707 = arith.index_cast %add3A_706 : i32 to index
        %swap3A_708 = arith.constant 48 : index
        %swap3A_709 = tpu.vector_load %arg14[%swap3A_707, %swap3A_708] {strides = array<i32>} : memref<80x128xf32, #tpu.memory_space<vmem>>, vector<1x16xf32>,
        %swap3A_710 = vector.shape_cast %swap3A_709 : vector<1x16xf32> to vector<16xf32>
        %swap3A_711 = vector.shape_cast %max3A_704 : vector<16xf32> to vector<1x16xf32>
        tpu.vector_store %arg14[%swap3A_707, %swap3A_708], %swap3A_711 {strides = array<i32>} : memref<80x128xf32, #tpu.memory_space<vmem>>, vector<1x16xf32>,
        %add3A_712 = arith.constant 1 : i32
        %add3A_713 = arith.addi %mul3A_436, %add3A_712 : i32
        %get3A_714 = arith.index_cast %add3A_713 : i32 to index
        %get3A_715 = arith.constant 64 : index
        %get3A_716 = tpu.vector_load %arg14[%get3A_714, %get3A_715] {strides = array<i32>} : memref<80x128xf32, #tpu.memory_space<vmem>>, vector<1x16xf32>,
        %get3A_717 = vector.shape_cast %get3A_716 : vector<1x16xf32> to vector<16xf32>
        %add3A_718 = arith.constant 1 : i32
        %add3A_719 = arith.addi %mul3A_436, %add3A_718 : i32
        %get3A_720 = arith.index_cast %add3A_719 : i32 to index
        %get3A_721 = arith.constant 64 : index
        %get3A_722 = tpu.vector_load %arg16[%get3A_720, %get3A_721] {strides = array<i32>} : memref<80x128xf32, #tpu.memory_space<vmem>>, vector<1x16xf32>,
        %get3A_723 = vector.shape_cast %get3A_722 : vector<1x16xf32> to vector<16xf32>
        %add3A_724 = arith.addf %get3A_717, %get3A_723 : vector<16xf32>
        %max3A_725 = arith.constant 0.000000e+00 : f32
        %max3A_726 = vector.broadcast %max3A_725 : f32 to vector<16xf32>
        %max3A_727 = arith.maximumf %add3A_724, %max3A_726 : vector<16xf32>
        %add3A_728 = arith.constant 1 : i32
        %add3A_729 = arith.addi %mul3A_436, %add3A_728 : i32
        %swap3A_730 = arith.index_cast %add3A_729 : i32 to index
        %swap3A_731 = arith.constant 64 : index
        %swap3A_732 = tpu.vector_load %arg14[%swap3A_730, %swap3A_731] {strides = array<i32>} : memref<80x128xf32, #tpu.memory_space<vmem>>, vector<1x16xf32>,
        %swap3A_733 = vector.shape_cast %swap3A_732 : vector<1x16xf32> to vector<16xf32>
        %swap3A_734 = vector.shape_cast %max3A_727 : vector<16xf32> to vector<1x16xf32>
        tpu.vector_store %arg14[%swap3A_730, %swap3A_731], %swap3A_734 {strides = array<i32>} : memref<80x128xf32, #tpu.memory_space<vmem>>, vector<1x16xf32>,
        %add3A_735 = arith.constant 1 : i32
        %add3A_736 = arith.addi %mul3A_436, %add3A_735 : i32
        %get3A_737 = arith.index_cast %add3A_736 : i32 to index
        %get3A_738 = arith.constant 80 : index
        %get3A_739 = tpu.vector_load %arg14[%get3A_737, %get3A_738] {strides = array<i32>} : memref<80x128xf32, #tpu.memory_space<vmem>>, vector<1x16xf32>,
        %get3A_740 = vector.shape_cast %get3A_739 : vector<1x16xf32> to vector<16xf32>
        %add3A_741 = arith.constant 1 : i32
        %add3A_742 = arith.addi %mul3A_436, %add3A_741 : i32
        %get3A_743 = arith.index_cast %add3A_742 : i32 to index
        %get3A_744 = arith.constant 80 : index
        %get3A_745 = tpu.vector_load %arg16[%get3A_743, %get3A_744] {strides = array<i32>} : memref<80x128xf32, #tpu.memory_space<vmem>>, vector<1x16xf32>,
        %get3A_746 = vector.shape_cast %get3A_745 : vector<1x16xf32> to vector<16xf32>
        %add3A_747 = arith.addf %get3A_740, %get3A_746 : vector<16xf32>
        %max3A_748 = arith.constant 0.000000e+00 : f32
        %max3A_749 = vector.broadcast %max3A_748 : f32 to vector<16xf32>
        %max3A_750 = arith.maximumf %add3A_747, %max3A_749 : vector<16xf32>
        %add3A_751 = arith.constant 1 : i32
        %add3A_752 = arith.addi %mul3A_436, %add3A_751 : i32
        %swap3A_753 = arith.index_cast %add3A_752 : i32 to index
        %swap3A_754 = arith.constant 80 : index
        %swap3A_755 = tpu.vector_load %arg14[%swap3A_753, %swap3A_754] {strides = array<i32>} : memref<80x128xf32, #tpu.memory_space<vmem>>, vector<1x16xf32>,
        %swap3A_756 = vector.shape_cast %swap3A_755 : vector<1x16xf32> to vector<16xf32>
        %swap3A_757 = vector.shape_cast %max3A_750 : vector<16xf32> to vector<1x16xf32>
        tpu.vector_store %arg14[%swap3A_753, %swap3A_754], %swap3A_757 {strides = array<i32>} : memref<80x128xf32, #tpu.memory_space<vmem>>, vector<1x16xf32>,
        %add3A_758 = arith.constant 1 : i32
        %add3A_759 = arith.addi %mul3A_436, %add3A_758 : i32
        %get3A_760 = arith.index_cast %add3A_759 : i32 to index
        %get3A_761 = arith.constant 96 : index
        %get3A_762 = tpu.vector_load %arg14[%get3A_760, %get3A_761] {strides = array<i32>} : memref<80x128xf32, #tpu.memory_space<vmem>>, vector<1x16xf32>,
        %get3A_763 = vector.shape_cast %get3A_762 : vector<1x16xf32> to vector<16xf32>
        %add3A_764 = arith.constant 1 : i32
        %add3A_765 = arith.addi %mul3A_436, %add3A_764 : i32
        %get3A_766 = arith.index_cast %add3A_765 : i32 to index
        %get3A_767 = arith.constant 96 : index
        %get3A_768 = tpu.vector_load %arg16[%get3A_766, %get3A_767] {strides = array<i32>} : memref<80x128xf32, #tpu.memory_space<vmem>>, vector<1x16xf32>,
        %get3A_769 = vector.shape_cast %get3A_768 : vector<1x16xf32> to vector<16xf32>
        %add3A_770 = arith.addf %get3A_763, %get3A_769 : vector<16xf32>
        %max3A_771 = arith.constant 0.000000e+00 : f32
        %max3A_772 = vector.broadcast %max3A_771 : f32 to vector<16xf32>
        %max3A_773 = arith.maximumf %add3A_770, %max3A_772 : vector<16xf32>
        %add3A_774 = arith.constant 1 : i32
        %add3A_775 = arith.addi %mul3A_436, %add3A_774 : i32
        %swap3A_776 = arith.index_cast %add3A_775 : i32 to index
        %swap3A_777 = arith.constant 96 : index
        %swap3A_778 = tpu.vector_load %arg14[%swap3A_776, %swap3A_777] {strides = array<i32>} : memref<80x128xf32, #tpu.memory_space<vmem>>, vector<1x16xf32>,
        %swap3A_779 = vector.shape_cast %swap3A_778 : vector<1x16xf32> to vector<16xf32>
        %swap3A_780 = vector.shape_cast %max3A_773 : vector<16xf32> to vector<1x16xf32>
        tpu.vector_store %arg14[%swap3A_776, %swap3A_777], %swap3A_780 {strides = array<i32>} : memref<80x128xf32, #tpu.memory_space<vmem>>, vector<1x16xf32>,
        %add3A_781 = arith.constant 1 : i32
        %add3A_782 = arith.addi %mul3A_436, %add3A_781 : i32
        %get3A_783 = arith.index_cast %add3A_782 : i32 to index
        %get3A_784 = arith.constant 112 : index
        %get3A_785 = tpu.vector_load %arg14[%get3A_783, %get3A_784] {strides = array<i32>} : memref<80x128xf32, #tpu.memory_space<vmem>>, vector<1x16xf32>,
        %get3A_786 = vector.shape_cast %get3A_785 : vector<1x16xf32> to vector<16xf32>
        %add3A_787 = arith.constant 1 : i32
        %add3A_788 = arith.addi %mul3A_436, %add3A_787 : i32
        %get3A_789 = arith.index_cast %add3A_788 : i32 to index
        %get3A_790 = arith.constant 112 : index
        %get3A_791 = tpu.vector_load %arg16[%get3A_789, %get3A_790] {strides = array<i32>} : memref<80x128xf32, #tpu.memory_space<vmem>>, vector<1x16xf32>,
        %get3A_792 = vector.shape_cast %get3A_791 : vector<1x16xf32> to vector<16xf32>
        %add3A_793 = arith.addf %get3A_786, %get3A_792 : vector<16xf32>
        %max3A_794 = arith.constant 0.000000e+00 : f32
        %max3A_795 = vector.broadcast %max3A_794 : f32 to vector<16xf32>
        %max3A_796 = arith.maximumf %add3A_793, %max3A_795 : vector<16xf32>
        %add3A_797 = arith.constant 1 : i32
        %add3A_798 = arith.addi %mul3A_436, %add3A_797 : i32
        %swap3A_799 = arith.index_cast %add3A_798 : i32 to index
        %swap3A_800 = arith.constant 112 : index
        %swap3A_801 = tpu.vector_load %arg14[%swap3A_799, %swap3A_800] {strides = array<i32>} : memref<80x128xf32, #tpu.memory_space<vmem>>, vector<1x16xf32>,
        %swap3A_802 = vector.shape_cast %swap3A_801 : vector<1x16xf32> to vector<16xf32>
        %swap3A_803 = vector.shape_cast %max3A_796 : vector<16xf32> to vector<1x16xf32>
        tpu.vector_store %arg14[%swap3A_799, %swap3A_800], %swap3A_803 {strides = array<i32>} : memref<80x128xf32, #tpu.memory_space<vmem>>, vector<1x16xf32>,
        %add3A_804 = arith.constant 2 : i32
        %add3A_805 = arith.addi %mul3A_436, %add3A_804 : i32
        %get3A_806 = arith.index_cast %add3A_805 : i32 to index
        %get3A_807 = arith.constant 0 : index
        %get3A_808 = tpu.vector_load %arg14[%get3A_806, %get3A_807] {strides = array<i32>} : memref<80x128xf32, #tpu.memory_space<vmem>>, vector<1x16xf32>,
        %get3A_809 = vector.shape_cast %get3A_808 : vector<1x16xf32> to vector<16xf32>
        %add3A_810 = arith.constant 2 : i32
        %add3A_811 = arith.addi %mul3A_436, %add3A_810 : i32
        %get3A_812 = arith.index_cast %add3A_811 : i32 to index
        %get3A_813 = arith.constant 0 : index
        %get3A_814 = tpu.vector_load %arg16[%get3A_812, %get3A_813] {strides = array<i32>} : memref<80x128xf32, #tpu.memory_space<vmem>>, vector<1x16xf32>,
        %get3A_815 = vector.shape_cast %get3A_814 : vector<1x16xf32> to vector<16xf32>
        %add3A_816 = arith.addf %get3A_809, %get3A_815 : vector<16xf32>
        %max3A_817 = arith.constant 0.000000e+00 : f32
        %max3A_818 = vector.broadcast %max3A_817 : f32 to vector<16xf32>
        %max3A_819 = arith.maximumf %add3A_816, %max3A_818 : vector<16xf32>
        %add3A_820 = arith.constant 2 : i32
        %add3A_821 = arith.addi %mul3A_436, %add3A_820 : i32
        %swap3A_822 = arith.index_cast %add3A_821 : i32 to index
        %swap3A_823 = arith.constant 0 : index
        %swap3A_824 = tpu.vector_load %arg14[%swap3A_822, %swap3A_823] {strides = array<i32>} : memref<80x128xf32, #tpu.memory_space<vmem>>, vector<1x16xf32>,
        %swap3A_825 = vector.shape_cast %swap3A_824 : vector<1x16xf32> to vector<16xf32>
        %swap3A_826 = vector.shape_cast %max3A_819 : vector<16xf32> to vector<1x16xf32>
        tpu.vector_store %arg14[%swap3A_822, %swap3A_823], %swap3A_826 {strides = array<i32>} : memref<80x128xf32, #tpu.memory_space<vmem>>, vector<1x16xf32>,
        %add3A_827 = arith.constant 2 : i32
        %add3A_828 = arith.addi %mul3A_436, %add3A_827 : i32
        %get3A_829 = arith.index_cast %add3A_828 : i32 to index
        %get3A_830 = arith.constant 16 : index
        %get3A_831 = tpu.vector_load %arg14[%get3A_829, %get3A_830] {strides = array<i32>} : memref<80x128xf32, #tpu.memory_space<vmem>>, vector<1x16xf32>,
        %get3A_832 = vector.shape_cast %get3A_831 : vector<1x16xf32> to vector<16xf32>
        %add3A_833 = arith.constant 2 : i32
        %add3A_834 = arith.addi %mul3A_436, %add3A_833 : i32
        %get3A_835 = arith.index_cast %add3A_834 : i32 to index
        %get3A_836 = arith.constant 16 : index
        %get3A_837 = tpu.vector_load %arg16[%get3A_835, %get3A_836] {strides = array<i32>} : memref<80x128xf32, #tpu.memory_space<vmem>>, vector<1x16xf32>,
        %get3A_838 = vector.shape_cast %get3A_837 : vector<1x16xf32> to vector<16xf32>
        %add3A_839 = arith.addf %get3A_832, %get3A_838 : vector<16xf32>
        %max3A_840 = arith.constant 0.000000e+00 : f32
        %max3A_841 = vector.broadcast %max3A_840 : f32 to vector<16xf32>
        %max3A_842 = arith.maximumf %add3A_839, %max3A_841 : vector<16xf32>
        %add3A_843 = arith.constant 2 : i32
        %add3A_844 = arith.addi %mul3A_436, %add3A_843 : i32
        %swap3A_845 = arith.index_cast %add3A_844 : i32 to index
        %swap3A_846 = arith.constant 16 : index
        %swap3A_847 = tpu.vector_load %arg14[%swap3A_845, %swap3A_846] {strides = array<i32>} : memref<80x128xf32, #tpu.memory_space<vmem>>, vector<1x16xf32>,
        %swap3A_848 = vector.shape_cast %swap3A_847 : vector<1x16xf32> to vector<16xf32>
        %swap3A_849 = vector.shape_cast %max3A_842 : vector<16xf32> to vector<1x16xf32>
        tpu.vector_store %arg14[%swap3A_845, %swap3A_846], %swap3A_849 {strides = array<i32>} : memref<80x128xf32, #tpu.memory_space<vmem>>, vector<1x16xf32>,
        %add3A_850 = arith.constant 2 : i32
        %add3A_851 = arith.addi %mul3A_436, %add3A_850 : i32
        %get3A_852 = arith.index_cast %add3A_851 : i32 to index
        %get3A_853 = arith.constant 32 : index
        %get3A_854 = tpu.vector_load %arg14[%get3A_852, %get3A_853] {strides = array<i32>} : memref<80x128xf32, #tpu.memory_space<vmem>>, vector<1x16xf32>,
        %get3A_855 = vector.shape_cast %get3A_854 : vector<1x16xf32> to vector<16xf32>
        %add3A_856 = arith.constant 2 : i32
        %add3A_857 = arith.addi %mul3A_436, %add3A_856 : i32
        %get3A_858 = arith.index_cast %add3A_857 : i32 to index
        %get3A_859 = arith.constant 32 : index
        %get3A_860 = tpu.vector_load %arg16[%get3A_858, %get3A_859] {strides = array<i32>} : memref<80x128xf32, #tpu.memory_space<vmem>>, vector<1x16xf32>,
        %get3A_861 = vector.shape_cast %get3A_860 : vector<1x16xf32> to vector<16xf32>
        %add3A_862 = arith.addf %get3A_855, %get3A_861 : vector<16xf32>
        %max3A_863 = arith.constant 0.000000e+00 : f32
        %max3A_864 = vector.broadcast %max3A_863 : f32 to vector<16xf32>
        %max3A_865 = arith.maximumf %add3A_862, %max3A_864 : vector<16xf32>
        %add3A_866 = arith.constant 2 : i32
        %add3A_867 = arith.addi %mul3A_436, %add3A_866 : i32
        %swap3A_868 = arith.index_cast %add3A_867 : i32 to index
        %swap3A_869 = arith.constant 32 : index
        %swap3A_870 = tpu.vector_load %arg14[%swap3A_868, %swap3A_869] {strides = array<i32>} : memref<80x128xf32, #tpu.memory_space<vmem>>, vector<1x16xf32>,
        %swap3A_871 = vector.shape_cast %swap3A_870 : vector<1x16xf32> to vector<16xf32>
        %swap3A_872 = vector.shape_cast %max3A_865 : vector<16xf32> to vector<1x16xf32>
        tpu.vector_store %arg14[%swap3A_868, %swap3A_869], %swap3A_872 {strides = array<i32>} : memref<80x128xf32, #tpu.memory_space<vmem>>, vector<1x16xf32>,
        %add3A_873 = arith.constant 2 : i32
        %add3A_874 = arith.addi %mul3A_436, %add3A_873 : i32
        %get3A_875 = arith.index_cast %add3A_874 : i32 to index
        %get3A_876 = arith.constant 48 : index
        %get3A_877 = tpu.vector_load %arg14[%get3A_875, %get3A_876] {strides = array<i32>} : memref<80x128xf32, #tpu.memory_space<vmem>>, vector<1x16xf32>,
        %get3A_878 = vector.shape_cast %get3A_877 : vector<1x16xf32> to vector<16xf32>
        %add3A_879 = arith.constant 2 : i32
        %add3A_880 = arith.addi %mul3A_436, %add3A_879 : i32
        %get3A_881 = arith.index_cast %add3A_880 : i32 to index
        %get3A_882 = arith.constant 48 : index
        %get3A_883 = tpu.vector_load %arg16[%get3A_881, %get3A_882] {strides = array<i32>} : memref<80x128xf32, #tpu.memory_space<vmem>>, vector<1x16xf32>,
        %get3A_884 = vector.shape_cast %get3A_883 : vector<1x16xf32> to vector<16xf32>
        %add3A_885 = arith.addf %get3A_878, %get3A_884 : vector<16xf32>
        %max3A_886 = arith.constant 0.000000e+00 : f32
        %max3A_887 = vector.broadcast %max3A_886 : f32 to vector<16xf32>
        %max3A_888 = arith.maximumf %add3A_885, %max3A_887 : vector<16xf32>
        %add3A_889 = arith.constant 2 : i32
        %add3A_890 = arith.addi %mul3A_436, %add3A_889 : i32
        %swap3A_891 = arith.index_cast %add3A_890 : i32 to index
        %swap3A_892 = arith.constant 48 : index
        %swap3A_893 = tpu.vector_load %arg14[%swap3A_891, %swap3A_892] {strides = array<i32>} : memref<80x128xf32, #tpu.memory_space<vmem>>, vector<1x16xf32>,
        %swap3A_894 = vector.shape_cast %swap3A_893 : vector<1x16xf32> to vector<16xf32>
        %swap3A_895 = vector.shape_cast %max3A_888 : vector<16xf32> to vector<1x16xf32>
        tpu.vector_store %arg14[%swap3A_891, %swap3A_892], %swap3A_895 {strides = array<i32>} : memref<80x128xf32, #tpu.memory_space<vmem>>, vector<1x16xf32>,
        %add3A_896 = arith.constant 2 : i32
        %add3A_897 = arith.addi %mul3A_436, %add3A_896 : i32
        %get3A_898 = arith.index_cast %add3A_897 : i32 to index
        %get3A_899 = arith.constant 64 : index
        %get3A_900 = tpu.vector_load %arg14[%get3A_898, %get3A_899] {strides = array<i32>} : memref<80x128xf32, #tpu.memory_space<vmem>>, vector<1x16xf32>,
        %get3A_901 = vector.shape_cast %get3A_900 : vector<1x16xf32> to vector<16xf32>
        %add3A_902 = arith.constant 2 : i32
        %add3A_903 = arith.addi %mul3A_436, %add3A_902 : i32
        %get3A_904 = arith.index_cast %add3A_903 : i32 to index
        %get3A_905 = arith.constant 64 : index
        %get3A_906 = tpu.vector_load %arg16[%get3A_904, %get3A_905] {strides = array<i32>} : memref<80x128xf32, #tpu.memory_space<vmem>>, vector<1x16xf32>,
        %get3A_907 = vector.shape_cast %get3A_906 : vector<1x16xf32> to vector<16xf32>
        %add3A_908 = arith.addf %get3A_901, %get3A_907 : vector<16xf32>
        %max3A_909 = arith.constant 0.000000e+00 : f32
        %max3A_910 = vector.broadcast %max3A_909 : f32 to vector<16xf32>
        %max3A_911 = arith.maximumf %add3A_908, %max3A_910 : vector<16xf32>
        %add3A_912 = arith.constant 2 : i32
        %add3A_913 = arith.addi %mul3A_436, %add3A_912 : i32
        %swap3A_914 = arith.index_cast %add3A_913 : i32 to index
        %swap3A_915 = arith.constant 64 : index
        %swap3A_916 = tpu.vector_load %arg14[%swap3A_914, %swap3A_915] {strides = array<i32>} : memref<80x128xf32, #tpu.memory_space<vmem>>, vector<1x16xf32>,
        %swap3A_917 = vector.shape_cast %swap3A_916 : vector<1x16xf32> to vector<16xf32>
        %swap3A_918 = vector.shape_cast %max3A_911 : vector<16xf32> to vector<1x16xf32>
        tpu.vector_store %arg14[%swap3A_914, %swap3A_915], %swap3A_918 {strides = array<i32>} : memref<80x128xf32, #tpu.memory_space<vmem>>, vector<1x16xf32>,
        %add3A_919 = arith.constant 2 : i32
        %add3A_920 = arith.addi %mul3A_436, %add3A_919 : i32
        %get3A_921 = arith.index_cast %add3A_920 : i32 to index
        %get3A_922 = arith.constant 80 : index
        %get3A_923 = tpu.vector_load %arg14[%get3A_921, %get3A_922] {strides = array<i32>} : memref<80x128xf32, #tpu.memory_space<vmem>>, vector<1x16xf32>,
        %get3A_924 = vector.shape_cast %get3A_923 : vector<1x16xf32> to vector<16xf32>
        %add3A_925 = arith.constant 2 : i32
        %add3A_926 = arith.addi %mul3A_436, %add3A_925 : i32
        %get3A_927 = arith.index_cast %add3A_926 : i32 to index
        %get3A_928 = arith.constant 80 : index
        %get3A_929 = tpu.vector_load %arg16[%get3A_927, %get3A_928] {strides = array<i32>} : memref<80x128xf32, #tpu.memory_space<vmem>>, vector<1x16xf32>,
        %get3A_930 = vector.shape_cast %get3A_929 : vector<1x16xf32> to vector<16xf32>
        %add3A_931 = arith.addf %get3A_924, %get3A_930 : vector<16xf32>
        %max3A_932 = arith.constant 0.000000e+00 : f32
        %max3A_933 = vector.broadcast %max3A_932 : f32 to vector<16xf32>
        %max3A_934 = arith.maximumf %add3A_931, %max3A_933 : vector<16xf32>
        %add3A_935 = arith.constant 2 : i32
        %add3A_936 = arith.addi %mul3A_436, %add3A_935 : i32
        %swap3A_937 = arith.index_cast %add3A_936 : i32 to index
        %swap3A_938 = arith.constant 80 : index
        %swap3A_939 = tpu.vector_load %arg14[%swap3A_937, %swap3A_938] {strides = array<i32>} : memref<80x128xf32, #tpu.memory_space<vmem>>, vector<1x16xf32>,
        %swap3A_940 = vector.shape_cast %swap3A_939 : vector<1x16xf32> to vector<16xf32>
        %swap3A_941 = vector.shape_cast %max3A_934 : vector<16xf32> to vector<1x16xf32>
        tpu.vector_store %arg14[%swap3A_937, %swap3A_938], %swap3A_941 {strides = array<i32>} : memref<80x128xf32, #tpu.memory_space<vmem>>, vector<1x16xf32>,
        %add3A_942 = arith.constant 2 : i32
        %add3A_943 = arith.addi %mul3A_436, %add3A_942 : i32
        %get3A_944 = arith.index_cast %add3A_943 : i32 to index
        %get3A_945 = arith.constant 96 : index
        %get3A_946 = tpu.vector_load %arg14[%get3A_944, %get3A_945] {strides = array<i32>} : memref<80x128xf32, #tpu.memory_space<vmem>>, vector<1x16xf32>,
        %get3A_947 = vector.shape_cast %get3A_946 : vector<1x16xf32> to vector<16xf32>
        %add3A_948 = arith.constant 2 : i32
        %add3A_949 = arith.addi %mul3A_436, %add3A_948 : i32
        %get3A_950 = arith.index_cast %add3A_949 : i32 to index
        %get3A_951 = arith.constant 96 : index
        %get3A_952 = tpu.vector_load %arg16[%get3A_950, %get3A_951] {strides = array<i32>} : memref<80x128xf32, #tpu.memory_space<vmem>>, vector<1x16xf32>,
        %get3A_953 = vector.shape_cast %get3A_952 : vector<1x16xf32> to vector<16xf32>
        %add3A_954 = arith.addf %get3A_947, %get3A_953 : vector<16xf32>
        %max3A_955 = arith.constant 0.000000e+00 : f32
        %max3A_956 = vector.broadcast %max3A_955 : f32 to vector<16xf32>
        %max3A_957 = arith.maximumf %add3A_954, %max3A_956 : vector<16xf32>
        %add3A_958 = arith.constant 2 : i32
        %add3A_959 = arith.addi %mul3A_436, %add3A_958 : i32
        %swap3A_960 = arith.index_cast %add3A_959 : i32 to index
        %swap3A_961 = arith.constant 96 : index
        %swap3A_962 = tpu.vector_load %arg14[%swap3A_960, %swap3A_961] {strides = array<i32>} : memref<80x128xf32, #tpu.memory_space<vmem>>, vector<1x16xf32>,
        %swap3A_963 = vector.shape_cast %swap3A_962 : vector<1x16xf32> to vector<16xf32>
        %swap3A_964 = vector.shape_cast %max3A_957 : vector<16xf32> to vector<1x16xf32>
        tpu.vector_store %arg14[%swap3A_960, %swap3A_961], %swap3A_964 {strides = array<i32>} : memref<80x128xf32, #tpu.memory_space<vmem>>, vector<1x16xf32>,
        %add3A_965 = arith.constant 2 : i32
        %add3A_966 = arith.addi %mul3A_436, %add3A_965 : i32
        %get3A_967 = arith.index_cast %add3A_966 : i32 to index
        %get3A_968 = arith.constant 112 : index
        %get3A_969 = tpu.vector_load %arg14[%get3A_967, %get3A_968] {strides = array<i32>} : memref<80x128xf32, #tpu.memory_space<vmem>>, vector<1x16xf32>,
        %get3A_970 = vector.shape_cast %get3A_969 : vector<1x16xf32> to vector<16xf32>
        %add3A_971 = arith.constant 2 : i32
        %add3A_972 = arith.addi %mul3A_436, %add3A_971 : i32
        %get3A_973 = arith.index_cast %add3A_972 : i32 to index
        %get3A_974 = arith.constant 112 : index
        %get3A_975 = tpu.vector_load %arg16[%get3A_973, %get3A_974] {strides = array<i32>} : memref<80x128xf32, #tpu.memory_space<vmem>>, vector<1x16xf32>,
        %get3A_976 = vector.shape_cast %get3A_975 : vector<1x16xf32> to vector<16xf32>
        %add3A_977 = arith.addf %get3A_970, %get3A_976 : vector<16xf32>
        %max3A_978 = arith.constant 0.000000e+00 : f32
        %max3A_979 = vector.broadcast %max3A_978 : f32 to vector<16xf32>
        %max3A_980 = arith.maximumf %add3A_977, %max3A_979 : vector<16xf32>
        %add3A_981 = arith.constant 2 : i32
        %add3A_982 = arith.addi %mul3A_436, %add3A_981 : i32
        %swap3A_983 = arith.index_cast %add3A_982 : i32 to index
        %swap3A_984 = arith.constant 112 : index
        %swap3A_985 = tpu.vector_load %arg14[%swap3A_983, %swap3A_984] {strides = array<i32>} : memref<80x128xf32, #tpu.memory_space<vmem>>, vector<1x16xf32>,
        %swap3A_986 = vector.shape_cast %swap3A_985 : vector<1x16xf32> to vector<16xf32>
        %swap3A_987 = vector.shape_cast %max3A_980 : vector<16xf32> to vector<1x16xf32>
        tpu.vector_store %arg14[%swap3A_983, %swap3A_984], %swap3A_987 {strides = array<i32>} : memref<80x128xf32, #tpu.memory_space<vmem>>, vector<1x16xf32>,
        %add3A_988 = arith.constant 3 : i32
        %add3A_989 = arith.addi %mul3A_436, %add3A_988 : i32
        %get3A_990 = arith.index_cast %add3A_989 : i32 to index
        %get3A_991 = arith.constant 0 : index
        %get3A_992 = tpu.vector_load %arg14[%get3A_990, %get3A_991] {strides = array<i32>} : memref<80x128xf32, #tpu.memory_space<vmem>>, vector<1x16xf32>,
        %get3A_993 = vector.shape_cast %get3A_992 : vector<1x16xf32> to vector<16xf32>
        %add3A_994 = arith.constant 3 : i32
        %add3A_995 = arith.addi %mul3A_436, %add3A_994 : i32
        %get3A_996 = arith.index_cast %add3A_995 : i32 to index
        %get3A_997 = arith.constant 0 : index
        %get3A_998 = tpu.vector_load %arg16[%get3A_996, %get3A_997] {strides = array<i32>} : memref<80x128xf32, #tpu.memory_space<vmem>>, vector<1x16xf32>,
        %get3A_999 = vector.shape_cast %get3A_998 : vector<1x16xf32> to vector<16xf32>
        %add3A_1000 = arith.addf %get3A_993, %get3A_999 : vector<16xf32>
        %max3A_1001 = arith.constant 0.000000e+00 : f32
        %max3A_1002 = vector.broadcast %max3A_1001 : f32 to vector<16xf32>
        %max3A_1003 = arith.maximumf %add3A_1000, %max3A_1002 : vector<16xf32>
        %add3A_1004 = arith.constant 3 : i32
        %add3A_1005 = arith.addi %mul3A_436, %add3A_1004 : i32
        %swap3A_1006 = arith.index_cast %add3A_1005 : i32 to index
        %swap3A_1007 = arith.constant 0 : index
        %swap3A_1008 = tpu.vector_load %arg14[%swap3A_1006, %swap3A_1007] {strides = array<i32>} : memref<80x128xf32, #tpu.memory_space<vmem>>, vector<1x16xf32>,
        %swap3A_1009 = vector.shape_cast %swap3A_1008 : vector<1x16xf32> to vector<16xf32>
        %swap3A_1010 = vector.shape_cast %max3A_1003 : vector<16xf32> to vector<1x16xf32>
        tpu.vector_store %arg14[%swap3A_1006, %swap3A_1007], %swap3A_1010 {strides = array<i32>} : memref<80x128xf32, #tpu.memory_space<vmem>>, vector<1x16xf32>,
        %add3A_1011 = arith.constant 3 : i32
        %add3A_1012 = arith.addi %mul3A_436, %add3A_1011 : i32
        %get3A_1013 = arith.index_cast %add3A_1012 : i32 to index
        %get3A_1014 = arith.constant 16 : index
        %get3A_1015 = tpu.vector_load %arg14[%get3A_1013, %get3A_1014] {strides = array<i32>} : memref<80x128xf32, #tpu.memory_space<vmem>>, vector<1x16xf32>,
        %get3A_1016 = vector.shape_cast %get3A_1015 : vector<1x16xf32> to vector<16xf32>
        %add3A_1017 = arith.constant 3 : i32
        %add3A_1018 = arith.addi %mul3A_436, %add3A_1017 : i32
        %get3A_1019 = arith.index_cast %add3A_1018 : i32 to index
        %get3A_1020 = arith.constant 16 : index
        %get3A_1021 = tpu.vector_load %arg16[%get3A_1019, %get3A_1020] {strides = array<i32>} : memref<80x128xf32, #tpu.memory_space<vmem>>, vector<1x16xf32>,
        %get3A_1022 = vector.shape_cast %get3A_1021 : vector<1x16xf32> to vector<16xf32>
        %add3A_1023 = arith.addf %get3A_1016, %get3A_1022 : vector<16xf32>
        %max3A_1024 = arith.constant 0.000000e+00 : f32
        %max3A_1025 = vector.broadcast %max3A_1024 : f32 to vector<16xf32>
        %max3A_1026 = arith.maximumf %add3A_1023, %max3A_1025 : vector<16xf32>
        %add3A_1027 = arith.constant 3 : i32
        %add3A_1028 = arith.addi %mul3A_436, %add3A_1027 : i32
        %swap3A_1029 = arith.index_cast %add3A_1028 : i32 to index
        %swap3A_1030 = arith.constant 16 : index
        %swap3A_1031 = tpu.vector_load %arg14[%swap3A_1029, %swap3A_1030] {strides = array<i32>} : memref<80x128xf32, #tpu.memory_space<vmem>>, vector<1x16xf32>,
        %swap3A_1032 = vector.shape_cast %swap3A_1031 : vector<1x16xf32> to vector<16xf32>
        %swap3A_1033 = vector.shape_cast %max3A_1026 : vector<16xf32> to vector<1x16xf32>
        tpu.vector_store %arg14[%swap3A_1029, %swap3A_1030], %swap3A_1033 {strides = array<i32>} : memref<80x128xf32, #tpu.memory_space<vmem>>, vector<1x16xf32>,
        %add3A_1034 = arith.constant 3 : i32
        %add3A_1035 = arith.addi %mul3A_436, %add3A_1034 : i32
        %get3A_1036 = arith.index_cast %add3A_1035 : i32 to index
        %get3A_1037 = arith.constant 32 : index
        %get3A_1038 = tpu.vector_load %arg14[%get3A_1036, %get3A_1037] {strides = array<i32>} : memref<80x128xf32, #tpu.memory_space<vmem>>, vector<1x16xf32>,
        %get3A_1039 = vector.shape_cast %get3A_1038 : vector<1x16xf32> to vector<16xf32>
        %add3A_1040 = arith.constant 3 : i32
        %add3A_1041 = arith.addi %mul3A_436, %add3A_1040 : i32
        %get3A_1042 = arith.index_cast %add3A_1041 : i32 to index
        %get3A_1043 = arith.constant 32 : index
        %get3A_1044 = tpu.vector_load %arg16[%get3A_1042, %get3A_1043] {strides = array<i32>} : memref<80x128xf32, #tpu.memory_space<vmem>>, vector<1x16xf32>,
        %get3A_1045 = vector.shape_cast %get3A_1044 : vector<1x16xf32> to vector<16xf32>
        %add3A_1046 = arith.addf %get3A_1039, %get3A_1045 : vector<16xf32>
        %max3A_1047 = arith.constant 0.000000e+00 : f32
        %max3A_1048 = vector.broadcast %max3A_1047 : f32 to vector<16xf32>
        %max3A_1049 = arith.maximumf %add3A_1046, %max3A_1048 : vector<16xf32>
        %add3A_1050 = arith.constant 3 : i32
        %add3A_1051 = arith.addi %mul3A_436, %add3A_1050 : i32
        %swap3A_1052 = arith.index_cast %add3A_1051 : i32 to index
        %swap3A_1053 = arith.constant 32 : index
        %swap3A_1054 = tpu.vector_load %arg14[%swap3A_1052, %swap3A_1053] {strides = array<i32>} : memref<80x128xf32, #tpu.memory_space<vmem>>, vector<1x16xf32>,
        %swap3A_1055 = vector.shape_cast %swap3A_1054 : vector<1x16xf32> to vector<16xf32>
        %swap3A_1056 = vector.shape_cast %max3A_1049 : vector<16xf32> to vector<1x16xf32>
        tpu.vector_store %arg14[%swap3A_1052, %swap3A_1053], %swap3A_1056 {strides = array<i32>} : memref<80x128xf32, #tpu.memory_space<vmem>>, vector<1x16xf32>,
        %add3A_1057 = arith.constant 3 : i32
        %add3A_1058 = arith.addi %mul3A_436, %add3A_1057 : i32
        %get3A_1059 = arith.index_cast %add3A_1058 : i32 to index
        %get3A_1060 = arith.constant 48 : index
        %get3A_1061 = tpu.vector_load %arg14[%get3A_1059, %get3A_1060] {strides = array<i32>} : memref<80x128xf32, #tpu.memory_space<vmem>>, vector<1x16xf32>,
        %get3A_1062 = vector.shape_cast %get3A_1061 : vector<1x16xf32> to vector<16xf32>
        %add3A_1063 = arith.constant 3 : i32
        %add3A_1064 = arith.addi %mul3A_436, %add3A_1063 : i32
        %get3A_1065 = arith.index_cast %add3A_1064 : i32 to index
        %get3A_1066 = arith.constant 48 : index
        %get3A_1067 = tpu.vector_load %arg16[%get3A_1065, %get3A_1066] {strides = array<i32>} : memref<80x128xf32, #tpu.memory_space<vmem>>, vector<1x16xf32>,
        %get3A_1068 = vector.shape_cast %get3A_1067 : vector<1x16xf32> to vector<16xf32>
        %add3A_1069 = arith.addf %get3A_1062, %get3A_1068 : vector<16xf32>
        %max3A_1070 = arith.constant 0.000000e+00 : f32
        %max3A_1071 = vector.broadcast %max3A_1070 : f32 to vector<16xf32>
        %max3A_1072 = arith.maximumf %add3A_1069, %max3A_1071 : vector<16xf32>
        %add3A_1073 = arith.constant 3 : i32
        %add3A_1074 = arith.addi %mul3A_436, %add3A_1073 : i32
        %swap3A_1075 = arith.index_cast %add3A_1074 : i32 to index
        %swap3A_1076 = arith.constant 48 : index
        %swap3A_1077 = tpu.vector_load %arg14[%swap3A_1075, %swap3A_1076] {strides = array<i32>} : memref<80x128xf32, #tpu.memory_space<vmem>>, vector<1x16xf32>,
        %swap3A_1078 = vector.shape_cast %swap3A_1077 : vector<1x16xf32> to vector<16xf32>
        %swap3A_1079 = vector.shape_cast %max3A_1072 : vector<16xf32> to vector<1x16xf32>
        tpu.vector_store %arg14[%swap3A_1075, %swap3A_1076], %swap3A_1079 {strides = array<i32>} : memref<80x128xf32, #tpu.memory_space<vmem>>, vector<1x16xf32>,
        %add3A_1080 = arith.constant 3 : i32
        %add3A_1081 = arith.addi %mul3A_436, %add3A_1080 : i32
        %get3A_1082 = arith.index_cast %add3A_1081 : i32 to index
        %get3A_1083 = arith.constant 64 : index
        %get3A_1084 = tpu.vector_load %arg14[%get3A_1082, %get3A_1083] {strides = array<i32>} : memref<80x128xf32, #tpu.memory_space<vmem>>, vector<1x16xf32>,
        %get3A_1085 = vector.shape_cast %get3A_1084 : vector<1x16xf32> to vector<16xf32>
        %add3A_1086 = arith.constant 3 : i32
        %add3A_1087 = arith.addi %mul3A_436, %add3A_1086 : i32
        %get3A_1088 = arith.index_cast %add3A_1087 : i32 to index
        %get3A_1089 = arith.constant 64 : index
        %get3A_1090 = tpu.vector_load %arg16[%get3A_1088, %get3A_1089] {strides = array<i32>} : memref<80x128xf32, #tpu.memory_space<vmem>>, vector<1x16xf32>,
        %get3A_1091 = vector.shape_cast %get3A_1090 : vector<1x16xf32> to vector<16xf32>
        %add3A_1092 = arith.addf %get3A_1085, %get3A_1091 : vector<16xf32>
        %max3A_1093 = arith.constant 0.000000e+00 : f32
        %max3A_1094 = vector.broadcast %max3A_1093 : f32 to vector<16xf32>
        %max3A_1095 = arith.maximumf %add3A_1092, %max3A_1094 : vector<16xf32>
        %add3A_1096 = arith.constant 3 : i32
        %add3A_1097 = arith.addi %mul3A_436, %add3A_1096 : i32
        %swap3A_1098 = arith.index_cast %add3A_1097 : i32 to index
        %swap3A_1099 = arith.constant 64 : index
        %swap3A_1100 = tpu.vector_load %arg14[%swap3A_1098, %swap3A_1099] {strides = array<i32>} : memref<80x128xf32, #tpu.memory_space<vmem>>, vector<1x16xf32>,
        %swap3A_1101 = vector.shape_cast %swap3A_1100 : vector<1x16xf32> to vector<16xf32>
        %swap3A_1102 = vector.shape_cast %max3A_1095 : vector<16xf32> to vector<1x16xf32>
        tpu.vector_store %arg14[%swap3A_1098, %swap3A_1099], %swap3A_1102 {strides = array<i32>} : memref<80x128xf32, #tpu.memory_space<vmem>>, vector<1x16xf32>,
        %add3A_1103 = arith.constant 3 : i32
        %add3A_1104 = arith.addi %mul3A_436, %add3A_1103 : i32
        %get3A_1105 = arith.index_cast %add3A_1104 : i32 to index
        %get3A_1106 = arith.constant 80 : index
        %get3A_1107 = tpu.vector_load %arg14[%get3A_1105, %get3A_1106] {strides = array<i32>} : memref<80x128xf32, #tpu.memory_space<vmem>>, vector<1x16xf32>,
        %get3A_1108 = vector.shape_cast %get3A_1107 : vector<1x16xf32> to vector<16xf32>
        %add3A_1109 = arith.constant 3 : i32
        %add3A_1110 = arith.addi %mul3A_436, %add3A_1109 : i32
        %get3A_1111 = arith.index_cast %add3A_1110 : i32 to index
        %get3A_1112 = arith.constant 80 : index
        %get3A_1113 = tpu.vector_load %arg16[%get3A_1111, %get3A_1112] {strides = array<i32>} : memref<80x128xf32, #tpu.memory_space<vmem>>, vector<1x16xf32>,
        %get3A_1114 = vector.shape_cast %get3A_1113 : vector<1x16xf32> to vector<16xf32>
        %add3A_1115 = arith.addf %get3A_1108, %get3A_1114 : vector<16xf32>
        %max3A_1116 = arith.constant 0.000000e+00 : f32
        %max3A_1117 = vector.broadcast %max3A_1116 : f32 to vector<16xf32>
        %max3A_1118 = arith.maximumf %add3A_1115, %max3A_1117 : vector<16xf32>
        %add3A_1119 = arith.constant 3 : i32
        %add3A_1120 = arith.addi %mul3A_436, %add3A_1119 : i32
        %swap3A_1121 = arith.index_cast %add3A_1120 : i32 to index
        %swap3A_1122 = arith.constant 80 : index
        %swap3A_1123 = tpu.vector_load %arg14[%swap3A_1121, %swap3A_1122] {strides = array<i32>} : memref<80x128xf32, #tpu.memory_space<vmem>>, vector<1x16xf32>,
        %swap3A_1124 = vector.shape_cast %swap3A_1123 : vector<1x16xf32> to vector<16xf32>
        %swap3A_1125 = vector.shape_cast %max3A_1118 : vector<16xf32> to vector<1x16xf32>
        tpu.vector_store %arg14[%swap3A_1121, %swap3A_1122], %swap3A_1125 {strides = array<i32>} : memref<80x128xf32, #tpu.memory_space<vmem>>, vector<1x16xf32>,
        %add3A_1126 = arith.constant 3 : i32
        %add3A_1127 = arith.addi %mul3A_436, %add3A_1126 : i32
        %get3A_1128 = arith.index_cast %add3A_1127 : i32 to index
        %get3A_1129 = arith.constant 96 : index
        %get3A_1130 = tpu.vector_load %arg14[%get3A_1128, %get3A_1129] {strides = array<i32>} : memref<80x128xf32, #tpu.memory_space<vmem>>, vector<1x16xf32>,
        %get3A_1131 = vector.shape_cast %get3A_1130 : vector<1x16xf32> to vector<16xf32>
        %add3A_1132 = arith.constant 3 : i32
        %add3A_1133 = arith.addi %mul3A_436, %add3A_1132 : i32
        %get3A_1134 = arith.index_cast %add3A_1133 : i32 to index
        %get3A_1135 = arith.constant 96 : index
        %get3A_1136 = tpu.vector_load %arg16[%get3A_1134, %get3A_1135] {strides = array<i32>} : memref<80x128xf32, #tpu.memory_space<vmem>>, vector<1x16xf32>,
        %get3A_1137 = vector.shape_cast %get3A_1136 : vector<1x16xf32> to vector<16xf32>
        %add3A_1138 = arith.addf %get3A_1131, %get3A_1137 : vector<16xf32>
        %max3A_1139 = arith.constant 0.000000e+00 : f32
        %max3A_1140 = vector.broadcast %max3A_1139 : f32 to vector<16xf32>
        %max3A_1141 = arith.maximumf %add3A_1138, %max3A_1140 : vector<16xf32>
        %add3A_1142 = arith.constant 3 : i32
        %add3A_1143 = arith.addi %mul3A_436, %add3A_1142 : i32
        %swap3A_1144 = arith.index_cast %add3A_1143 : i32 to index
        %swap3A_1145 = arith.constant 96 : index
        %swap3A_1146 = tpu.vector_load %arg14[%swap3A_1144, %swap3A_1145] {strides = array<i32>} : memref<80x128xf32, #tpu.memory_space<vmem>>, vector<1x16xf32>,
        %swap3A_1147 = vector.shape_cast %swap3A_1146 : vector<1x16xf32> to vector<16xf32>
        %swap3A_1148 = vector.shape_cast %max3A_1141 : vector<16xf32> to vector<1x16xf32>
        tpu.vector_store %arg14[%swap3A_1144, %swap3A_1145], %swap3A_1148 {strides = array<i32>} : memref<80x128xf32, #tpu.memory_space<vmem>>, vector<1x16xf32>,
        %add3A_1149 = arith.constant 3 : i32
        %add3A_1150 = arith.addi %mul3A_436, %add3A_1149 : i32
        %get3A_1151 = arith.index_cast %add3A_1150 : i32 to index
        %get3A_1152 = arith.constant 112 : index
        %get3A_1153 = tpu.vector_load %arg14[%get3A_1151, %get3A_1152] {strides = array<i32>} : memref<80x128xf32, #tpu.memory_space<vmem>>, vector<1x16xf32>,
        %get3A_1154 = vector.shape_cast %get3A_1153 : vector<1x16xf32> to vector<16xf32>
        %add3A_1155 = arith.constant 3 : i32
        %add3A_1156 = arith.addi %mul3A_436, %add3A_1155 : i32
        %get3A_1157 = arith.index_cast %add3A_1156 : i32 to index
        %get3A_1158 = arith.constant 112 : index
        %get3A_1159 = tpu.vector_load %arg16[%get3A_1157, %get3A_1158] {strides = array<i32>} : memref<80x128xf32, #tpu.memory_space<vmem>>, vector<1x16xf32>,
        %get3A_1160 = vector.shape_cast %get3A_1159 : vector<1x16xf32> to vector<16xf32>
        %add3A_1161 = arith.addf %get3A_1154, %get3A_1160 : vector<16xf32>
        %max3A_1162 = arith.constant 0.000000e+00 : f32
        %max3A_1163 = vector.broadcast %max3A_1162 : f32 to vector<16xf32>
        %max3A_1164 = arith.maximumf %add3A_1161, %max3A_1163 : vector<16xf32>
        %add3A_1165 = arith.constant 3 : i32
        %add3A_1166 = arith.addi %mul3A_436, %add3A_1165 : i32
        %swap3A_1167 = arith.index_cast %add3A_1166 : i32 to index
        %swap3A_1168 = arith.constant 112 : index
        %swap3A_1169 = tpu.vector_load %arg14[%swap3A_1167, %swap3A_1168] {strides = array<i32>} : memref<80x128xf32, #tpu.memory_space<vmem>>, vector<1x16xf32>,
        %swap3A_1170 = vector.shape_cast %swap3A_1169 : vector<1x16xf32> to vector<16xf32>
        %swap3A_1171 = vector.shape_cast %max3A_1164 : vector<16xf32> to vector<1x16xf32>
        tpu.vector_store %arg14[%swap3A_1167, %swap3A_1168], %swap3A_1171 {strides = array<i32>} : memref<80x128xf32, #tpu.memory_space<vmem>>, vector<1x16xf32>,
      }
      %scan3A_347 = arith.constant 20 : i32
      %dma_start3A_348 = arith.constant 0 : i32
      %dma_start3A_349 = arith.constant 0 : i32
      %dma_start3A_350 = tpu.memref_slice %arg18[%dma_start3A_348, %dma_start3A_349] : memref<10240x128xf32, #tpu.memory_space<vmem_shared>> -> memref<10240x128xf32, #tpu.memory_space<vmem_shared>>
      tpu.enqueue_indirect_dma source(%arg14 : memref<80x128xf32, #tpu.memory_space<vmem>>) target(%dma_start3A_350 : memref<10240x128xf32, #tpu.memory_space<vmem_shared>>) offsets(%arg12 : memref<80xi32, #tpu.memory_space<vmem>>) semaphore(%arg25 : memref<!tpu.dma_semaphore, #tpu.memory_space<semaphore_mem>>) {add = true}
      %dma_wait3A_351 = arith.constant 0 : i32
      %dma_wait3A_352 = arith.constant 0 : i32
      %dma_wait3A_353 = tpu.memref_slice %arg5[%dma_wait3A_351, %dma_wait3A_352] : memref<10000x128xf32, #tpu.memory_space<hbm>> -> memref<10000x128xf32, #tpu.memory_space<hbm>>
      tpu.wait_indirect_dma semaphore(%arg22 : memref<!tpu.dma_semaphore, #tpu.memory_space<semaphore_mem>>) src(%dma_wait3A_353 : memref<10000x128xf32, #tpu.memory_space<hbm>>) dst(%arg15 : memref<80x128xf32, #tpu.memory_space<vmem>>)
      %dma_wait3A_354 = arith.constant 0 : i32
      %dma_wait3A_355 = tpu.memref_slice %arg4[%mul3A_4, %dma_wait3A_354] : memref<320000x128xf32, #tpu.memory_space<hbm>> -> memref<80x128xf32, #tpu.memory_space<hbm>>
      %dma_wait3A_356 = arith.constant 0 : i32
      %dma_wait3A_357 = tpu.memref_slice %arg4[%mul3A_4, %dma_wait3A_356] : memref<320000x128xf32, #tpu.memory_space<hbm>> -> memref<80x128xf32, #tpu.memory_space<hbm>>
      tpu.wait_dma2 semaphore(%arg24 : memref<!tpu.dma_semaphore, #tpu.memory_space<semaphore_mem>>) src(%dma_wait3A_357 : memref<80x128xf32, #tpu.memory_space<hbm>>) dst(%arg17 : memref<80x128xf32, #tpu.memory_space<vmem>>)
      %get3A_358 = arith.constant 0 : index
      %get3A_359 = tpu.vector_load %arg11[%get3A_358] {strides = array<i32>} : memref<80xi32, #tpu.memory_space<vmem>>, vector<16xi32>,
      %get3A_360 = vector.shape_cast %get3A_359 : vector<16xi32> to vector<16xi32>
      %swap3A_361 = arith.constant 0 : index
      %swap3A_362 = tpu.vector_load %arg13[%swap3A_361] {strides = array<i32>} : memref<80xi32, #tpu.memory_space<vmem>>, vector<16xi32>,
      %swap3A_363 = vector.shape_cast %swap3A_362 : vector<16xi32> to vector<16xi32>
      %swap3A_364 = vector.shape_cast %get3A_360 : vector<16xi32> to vector<16xi32>
      tpu.vector_store %arg13[%swap3A_361], %swap3A_364 {strides = array<i32>} : memref<80xi32, #tpu.memory_space<vmem>>, vector<16xi32>,
      %get3A_365 = arith.constant 16 : index
      %get3A_366 = tpu.vector_load %arg11[%get3A_365] {strides = array<i32>} : memref<80xi32, #tpu.memory_space<vmem>>, vector<16xi32>,
      %get3A_367 = vector.shape_cast %get3A_366 : vector<16xi32> to vector<16xi32>
      %swap3A_368 = arith.constant 16 : index
      %swap3A_369 = tpu.vector_load %arg13[%swap3A_368] {strides = array<i32>} : memref<80xi32, #tpu.memory_space<vmem>>, vector<16xi32>,
      %swap3A_370 = vector.shape_cast %swap3A_369 : vector<16xi32> to vector<16xi32>
      %swap3A_371 = vector.shape_cast %get3A_367 : vector<16xi32> to vector<16xi32>
      tpu.vector_store %arg13[%swap3A_368], %swap3A_371 {strides = array<i32>} : memref<80xi32, #tpu.memory_space<vmem>>, vector<16xi32>,
      %get3A_372 = arith.constant 32 : index
      %get3A_373 = tpu.vector_load %arg11[%get3A_372] {strides = array<i32>} : memref<80xi32, #tpu.memory_space<vmem>>, vector<16xi32>,
      %get3A_374 = vector.shape_cast %get3A_373 : vector<16xi32> to vector<16xi32>
      %swap3A_375 = arith.constant 32 : index
      %swap3A_376 = tpu.vector_load %arg13[%swap3A_375] {strides = array<i32>} : memref<80xi32, #tpu.memory_space<vmem>>, vector<16xi32>,
      %swap3A_377 = vector.shape_cast %swap3A_376 : vector<16xi32> to vector<16xi32>
      %swap3A_378 = vector.shape_cast %get3A_374 : vector<16xi32> to vector<16xi32>
      tpu.vector_store %arg13[%swap3A_375], %swap3A_378 {strides = array<i32>} : memref<80xi32, #tpu.memory_space<vmem>>, vector<16xi32>,
      %get3A_379 = arith.constant 48 : index
      %get3A_380 = tpu.vector_load %arg11[%get3A_379] {strides = array<i32>} : memref<80xi32, #tpu.memory_space<vmem>>, vector<16xi32>,
      %get3A_381 = vector.shape_cast %get3A_380 : vector<16xi32> to vector<16xi32>
      %swap3A_382 = arith.constant 48 : index
      %swap3A_383 = tpu.vector_load %arg13[%swap3A_382] {strides = array<i32>} : memref<80xi32, #tpu.memory_space<vmem>>, vector<16xi32>,
      %swap3A_384 = vector.shape_cast %swap3A_383 : vector<16xi32> to vector<16xi32>
      %swap3A_385 = vector.shape_cast %get3A_381 : vector<16xi32> to vector<16xi32>
      tpu.vector_store %arg13[%swap3A_382], %swap3A_385 {strides = array<i32>} : memref<80xi32, #tpu.memory_space<vmem>>, vector<16xi32>,
      %get3A_386 = arith.constant 64 : index
      %get3A_387 = tpu.vector_load %arg11[%get3A_386] {strides = array<i32>} : memref<80xi32, #tpu.memory_space<vmem>>, vector<16xi32>,
      %get3A_388 = vector.shape_cast %get3A_387 : vector<16xi32> to vector<16xi32>
      %swap3A_389 = arith.constant 64 : index
      %swap3A_390 = tpu.vector_load %arg13[%swap3A_389] {strides = array<i32>} : memref<80xi32, #tpu.memory_space<vmem>>, vector<16xi32>,
      %swap3A_391 = vector.shape_cast %swap3A_390 : vector<16xi32> to vector<16xi32>
      %swap3A_392 = vector.shape_cast %get3A_388 : vector<16xi32> to vector<16xi32>
      tpu.vector_store %arg13[%swap3A_389], %swap3A_392 {strides = array<i32>} : memref<80xi32, #tpu.memory_space<vmem>>, vector<16xi32>,
      %add3A_393 = arith.constant 3 : i32
      %add3A_394 = arith.addi %add3A_267, %add3A_393 : i32
      %min3A_395 = arith.constant 124 : i32
      %min3A_396 = arith.minsi %add3A_394, %min3A_395 : i32
      %mul3A_397 = arith.constant 80 : i32
      %mul3A_398 = arith.muli %min3A_396, %mul3A_397 : i32
      %add3A_399 = arith.addi %mul3A_4, %mul3A_398 : i32
      %dma_start3A_400 = tpu.memref_slice %arg2[%add3A_399] : memref<320000xi32, #tpu.memory_space<hbm>> -> memref<80xi32, #tpu.memory_space<hbm>>
      %dma_start3A_401 = tpu.memref_slice %arg2[%add3A_399] : memref<320000xi32, #tpu.memory_space<hbm>> -> memref<80xi32, #tpu.memory_space<hbm>>
      tpu.enqueue_dma source(%dma_start3A_401 : memref<80xi32, #tpu.memory_space<hbm>>) target(%arg9 : memref<80xi32, #tpu.memory_space<vmem>>) target_semaphore(%arg20 : memref<!tpu.dma_semaphore, #tpu.memory_space<semaphore_mem>>)
      %dma_start3A_402 = tpu.memref_slice %arg3[%add3A_399] : memref<320000xi32, #tpu.memory_space<hbm>> -> memref<80xi32, #tpu.memory_space<hbm>>
      %dma_start3A_403 = tpu.memref_slice %arg3[%add3A_399] : memref<320000xi32, #tpu.memory_space<hbm>> -> memref<80xi32, #tpu.memory_space<hbm>>
      tpu.enqueue_dma source(%dma_start3A_403 : memref<80xi32, #tpu.memory_space<hbm>>) target(%arg11 : memref<80xi32, #tpu.memory_space<vmem>>) target_semaphore(%arg20 : memref<!tpu.dma_semaphore, #tpu.memory_space<semaphore_mem>>)
      %scan3A_404 = arith.constant 0 : i32
      %scan3A_405 = arith.constant 0 : i32
      %scan3A_406 = arith.constant 20 : i32
      %scan3A_407 = arith.addi %scan3A_405, %scan3A_406 : i32
      %scan3A_408 = arith.constant 1 : i32
      scf.for %scan3A_434 = %scan3A_405 to %scan3A_407 step %scan3A_408  : i32 {
        %mul3A_435 = arith.constant 4 : i32
        %mul3A_436 = arith.muli %scan3A_434, %mul3A_435 : i32
        %add3A_437 = arith.constant 0 : i32
        %add3A_438 = arith.addi %mul3A_436, %add3A_437 : i32
        %get3A_439 = arith.index_cast %add3A_438 : i32 to index
        %get3A_440 = arith.constant 0 : index
        %get3A_441 = tpu.vector_load %arg15[%get3A_439, %get3A_440] {strides = array<i32>} : memref<80x128xf32, #tpu.memory_space<vmem>>, vector<1x16xf32>,
        %get3A_442 = vector.shape_cast %get3A_441 : vector<1x16xf32> to vector<16xf32>
        %add3A_443 = arith.constant 0 : i32
        %add3A_444 = arith.addi %mul3A_436, %add3A_443 : i32
        %get3A_445 = arith.index_cast %add3A_444 : i32 to index
        %get3A_446 = arith.constant 0 : index
        %get3A_447 = tpu.vector_load %arg17[%get3A_445, %get3A_446] {strides = array<i32>} : memref<80x128xf32, #tpu.memory_space<vmem>>, vector<1x16xf32>,
        %get3A_448 = vector.shape_cast %get3A_447 : vector<1x16xf32> to vector<16xf32>
        %add3A_449 = arith.addf %get3A_442, %get3A_448 : vector<16xf32>
        %max3A = arith.constant 0.000000e+00 : f32
        %max3A_450 = vector.broadcast %max3A : f32 to vector<16xf32>
        %max3A_451 = arith.maximumf %add3A_449, %max3A_450 : vector<16xf32>
        %add3A_452 = arith.constant 0 : i32
        %add3A_453 = arith.addi %mul3A_436, %add3A_452 : i32
        %swap3A_454 = arith.index_cast %add3A_453 : i32 to index
        %swap3A_455 = arith.constant 0 : index
        %swap3A_456 = tpu.vector_load %arg15[%swap3A_454, %swap3A_455] {strides = array<i32>} : memref<80x128xf32, #tpu.memory_space<vmem>>, vector<1x16xf32>,
        %swap3A_457 = vector.shape_cast %swap3A_456 : vector<1x16xf32> to vector<16xf32>
        %swap3A_458 = vector.shape_cast %max3A_451 : vector<16xf32> to vector<1x16xf32>
        tpu.vector_store %arg15[%swap3A_454, %swap3A_455], %swap3A_458 {strides = array<i32>} : memref<80x128xf32, #tpu.memory_space<vmem>>, vector<1x16xf32>,
        %add3A_459 = arith.constant 0 : i32
        %add3A_460 = arith.addi %mul3A_436, %add3A_459 : i32
        %get3A_461 = arith.index_cast %add3A_460 : i32 to index
        %get3A_462 = arith.constant 16 : index
        %get3A_463 = tpu.vector_load %arg15[%get3A_461, %get3A_462] {strides = array<i32>} : memref<80x128xf32, #tpu.memory_space<vmem>>, vector<1x16xf32>,
        %get3A_464 = vector.shape_cast %get3A_463 : vector<1x16xf32> to vector<16xf32>
        %add3A_465 = arith.constant 0 : i32
        %add3A_466 = arith.addi %mul3A_436, %add3A_465 : i32
        %get3A_467 = arith.index_cast %add3A_466 : i32 to index
        %get3A_468 = arith.constant 16 : index
        %get3A_469 = tpu.vector_load %arg17[%get3A_467, %get3A_468] {strides = array<i32>} : memref<80x128xf32, #tpu.memory_space<vmem>>, vector<1x16xf32>,
        %get3A_470 = vector.shape_cast %get3A_469 : vector<1x16xf32> to vector<16xf32>
        %add3A_471 = arith.addf %get3A_464, %get3A_470 : vector<16xf32>
        %max3A_472 = arith.constant 0.000000e+00 : f32
        %max3A_473 = vector.broadcast %max3A_472 : f32 to vector<16xf32>
        %max3A_474 = arith.maximumf %add3A_471, %max3A_473 : vector<16xf32>
        %add3A_475 = arith.constant 0 : i32
        %add3A_476 = arith.addi %mul3A_436, %add3A_475 : i32
        %swap3A_477 = arith.index_cast %add3A_476 : i32 to index
        %swap3A_478 = arith.constant 16 : index
        %swap3A_479 = tpu.vector_load %arg15[%swap3A_477, %swap3A_478] {strides = array<i32>} : memref<80x128xf32, #tpu.memory_space<vmem>>, vector<1x16xf32>,
        %swap3A_480 = vector.shape_cast %swap3A_479 : vector<1x16xf32> to vector<16xf32>
        %swap3A_481 = vector.shape_cast %max3A_474 : vector<16xf32> to vector<1x16xf32>
        tpu.vector_store %arg15[%swap3A_477, %swap3A_478], %swap3A_481 {strides = array<i32>} : memref<80x128xf32, #tpu.memory_space<vmem>>, vector<1x16xf32>,
        %add3A_482 = arith.constant 0 : i32
        %add3A_483 = arith.addi %mul3A_436, %add3A_482 : i32
        %get3A_484 = arith.index_cast %add3A_483 : i32 to index
        %get3A_485 = arith.constant 32 : index
        %get3A_486 = tpu.vector_load %arg15[%get3A_484, %get3A_485] {strides = array<i32>} : memref<80x128xf32, #tpu.memory_space<vmem>>, vector<1x16xf32>,
        %get3A_487 = vector.shape_cast %get3A_486 : vector<1x16xf32> to vector<16xf32>
        %add3A_488 = arith.constant 0 : i32
        %add3A_489 = arith.addi %mul3A_436, %add3A_488 : i32
        %get3A_490 = arith.index_cast %add3A_489 : i32 to index
        %get3A_491 = arith.constant 32 : index
        %get3A_492 = tpu.vector_load %arg17[%get3A_490, %get3A_491] {strides = array<i32>} : memref<80x128xf32, #tpu.memory_space<vmem>>, vector<1x16xf32>,
        %get3A_493 = vector.shape_cast %get3A_492 : vector<1x16xf32> to vector<16xf32>
        %add3A_494 = arith.addf %get3A_487, %get3A_493 : vector<16xf32>
        %max3A_495 = arith.constant 0.000000e+00 : f32
        %max3A_496 = vector.broadcast %max3A_495 : f32 to vector<16xf32>
        %max3A_497 = arith.maximumf %add3A_494, %max3A_496 : vector<16xf32>
        %add3A_498 = arith.constant 0 : i32
        %add3A_499 = arith.addi %mul3A_436, %add3A_498 : i32
        %swap3A_500 = arith.index_cast %add3A_499 : i32 to index
        %swap3A_501 = arith.constant 32 : index
        %swap3A_502 = tpu.vector_load %arg15[%swap3A_500, %swap3A_501] {strides = array<i32>} : memref<80x128xf32, #tpu.memory_space<vmem>>, vector<1x16xf32>,
        %swap3A_503 = vector.shape_cast %swap3A_502 : vector<1x16xf32> to vector<16xf32>
        %swap3A_504 = vector.shape_cast %max3A_497 : vector<16xf32> to vector<1x16xf32>
        tpu.vector_store %arg15[%swap3A_500, %swap3A_501], %swap3A_504 {strides = array<i32>} : memref<80x128xf32, #tpu.memory_space<vmem>>, vector<1x16xf32>,
        %add3A_505 = arith.constant 0 : i32
        %add3A_506 = arith.addi %mul3A_436, %add3A_505 : i32
        %get3A_507 = arith.index_cast %add3A_506 : i32 to index
        %get3A_508 = arith.constant 48 : index
        %get3A_509 = tpu.vector_load %arg15[%get3A_507, %get3A_508] {strides = array<i32>} : memref<80x128xf32, #tpu.memory_space<vmem>>, vector<1x16xf32>,
        %get3A_510 = vector.shape_cast %get3A_509 : vector<1x16xf32> to vector<16xf32>
        %add3A_511 = arith.constant 0 : i32
        %add3A_512 = arith.addi %mul3A_436, %add3A_511 : i32
        %get3A_513 = arith.index_cast %add3A_512 : i32 to index
        %get3A_514 = arith.constant 48 : index
        %get3A_515 = tpu.vector_load %arg17[%get3A_513, %get3A_514] {strides = array<i32>} : memref<80x128xf32, #tpu.memory_space<vmem>>, vector<1x16xf32>,
        %get3A_516 = vector.shape_cast %get3A_515 : vector<1x16xf32> to vector<16xf32>
        %add3A_517 = arith.addf %get3A_510, %get3A_516 : vector<16xf32>
        %max3A_518 = arith.constant 0.000000e+00 : f32
        %max3A_519 = vector.broadcast %max3A_518 : f32 to vector<16xf32>
        %max3A_520 = arith.maximumf %add3A_517, %max3A_519 : vector<16xf32>
        %add3A_521 = arith.constant 0 : i32
        %add3A_522 = arith.addi %mul3A_436, %add3A_521 : i32
        %swap3A_523 = arith.index_cast %add3A_522 : i32 to index
        %swap3A_524 = arith.constant 48 : index
        %swap3A_525 = tpu.vector_load %arg15[%swap3A_523, %swap3A_524] {strides = array<i32>} : memref<80x128xf32, #tpu.memory_space<vmem>>, vector<1x16xf32>,
        %swap3A_526 = vector.shape_cast %swap3A_525 : vector<1x16xf32> to vector<16xf32>
        %swap3A_527 = vector.shape_cast %max3A_520 : vector<16xf32> to vector<1x16xf32>
        tpu.vector_store %arg15[%swap3A_523, %swap3A_524], %swap3A_527 {strides = array<i32>} : memref<80x128xf32, #tpu.memory_space<vmem>>, vector<1x16xf32>,
        %add3A_528 = arith.constant 0 : i32
        %add3A_529 = arith.addi %mul3A_436, %add3A_528 : i32
        %get3A_530 = arith.index_cast %add3A_529 : i32 to index
        %get3A_531 = arith.constant 64 : index
        %get3A_532 = tpu.vector_load %arg15[%get3A_530, %get3A_531] {strides = array<i32>} : memref<80x128xf32, #tpu.memory_space<vmem>>, vector<1x16xf32>,
        %get3A_533 = vector.shape_cast %get3A_532 : vector<1x16xf32> to vector<16xf32>
        %add3A_534 = arith.constant 0 : i32
        %add3A_535 = arith.addi %mul3A_436, %add3A_534 : i32
        %get3A_536 = arith.index_cast %add3A_535 : i32 to index
        %get3A_537 = arith.constant 64 : index
        %get3A_538 = tpu.vector_load %arg17[%get3A_536, %get3A_537] {strides = array<i32>} : memref<80x128xf32, #tpu.memory_space<vmem>>, vector<1x16xf32>,
        %get3A_539 = vector.shape_cast %get3A_538 : vector<1x16xf32> to vector<16xf32>
        %add3A_540 = arith.addf %get3A_533, %get3A_539 : vector<16xf32>
        %max3A_541 = arith.constant 0.000000e+00 : f32
        %max3A_542 = vector.broadcast %max3A_541 : f32 to vector<16xf32>
        %max3A_543 = arith.maximumf %add3A_540, %max3A_542 : vector<16xf32>
        %add3A_544 = arith.constant 0 : i32
        %add3A_545 = arith.addi %mul3A_436, %add3A_544 : i32
        %swap3A_546 = arith.index_cast %add3A_545 : i32 to index
        %swap3A_547 = arith.constant 64 : index
        %swap3A_548 = tpu.vector_load %arg15[%swap3A_546, %swap3A_547] {strides = array<i32>} : memref<80x128xf32, #tpu.memory_space<vmem>>, vector<1x16xf32>,
        %swap3A_549 = vector.shape_cast %swap3A_548 : vector<1x16xf32> to vector<16xf32>
        %swap3A_550 = vector.shape_cast %max3A_543 : vector<16xf32> to vector<1x16xf32>
        tpu.vector_store %arg15[%swap3A_546, %swap3A_547], %swap3A_550 {strides = array<i32>} : memref<80x128xf32, #tpu.memory_space<vmem>>, vector<1x16xf32>,
        %add3A_551 = arith.constant 0 : i32
        %add3A_552 = arith.addi %mul3A_436, %add3A_551 : i32
        %get3A_553 = arith.index_cast %add3A_552 : i32 to index
        %get3A_554 = arith.constant 80 : index
        %get3A_555 = tpu.vector_load %arg15[%get3A_553, %get3A_554] {strides = array<i32>} : memref<80x128xf32, #tpu.memory_space<vmem>>, vector<1x16xf32>,
        %get3A_556 = vector.shape_cast %get3A_555 : vector<1x16xf32> to vector<16xf32>
        %add3A_557 = arith.constant 0 : i32
        %add3A_558 = arith.addi %mul3A_436, %add3A_557 : i32
        %get3A_559 = arith.index_cast %add3A_558 : i32 to index
        %get3A_560 = arith.constant 80 : index
        %get3A_561 = tpu.vector_load %arg17[%get3A_559, %get3A_560] {strides = array<i32>} : memref<80x128xf32, #tpu.memory_space<vmem>>, vector<1x16xf32>,
        %get3A_562 = vector.shape_cast %get3A_561 : vector<1x16xf32> to vector<16xf32>
        %add3A_563 = arith.addf %get3A_556, %get3A_562 : vector<16xf32>
        %max3A_564 = arith.constant 0.000000e+00 : f32
        %max3A_565 = vector.broadcast %max3A_564 : f32 to vector<16xf32>
        %max3A_566 = arith.maximumf %add3A_563, %max3A_565 : vector<16xf32>
        %add3A_567 = arith.constant 0 : i32
        %add3A_568 = arith.addi %mul3A_436, %add3A_567 : i32
        %swap3A_569 = arith.index_cast %add3A_568 : i32 to index
        %swap3A_570 = arith.constant 80 : index
        %swap3A_571 = tpu.vector_load %arg15[%swap3A_569, %swap3A_570] {strides = array<i32>} : memref<80x128xf32, #tpu.memory_space<vmem>>, vector<1x16xf32>,
        %swap3A_572 = vector.shape_cast %swap3A_571 : vector<1x16xf32> to vector<16xf32>
        %swap3A_573 = vector.shape_cast %max3A_566 : vector<16xf32> to vector<1x16xf32>
        tpu.vector_store %arg15[%swap3A_569, %swap3A_570], %swap3A_573 {strides = array<i32>} : memref<80x128xf32, #tpu.memory_space<vmem>>, vector<1x16xf32>,
        %add3A_574 = arith.constant 0 : i32
        %add3A_575 = arith.addi %mul3A_436, %add3A_574 : i32
        %get3A_576 = arith.index_cast %add3A_575 : i32 to index
        %get3A_577 = arith.constant 96 : index
        %get3A_578 = tpu.vector_load %arg15[%get3A_576, %get3A_577] {strides = array<i32>} : memref<80x128xf32, #tpu.memory_space<vmem>>, vector<1x16xf32>,
        %get3A_579 = vector.shape_cast %get3A_578 : vector<1x16xf32> to vector<16xf32>
        %add3A_580 = arith.constant 0 : i32
        %add3A_581 = arith.addi %mul3A_436, %add3A_580 : i32
        %get3A_582 = arith.index_cast %add3A_581 : i32 to index
        %get3A_583 = arith.constant 96 : index
        %get3A_584 = tpu.vector_load %arg17[%get3A_582, %get3A_583] {strides = array<i32>} : memref<80x128xf32, #tpu.memory_space<vmem>>, vector<1x16xf32>,
        %get3A_585 = vector.shape_cast %get3A_584 : vector<1x16xf32> to vector<16xf32>
        %add3A_586 = arith.addf %get3A_579, %get3A_585 : vector<16xf32>
        %max3A_587 = arith.constant 0.000000e+00 : f32
        %max3A_588 = vector.broadcast %max3A_587 : f32 to vector<16xf32>
        %max3A_589 = arith.maximumf %add3A_586, %max3A_588 : vector<16xf32>
        %add3A_590 = arith.constant 0 : i32
        %add3A_591 = arith.addi %mul3A_436, %add3A_590 : i32
        %swap3A_592 = arith.index_cast %add3A_591 : i32 to index
        %swap3A_593 = arith.constant 96 : index
        %swap3A_594 = tpu.vector_load %arg15[%swap3A_592, %swap3A_593] {strides = array<i32>} : memref<80x128xf32, #tpu.memory_space<vmem>>, vector<1x16xf32>,
        %swap3A_595 = vector.shape_cast %swap3A_594 : vector<1x16xf32> to vector<16xf32>
        %swap3A_596 = vector.shape_cast %max3A_589 : vector<16xf32> to vector<1x16xf32>
        tpu.vector_store %arg15[%swap3A_592, %swap3A_593], %swap3A_596 {strides = array<i32>} : memref<80x128xf32, #tpu.memory_space<vmem>>, vector<1x16xf32>,
        %add3A_597 = arith.constant 0 : i32
        %add3A_598 = arith.addi %mul3A_436, %add3A_597 : i32
        %get3A_599 = arith.index_cast %add3A_598 : i32 to index
        %get3A_600 = arith.constant 112 : index
        %get3A_601 = tpu.vector_load %arg15[%get3A_599, %get3A_600] {strides = array<i32>} : memref<80x128xf32, #tpu.memory_space<vmem>>, vector<1x16xf32>,
        %get3A_602 = vector.shape_cast %get3A_601 : vector<1x16xf32> to vector<16xf32>
        %add3A_603 = arith.constant 0 : i32
        %add3A_604 = arith.addi %mul3A_436, %add3A_603 : i32
        %get3A_605 = arith.index_cast %add3A_604 : i32 to index
        %get3A_606 = arith.constant 112 : index
        %get3A_607 = tpu.vector_load %arg17[%get3A_605, %get3A_606] {strides = array<i32>} : memref<80x128xf32, #tpu.memory_space<vmem>>, vector<1x16xf32>,
        %get3A_608 = vector.shape_cast %get3A_607 : vector<1x16xf32> to vector<16xf32>
        %add3A_609 = arith.addf %get3A_602, %get3A_608 : vector<16xf32>
        %max3A_610 = arith.constant 0.000000e+00 : f32
        %max3A_611 = vector.broadcast %max3A_610 : f32 to vector<16xf32>
        %max3A_612 = arith.maximumf %add3A_609, %max3A_611 : vector<16xf32>
        %add3A_613 = arith.constant 0 : i32
        %add3A_614 = arith.addi %mul3A_436, %add3A_613 : i32
        %swap3A_615 = arith.index_cast %add3A_614 : i32 to index
        %swap3A_616 = arith.constant 112 : index
        %swap3A_617 = tpu.vector_load %arg15[%swap3A_615, %swap3A_616] {strides = array<i32>} : memref<80x128xf32, #tpu.memory_space<vmem>>, vector<1x16xf32>,
        %swap3A_618 = vector.shape_cast %swap3A_617 : vector<1x16xf32> to vector<16xf32>
        %swap3A_619 = vector.shape_cast %max3A_612 : vector<16xf32> to vector<1x16xf32>
        tpu.vector_store %arg15[%swap3A_615, %swap3A_616], %swap3A_619 {strides = array<i32>} : memref<80x128xf32, #tpu.memory_space<vmem>>, vector<1x16xf32>,
        %add3A_620 = arith.constant 1 : i32
        %add3A_621 = arith.addi %mul3A_436, %add3A_620 : i32
        %get3A_622 = arith.index_cast %add3A_621 : i32 to index
        %get3A_623 = arith.constant 0 : index
        %get3A_624 = tpu.vector_load %arg15[%get3A_622, %get3A_623] {strides = array<i32>} : memref<80x128xf32, #tpu.memory_space<vmem>>, vector<1x16xf32>,
        %get3A_625 = vector.shape_cast %get3A_624 : vector<1x16xf32> to vector<16xf32>
        %add3A_626 = arith.constant 1 : i32
        %add3A_627 = arith.addi %mul3A_436, %add3A_626 : i32
        %get3A_628 = arith.index_cast %add3A_627 : i32 to index
        %get3A_629 = arith.constant 0 : index
        %get3A_630 = tpu.vector_load %arg17[%get3A_628, %get3A_629] {strides = array<i32>} : memref<80x128xf32, #tpu.memory_space<vmem>>, vector<1x16xf32>,
        %get3A_631 = vector.shape_cast %get3A_630 : vector<1x16xf32> to vector<16xf32>
        %add3A_632 = arith.addf %get3A_625, %get3A_631 : vector<16xf32>
        %max3A_633 = arith.constant 0.000000e+00 : f32
        %max3A_634 = vector.broadcast %max3A_633 : f32 to vector<16xf32>
        %max3A_635 = arith.maximumf %add3A_632, %max3A_634 : vector<16xf32>
        %add3A_636 = arith.constant 1 : i32
        %add3A_637 = arith.addi %mul3A_436, %add3A_636 : i32
        %swap3A_638 = arith.index_cast %add3A_637 : i32 to index
        %swap3A_639 = arith.constant 0 : index
        %swap3A_640 = tpu.vector_load %arg15[%swap3A_638, %swap3A_639] {strides = array<i32>} : memref<80x128xf32, #tpu.memory_space<vmem>>, vector<1x16xf32>,
        %swap3A_641 = vector.shape_cast %swap3A_640 : vector<1x16xf32> to vector<16xf32>
        %swap3A_642 = vector.shape_cast %max3A_635 : vector<16xf32> to vector<1x16xf32>
        tpu.vector_store %arg15[%swap3A_638, %swap3A_639], %swap3A_642 {strides = array<i32>} : memref<80x128xf32, #tpu.memory_space<vmem>>, vector<1x16xf32>,
        %add3A_643 = arith.constant 1 : i32
        %add3A_644 = arith.addi %mul3A_436, %add3A_643 : i32
        %get3A_645 = arith.index_cast %add3A_644 : i32 to index
        %get3A_646 = arith.constant 16 : index
        %get3A_647 = tpu.vector_load %arg15[%get3A_645, %get3A_646] {strides = array<i32>} : memref<80x128xf32, #tpu.memory_space<vmem>>, vector<1x16xf32>,
        %get3A_648 = vector.shape_cast %get3A_647 : vector<1x16xf32> to vector<16xf32>
        %add3A_649 = arith.constant 1 : i32
        %add3A_650 = arith.addi %mul3A_436, %add3A_649 : i32
        %get3A_651 = arith.index_cast %add3A_650 : i32 to index
        %get3A_652 = arith.constant 16 : index
        %get3A_653 = tpu.vector_load %arg17[%get3A_651, %get3A_652] {strides = array<i32>} : memref<80x128xf32, #tpu.memory_space<vmem>>, vector<1x16xf32>,
        %get3A_654 = vector.shape_cast %get3A_653 : vector<1x16xf32> to vector<16xf32>
        %add3A_655 = arith.addf %get3A_648, %get3A_654 : vector<16xf32>
        %max3A_656 = arith.constant 0.000000e+00 : f32
        %max3A_657 = vector.broadcast %max3A_656 : f32 to vector<16xf32>
        %max3A_658 = arith.maximumf %add3A_655, %max3A_657 : vector<16xf32>
        %add3A_659 = arith.constant 1 : i32
        %add3A_660 = arith.addi %mul3A_436, %add3A_659 : i32
        %swap3A_661 = arith.index_cast %add3A_660 : i32 to index
        %swap3A_662 = arith.constant 16 : index
        %swap3A_663 = tpu.vector_load %arg15[%swap3A_661, %swap3A_662] {strides = array<i32>} : memref<80x128xf32, #tpu.memory_space<vmem>>, vector<1x16xf32>,
        %swap3A_664 = vector.shape_cast %swap3A_663 : vector<1x16xf32> to vector<16xf32>
        %swap3A_665 = vector.shape_cast %max3A_658 : vector<16xf32> to vector<1x16xf32>
        tpu.vector_store %arg15[%swap3A_661, %swap3A_662], %swap3A_665 {strides = array<i32>} : memref<80x128xf32, #tpu.memory_space<vmem>>, vector<1x16xf32>,
        %add3A_666 = arith.constant 1 : i32
        %add3A_667 = arith.addi %mul3A_436, %add3A_666 : i32
        %get3A_668 = arith.index_cast %add3A_667 : i32 to index
        %get3A_669 = arith.constant 32 : index
        %get3A_670 = tpu.vector_load %arg15[%get3A_668, %get3A_669] {strides = array<i32>} : memref<80x128xf32, #tpu.memory_space<vmem>>, vector<1x16xf32>,
        %get3A_671 = vector.shape_cast %get3A_670 : vector<1x16xf32> to vector<16xf32>
        %add3A_672 = arith.constant 1 : i32
        %add3A_673 = arith.addi %mul3A_436, %add3A_672 : i32
        %get3A_674 = arith.index_cast %add3A_673 : i32 to index
        %get3A_675 = arith.constant 32 : index
        %get3A_676 = tpu.vector_load %arg17[%get3A_674, %get3A_675] {strides = array<i32>} : memref<80x128xf32, #tpu.memory_space<vmem>>, vector<1x16xf32>,
        %get3A_677 = vector.shape_cast %get3A_676 : vector<1x16xf32> to vector<16xf32>
        %add3A_678 = arith.addf %get3A_671, %get3A_677 : vector<16xf32>
        %max3A_679 = arith.constant 0.000000e+00 : f32
        %max3A_680 = vector.broadcast %max3A_679 : f32 to vector<16xf32>
        %max3A_681 = arith.maximumf %add3A_678, %max3A_680 : vector<16xf32>
        %add3A_682 = arith.constant 1 : i32
        %add3A_683 = arith.addi %mul3A_436, %add3A_682 : i32
        %swap3A_684 = arith.index_cast %add3A_683 : i32 to index
        %swap3A_685 = arith.constant 32 : index
        %swap3A_686 = tpu.vector_load %arg15[%swap3A_684, %swap3A_685] {strides = array<i32>} : memref<80x128xf32, #tpu.memory_space<vmem>>, vector<1x16xf32>,
        %swap3A_687 = vector.shape_cast %swap3A_686 : vector<1x16xf32> to vector<16xf32>
        %swap3A_688 = vector.shape_cast %max3A_681 : vector<16xf32> to vector<1x16xf32>
        tpu.vector_store %arg15[%swap3A_684, %swap3A_685], %swap3A_688 {strides = array<i32>} : memref<80x128xf32, #tpu.memory_space<vmem>>, vector<1x16xf32>,
        %add3A_689 = arith.constant 1 : i32
        %add3A_690 = arith.addi %mul3A_436, %add3A_689 : i32
        %get3A_691 = arith.index_cast %add3A_690 : i32 to index
        %get3A_692 = arith.constant 48 : index
        %get3A_693 = tpu.vector_load %arg15[%get3A_691, %get3A_692] {strides = array<i32>} : memref<80x128xf32, #tpu.memory_space<vmem>>, vector<1x16xf32>,
        %get3A_694 = vector.shape_cast %get3A_693 : vector<1x16xf32> to vector<16xf32>
        %add3A_695 = arith.constant 1 : i32
        %add3A_696 = arith.addi %mul3A_436, %add3A_695 : i32
        %get3A_697 = arith.index_cast %add3A_696 : i32 to index
        %get3A_698 = arith.constant 48 : index
        %get3A_699 = tpu.vector_load %arg17[%get3A_697, %get3A_698] {strides = array<i32>} : memref<80x128xf32, #tpu.memory_space<vmem>>, vector<1x16xf32>,
        %get3A_700 = vector.shape_cast %get3A_699 : vector<1x16xf32> to vector<16xf32>
        %add3A_701 = arith.addf %get3A_694, %get3A_700 : vector<16xf32>
        %max3A_702 = arith.constant 0.000000e+00 : f32
        %max3A_703 = vector.broadcast %max3A_702 : f32 to vector<16xf32>
        %max3A_704 = arith.maximumf %add3A_701, %max3A_703 : vector<16xf32>
        %add3A_705 = arith.constant 1 : i32
        %add3A_706 = arith.addi %mul3A_436, %add3A_705 : i32
        %swap3A_707 = arith.index_cast %add3A_706 : i32 to index
        %swap3A_708 = arith.constant 48 : index
        %swap3A_709 = tpu.vector_load %arg15[%swap3A_707, %swap3A_708] {strides = array<i32>} : memref<80x128xf32, #tpu.memory_space<vmem>>, vector<1x16xf32>,
        %swap3A_710 = vector.shape_cast %swap3A_709 : vector<1x16xf32> to vector<16xf32>
        %swap3A_711 = vector.shape_cast %max3A_704 : vector<16xf32> to vector<1x16xf32>
        tpu.vector_store %arg15[%swap3A_707, %swap3A_708], %swap3A_711 {strides = array<i32>} : memref<80x128xf32, #tpu.memory_space<vmem>>, vector<1x16xf32>,
        %add3A_712 = arith.constant 1 : i32
        %add3A_713 = arith.addi %mul3A_436, %add3A_712 : i32
        %get3A_714 = arith.index_cast %add3A_713 : i32 to index
        %get3A_715 = arith.constant 64 : index
        %get3A_716 = tpu.vector_load %arg15[%get3A_714, %get3A_715] {strides = array<i32>} : memref<80x128xf32, #tpu.memory_space<vmem>>, vector<1x16xf32>,
        %get3A_717 = vector.shape_cast %get3A_716 : vector<1x16xf32> to vector<16xf32>
        %add3A_718 = arith.constant 1 : i32
        %add3A_719 = arith.addi %mul3A_436, %add3A_718 : i32
        %get3A_720 = arith.index_cast %add3A_719 : i32 to index
        %get3A_721 = arith.constant 64 : index
        %get3A_722 = tpu.vector_load %arg17[%get3A_720, %get3A_721] {strides = array<i32>} : memref<80x128xf32, #tpu.memory_space<vmem>>, vector<1x16xf32>,
        %get3A_723 = vector.shape_cast %get3A_722 : vector<1x16xf32> to vector<16xf32>
        %add3A_724 = arith.addf %get3A_717, %get3A_723 : vector<16xf32>
        %max3A_725 = arith.constant 0.000000e+00 : f32
        %max3A_726 = vector.broadcast %max3A_725 : f32 to vector<16xf32>
        %max3A_727 = arith.maximumf %add3A_724, %max3A_726 : vector<16xf32>
        %add3A_728 = arith.constant 1 : i32
        %add3A_729 = arith.addi %mul3A_436, %add3A_728 : i32
        %swap3A_730 = arith.index_cast %add3A_729 : i32 to index
        %swap3A_731 = arith.constant 64 : index
        %swap3A_732 = tpu.vector_load %arg15[%swap3A_730, %swap3A_731] {strides = array<i32>} : memref<80x128xf32, #tpu.memory_space<vmem>>, vector<1x16xf32>,
        %swap3A_733 = vector.shape_cast %swap3A_732 : vector<1x16xf32> to vector<16xf32>
        %swap3A_734 = vector.shape_cast %max3A_727 : vector<16xf32> to vector<1x16xf32>
        tpu.vector_store %arg15[%swap3A_730, %swap3A_731], %swap3A_734 {strides = array<i32>} : memref<80x128xf32, #tpu.memory_space<vmem>>, vector<1x16xf32>,
        %add3A_735 = arith.constant 1 : i32
        %add3A_736 = arith.addi %mul3A_436, %add3A_735 : i32
        %get3A_737 = arith.index_cast %add3A_736 : i32 to index
        %get3A_738 = arith.constant 80 : index
        %get3A_739 = tpu.vector_load %arg15[%get3A_737, %get3A_738] {strides = array<i32>} : memref<80x128xf32, #tpu.memory_space<vmem>>, vector<1x16xf32>,
        %get3A_740 = vector.shape_cast %get3A_739 : vector<1x16xf32> to vector<16xf32>
        %add3A_741 = arith.constant 1 : i32
        %add3A_742 = arith.addi %mul3A_436, %add3A_741 : i32
        %get3A_743 = arith.index_cast %add3A_742 : i32 to index
        %get3A_744 = arith.constant 80 : index
        %get3A_745 = tpu.vector_load %arg17[%get3A_743, %get3A_744] {strides = array<i32>} : memref<80x128xf32, #tpu.memory_space<vmem>>, vector<1x16xf32>,
        %get3A_746 = vector.shape_cast %get3A_745 : vector<1x16xf32> to vector<16xf32>
        %add3A_747 = arith.addf %get3A_740, %get3A_746 : vector<16xf32>
        %max3A_748 = arith.constant 0.000000e+00 : f32
        %max3A_749 = vector.broadcast %max3A_748 : f32 to vector<16xf32>
        %max3A_750 = arith.maximumf %add3A_747, %max3A_749 : vector<16xf32>
        %add3A_751 = arith.constant 1 : i32
        %add3A_752 = arith.addi %mul3A_436, %add3A_751 : i32
        %swap3A_753 = arith.index_cast %add3A_752 : i32 to index
        %swap3A_754 = arith.constant 80 : index
        %swap3A_755 = tpu.vector_load %arg15[%swap3A_753, %swap3A_754] {strides = array<i32>} : memref<80x128xf32, #tpu.memory_space<vmem>>, vector<1x16xf32>,
        %swap3A_756 = vector.shape_cast %swap3A_755 : vector<1x16xf32> to vector<16xf32>
        %swap3A_757 = vector.shape_cast %max3A_750 : vector<16xf32> to vector<1x16xf32>
        tpu.vector_store %arg15[%swap3A_753, %swap3A_754], %swap3A_757 {strides = array<i32>} : memref<80x128xf32, #tpu.memory_space<vmem>>, vector<1x16xf32>,
        %add3A_758 = arith.constant 1 : i32
        %add3A_759 = arith.addi %mul3A_436, %add3A_758 : i32
        %get3A_760 = arith.index_cast %add3A_759 : i32 to index
        %get3A_761 = arith.constant 96 : index
        %get3A_762 = tpu.vector_load %arg15[%get3A_760, %get3A_761] {strides = array<i32>} : memref<80x128xf32, #tpu.memory_space<vmem>>, vector<1x16xf32>,
        %get3A_763 = vector.shape_cast %get3A_762 : vector<1x16xf32> to vector<16xf32>
        %add3A_764 = arith.constant 1 : i32
        %add3A_765 = arith.addi %mul3A_436, %add3A_764 : i32
        %get3A_766 = arith.index_cast %add3A_765 : i32 to index
        %get3A_767 = arith.constant 96 : index
        %get3A_768 = tpu.vector_load %arg17[%get3A_766, %get3A_767] {strides = array<i32>} : memref<80x128xf32, #tpu.memory_space<vmem>>, vector<1x16xf32>,
        %get3A_769 = vector.shape_cast %get3A_768 : vector<1x16xf32> to vector<16xf32>
        %add3A_770 = arith.addf %get3A_763, %get3A_769 : vector<16xf32>
        %max3A_771 = arith.constant 0.000000e+00 : f32
        %max3A_772 = vector.broadcast %max3A_771 : f32 to vector<16xf32>
        %max3A_773 = arith.maximumf %add3A_770, %max3A_772 : vector<16xf32>
        %add3A_774 = arith.constant 1 : i32
        %add3A_775 = arith.addi %mul3A_436, %add3A_774 : i32
        %swap3A_776 = arith.index_cast %add3A_775 : i32 to index
        %swap3A_777 = arith.constant 96 : index
        %swap3A_778 = tpu.vector_load %arg15[%swap3A_776, %swap3A_777] {strides = array<i32>} : memref<80x128xf32, #tpu.memory_space<vmem>>, vector<1x16xf32>,
        %swap3A_779 = vector.shape_cast %swap3A_778 : vector<1x16xf32> to vector<16xf32>
        %swap3A_780 = vector.shape_cast %max3A_773 : vector<16xf32> to vector<1x16xf32>
        tpu.vector_store %arg15[%swap3A_776, %swap3A_777], %swap3A_780 {strides = array<i32>} : memref<80x128xf32, #tpu.memory_space<vmem>>, vector<1x16xf32>,
        %add3A_781 = arith.constant 1 : i32
        %add3A_782 = arith.addi %mul3A_436, %add3A_781 : i32
        %get3A_783 = arith.index_cast %add3A_782 : i32 to index
        %get3A_784 = arith.constant 112 : index
        %get3A_785 = tpu.vector_load %arg15[%get3A_783, %get3A_784] {strides = array<i32>} : memref<80x128xf32, #tpu.memory_space<vmem>>, vector<1x16xf32>,
        %get3A_786 = vector.shape_cast %get3A_785 : vector<1x16xf32> to vector<16xf32>
        %add3A_787 = arith.constant 1 : i32
        %add3A_788 = arith.addi %mul3A_436, %add3A_787 : i32
        %get3A_789 = arith.index_cast %add3A_788 : i32 to index
        %get3A_790 = arith.constant 112 : index
        %get3A_791 = tpu.vector_load %arg17[%get3A_789, %get3A_790] {strides = array<i32>} : memref<80x128xf32, #tpu.memory_space<vmem>>, vector<1x16xf32>,
        %get3A_792 = vector.shape_cast %get3A_791 : vector<1x16xf32> to vector<16xf32>
        %add3A_793 = arith.addf %get3A_786, %get3A_792 : vector<16xf32>
        %max3A_794 = arith.constant 0.000000e+00 : f32
        %max3A_795 = vector.broadcast %max3A_794 : f32 to vector<16xf32>
        %max3A_796 = arith.maximumf %add3A_793, %max3A_795 : vector<16xf32>
        %add3A_797 = arith.constant 1 : i32
        %add3A_798 = arith.addi %mul3A_436, %add3A_797 : i32
        %swap3A_799 = arith.index_cast %add3A_798 : i32 to index
        %swap3A_800 = arith.constant 112 : index
        %swap3A_801 = tpu.vector_load %arg15[%swap3A_799, %swap3A_800] {strides = array<i32>} : memref<80x128xf32, #tpu.memory_space<vmem>>, vector<1x16xf32>,
        %swap3A_802 = vector.shape_cast %swap3A_801 : vector<1x16xf32> to vector<16xf32>
        %swap3A_803 = vector.shape_cast %max3A_796 : vector<16xf32> to vector<1x16xf32>
        tpu.vector_store %arg15[%swap3A_799, %swap3A_800], %swap3A_803 {strides = array<i32>} : memref<80x128xf32, #tpu.memory_space<vmem>>, vector<1x16xf32>,
        %add3A_804 = arith.constant 2 : i32
        %add3A_805 = arith.addi %mul3A_436, %add3A_804 : i32
        %get3A_806 = arith.index_cast %add3A_805 : i32 to index
        %get3A_807 = arith.constant 0 : index
        %get3A_808 = tpu.vector_load %arg15[%get3A_806, %get3A_807] {strides = array<i32>} : memref<80x128xf32, #tpu.memory_space<vmem>>, vector<1x16xf32>,
        %get3A_809 = vector.shape_cast %get3A_808 : vector<1x16xf32> to vector<16xf32>
        %add3A_810 = arith.constant 2 : i32
        %add3A_811 = arith.addi %mul3A_436, %add3A_810 : i32
        %get3A_812 = arith.index_cast %add3A_811 : i32 to index
        %get3A_813 = arith.constant 0 : index
        %get3A_814 = tpu.vector_load %arg17[%get3A_812, %get3A_813] {strides = array<i32>} : memref<80x128xf32, #tpu.memory_space<vmem>>, vector<1x16xf32>,
        %get3A_815 = vector.shape_cast %get3A_814 : vector<1x16xf32> to vector<16xf32>
        %add3A_816 = arith.addf %get3A_809, %get3A_815 : vector<16xf32>
        %max3A_817 = arith.constant 0.000000e+00 : f32
        %max3A_818 = vector.broadcast %max3A_817 : f32 to vector<16xf32>
        %max3A_819 = arith.maximumf %add3A_816, %max3A_818 : vector<16xf32>
        %add3A_820 = arith.constant 2 : i32
        %add3A_821 = arith.addi %mul3A_436, %add3A_820 : i32
        %swap3A_822 = arith.index_cast %add3A_821 : i32 to index
        %swap3A_823 = arith.constant 0 : index
        %swap3A_824 = tpu.vector_load %arg15[%swap3A_822, %swap3A_823] {strides = array<i32>} : memref<80x128xf32, #tpu.memory_space<vmem>>, vector<1x16xf32>,
        %swap3A_825 = vector.shape_cast %swap3A_824 : vector<1x16xf32> to vector<16xf32>
        %swap3A_826 = vector.shape_cast %max3A_819 : vector<16xf32> to vector<1x16xf32>
        tpu.vector_store %arg15[%swap3A_822, %swap3A_823], %swap3A_826 {strides = array<i32>} : memref<80x128xf32, #tpu.memory_space<vmem>>, vector<1x16xf32>,
        %add3A_827 = arith.constant 2 : i32
        %add3A_828 = arith.addi %mul3A_436, %add3A_827 : i32
        %get3A_829 = arith.index_cast %add3A_828 : i32 to index
        %get3A_830 = arith.constant 16 : index
        %get3A_831 = tpu.vector_load %arg15[%get3A_829, %get3A_830] {strides = array<i32>} : memref<80x128xf32, #tpu.memory_space<vmem>>, vector<1x16xf32>,
        %get3A_832 = vector.shape_cast %get3A_831 : vector<1x16xf32> to vector<16xf32>
        %add3A_833 = arith.constant 2 : i32
        %add3A_834 = arith.addi %mul3A_436, %add3A_833 : i32
        %get3A_835 = arith.index_cast %add3A_834 : i32 to index
        %get3A_836 = arith.constant 16 : index
        %get3A_837 = tpu.vector_load %arg17[%get3A_835, %get3A_836] {strides = array<i32>} : memref<80x128xf32, #tpu.memory_space<vmem>>, vector<1x16xf32>,
        %get3A_838 = vector.shape_cast %get3A_837 : vector<1x16xf32> to vector<16xf32>
        %add3A_839 = arith.addf %get3A_832, %get3A_838 : vector<16xf32>
        %max3A_840 = arith.constant 0.000000e+00 : f32
        %max3A_841 = vector.broadcast %max3A_840 : f32 to vector<16xf32>
        %max3A_842 = arith.maximumf %add3A_839, %max3A_841 : vector<16xf32>
        %add3A_843 = arith.constant 2 : i32
        %add3A_844 = arith.addi %mul3A_436, %add3A_843 : i32
        %swap3A_845 = arith.index_cast %add3A_844 : i32 to index
        %swap3A_846 = arith.constant 16 : index
        %swap3A_847 = tpu.vector_load %arg15[%swap3A_845, %swap3A_846] {strides = array<i32>} : memref<80x128xf32, #tpu.memory_space<vmem>>, vector<1x16xf32>,
        %swap3A_848 = vector.shape_cast %swap3A_847 : vector<1x16xf32> to vector<16xf32>
        %swap3A_849 = vector.shape_cast %max3A_842 : vector<16xf32> to vector<1x16xf32>
        tpu.vector_store %arg15[%swap3A_845, %swap3A_846], %swap3A_849 {strides = array<i32>} : memref<80x128xf32, #tpu.memory_space<vmem>>, vector<1x16xf32>,
        %add3A_850 = arith.constant 2 : i32
        %add3A_851 = arith.addi %mul3A_436, %add3A_850 : i32
        %get3A_852 = arith.index_cast %add3A_851 : i32 to index
        %get3A_853 = arith.constant 32 : index
        %get3A_854 = tpu.vector_load %arg15[%get3A_852, %get3A_853] {strides = array<i32>} : memref<80x128xf32, #tpu.memory_space<vmem>>, vector<1x16xf32>,
        %get3A_855 = vector.shape_cast %get3A_854 : vector<1x16xf32> to vector<16xf32>
        %add3A_856 = arith.constant 2 : i32
        %add3A_857 = arith.addi %mul3A_436, %add3A_856 : i32
        %get3A_858 = arith.index_cast %add3A_857 : i32 to index
        %get3A_859 = arith.constant 32 : index
        %get3A_860 = tpu.vector_load %arg17[%get3A_858, %get3A_859] {strides = array<i32>} : memref<80x128xf32, #tpu.memory_space<vmem>>, vector<1x16xf32>,
        %get3A_861 = vector.shape_cast %get3A_860 : vector<1x16xf32> to vector<16xf32>
        %add3A_862 = arith.addf %get3A_855, %get3A_861 : vector<16xf32>
        %max3A_863 = arith.constant 0.000000e+00 : f32
        %max3A_864 = vector.broadcast %max3A_863 : f32 to vector<16xf32>
        %max3A_865 = arith.maximumf %add3A_862, %max3A_864 : vector<16xf32>
        %add3A_866 = arith.constant 2 : i32
        %add3A_867 = arith.addi %mul3A_436, %add3A_866 : i32
        %swap3A_868 = arith.index_cast %add3A_867 : i32 to index
        %swap3A_869 = arith.constant 32 : index
        %swap3A_870 = tpu.vector_load %arg15[%swap3A_868, %swap3A_869] {strides = array<i32>} : memref<80x128xf32, #tpu.memory_space<vmem>>, vector<1x16xf32>,
        %swap3A_871 = vector.shape_cast %swap3A_870 : vector<1x16xf32> to vector<16xf32>
        %swap3A_872 = vector.shape_cast %max3A_865 : vector<16xf32> to vector<1x16xf32>
        tpu.vector_store %arg15[%swap3A_868, %swap3A_869], %swap3A_872 {strides = array<i32>} : memref<80x128xf32, #tpu.memory_space<vmem>>, vector<1x16xf32>,
        %add3A_873 = arith.constant 2 : i32
        %add3A_874 = arith.addi %mul3A_436, %add3A_873 : i32
        %get3A_875 = arith.index_cast %add3A_874 : i32 to index
        %get3A_876 = arith.constant 48 : index
        %get3A_877 = tpu.vector_load %arg15[%get3A_875, %get3A_876] {strides = array<i32>} : memref<80x128xf32, #tpu.memory_space<vmem>>, vector<1x16xf32>,
        %get3A_878 = vector.shape_cast %get3A_877 : vector<1x16xf32> to vector<16xf32>
        %add3A_879 = arith.constant 2 : i32
        %add3A_880 = arith.addi %mul3A_436, %add3A_879 : i32
        %get3A_881 = arith.index_cast %add3A_880 : i32 to index
        %get3A_882 = arith.constant 48 : index
        %get3A_883 = tpu.vector_load %arg17[%get3A_881, %get3A_882] {strides = array<i32>} : memref<80x128xf32, #tpu.memory_space<vmem>>, vector<1x16xf32>,
        %get3A_884 = vector.shape_cast %get3A_883 : vector<1x16xf32> to vector<16xf32>
        %add3A_885 = arith.addf %get3A_878, %get3A_884 : vector<16xf32>
        %max3A_886 = arith.constant 0.000000e+00 : f32
        %max3A_887 = vector.broadcast %max3A_886 : f32 to vector<16xf32>
        %max3A_888 = arith.maximumf %add3A_885, %max3A_887 : vector<16xf32>
        %add3A_889 = arith.constant 2 : i32
        %add3A_890 = arith.addi %mul3A_436, %add3A_889 : i32
        %swap3A_891 = arith.index_cast %add3A_890 : i32 to index
        %swap3A_892 = arith.constant 48 : index
        %swap3A_893 = tpu.vector_load %arg15[%swap3A_891, %swap3A_892] {strides = array<i32>} : memref<80x128xf32, #tpu.memory_space<vmem>>, vector<1x16xf32>,
        %swap3A_894 = vector.shape_cast %swap3A_893 : vector<1x16xf32> to vector<16xf32>
        %swap3A_895 = vector.shape_cast %max3A_888 : vector<16xf32> to vector<1x16xf32>
        tpu.vector_store %arg15[%swap3A_891, %swap3A_892], %swap3A_895 {strides = array<i32>} : memref<80x128xf32, #tpu.memory_space<vmem>>, vector<1x16xf32>,
        %add3A_896 = arith.constant 2 : i32
        %add3A_897 = arith.addi %mul3A_436, %add3A_896 : i32
        %get3A_898 = arith.index_cast %add3A_897 : i32 to index
        %get3A_899 = arith.constant 64 : index
        %get3A_900 = tpu.vector_load %arg15[%get3A_898, %get3A_899] {strides = array<i32>} : memref<80x128xf32, #tpu.memory_space<vmem>>, vector<1x16xf32>,
        %get3A_901 = vector.shape_cast %get3A_900 : vector<1x16xf32> to vector<16xf32>
        %add3A_902 = arith.constant 2 : i32
        %add3A_903 = arith.addi %mul3A_436, %add3A_902 : i32
        %get3A_904 = arith.index_cast %add3A_903 : i32 to index
        %get3A_905 = arith.constant 64 : index
        %get3A_906 = tpu.vector_load %arg17[%get3A_904, %get3A_905] {strides = array<i32>} : memref<80x128xf32, #tpu.memory_space<vmem>>, vector<1x16xf32>,
        %get3A_907 = vector.shape_cast %get3A_906 : vector<1x16xf32> to vector<16xf32>
        %add3A_908 = arith.addf %get3A_901, %get3A_907 : vector<16xf32>
        %max3A_909 = arith.constant 0.000000e+00 : f32
        %max3A_910 = vector.broadcast %max3A_909 : f32 to vector<16xf32>
        %max3A_911 = arith.maximumf %add3A_908, %max3A_910 : vector<16xf32>
        %add3A_912 = arith.constant 2 : i32
        %add3A_913 = arith.addi %mul3A_436, %add3A_912 : i32
        %swap3A_914 = arith.index_cast %add3A_913 : i32 to index
        %swap3A_915 = arith.constant 64 : index
        %swap3A_916 = tpu.vector_load %arg15[%swap3A_914, %swap3A_915] {strides = array<i32>} : memref<80x128xf32, #tpu.memory_space<vmem>>, vector<1x16xf32>,
        %swap3A_917 = vector.shape_cast %swap3A_916 : vector<1x16xf32> to vector<16xf32>
        %swap3A_918 = vector.shape_cast %max3A_911 : vector<16xf32> to vector<1x16xf32>
        tpu.vector_store %arg15[%swap3A_914, %swap3A_915], %swap3A_918 {strides = array<i32>} : memref<80x128xf32, #tpu.memory_space<vmem>>, vector<1x16xf32>,
        %add3A_919 = arith.constant 2 : i32
        %add3A_920 = arith.addi %mul3A_436, %add3A_919 : i32
        %get3A_921 = arith.index_cast %add3A_920 : i32 to index
        %get3A_922 = arith.constant 80 : index
        %get3A_923 = tpu.vector_load %arg15[%get3A_921, %get3A_922] {strides = array<i32>} : memref<80x128xf32, #tpu.memory_space<vmem>>, vector<1x16xf32>,
        %get3A_924 = vector.shape_cast %get3A_923 : vector<1x16xf32> to vector<16xf32>
        %add3A_925 = arith.constant 2 : i32
        %add3A_926 = arith.addi %mul3A_436, %add3A_925 : i32
        %get3A_927 = arith.index_cast %add3A_926 : i32 to index
        %get3A_928 = arith.constant 80 : index
        %get3A_929 = tpu.vector_load %arg17[%get3A_927, %get3A_928] {strides = array<i32>} : memref<80x128xf32, #tpu.memory_space<vmem>>, vector<1x16xf32>,
        %get3A_930 = vector.shape_cast %get3A_929 : vector<1x16xf32> to vector<16xf32>
        %add3A_931 = arith.addf %get3A_924, %get3A_930 : vector<16xf32>
        %max3A_932 = arith.constant 0.000000e+00 : f32
        %max3A_933 = vector.broadcast %max3A_932 : f32 to vector<16xf32>
        %max3A_934 = arith.maximumf %add3A_931, %max3A_933 : vector<16xf32>
        %add3A_935 = arith.constant 2 : i32
        %add3A_936 = arith.addi %mul3A_436, %add3A_935 : i32
        %swap3A_937 = arith.index_cast %add3A_936 : i32 to index
        %swap3A_938 = arith.constant 80 : index
        %swap3A_939 = tpu.vector_load %arg15[%swap3A_937, %swap3A_938] {strides = array<i32>} : memref<80x128xf32, #tpu.memory_space<vmem>>, vector<1x16xf32>,
        %swap3A_940 = vector.shape_cast %swap3A_939 : vector<1x16xf32> to vector<16xf32>
        %swap3A_941 = vector.shape_cast %max3A_934 : vector<16xf32> to vector<1x16xf32>
        tpu.vector_store %arg15[%swap3A_937, %swap3A_938], %swap3A_941 {strides = array<i32>} : memref<80x128xf32, #tpu.memory_space<vmem>>, vector<1x16xf32>,
        %add3A_942 = arith.constant 2 : i32
        %add3A_943 = arith.addi %mul3A_436, %add3A_942 : i32
        %get3A_944 = arith.index_cast %add3A_943 : i32 to index
        %get3A_945 = arith.constant 96 : index
        %get3A_946 = tpu.vector_load %arg15[%get3A_944, %get3A_945] {strides = array<i32>} : memref<80x128xf32, #tpu.memory_space<vmem>>, vector<1x16xf32>,
        %get3A_947 = vector.shape_cast %get3A_946 : vector<1x16xf32> to vector<16xf32>
        %add3A_948 = arith.constant 2 : i32
        %add3A_949 = arith.addi %mul3A_436, %add3A_948 : i32
        %get3A_950 = arith.index_cast %add3A_949 : i32 to index
        %get3A_951 = arith.constant 96 : index
        %get3A_952 = tpu.vector_load %arg17[%get3A_950, %get3A_951] {strides = array<i32>} : memref<80x128xf32, #tpu.memory_space<vmem>>, vector<1x16xf32>,
        %get3A_953 = vector.shape_cast %get3A_952 : vector<1x16xf32> to vector<16xf32>
        %add3A_954 = arith.addf %get3A_947, %get3A_953 : vector<16xf32>
        %max3A_955 = arith.constant 0.000000e+00 : f32
        %max3A_956 = vector.broadcast %max3A_955 : f32 to vector<16xf32>
        %max3A_957 = arith.maximumf %add3A_954, %max3A_956 : vector<16xf32>
        %add3A_958 = arith.constant 2 : i32
        %add3A_959 = arith.addi %mul3A_436, %add3A_958 : i32
        %swap3A_960 = arith.index_cast %add3A_959 : i32 to index
        %swap3A_961 = arith.constant 96 : index
        %swap3A_962 = tpu.vector_load %arg15[%swap3A_960, %swap3A_961] {strides = array<i32>} : memref<80x128xf32, #tpu.memory_space<vmem>>, vector<1x16xf32>,
        %swap3A_963 = vector.shape_cast %swap3A_962 : vector<1x16xf32> to vector<16xf32>
        %swap3A_964 = vector.shape_cast %max3A_957 : vector<16xf32> to vector<1x16xf32>
        tpu.vector_store %arg15[%swap3A_960, %swap3A_961], %swap3A_964 {strides = array<i32>} : memref<80x128xf32, #tpu.memory_space<vmem>>, vector<1x16xf32>,
        %add3A_965 = arith.constant 2 : i32
        %add3A_966 = arith.addi %mul3A_436, %add3A_965 : i32
        %get3A_967 = arith.index_cast %add3A_966 : i32 to index
        %get3A_968 = arith.constant 112 : index
        %get3A_969 = tpu.vector_load %arg15[%get3A_967, %get3A_968] {strides = array<i32>} : memref<80x128xf32, #tpu.memory_space<vmem>>, vector<1x16xf32>,
        %get3A_970 = vector.shape_cast %get3A_969 : vector<1x16xf32> to vector<16xf32>
        %add3A_971 = arith.constant 2 : i32
        %add3A_972 = arith.addi %mul3A_436, %add3A_971 : i32
        %get3A_973 = arith.index_cast %add3A_972 : i32 to index
        %get3A_974 = arith.constant 112 : index
        %get3A_975 = tpu.vector_load %arg17[%get3A_973, %get3A_974] {strides = array<i32>} : memref<80x128xf32, #tpu.memory_space<vmem>>, vector<1x16xf32>,
        %get3A_976 = vector.shape_cast %get3A_975 : vector<1x16xf32> to vector<16xf32>
        %add3A_977 = arith.addf %get3A_970, %get3A_976 : vector<16xf32>
        %max3A_978 = arith.constant 0.000000e+00 : f32
        %max3A_979 = vector.broadcast %max3A_978 : f32 to vector<16xf32>
        %max3A_980 = arith.maximumf %add3A_977, %max3A_979 : vector<16xf32>
        %add3A_981 = arith.constant 2 : i32
        %add3A_982 = arith.addi %mul3A_436, %add3A_981 : i32
        %swap3A_983 = arith.index_cast %add3A_982 : i32 to index
        %swap3A_984 = arith.constant 112 : index
        %swap3A_985 = tpu.vector_load %arg15[%swap3A_983, %swap3A_984] {strides = array<i32>} : memref<80x128xf32, #tpu.memory_space<vmem>>, vector<1x16xf32>,
        %swap3A_986 = vector.shape_cast %swap3A_985 : vector<1x16xf32> to vector<16xf32>
        %swap3A_987 = vector.shape_cast %max3A_980 : vector<16xf32> to vector<1x16xf32>
        tpu.vector_store %arg15[%swap3A_983, %swap3A_984], %swap3A_987 {strides = array<i32>} : memref<80x128xf32, #tpu.memory_space<vmem>>, vector<1x16xf32>,
        %add3A_988 = arith.constant 3 : i32
        %add3A_989 = arith.addi %mul3A_436, %add3A_988 : i32
        %get3A_990 = arith.index_cast %add3A_989 : i32 to index
        %get3A_991 = arith.constant 0 : index
        %get3A_992 = tpu.vector_load %arg15[%get3A_990, %get3A_991] {strides = array<i32>} : memref<80x128xf32, #tpu.memory_space<vmem>>, vector<1x16xf32>,
        %get3A_993 = vector.shape_cast %get3A_992 : vector<1x16xf32> to vector<16xf32>
        %add3A_994 = arith.constant 3 : i32
        %add3A_995 = arith.addi %mul3A_436, %add3A_994 : i32
        %get3A_996 = arith.index_cast %add3A_995 : i32 to index
        %get3A_997 = arith.constant 0 : index
        %get3A_998 = tpu.vector_load %arg17[%get3A_996, %get3A_997] {strides = array<i32>} : memref<80x128xf32, #tpu.memory_space<vmem>>, vector<1x16xf32>,
        %get3A_999 = vector.shape_cast %get3A_998 : vector<1x16xf32> to vector<16xf32>
        %add3A_1000 = arith.addf %get3A_993, %get3A_999 : vector<16xf32>
        %max3A_1001 = arith.constant 0.000000e+00 : f32
        %max3A_1002 = vector.broadcast %max3A_1001 : f32 to vector<16xf32>
        %max3A_1003 = arith.maximumf %add3A_1000, %max3A_1002 : vector<16xf32>
        %add3A_1004 = arith.constant 3 : i32
        %add3A_1005 = arith.addi %mul3A_436, %add3A_1004 : i32
        %swap3A_1006 = arith.index_cast %add3A_1005 : i32 to index
        %swap3A_1007 = arith.constant 0 : index
        %swap3A_1008 = tpu.vector_load %arg15[%swap3A_1006, %swap3A_1007] {strides = array<i32>} : memref<80x128xf32, #tpu.memory_space<vmem>>, vector<1x16xf32>,
        %swap3A_1009 = vector.shape_cast %swap3A_1008 : vector<1x16xf32> to vector<16xf32>
        %swap3A_1010 = vector.shape_cast %max3A_1003 : vector<16xf32> to vector<1x16xf32>
        tpu.vector_store %arg15[%swap3A_1006, %swap3A_1007], %swap3A_1010 {strides = array<i32>} : memref<80x128xf32, #tpu.memory_space<vmem>>, vector<1x16xf32>,
        %add3A_1011 = arith.constant 3 : i32
        %add3A_1012 = arith.addi %mul3A_436, %add3A_1011 : i32
        %get3A_1013 = arith.index_cast %add3A_1012 : i32 to index
        %get3A_1014 = arith.constant 16 : index
        %get3A_1015 = tpu.vector_load %arg15[%get3A_1013, %get3A_1014] {strides = array<i32>} : memref<80x128xf32, #tpu.memory_space<vmem>>, vector<1x16xf32>,
        %get3A_1016 = vector.shape_cast %get3A_1015 : vector<1x16xf32> to vector<16xf32>
        %add3A_1017 = arith.constant 3 : i32
        %add3A_1018 = arith.addi %mul3A_436, %add3A_1017 : i32
        %get3A_1019 = arith.index_cast %add3A_1018 : i32 to index
        %get3A_1020 = arith.constant 16 : index
        %get3A_1021 = tpu.vector_load %arg17[%get3A_1019, %get3A_1020] {strides = array<i32>} : memref<80x128xf32, #tpu.memory_space<vmem>>, vector<1x16xf32>,
        %get3A_1022 = vector.shape_cast %get3A_1021 : vector<1x16xf32> to vector<16xf32>
        %add3A_1023 = arith.addf %get3A_1016, %get3A_1022 : vector<16xf32>
        %max3A_1024 = arith.constant 0.000000e+00 : f32
        %max3A_1025 = vector.broadcast %max3A_1024 : f32 to vector<16xf32>
        %max3A_1026 = arith.maximumf %add3A_1023, %max3A_1025 : vector<16xf32>
        %add3A_1027 = arith.constant 3 : i32
        %add3A_1028 = arith.addi %mul3A_436, %add3A_1027 : i32
        %swap3A_1029 = arith.index_cast %add3A_1028 : i32 to index
        %swap3A_1030 = arith.constant 16 : index
        %swap3A_1031 = tpu.vector_load %arg15[%swap3A_1029, %swap3A_1030] {strides = array<i32>} : memref<80x128xf32, #tpu.memory_space<vmem>>, vector<1x16xf32>,
        %swap3A_1032 = vector.shape_cast %swap3A_1031 : vector<1x16xf32> to vector<16xf32>
        %swap3A_1033 = vector.shape_cast %max3A_1026 : vector<16xf32> to vector<1x16xf32>
        tpu.vector_store %arg15[%swap3A_1029, %swap3A_1030], %swap3A_1033 {strides = array<i32>} : memref<80x128xf32, #tpu.memory_space<vmem>>, vector<1x16xf32>,
        %add3A_1034 = arith.constant 3 : i32
        %add3A_1035 = arith.addi %mul3A_436, %add3A_1034 : i32
        %get3A_1036 = arith.index_cast %add3A_1035 : i32 to index
        %get3A_1037 = arith.constant 32 : index
        %get3A_1038 = tpu.vector_load %arg15[%get3A_1036, %get3A_1037] {strides = array<i32>} : memref<80x128xf32, #tpu.memory_space<vmem>>, vector<1x16xf32>,
        %get3A_1039 = vector.shape_cast %get3A_1038 : vector<1x16xf32> to vector<16xf32>
        %add3A_1040 = arith.constant 3 : i32
        %add3A_1041 = arith.addi %mul3A_436, %add3A_1040 : i32
        %get3A_1042 = arith.index_cast %add3A_1041 : i32 to index
        %get3A_1043 = arith.constant 32 : index
        %get3A_1044 = tpu.vector_load %arg17[%get3A_1042, %get3A_1043] {strides = array<i32>} : memref<80x128xf32, #tpu.memory_space<vmem>>, vector<1x16xf32>,
        %get3A_1045 = vector.shape_cast %get3A_1044 : vector<1x16xf32> to vector<16xf32>
        %add3A_1046 = arith.addf %get3A_1039, %get3A_1045 : vector<16xf32>
        %max3A_1047 = arith.constant 0.000000e+00 : f32
        %max3A_1048 = vector.broadcast %max3A_1047 : f32 to vector<16xf32>
        %max3A_1049 = arith.maximumf %add3A_1046, %max3A_1048 : vector<16xf32>
        %add3A_1050 = arith.constant 3 : i32
        %add3A_1051 = arith.addi %mul3A_436, %add3A_1050 : i32
        %swap3A_1052 = arith.index_cast %add3A_1051 : i32 to index
        %swap3A_1053 = arith.constant 32 : index
        %swap3A_1054 = tpu.vector_load %arg15[%swap3A_1052, %swap3A_1053] {strides = array<i32>} : memref<80x128xf32, #tpu.memory_space<vmem>>, vector<1x16xf32>,
        %swap3A_1055 = vector.shape_cast %swap3A_1054 : vector<1x16xf32> to vector<16xf32>
        %swap3A_1056 = vector.shape_cast %max3A_1049 : vector<16xf32> to vector<1x16xf32>
        tpu.vector_store %arg15[%swap3A_1052, %swap3A_1053], %swap3A_1056 {strides = array<i32>} : memref<80x128xf32, #tpu.memory_space<vmem>>, vector<1x16xf32>,
        %add3A_1057 = arith.constant 3 : i32
        %add3A_1058 = arith.addi %mul3A_436, %add3A_1057 : i32
        %get3A_1059 = arith.index_cast %add3A_1058 : i32 to index
        %get3A_1060 = arith.constant 48 : index
        %get3A_1061 = tpu.vector_load %arg15[%get3A_1059, %get3A_1060] {strides = array<i32>} : memref<80x128xf32, #tpu.memory_space<vmem>>, vector<1x16xf32>,
        %get3A_1062 = vector.shape_cast %get3A_1061 : vector<1x16xf32> to vector<16xf32>
        %add3A_1063 = arith.constant 3 : i32
        %add3A_1064 = arith.addi %mul3A_436, %add3A_1063 : i32
        %get3A_1065 = arith.index_cast %add3A_1064 : i32 to index
        %get3A_1066 = arith.constant 48 : index
        %get3A_1067 = tpu.vector_load %arg17[%get3A_1065, %get3A_1066] {strides = array<i32>} : memref<80x128xf32, #tpu.memory_space<vmem>>, vector<1x16xf32>,
        %get3A_1068 = vector.shape_cast %get3A_1067 : vector<1x16xf32> to vector<16xf32>
        %add3A_1069 = arith.addf %get3A_1062, %get3A_1068 : vector<16xf32>
        %max3A_1070 = arith.constant 0.000000e+00 : f32
        %max3A_1071 = vector.broadcast %max3A_1070 : f32 to vector<16xf32>
        %max3A_1072 = arith.maximumf %add3A_1069, %max3A_1071 : vector<16xf32>
        %add3A_1073 = arith.constant 3 : i32
        %add3A_1074 = arith.addi %mul3A_436, %add3A_1073 : i32
        %swap3A_1075 = arith.index_cast %add3A_1074 : i32 to index
        %swap3A_1076 = arith.constant 48 : index
        %swap3A_1077 = tpu.vector_load %arg15[%swap3A_1075, %swap3A_1076] {strides = array<i32>} : memref<80x128xf32, #tpu.memory_space<vmem>>, vector<1x16xf32>,
        %swap3A_1078 = vector.shape_cast %swap3A_1077 : vector<1x16xf32> to vector<16xf32>
        %swap3A_1079 = vector.shape_cast %max3A_1072 : vector<16xf32> to vector<1x16xf32>
        tpu.vector_store %arg15[%swap3A_1075, %swap3A_1076], %swap3A_1079 {strides = array<i32>} : memref<80x128xf32, #tpu.memory_space<vmem>>, vector<1x16xf32>,
        %add3A_1080 = arith.constant 3 : i32
        %add3A_1081 = arith.addi %mul3A_436, %add3A_1080 : i32
        %get3A_1082 = arith.index_cast %add3A_1081 : i32 to index
        %get3A_1083 = arith.constant 64 : index
        %get3A_1084 = tpu.vector_load %arg15[%get3A_1082, %get3A_1083] {strides = array<i32>} : memref<80x128xf32, #tpu.memory_space<vmem>>, vector<1x16xf32>,
        %get3A_1085 = vector.shape_cast %get3A_1084 : vector<1x16xf32> to vector<16xf32>
        %add3A_1086 = arith.constant 3 : i32
        %add3A_1087 = arith.addi %mul3A_436, %add3A_1086 : i32
        %get3A_1088 = arith.index_cast %add3A_1087 : i32 to index
        %get3A_1089 = arith.constant 64 : index
        %get3A_1090 = tpu.vector_load %arg17[%get3A_1088, %get3A_1089] {strides = array<i32>} : memref<80x128xf32, #tpu.memory_space<vmem>>, vector<1x16xf32>,
        %get3A_1091 = vector.shape_cast %get3A_1090 : vector<1x16xf32> to vector<16xf32>
        %add3A_1092 = arith.addf %get3A_1085, %get3A_1091 : vector<16xf32>
        %max3A_1093 = arith.constant 0.000000e+00 : f32
        %max3A_1094 = vector.broadcast %max3A_1093 : f32 to vector<16xf32>
        %max3A_1095 = arith.maximumf %add3A_1092, %max3A_1094 : vector<16xf32>
        %add3A_1096 = arith.constant 3 : i32
        %add3A_1097 = arith.addi %mul3A_436, %add3A_1096 : i32
        %swap3A_1098 = arith.index_cast %add3A_1097 : i32 to index
        %swap3A_1099 = arith.constant 64 : index
        %swap3A_1100 = tpu.vector_load %arg15[%swap3A_1098, %swap3A_1099] {strides = array<i32>} : memref<80x128xf32, #tpu.memory_space<vmem>>, vector<1x16xf32>,
        %swap3A_1101 = vector.shape_cast %swap3A_1100 : vector<1x16xf32> to vector<16xf32>
        %swap3A_1102 = vector.shape_cast %max3A_1095 : vector<16xf32> to vector<1x16xf32>
        tpu.vector_store %arg15[%swap3A_1098, %swap3A_1099], %swap3A_1102 {strides = array<i32>} : memref<80x128xf32, #tpu.memory_space<vmem>>, vector<1x16xf32>,
        %add3A_1103 = arith.constant 3 : i32
        %add3A_1104 = arith.addi %mul3A_436, %add3A_1103 : i32
        %get3A_1105 = arith.index_cast %add3A_1104 : i32 to index
        %get3A_1106 = arith.constant 80 : index
        %get3A_1107 = tpu.vector_load %arg15[%get3A_1105, %get3A_1106] {strides = array<i32>} : memref<80x128xf32, #tpu.memory_space<vmem>>, vector<1x16xf32>,
        %get3A_1108 = vector.shape_cast %get3A_1107 : vector<1x16xf32> to vector<16xf32>
        %add3A_1109 = arith.constant 3 : i32
        %add3A_1110 = arith.addi %mul3A_436, %add3A_1109 : i32
        %get3A_1111 = arith.index_cast %add3A_1110 : i32 to index
        %get3A_1112 = arith.constant 80 : index
        %get3A_1113 = tpu.vector_load %arg17[%get3A_1111, %get3A_1112] {strides = array<i32>} : memref<80x128xf32, #tpu.memory_space<vmem>>, vector<1x16xf32>,
        %get3A_1114 = vector.shape_cast %get3A_1113 : vector<1x16xf32> to vector<16xf32>
        %add3A_1115 = arith.addf %get3A_1108, %get3A_1114 : vector<16xf32>
        %max3A_1116 = arith.constant 0.000000e+00 : f32
        %max3A_1117 = vector.broadcast %max3A_1116 : f32 to vector<16xf32>
        %max3A_1118 = arith.maximumf %add3A_1115, %max3A_1117 : vector<16xf32>
        %add3A_1119 = arith.constant 3 : i32
        %add3A_1120 = arith.addi %mul3A_436, %add3A_1119 : i32
        %swap3A_1121 = arith.index_cast %add3A_1120 : i32 to index
        %swap3A_1122 = arith.constant 80 : index
        %swap3A_1123 = tpu.vector_load %arg15[%swap3A_1121, %swap3A_1122] {strides = array<i32>} : memref<80x128xf32, #tpu.memory_space<vmem>>, vector<1x16xf32>,
        %swap3A_1124 = vector.shape_cast %swap3A_1123 : vector<1x16xf32> to vector<16xf32>
        %swap3A_1125 = vector.shape_cast %max3A_1118 : vector<16xf32> to vector<1x16xf32>
        tpu.vector_store %arg15[%swap3A_1121, %swap3A_1122], %swap3A_1125 {strides = array<i32>} : memref<80x128xf32, #tpu.memory_space<vmem>>, vector<1x16xf32>,
        %add3A_1126 = arith.constant 3 : i32
        %add3A_1127 = arith.addi %mul3A_436, %add3A_1126 : i32
        %get3A_1128 = arith.index_cast %add3A_1127 : i32 to index
        %get3A_1129 = arith.constant 96 : index
        %get3A_1130 = tpu.vector_load %arg15[%get3A_1128, %get3A_1129] {strides = array<i32>} : memref<80x128xf32, #tpu.memory_space<vmem>>, vector<1x16xf32>,
        %get3A_1131 = vector.shape_cast %get3A_1130 : vector<1x16xf32> to vector<16xf32>
        %add3A_1132 = arith.constant 3 : i32
        %add3A_1133 = arith.addi %mul3A_436, %add3A_1132 : i32
        %get3A_1134 = arith.index_cast %add3A_1133 : i32 to index
        %get3A_1135 = arith.constant 96 : index
        %get3A_1136 = tpu.vector_load %arg17[%get3A_1134, %get3A_1135] {strides = array<i32>} : memref<80x128xf32, #tpu.memory_space<vmem>>, vector<1x16xf32>,
        %get3A_1137 = vector.shape_cast %get3A_1136 : vector<1x16xf32> to vector<16xf32>
        %add3A_1138 = arith.addf %get3A_1131, %get3A_1137 : vector<16xf32>
        %max3A_1139 = arith.constant 0.000000e+00 : f32
        %max3A_1140 = vector.broadcast %max3A_1139 : f32 to vector<16xf32>
        %max3A_1141 = arith.maximumf %add3A_1138, %max3A_1140 : vector<16xf32>
        %add3A_1142 = arith.constant 3 : i32
        %add3A_1143 = arith.addi %mul3A_436, %add3A_1142 : i32
        %swap3A_1144 = arith.index_cast %add3A_1143 : i32 to index
        %swap3A_1145 = arith.constant 96 : index
        %swap3A_1146 = tpu.vector_load %arg15[%swap3A_1144, %swap3A_1145] {strides = array<i32>} : memref<80x128xf32, #tpu.memory_space<vmem>>, vector<1x16xf32>,
        %swap3A_1147 = vector.shape_cast %swap3A_1146 : vector<1x16xf32> to vector<16xf32>
        %swap3A_1148 = vector.shape_cast %max3A_1141 : vector<16xf32> to vector<1x16xf32>
        tpu.vector_store %arg15[%swap3A_1144, %swap3A_1145], %swap3A_1148 {strides = array<i32>} : memref<80x128xf32, #tpu.memory_space<vmem>>, vector<1x16xf32>,
        %add3A_1149 = arith.constant 3 : i32
        %add3A_1150 = arith.addi %mul3A_436, %add3A_1149 : i32
        %get3A_1151 = arith.index_cast %add3A_1150 : i32 to index
        %get3A_1152 = arith.constant 112 : index
        %get3A_1153 = tpu.vector_load %arg15[%get3A_1151, %get3A_1152] {strides = array<i32>} : memref<80x128xf32, #tpu.memory_space<vmem>>, vector<1x16xf32>,
        %get3A_1154 = vector.shape_cast %get3A_1153 : vector<1x16xf32> to vector<16xf32>
        %add3A_1155 = arith.constant 3 : i32
        %add3A_1156 = arith.addi %mul3A_436, %add3A_1155 : i32
        %get3A_1157 = arith.index_cast %add3A_1156 : i32 to index
        %get3A_1158 = arith.constant 112 : index
        %get3A_1159 = tpu.vector_load %arg17[%get3A_1157, %get3A_1158] {strides = array<i32>} : memref<80x128xf32, #tpu.memory_space<vmem>>, vector<1x16xf32>,
        %get3A_1160 = vector.shape_cast %get3A_1159 : vector<1x16xf32> to vector<16xf32>
        %add3A_1161 = arith.addf %get3A_1154, %get3A_1160 : vector<16xf32>
        %max3A_1162 = arith.constant 0.000000e+00 : f32
        %max3A_1163 = vector.broadcast %max3A_1162 : f32 to vector<16xf32>
        %max3A_1164 = arith.maximumf %add3A_1161, %max3A_1163 : vector<16xf32>
        %add3A_1165 = arith.constant 3 : i32
        %add3A_1166 = arith.addi %mul3A_436, %add3A_1165 : i32
        %swap3A_1167 = arith.index_cast %add3A_1166 : i32 to index
        %swap3A_1168 = arith.constant 112 : index
        %swap3A_1169 = tpu.vector_load %arg15[%swap3A_1167, %swap3A_1168] {strides = array<i32>} : memref<80x128xf32, #tpu.memory_space<vmem>>, vector<1x16xf32>,
        %swap3A_1170 = vector.shape_cast %swap3A_1169 : vector<1x16xf32> to vector<16xf32>
        %swap3A_1171 = vector.shape_cast %max3A_1164 : vector<16xf32> to vector<1x16xf32>
        tpu.vector_store %arg15[%swap3A_1167, %swap3A_1168], %swap3A_1171 {strides = array<i32>} : memref<80x128xf32, #tpu.memory_space<vmem>>, vector<1x16xf32>,
      }
      %scan3A_409 = arith.constant 20 : i32
      %dma_start3A_410 = arith.constant 0 : i32
      %dma_start3A_411 = arith.constant 0 : i32
      %dma_start3A_412 = tpu.memref_slice %arg18[%dma_start3A_410, %dma_start3A_411] : memref<10240x128xf32, #tpu.memory_space<vmem_shared>> -> memref<10240x128xf32, #tpu.memory_space<vmem_shared>>
      tpu.enqueue_indirect_dma source(%arg15 : memref<80x128xf32, #tpu.memory_space<vmem>>) target(%dma_start3A_412 : memref<10240x128xf32, #tpu.memory_space<vmem_shared>>) offsets(%arg13 : memref<80xi32, #tpu.memory_space<vmem>>) semaphore(%arg26 : memref<!tpu.dma_semaphore, #tpu.memory_space<semaphore_mem>>) {add = true}
      %dma_wait3A_413 = arith.constant 0 : i32
      %dma_wait3A_414 = arith.constant 0 : i32
      %dma_wait3A_415 = tpu.memref_slice %arg18[%dma_wait3A_413, %dma_wait3A_414] : memref<10240x128xf32, #tpu.memory_space<vmem_shared>> -> memref<10240x128xf32, #tpu.memory_space<vmem_shared>>
      tpu.wait_indirect_dma semaphore(%arg25 : memref<!tpu.dma_semaphore, #tpu.memory_space<semaphore_mem>>) src(%arg14 : memref<80x128xf32, #tpu.memory_space<vmem>>) dst(%dma_wait3A_415 : memref<10240x128xf32, #tpu.memory_space<vmem_shared>>)
      %dma_wait3A_416 = tpu.memref_slice %arg2[%mul3A_4] : memref<320000xi32, #tpu.memory_space<hbm>> -> memref<80xi32, #tpu.memory_space<hbm>>
      %dma_wait3A_417 = tpu.memref_slice %arg2[%mul3A_4] : memref<320000xi32, #tpu.memory_space<hbm>> -> memref<80xi32, #tpu.memory_space<hbm>>
      tpu.wait_dma2 semaphore(%arg19 : memref<!tpu.dma_semaphore, #tpu.memory_space<semaphore_mem>>) src(%dma_wait3A_417 : memref<80xi32, #tpu.memory_space<hbm>>) dst(%arg8 : memref<80xi32, #tpu.memory_space<vmem>>)
      %dma_wait3A_418 = tpu.memref_slice %arg3[%mul3A_4] : memref<320000xi32, #tpu.memory_space<hbm>> -> memref<80xi32, #tpu.memory_space<hbm>>
      %dma_wait3A_419 = tpu.memref_slice %arg3[%mul3A_4] : memref<320000xi32, #tpu.memory_space<hbm>> -> memref<80xi32, #tpu.memory_space<hbm>>
      tpu.wait_dma2 semaphore(%arg19 : memref<!tpu.dma_semaphore, #tpu.memory_space<semaphore_mem>>) src(%dma_wait3A_419 : memref<80xi32, #tpu.memory_space<hbm>>) dst(%arg10 : memref<80xi32, #tpu.memory_space<vmem>>)
      %add3A_420 = arith.constant 2 : i32
      %add3A_421 = arith.addi %add3A_267, %add3A_420 : i32
      %dma_start3A_422 = arith.constant 0 : i32
      %dma_start3A_423 = arith.constant 0 : i32
      %dma_start3A_424 = tpu.memref_slice %arg5[%dma_start3A_422, %dma_start3A_423] : memref<10000x128xf32, #tpu.memory_space<hbm>> -> memref<10000x128xf32, #tpu.memory_space<hbm>>
      tpu.enqueue_indirect_dma source(%dma_start3A_424 : memref<10000x128xf32, #tpu.memory_space<hbm>>) target(%arg14 : memref<80x128xf32, #tpu.memory_space<vmem>>) offsets(%arg8 : memref<80xi32, #tpu.memory_space<vmem>>) semaphore(%arg21 : memref<!tpu.dma_semaphore, #tpu.memory_space<semaphore_mem>>)
      %min3A_425 = arith.constant 124 : i32
      %min3A_426 = arith.minsi %add3A_421, %min3A_425 : i32
      %mul3A_427 = arith.constant 80 : i32
      %mul3A_428 = arith.muli %min3A_426, %mul3A_427 : i32
      %add3A_429 = arith.addi %mul3A_4, %mul3A_428 : i32
      %dma_start3A_430 = arith.constant 0 : i32
      %dma_start3A_431 = tpu.memref_slice %arg4[%add3A_429, %dma_start3A_430] : memref<320000x128xf32, #tpu.memory_space<hbm>> -> memref<80x128xf32, #tpu.memory_space<hbm>>
      %dma_start3A_432 = arith.constant 0 : i32
      %dma_start3A_433 = tpu.memref_slice %arg4[%add3A_429, %dma_start3A_432] : memref<320000x128xf32, #tpu.memory_space<hbm>> -> memref<80x128xf32, #tpu.memory_space<hbm>>
      tpu.enqueue_dma source(%dma_start3A_433 : memref<80x128xf32, #tpu.memory_space<hbm>>) target(%arg16 : memref<80x128xf32, #tpu.memory_space<vmem>>) target_semaphore(%arg23 : memref<!tpu.dma_semaphore, #tpu.memory_space<semaphore_mem>>)
    }
    %scan3A_200 = arith.constant 61 : i32
    %dma_wait3A_201 = arith.constant 0 : i32
    %dma_wait3A_202 = arith.constant 0 : i32
    %dma_wait3A_203 = tpu.memref_slice %arg5[%dma_wait3A_201, %dma_wait3A_202] : memref<10000x128xf32, #tpu.memory_space<hbm>> -> memref<10000x128xf32, #tpu.memory_space<hbm>>
    tpu.wait_indirect_dma semaphore(%arg21 : memref<!tpu.dma_semaphore, #tpu.memory_space<semaphore_mem>>) src(%dma_wait3A_203 : memref<10000x128xf32, #tpu.memory_space<hbm>>) dst(%arg14 : memref<80x128xf32, #tpu.memory_space<vmem>>)
    %dma_wait3A_204 = arith.constant 0 : i32
    %dma_wait3A_205 = tpu.memref_slice %arg4[%mul3A_4, %dma_wait3A_204] : memref<320000x128xf32, #tpu.memory_space<hbm>> -> memref<80x128xf32, #tpu.memory_space<hbm>>
    %dma_wait3A_206 = arith.constant 0 : i32
    %dma_wait3A_207 = tpu.memref_slice %arg4[%mul3A_4, %dma_wait3A_206] : memref<320000x128xf32, #tpu.memory_space<hbm>> -> memref<80x128xf32, #tpu.memory_space<hbm>>
    tpu.wait_dma2 semaphore(%arg23 : memref<!tpu.dma_semaphore, #tpu.memory_space<semaphore_mem>>) src(%dma_wait3A_207 : memref<80x128xf32, #tpu.memory_space<hbm>>) dst(%arg16 : memref<80x128xf32, #tpu.memory_space<vmem>>)
    %get3A_208 = arith.constant 0 : index
    %get3A_209 = tpu.vector_load %arg10[%get3A_208] {strides = array<i32>} : memref<80xi32, #tpu.memory_space<vmem>>, vector<16xi32>,
    %get3A_210 = vector.shape_cast %get3A_209 : vector<16xi32> to vector<16xi32>
    %swap3A_211 = arith.constant 0 : index
    %swap3A_212 = tpu.vector_load %arg12[%swap3A_211] {strides = array<i32>} : memref<80xi32, #tpu.memory_space<vmem>>, vector<16xi32>,
    %swap3A_213 = vector.shape_cast %swap3A_212 : vector<16xi32> to vector<16xi32>
    %swap3A_214 = vector.shape_cast %get3A_210 : vector<16xi32> to vector<16xi32>
    tpu.vector_store %arg12[%swap3A_211], %swap3A_214 {strides = array<i32>} : memref<80xi32, #tpu.memory_space<vmem>>, vector<16xi32>,
    %get3A_215 = arith.constant 16 : index
    %get3A_216 = tpu.vector_load %arg10[%get3A_215] {strides = array<i32>} : memref<80xi32, #tpu.memory_space<vmem>>, vector<16xi32>,
    %get3A_217 = vector.shape_cast %get3A_216 : vector<16xi32> to vector<16xi32>
    %swap3A_218 = arith.constant 16 : index
    %swap3A_219 = tpu.vector_load %arg12[%swap3A_218] {strides = array<i32>} : memref<80xi32, #tpu.memory_space<vmem>>, vector<16xi32>,
    %swap3A_220 = vector.shape_cast %swap3A_219 : vector<16xi32> to vector<16xi32>
    %swap3A_221 = vector.shape_cast %get3A_217 : vector<16xi32> to vector<16xi32>
    tpu.vector_store %arg12[%swap3A_218], %swap3A_221 {strides = array<i32>} : memref<80xi32, #tpu.memory_space<vmem>>, vector<16xi32>,
    %get3A_222 = arith.constant 32 : index
    %get3A_223 = tpu.vector_load %arg10[%get3A_222] {strides = array<i32>} : memref<80xi32, #tpu.memory_space<vmem>>, vector<16xi32>,
    %get3A_224 = vector.shape_cast %get3A_223 : vector<16xi32> to vector<16xi32>
    %swap3A_225 = arith.constant 32 : index
    %swap3A_226 = tpu.vector_load %arg12[%swap3A_225] {strides = array<i32>} : memref<80xi32, #tpu.memory_space<vmem>>, vector<16xi32>,
    %swap3A_227 = vector.shape_cast %swap3A_226 : vector<16xi32> to vector<16xi32>
    %swap3A_228 = vector.shape_cast %get3A_224 : vector<16xi32> to vector<16xi32>
    tpu.vector_store %arg12[%swap3A_225], %swap3A_228 {strides = array<i32>} : memref<80xi32, #tpu.memory_space<vmem>>, vector<16xi32>,
    %get3A_229 = arith.constant 48 : index
    %get3A_230 = tpu.vector_load %arg10[%get3A_229] {strides = array<i32>} : memref<80xi32, #tpu.memory_space<vmem>>, vector<16xi32>,
    %get3A_231 = vector.shape_cast %get3A_230 : vector<16xi32> to vector<16xi32>
    %swap3A_232 = arith.constant 48 : index
    %swap3A_233 = tpu.vector_load %arg12[%swap3A_232] {strides = array<i32>} : memref<80xi32, #tpu.memory_space<vmem>>, vector<16xi32>,
    %swap3A_234 = vector.shape_cast %swap3A_233 : vector<16xi32> to vector<16xi32>
    %swap3A_235 = vector.shape_cast %get3A_231 : vector<16xi32> to vector<16xi32>
    tpu.vector_store %arg12[%swap3A_232], %swap3A_235 {strides = array<i32>} : memref<80xi32, #tpu.memory_space<vmem>>, vector<16xi32>,
    %get3A_236 = arith.constant 64 : index
    %get3A_237 = tpu.vector_load %arg10[%get3A_236] {strides = array<i32>} : memref<80xi32, #tpu.memory_space<vmem>>, vector<16xi32>,
    %get3A_238 = vector.shape_cast %get3A_237 : vector<16xi32> to vector<16xi32>
    %swap3A_239 = arith.constant 64 : index
    %swap3A_240 = tpu.vector_load %arg12[%swap3A_239] {strides = array<i32>} : memref<80xi32, #tpu.memory_space<vmem>>, vector<16xi32>,
    %swap3A_241 = vector.shape_cast %swap3A_240 : vector<16xi32> to vector<16xi32>
    %swap3A_242 = vector.shape_cast %get3A_238 : vector<16xi32> to vector<16xi32>
    tpu.vector_store %arg12[%swap3A_239], %swap3A_242 {strides = array<i32>} : memref<80xi32, #tpu.memory_space<vmem>>, vector<16xi32>,
    %scan3A_243 = arith.constant 0 : i32
    %scan3A_244 = arith.constant 0 : i32
    %scan3A_245 = arith.constant 20 : i32
    %scan3A_246 = arith.addi %scan3A_244, %scan3A_245 : i32
    %scan3A_247 = arith.constant 1 : i32
    scf.for %scan3A_263 = %scan3A_244 to %scan3A_246 step %scan3A_247  : i32 {
      %mul3A_264 = arith.constant 4 : i32
      %mul3A_265 = arith.muli %scan3A_263, %mul3A_264 : i32
      %add3A_266 = arith.constant 0 : i32
      %add3A_267 = arith.addi %mul3A_265, %add3A_266 : i32
      %get3A_268 = arith.index_cast %add3A_267 : i32 to index
      %get3A_269 = arith.constant 0 : index
      %get3A_270 = tpu.vector_load %arg14[%get3A_268, %get3A_269] {strides = array<i32>} : memref<80x128xf32, #tpu.memory_space<vmem>>, vector<1x16xf32>,
      %get3A_271 = vector.shape_cast %get3A_270 : vector<1x16xf32> to vector<16xf32>
      %add3A_272 = arith.constant 0 : i32
      %add3A_273 = arith.addi %mul3A_265, %add3A_272 : i32
      %get3A_274 = arith.index_cast %add3A_273 : i32 to index
      %get3A_275 = arith.constant 0 : index
      %get3A_276 = tpu.vector_load %arg16[%get3A_274, %get3A_275] {strides = array<i32>} : memref<80x128xf32, #tpu.memory_space<vmem>>, vector<1x16xf32>,
      %get3A_277 = vector.shape_cast %get3A_276 : vector<1x16xf32> to vector<16xf32>
      %add3A_278 = arith.addf %get3A_271, %get3A_277 : vector<16xf32>
      %max3A = arith.constant 0.000000e+00 : f32
      %max3A_279 = vector.broadcast %max3A : f32 to vector<16xf32>
      %max3A_280 = arith.maximumf %add3A_278, %max3A_279 : vector<16xf32>
      %add3A_281 = arith.constant 0 : i32
      %add3A_282 = arith.addi %mul3A_265, %add3A_281 : i32
      %swap3A_283 = arith.index_cast %add3A_282 : i32 to index
      %swap3A_284 = arith.constant 0 : index
      %swap3A_285 = tpu.vector_load %arg14[%swap3A_283, %swap3A_284] {strides = array<i32>} : memref<80x128xf32, #tpu.memory_space<vmem>>, vector<1x16xf32>,
      %swap3A_286 = vector.shape_cast %swap3A_285 : vector<1x16xf32> to vector<16xf32>
      %swap3A_287 = vector.shape_cast %max3A_280 : vector<16xf32> to vector<1x16xf32>
      tpu.vector_store %arg14[%swap3A_283, %swap3A_284], %swap3A_287 {strides = array<i32>} : memref<80x128xf32, #tpu.memory_space<vmem>>, vector<1x16xf32>,
      %add3A_288 = arith.constant 0 : i32
      %add3A_289 = arith.addi %mul3A_265, %add3A_288 : i32
      %get3A_290 = arith.index_cast %add3A_289 : i32 to index
      %get3A_291 = arith.constant 16 : index
      %get3A_292 = tpu.vector_load %arg14[%get3A_290, %get3A_291] {strides = array<i32>} : memref<80x128xf32, #tpu.memory_space<vmem>>, vector<1x16xf32>,
      %get3A_293 = vector.shape_cast %get3A_292 : vector<1x16xf32> to vector<16xf32>
      %add3A_294 = arith.constant 0 : i32
      %add3A_295 = arith.addi %mul3A_265, %add3A_294 : i32
      %get3A_296 = arith.index_cast %add3A_295 : i32 to index
      %get3A_297 = arith.constant 16 : index
      %get3A_298 = tpu.vector_load %arg16[%get3A_296, %get3A_297] {strides = array<i32>} : memref<80x128xf32, #tpu.memory_space<vmem>>, vector<1x16xf32>,
      %get3A_299 = vector.shape_cast %get3A_298 : vector<1x16xf32> to vector<16xf32>
      %add3A_300 = arith.addf %get3A_293, %get3A_299 : vector<16xf32>
      %max3A_301 = arith.constant 0.000000e+00 : f32
      %max3A_302 = vector.broadcast %max3A_301 : f32 to vector<16xf32>
      %max3A_303 = arith.maximumf %add3A_300, %max3A_302 : vector<16xf32>
      %add3A_304 = arith.constant 0 : i32
      %add3A_305 = arith.addi %mul3A_265, %add3A_304 : i32
      %swap3A_306 = arith.index_cast %add3A_305 : i32 to index
      %swap3A_307 = arith.constant 16 : index
      %swap3A_308 = tpu.vector_load %arg14[%swap3A_306, %swap3A_307] {strides = array<i32>} : memref<80x128xf32, #tpu.memory_space<vmem>>, vector<1x16xf32>,
      %swap3A_309 = vector.shape_cast %swap3A_308 : vector<1x16xf32> to vector<16xf32>
      %swap3A_310 = vector.shape_cast %max3A_303 : vector<16xf32> to vector<1x16xf32>
      tpu.vector_store %arg14[%swap3A_306, %swap3A_307], %swap3A_310 {strides = array<i32>} : memref<80x128xf32, #tpu.memory_space<vmem>>, vector<1x16xf32>,
      %add3A_311 = arith.constant 0 : i32
      %add3A_312 = arith.addi %mul3A_265, %add3A_311 : i32
      %get3A_313 = arith.index_cast %add3A_312 : i32 to index
      %get3A_314 = arith.constant 32 : index
      %get3A_315 = tpu.vector_load %arg14[%get3A_313, %get3A_314] {strides = array<i32>} : memref<80x128xf32, #tpu.memory_space<vmem>>, vector<1x16xf32>,
      %get3A_316 = vector.shape_cast %get3A_315 : vector<1x16xf32> to vector<16xf32>
      %add3A_317 = arith.constant 0 : i32
      %add3A_318 = arith.addi %mul3A_265, %add3A_317 : i32
      %get3A_319 = arith.index_cast %add3A_318 : i32 to index
      %get3A_320 = arith.constant 32 : index
      %get3A_321 = tpu.vector_load %arg16[%get3A_319, %get3A_320] {strides = array<i32>} : memref<80x128xf32, #tpu.memory_space<vmem>>, vector<1x16xf32>,
      %get3A_322 = vector.shape_cast %get3A_321 : vector<1x16xf32> to vector<16xf32>
      %add3A_323 = arith.addf %get3A_316, %get3A_322 : vector<16xf32>
      %max3A_324 = arith.constant 0.000000e+00 : f32
      %max3A_325 = vector.broadcast %max3A_324 : f32 to vector<16xf32>
      %max3A_326 = arith.maximumf %add3A_323, %max3A_325 : vector<16xf32>
      %add3A_327 = arith.constant 0 : i32
      %add3A_328 = arith.addi %mul3A_265, %add3A_327 : i32
      %swap3A_329 = arith.index_cast %add3A_328 : i32 to index
      %swap3A_330 = arith.constant 32 : index
      %swap3A_331 = tpu.vector_load %arg14[%swap3A_329, %swap3A_330] {strides = array<i32>} : memref<80x128xf32, #tpu.memory_space<vmem>>, vector<1x16xf32>,
      %swap3A_332 = vector.shape_cast %swap3A_331 : vector<1x16xf32> to vector<16xf32>
      %swap3A_333 = vector.shape_cast %max3A_326 : vector<16xf32> to vector<1x16xf32>
      tpu.vector_store %arg14[%swap3A_329, %swap3A_330], %swap3A_333 {strides = array<i32>} : memref<80x128xf32, #tpu.memory_space<vmem>>, vector<1x16xf32>,
      %add3A_334 = arith.constant 0 : i32
      %add3A_335 = arith.addi %mul3A_265, %add3A_334 : i32
      %get3A_336 = arith.index_cast %add3A_335 : i32 to index
      %get3A_337 = arith.constant 48 : index
      %get3A_338 = tpu.vector_load %arg14[%get3A_336, %get3A_337] {strides = array<i32>} : memref<80x128xf32, #tpu.memory_space<vmem>>, vector<1x16xf32>,
      %get3A_339 = vector.shape_cast %get3A_338 : vector<1x16xf32> to vector<16xf32>
      %add3A_340 = arith.constant 0 : i32
      %add3A_341 = arith.addi %mul3A_265, %add3A_340 : i32
      %get3A_342 = arith.index_cast %add3A_341 : i32 to index
      %get3A_343 = arith.constant 48 : index
      %get3A_344 = tpu.vector_load %arg16[%get3A_342, %get3A_343] {strides = array<i32>} : memref<80x128xf32, #tpu.memory_space<vmem>>, vector<1x16xf32>,
      %get3A_345 = vector.shape_cast %get3A_344 : vector<1x16xf32> to vector<16xf32>
      %add3A_346 = arith.addf %get3A_339, %get3A_345 : vector<16xf32>
      %max3A_347 = arith.constant 0.000000e+00 : f32
      %max3A_348 = vector.broadcast %max3A_347 : f32 to vector<16xf32>
      %max3A_349 = arith.maximumf %add3A_346, %max3A_348 : vector<16xf32>
      %add3A_350 = arith.constant 0 : i32
      %add3A_351 = arith.addi %mul3A_265, %add3A_350 : i32
      %swap3A_352 = arith.index_cast %add3A_351 : i32 to index
      %swap3A_353 = arith.constant 48 : index
      %swap3A_354 = tpu.vector_load %arg14[%swap3A_352, %swap3A_353] {strides = array<i32>} : memref<80x128xf32, #tpu.memory_space<vmem>>, vector<1x16xf32>,
      %swap3A_355 = vector.shape_cast %swap3A_354 : vector<1x16xf32> to vector<16xf32>
      %swap3A_356 = vector.shape_cast %max3A_349 : vector<16xf32> to vector<1x16xf32>
      tpu.vector_store %arg14[%swap3A_352, %swap3A_353], %swap3A_356 {strides = array<i32>} : memref<80x128xf32, #tpu.memory_space<vmem>>, vector<1x16xf32>,
      %add3A_357 = arith.constant 0 : i32
      %add3A_358 = arith.addi %mul3A_265, %add3A_357 : i32
      %get3A_359 = arith.index_cast %add3A_358 : i32 to index
      %get3A_360 = arith.constant 64 : index
      %get3A_361 = tpu.vector_load %arg14[%get3A_359, %get3A_360] {strides = array<i32>} : memref<80x128xf32, #tpu.memory_space<vmem>>, vector<1x16xf32>,
      %get3A_362 = vector.shape_cast %get3A_361 : vector<1x16xf32> to vector<16xf32>
      %add3A_363 = arith.constant 0 : i32
      %add3A_364 = arith.addi %mul3A_265, %add3A_363 : i32
      %get3A_365 = arith.index_cast %add3A_364 : i32 to index
      %get3A_366 = arith.constant 64 : index
      %get3A_367 = tpu.vector_load %arg16[%get3A_365, %get3A_366] {strides = array<i32>} : memref<80x128xf32, #tpu.memory_space<vmem>>, vector<1x16xf32>,
      %get3A_368 = vector.shape_cast %get3A_367 : vector<1x16xf32> to vector<16xf32>
      %add3A_369 = arith.addf %get3A_362, %get3A_368 : vector<16xf32>
      %max3A_370 = arith.constant 0.000000e+00 : f32
      %max3A_371 = vector.broadcast %max3A_370 : f32 to vector<16xf32>
      %max3A_372 = arith.maximumf %add3A_369, %max3A_371 : vector<16xf32>
      %add3A_373 = arith.constant 0 : i32
      %add3A_374 = arith.addi %mul3A_265, %add3A_373 : i32
      %swap3A_375 = arith.index_cast %add3A_374 : i32 to index
      %swap3A_376 = arith.constant 64 : index
      %swap3A_377 = tpu.vector_load %arg14[%swap3A_375, %swap3A_376] {strides = array<i32>} : memref<80x128xf32, #tpu.memory_space<vmem>>, vector<1x16xf32>,
      %swap3A_378 = vector.shape_cast %swap3A_377 : vector<1x16xf32> to vector<16xf32>
      %swap3A_379 = vector.shape_cast %max3A_372 : vector<16xf32> to vector<1x16xf32>
      tpu.vector_store %arg14[%swap3A_375, %swap3A_376], %swap3A_379 {strides = array<i32>} : memref<80x128xf32, #tpu.memory_space<vmem>>, vector<1x16xf32>,
      %add3A_380 = arith.constant 0 : i32
      %add3A_381 = arith.addi %mul3A_265, %add3A_380 : i32
      %get3A_382 = arith.index_cast %add3A_381 : i32 to index
      %get3A_383 = arith.constant 80 : index
      %get3A_384 = tpu.vector_load %arg14[%get3A_382, %get3A_383] {strides = array<i32>} : memref<80x128xf32, #tpu.memory_space<vmem>>, vector<1x16xf32>,
      %get3A_385 = vector.shape_cast %get3A_384 : vector<1x16xf32> to vector<16xf32>
      %add3A_386 = arith.constant 0 : i32
      %add3A_387 = arith.addi %mul3A_265, %add3A_386 : i32
      %get3A_388 = arith.index_cast %add3A_387 : i32 to index
      %get3A_389 = arith.constant 80 : index
      %get3A_390 = tpu.vector_load %arg16[%get3A_388, %get3A_389] {strides = array<i32>} : memref<80x128xf32, #tpu.memory_space<vmem>>, vector<1x16xf32>,
      %get3A_391 = vector.shape_cast %get3A_390 : vector<1x16xf32> to vector<16xf32>
      %add3A_392 = arith.addf %get3A_385, %get3A_391 : vector<16xf32>
      %max3A_393 = arith.constant 0.000000e+00 : f32
      %max3A_394 = vector.broadcast %max3A_393 : f32 to vector<16xf32>
      %max3A_395 = arith.maximumf %add3A_392, %max3A_394 : vector<16xf32>
      %add3A_396 = arith.constant 0 : i32
      %add3A_397 = arith.addi %mul3A_265, %add3A_396 : i32
      %swap3A_398 = arith.index_cast %add3A_397 : i32 to index
      %swap3A_399 = arith.constant 80 : index
      %swap3A_400 = tpu.vector_load %arg14[%swap3A_398, %swap3A_399] {strides = array<i32>} : memref<80x128xf32, #tpu.memory_space<vmem>>, vector<1x16xf32>,
      %swap3A_401 = vector.shape_cast %swap3A_400 : vector<1x16xf32> to vector<16xf32>
      %swap3A_402 = vector.shape_cast %max3A_395 : vector<16xf32> to vector<1x16xf32>
      tpu.vector_store %arg14[%swap3A_398, %swap3A_399], %swap3A_402 {strides = array<i32>} : memref<80x128xf32, #tpu.memory_space<vmem>>, vector<1x16xf32>,
      %add3A_403 = arith.constant 0 : i32
      %add3A_404 = arith.addi %mul3A_265, %add3A_403 : i32
      %get3A_405 = arith.index_cast %add3A_404 : i32 to index
      %get3A_406 = arith.constant 96 : index
      %get3A_407 = tpu.vector_load %arg14[%get3A_405, %get3A_406] {strides = array<i32>} : memref<80x128xf32, #tpu.memory_space<vmem>>, vector<1x16xf32>,
      %get3A_408 = vector.shape_cast %get3A_407 : vector<1x16xf32> to vector<16xf32>
      %add3A_409 = arith.constant 0 : i32
      %add3A_410 = arith.addi %mul3A_265, %add3A_409 : i32
      %get3A_411 = arith.index_cast %add3A_410 : i32 to index
      %get3A_412 = arith.constant 96 : index
      %get3A_413 = tpu.vector_load %arg16[%get3A_411, %get3A_412] {strides = array<i32>} : memref<80x128xf32, #tpu.memory_space<vmem>>, vector<1x16xf32>,
      %get3A_414 = vector.shape_cast %get3A_413 : vector<1x16xf32> to vector<16xf32>
      %add3A_415 = arith.addf %get3A_408, %get3A_414 : vector<16xf32>
      %max3A_416 = arith.constant 0.000000e+00 : f32
      %max3A_417 = vector.broadcast %max3A_416 : f32 to vector<16xf32>
      %max3A_418 = arith.maximumf %add3A_415, %max3A_417 : vector<16xf32>
      %add3A_419 = arith.constant 0 : i32
      %add3A_420 = arith.addi %mul3A_265, %add3A_419 : i32
      %swap3A_421 = arith.index_cast %add3A_420 : i32 to index
      %swap3A_422 = arith.constant 96 : index
      %swap3A_423 = tpu.vector_load %arg14[%swap3A_421, %swap3A_422] {strides = array<i32>} : memref<80x128xf32, #tpu.memory_space<vmem>>, vector<1x16xf32>,
      %swap3A_424 = vector.shape_cast %swap3A_423 : vector<1x16xf32> to vector<16xf32>
      %swap3A_425 = vector.shape_cast %max3A_418 : vector<16xf32> to vector<1x16xf32>
      tpu.vector_store %arg14[%swap3A_421, %swap3A_422], %swap3A_425 {strides = array<i32>} : memref<80x128xf32, #tpu.memory_space<vmem>>, vector<1x16xf32>,
      %add3A_426 = arith.constant 0 : i32
      %add3A_427 = arith.addi %mul3A_265, %add3A_426 : i32
      %get3A_428 = arith.index_cast %add3A_427 : i32 to index
      %get3A_429 = arith.constant 112 : index
      %get3A_430 = tpu.vector_load %arg14[%get3A_428, %get3A_429] {strides = array<i32>} : memref<80x128xf32, #tpu.memory_space<vmem>>, vector<1x16xf32>,
      %get3A_431 = vector.shape_cast %get3A_430 : vector<1x16xf32> to vector<16xf32>
      %add3A_432 = arith.constant 0 : i32
      %add3A_433 = arith.addi %mul3A_265, %add3A_432 : i32
      %get3A_434 = arith.index_cast %add3A_433 : i32 to index
      %get3A_435 = arith.constant 112 : index
      %get3A_436 = tpu.vector_load %arg16[%get3A_434, %get3A_435] {strides = array<i32>} : memref<80x128xf32, #tpu.memory_space<vmem>>, vector<1x16xf32>,
      %get3A_437 = vector.shape_cast %get3A_436 : vector<1x16xf32> to vector<16xf32>
      %add3A_438 = arith.addf %get3A_431, %get3A_437 : vector<16xf32>
      %max3A_439 = arith.constant 0.000000e+00 : f32
      %max3A_440 = vector.broadcast %max3A_439 : f32 to vector<16xf32>
      %max3A_441 = arith.maximumf %add3A_438, %max3A_440 : vector<16xf32>
      %add3A_442 = arith.constant 0 : i32
      %add3A_443 = arith.addi %mul3A_265, %add3A_442 : i32
      %swap3A_444 = arith.index_cast %add3A_443 : i32 to index
      %swap3A_445 = arith.constant 112 : index
      %swap3A_446 = tpu.vector_load %arg14[%swap3A_444, %swap3A_445] {strides = array<i32>} : memref<80x128xf32, #tpu.memory_space<vmem>>, vector<1x16xf32>,
      %swap3A_447 = vector.shape_cast %swap3A_446 : vector<1x16xf32> to vector<16xf32>
      %swap3A_448 = vector.shape_cast %max3A_441 : vector<16xf32> to vector<1x16xf32>
      tpu.vector_store %arg14[%swap3A_444, %swap3A_445], %swap3A_448 {strides = array<i32>} : memref<80x128xf32, #tpu.memory_space<vmem>>, vector<1x16xf32>,
      %add3A_449 = arith.constant 1 : i32
      %add3A_450 = arith.addi %mul3A_265, %add3A_449 : i32
      %get3A_451 = arith.index_cast %add3A_450 : i32 to index
      %get3A_452 = arith.constant 0 : index
      %get3A_453 = tpu.vector_load %arg14[%get3A_451, %get3A_452] {strides = array<i32>} : memref<80x128xf32, #tpu.memory_space<vmem>>, vector<1x16xf32>,
      %get3A_454 = vector.shape_cast %get3A_453 : vector<1x16xf32> to vector<16xf32>
      %add3A_455 = arith.constant 1 : i32
      %add3A_456 = arith.addi %mul3A_265, %add3A_455 : i32
      %get3A_457 = arith.index_cast %add3A_456 : i32 to index
      %get3A_458 = arith.constant 0 : index
      %get3A_459 = tpu.vector_load %arg16[%get3A_457, %get3A_458] {strides = array<i32>} : memref<80x128xf32, #tpu.memory_space<vmem>>, vector<1x16xf32>,
      %get3A_460 = vector.shape_cast %get3A_459 : vector<1x16xf32> to vector<16xf32>
      %add3A_461 = arith.addf %get3A_454, %get3A_460 : vector<16xf32>
      %max3A_462 = arith.constant 0.000000e+00 : f32
      %max3A_463 = vector.broadcast %max3A_462 : f32 to vector<16xf32>
      %max3A_464 = arith.maximumf %add3A_461, %max3A_463 : vector<16xf32>
      %add3A_465 = arith.constant 1 : i32
      %add3A_466 = arith.addi %mul3A_265, %add3A_465 : i32
      %swap3A_467 = arith.index_cast %add3A_466 : i32 to index
      %swap3A_468 = arith.constant 0 : index
      %swap3A_469 = tpu.vector_load %arg14[%swap3A_467, %swap3A_468] {strides = array<i32>} : memref<80x128xf32, #tpu.memory_space<vmem>>, vector<1x16xf32>,
      %swap3A_470 = vector.shape_cast %swap3A_469 : vector<1x16xf32> to vector<16xf32>
      %swap3A_471 = vector.shape_cast %max3A_464 : vector<16xf32> to vector<1x16xf32>
      tpu.vector_store %arg14[%swap3A_467, %swap3A_468], %swap3A_471 {strides = array<i32>} : memref<80x128xf32, #tpu.memory_space<vmem>>, vector<1x16xf32>,
      %add3A_472 = arith.constant 1 : i32
      %add3A_473 = arith.addi %mul3A_265, %add3A_472 : i32
      %get3A_474 = arith.index_cast %add3A_473 : i32 to index
      %get3A_475 = arith.constant 16 : index
      %get3A_476 = tpu.vector_load %arg14[%get3A_474, %get3A_475] {strides = array<i32>} : memref<80x128xf32, #tpu.memory_space<vmem>>, vector<1x16xf32>,
      %get3A_477 = vector.shape_cast %get3A_476 : vector<1x16xf32> to vector<16xf32>
      %add3A_478 = arith.constant 1 : i32
      %add3A_479 = arith.addi %mul3A_265, %add3A_478 : i32
      %get3A_480 = arith.index_cast %add3A_479 : i32 to index
      %get3A_481 = arith.constant 16 : index
      %get3A_482 = tpu.vector_load %arg16[%get3A_480, %get3A_481] {strides = array<i32>} : memref<80x128xf32, #tpu.memory_space<vmem>>, vector<1x16xf32>,
      %get3A_483 = vector.shape_cast %get3A_482 : vector<1x16xf32> to vector<16xf32>
      %add3A_484 = arith.addf %get3A_477, %get3A_483 : vector<16xf32>
      %max3A_485 = arith.constant 0.000000e+00 : f32
      %max3A_486 = vector.broadcast %max3A_485 : f32 to vector<16xf32>
      %max3A_487 = arith.maximumf %add3A_484, %max3A_486 : vector<16xf32>
      %add3A_488 = arith.constant 1 : i32
      %add3A_489 = arith.addi %mul3A_265, %add3A_488 : i32
      %swap3A_490 = arith.index_cast %add3A_489 : i32 to index
      %swap3A_491 = arith.constant 16 : index
      %swap3A_492 = tpu.vector_load %arg14[%swap3A_490, %swap3A_491] {strides = array<i32>} : memref<80x128xf32, #tpu.memory_space<vmem>>, vector<1x16xf32>,
      %swap3A_493 = vector.shape_cast %swap3A_492 : vector<1x16xf32> to vector<16xf32>
      %swap3A_494 = vector.shape_cast %max3A_487 : vector<16xf32> to vector<1x16xf32>
      tpu.vector_store %arg14[%swap3A_490, %swap3A_491], %swap3A_494 {strides = array<i32>} : memref<80x128xf32, #tpu.memory_space<vmem>>, vector<1x16xf32>,
      %add3A_495 = arith.constant 1 : i32
      %add3A_496 = arith.addi %mul3A_265, %add3A_495 : i32
      %get3A_497 = arith.index_cast %add3A_496 : i32 to index
      %get3A_498 = arith.constant 32 : index
      %get3A_499 = tpu.vector_load %arg14[%get3A_497, %get3A_498] {strides = array<i32>} : memref<80x128xf32, #tpu.memory_space<vmem>>, vector<1x16xf32>,
      %get3A_500 = vector.shape_cast %get3A_499 : vector<1x16xf32> to vector<16xf32>
      %add3A_501 = arith.constant 1 : i32
      %add3A_502 = arith.addi %mul3A_265, %add3A_501 : i32
      %get3A_503 = arith.index_cast %add3A_502 : i32 to index
      %get3A_504 = arith.constant 32 : index
      %get3A_505 = tpu.vector_load %arg16[%get3A_503, %get3A_504] {strides = array<i32>} : memref<80x128xf32, #tpu.memory_space<vmem>>, vector<1x16xf32>,
      %get3A_506 = vector.shape_cast %get3A_505 : vector<1x16xf32> to vector<16xf32>
      %add3A_507 = arith.addf %get3A_500, %get3A_506 : vector<16xf32>
      %max3A_508 = arith.constant 0.000000e+00 : f32
      %max3A_509 = vector.broadcast %max3A_508 : f32 to vector<16xf32>
      %max3A_510 = arith.maximumf %add3A_507, %max3A_509 : vector<16xf32>
      %add3A_511 = arith.constant 1 : i32
      %add3A_512 = arith.addi %mul3A_265, %add3A_511 : i32
      %swap3A_513 = arith.index_cast %add3A_512 : i32 to index
      %swap3A_514 = arith.constant 32 : index
      %swap3A_515 = tpu.vector_load %arg14[%swap3A_513, %swap3A_514] {strides = array<i32>} : memref<80x128xf32, #tpu.memory_space<vmem>>, vector<1x16xf32>,
      %swap3A_516 = vector.shape_cast %swap3A_515 : vector<1x16xf32> to vector<16xf32>
      %swap3A_517 = vector.shape_cast %max3A_510 : vector<16xf32> to vector<1x16xf32>
      tpu.vector_store %arg14[%swap3A_513, %swap3A_514], %swap3A_517 {strides = array<i32>} : memref<80x128xf32, #tpu.memory_space<vmem>>, vector<1x16xf32>,
      %add3A_518 = arith.constant 1 : i32
      %add3A_519 = arith.addi %mul3A_265, %add3A_518 : i32
      %get3A_520 = arith.index_cast %add3A_519 : i32 to index
      %get3A_521 = arith.constant 48 : index
      %get3A_522 = tpu.vector_load %arg14[%get3A_520, %get3A_521] {strides = array<i32>} : memref<80x128xf32, #tpu.memory_space<vmem>>, vector<1x16xf32>,
      %get3A_523 = vector.shape_cast %get3A_522 : vector<1x16xf32> to vector<16xf32>
      %add3A_524 = arith.constant 1 : i32
      %add3A_525 = arith.addi %mul3A_265, %add3A_524 : i32
      %get3A_526 = arith.index_cast %add3A_525 : i32 to index
      %get3A_527 = arith.constant 48 : index
      %get3A_528 = tpu.vector_load %arg16[%get3A_526, %get3A_527] {strides = array<i32>} : memref<80x128xf32, #tpu.memory_space<vmem>>, vector<1x16xf32>,
      %get3A_529 = vector.shape_cast %get3A_528 : vector<1x16xf32> to vector<16xf32>
      %add3A_530 = arith.addf %get3A_523, %get3A_529 : vector<16xf32>
      %max3A_531 = arith.constant 0.000000e+00 : f32
      %max3A_532 = vector.broadcast %max3A_531 : f32 to vector<16xf32>
      %max3A_533 = arith.maximumf %add3A_530, %max3A_532 : vector<16xf32>
      %add3A_534 = arith.constant 1 : i32
      %add3A_535 = arith.addi %mul3A_265, %add3A_534 : i32
      %swap3A_536 = arith.index_cast %add3A_535 : i32 to index
      %swap3A_537 = arith.constant 48 : index
      %swap3A_538 = tpu.vector_load %arg14[%swap3A_536, %swap3A_537] {strides = array<i32>} : memref<80x128xf32, #tpu.memory_space<vmem>>, vector<1x16xf32>,
      %swap3A_539 = vector.shape_cast %swap3A_538 : vector<1x16xf32> to vector<16xf32>
      %swap3A_540 = vector.shape_cast %max3A_533 : vector<16xf32> to vector<1x16xf32>
      tpu.vector_store %arg14[%swap3A_536, %swap3A_537], %swap3A_540 {strides = array<i32>} : memref<80x128xf32, #tpu.memory_space<vmem>>, vector<1x16xf32>,
      %add3A_541 = arith.constant 1 : i32
      %add3A_542 = arith.addi %mul3A_265, %add3A_541 : i32
      %get3A_543 = arith.index_cast %add3A_542 : i32 to index
      %get3A_544 = arith.constant 64 : index
      %get3A_545 = tpu.vector_load %arg14[%get3A_543, %get3A_544] {strides = array<i32>} : memref<80x128xf32, #tpu.memory_space<vmem>>, vector<1x16xf32>,
      %get3A_546 = vector.shape_cast %get3A_545 : vector<1x16xf32> to vector<16xf32>
      %add3A_547 = arith.constant 1 : i32
      %add3A_548 = arith.addi %mul3A_265, %add3A_547 : i32
      %get3A_549 = arith.index_cast %add3A_548 : i32 to index
      %get3A_550 = arith.constant 64 : index
      %get3A_551 = tpu.vector_load %arg16[%get3A_549, %get3A_550] {strides = array<i32>} : memref<80x128xf32, #tpu.memory_space<vmem>>, vector<1x16xf32>,
      %get3A_552 = vector.shape_cast %get3A_551 : vector<1x16xf32> to vector<16xf32>
      %add3A_553 = arith.addf %get3A_546, %get3A_552 : vector<16xf32>
      %max3A_554 = arith.constant 0.000000e+00 : f32
      %max3A_555 = vector.broadcast %max3A_554 : f32 to vector<16xf32>
      %max3A_556 = arith.maximumf %add3A_553, %max3A_555 : vector<16xf32>
      %add3A_557 = arith.constant 1 : i32
      %add3A_558 = arith.addi %mul3A_265, %add3A_557 : i32
      %swap3A_559 = arith.index_cast %add3A_558 : i32 to index
      %swap3A_560 = arith.constant 64 : index
      %swap3A_561 = tpu.vector_load %arg14[%swap3A_559, %swap3A_560] {strides = array<i32>} : memref<80x128xf32, #tpu.memory_space<vmem>>, vector<1x16xf32>,
      %swap3A_562 = vector.shape_cast %swap3A_561 : vector<1x16xf32> to vector<16xf32>
      %swap3A_563 = vector.shape_cast %max3A_556 : vector<16xf32> to vector<1x16xf32>
      tpu.vector_store %arg14[%swap3A_559, %swap3A_560], %swap3A_563 {strides = array<i32>} : memref<80x128xf32, #tpu.memory_space<vmem>>, vector<1x16xf32>,
      %add3A_564 = arith.constant 1 : i32
      %add3A_565 = arith.addi %mul3A_265, %add3A_564 : i32
      %get3A_566 = arith.index_cast %add3A_565 : i32 to index
      %get3A_567 = arith.constant 80 : index
      %get3A_568 = tpu.vector_load %arg14[%get3A_566, %get3A_567] {strides = array<i32>} : memref<80x128xf32, #tpu.memory_space<vmem>>, vector<1x16xf32>,
      %get3A_569 = vector.shape_cast %get3A_568 : vector<1x16xf32> to vector<16xf32>
      %add3A_570 = arith.constant 1 : i32
      %add3A_571 = arith.addi %mul3A_265, %add3A_570 : i32
      %get3A_572 = arith.index_cast %add3A_571 : i32 to index
      %get3A_573 = arith.constant 80 : index
      %get3A_574 = tpu.vector_load %arg16[%get3A_572, %get3A_573] {strides = array<i32>} : memref<80x128xf32, #tpu.memory_space<vmem>>, vector<1x16xf32>,
      %get3A_575 = vector.shape_cast %get3A_574 : vector<1x16xf32> to vector<16xf32>
      %add3A_576 = arith.addf %get3A_569, %get3A_575 : vector<16xf32>
      %max3A_577 = arith.constant 0.000000e+00 : f32
      %max3A_578 = vector.broadcast %max3A_577 : f32 to vector<16xf32>
      %max3A_579 = arith.maximumf %add3A_576, %max3A_578 : vector<16xf32>
      %add3A_580 = arith.constant 1 : i32
      %add3A_581 = arith.addi %mul3A_265, %add3A_580 : i32
      %swap3A_582 = arith.index_cast %add3A_581 : i32 to index
      %swap3A_583 = arith.constant 80 : index
      %swap3A_584 = tpu.vector_load %arg14[%swap3A_582, %swap3A_583] {strides = array<i32>} : memref<80x128xf32, #tpu.memory_space<vmem>>, vector<1x16xf32>,
      %swap3A_585 = vector.shape_cast %swap3A_584 : vector<1x16xf32> to vector<16xf32>
      %swap3A_586 = vector.shape_cast %max3A_579 : vector<16xf32> to vector<1x16xf32>
      tpu.vector_store %arg14[%swap3A_582, %swap3A_583], %swap3A_586 {strides = array<i32>} : memref<80x128xf32, #tpu.memory_space<vmem>>, vector<1x16xf32>,
      %add3A_587 = arith.constant 1 : i32
      %add3A_588 = arith.addi %mul3A_265, %add3A_587 : i32
      %get3A_589 = arith.index_cast %add3A_588 : i32 to index
      %get3A_590 = arith.constant 96 : index
      %get3A_591 = tpu.vector_load %arg14[%get3A_589, %get3A_590] {strides = array<i32>} : memref<80x128xf32, #tpu.memory_space<vmem>>, vector<1x16xf32>,
      %get3A_592 = vector.shape_cast %get3A_591 : vector<1x16xf32> to vector<16xf32>
      %add3A_593 = arith.constant 1 : i32
      %add3A_594 = arith.addi %mul3A_265, %add3A_593 : i32
      %get3A_595 = arith.index_cast %add3A_594 : i32 to index
      %get3A_596 = arith.constant 96 : index
      %get3A_597 = tpu.vector_load %arg16[%get3A_595, %get3A_596] {strides = array<i32>} : memref<80x128xf32, #tpu.memory_space<vmem>>, vector<1x16xf32>,
      %get3A_598 = vector.shape_cast %get3A_597 : vector<1x16xf32> to vector<16xf32>
      %add3A_599 = arith.addf %get3A_592, %get3A_598 : vector<16xf32>
      %max3A_600 = arith.constant 0.000000e+00 : f32
      %max3A_601 = vector.broadcast %max3A_600 : f32 to vector<16xf32>
      %max3A_602 = arith.maximumf %add3A_599, %max3A_601 : vector<16xf32>
      %add3A_603 = arith.constant 1 : i32
      %add3A_604 = arith.addi %mul3A_265, %add3A_603 : i32
      %swap3A_605 = arith.index_cast %add3A_604 : i32 to index
      %swap3A_606 = arith.constant 96 : index
      %swap3A_607 = tpu.vector_load %arg14[%swap3A_605, %swap3A_606] {strides = array<i32>} : memref<80x128xf32, #tpu.memory_space<vmem>>, vector<1x16xf32>,
      %swap3A_608 = vector.shape_cast %swap3A_607 : vector<1x16xf32> to vector<16xf32>
      %swap3A_609 = vector.shape_cast %max3A_602 : vector<16xf32> to vector<1x16xf32>
      tpu.vector_store %arg14[%swap3A_605, %swap3A_606], %swap3A_609 {strides = array<i32>} : memref<80x128xf32, #tpu.memory_space<vmem>>, vector<1x16xf32>,
      %add3A_610 = arith.constant 1 : i32
      %add3A_611 = arith.addi %mul3A_265, %add3A_610 : i32
      %get3A_612 = arith.index_cast %add3A_611 : i32 to index
      %get3A_613 = arith.constant 112 : index
      %get3A_614 = tpu.vector_load %arg14[%get3A_612, %get3A_613] {strides = array<i32>} : memref<80x128xf32, #tpu.memory_space<vmem>>, vector<1x16xf32>,
      %get3A_615 = vector.shape_cast %get3A_614 : vector<1x16xf32> to vector<16xf32>
      %add3A_616 = arith.constant 1 : i32
      %add3A_617 = arith.addi %mul3A_265, %add3A_616 : i32
      %get3A_618 = arith.index_cast %add3A_617 : i32 to index
      %get3A_619 = arith.constant 112 : index
      %get3A_620 = tpu.vector_load %arg16[%get3A_618, %get3A_619] {strides = array<i32>} : memref<80x128xf32, #tpu.memory_space<vmem>>, vector<1x16xf32>,
      %get3A_621 = vector.shape_cast %get3A_620 : vector<1x16xf32> to vector<16xf32>
      %add3A_622 = arith.addf %get3A_615, %get3A_621 : vector<16xf32>
      %max3A_623 = arith.constant 0.000000e+00 : f32
      %max3A_624 = vector.broadcast %max3A_623 : f32 to vector<16xf32>
      %max3A_625 = arith.maximumf %add3A_622, %max3A_624 : vector<16xf32>
      %add3A_626 = arith.constant 1 : i32
      %add3A_627 = arith.addi %mul3A_265, %add3A_626 : i32
      %swap3A_628 = arith.index_cast %add3A_627 : i32 to index
      %swap3A_629 = arith.constant 112 : index
      %swap3A_630 = tpu.vector_load %arg14[%swap3A_628, %swap3A_629] {strides = array<i32>} : memref<80x128xf32, #tpu.memory_space<vmem>>, vector<1x16xf32>,
      %swap3A_631 = vector.shape_cast %swap3A_630 : vector<1x16xf32> to vector<16xf32>
      %swap3A_632 = vector.shape_cast %max3A_625 : vector<16xf32> to vector<1x16xf32>
      tpu.vector_store %arg14[%swap3A_628, %swap3A_629], %swap3A_632 {strides = array<i32>} : memref<80x128xf32, #tpu.memory_space<vmem>>, vector<1x16xf32>,
      %add3A_633 = arith.constant 2 : i32
      %add3A_634 = arith.addi %mul3A_265, %add3A_633 : i32
      %get3A_635 = arith.index_cast %add3A_634 : i32 to index
      %get3A_636 = arith.constant 0 : index
      %get3A_637 = tpu.vector_load %arg14[%get3A_635, %get3A_636] {strides = array<i32>} : memref<80x128xf32, #tpu.memory_space<vmem>>, vector<1x16xf32>,
      %get3A_638 = vector.shape_cast %get3A_637 : vector<1x16xf32> to vector<16xf32>
      %add3A_639 = arith.constant 2 : i32
      %add3A_640 = arith.addi %mul3A_265, %add3A_639 : i32
      %get3A_641 = arith.index_cast %add3A_640 : i32 to index
      %get3A_642 = arith.constant 0 : index
      %get3A_643 = tpu.vector_load %arg16[%get3A_641, %get3A_642] {strides = array<i32>} : memref<80x128xf32, #tpu.memory_space<vmem>>, vector<1x16xf32>,
      %get3A_644 = vector.shape_cast %get3A_643 : vector<1x16xf32> to vector<16xf32>
      %add3A_645 = arith.addf %get3A_638, %get3A_644 : vector<16xf32>
      %max3A_646 = arith.constant 0.000000e+00 : f32
      %max3A_647 = vector.broadcast %max3A_646 : f32 to vector<16xf32>
      %max3A_648 = arith.maximumf %add3A_645, %max3A_647 : vector<16xf32>
      %add3A_649 = arith.constant 2 : i32
      %add3A_650 = arith.addi %mul3A_265, %add3A_649 : i32
      %swap3A_651 = arith.index_cast %add3A_650 : i32 to index
      %swap3A_652 = arith.constant 0 : index
      %swap3A_653 = tpu.vector_load %arg14[%swap3A_651, %swap3A_652] {strides = array<i32>} : memref<80x128xf32, #tpu.memory_space<vmem>>, vector<1x16xf32>,
      %swap3A_654 = vector.shape_cast %swap3A_653 : vector<1x16xf32> to vector<16xf32>
      %swap3A_655 = vector.shape_cast %max3A_648 : vector<16xf32> to vector<1x16xf32>
      tpu.vector_store %arg14[%swap3A_651, %swap3A_652], %swap3A_655 {strides = array<i32>} : memref<80x128xf32, #tpu.memory_space<vmem>>, vector<1x16xf32>,
      %add3A_656 = arith.constant 2 : i32
      %add3A_657 = arith.addi %mul3A_265, %add3A_656 : i32
      %get3A_658 = arith.index_cast %add3A_657 : i32 to index
      %get3A_659 = arith.constant 16 : index
      %get3A_660 = tpu.vector_load %arg14[%get3A_658, %get3A_659] {strides = array<i32>} : memref<80x128xf32, #tpu.memory_space<vmem>>, vector<1x16xf32>,
      %get3A_661 = vector.shape_cast %get3A_660 : vector<1x16xf32> to vector<16xf32>
      %add3A_662 = arith.constant 2 : i32
      %add3A_663 = arith.addi %mul3A_265, %add3A_662 : i32
      %get3A_664 = arith.index_cast %add3A_663 : i32 to index
      %get3A_665 = arith.constant 16 : index
      %get3A_666 = tpu.vector_load %arg16[%get3A_664, %get3A_665] {strides = array<i32>} : memref<80x128xf32, #tpu.memory_space<vmem>>, vector<1x16xf32>,
      %get3A_667 = vector.shape_cast %get3A_666 : vector<1x16xf32> to vector<16xf32>
      %add3A_668 = arith.addf %get3A_661, %get3A_667 : vector<16xf32>
      %max3A_669 = arith.constant 0.000000e+00 : f32
      %max3A_670 = vector.broadcast %max3A_669 : f32 to vector<16xf32>
      %max3A_671 = arith.maximumf %add3A_668, %max3A_670 : vector<16xf32>
      %add3A_672 = arith.constant 2 : i32
      %add3A_673 = arith.addi %mul3A_265, %add3A_672 : i32
      %swap3A_674 = arith.index_cast %add3A_673 : i32 to index
      %swap3A_675 = arith.constant 16 : index
      %swap3A_676 = tpu.vector_load %arg14[%swap3A_674, %swap3A_675] {strides = array<i32>} : memref<80x128xf32, #tpu.memory_space<vmem>>, vector<1x16xf32>,
      %swap3A_677 = vector.shape_cast %swap3A_676 : vector<1x16xf32> to vector<16xf32>
      %swap3A_678 = vector.shape_cast %max3A_671 : vector<16xf32> to vector<1x16xf32>
      tpu.vector_store %arg14[%swap3A_674, %swap3A_675], %swap3A_678 {strides = array<i32>} : memref<80x128xf32, #tpu.memory_space<vmem>>, vector<1x16xf32>,
      %add3A_679 = arith.constant 2 : i32
      %add3A_680 = arith.addi %mul3A_265, %add3A_679 : i32
      %get3A_681 = arith.index_cast %add3A_680 : i32 to index
      %get3A_682 = arith.constant 32 : index
      %get3A_683 = tpu.vector_load %arg14[%get3A_681, %get3A_682] {strides = array<i32>} : memref<80x128xf32, #tpu.memory_space<vmem>>, vector<1x16xf32>,
      %get3A_684 = vector.shape_cast %get3A_683 : vector<1x16xf32> to vector<16xf32>
      %add3A_685 = arith.constant 2 : i32
      %add3A_686 = arith.addi %mul3A_265, %add3A_685 : i32
      %get3A_687 = arith.index_cast %add3A_686 : i32 to index
      %get3A_688 = arith.constant 32 : index
      %get3A_689 = tpu.vector_load %arg16[%get3A_687, %get3A_688] {strides = array<i32>} : memref<80x128xf32, #tpu.memory_space<vmem>>, vector<1x16xf32>,
      %get3A_690 = vector.shape_cast %get3A_689 : vector<1x16xf32> to vector<16xf32>
      %add3A_691 = arith.addf %get3A_684, %get3A_690 : vector<16xf32>
      %max3A_692 = arith.constant 0.000000e+00 : f32
      %max3A_693 = vector.broadcast %max3A_692 : f32 to vector<16xf32>
      %max3A_694 = arith.maximumf %add3A_691, %max3A_693 : vector<16xf32>
      %add3A_695 = arith.constant 2 : i32
      %add3A_696 = arith.addi %mul3A_265, %add3A_695 : i32
      %swap3A_697 = arith.index_cast %add3A_696 : i32 to index
      %swap3A_698 = arith.constant 32 : index
      %swap3A_699 = tpu.vector_load %arg14[%swap3A_697, %swap3A_698] {strides = array<i32>} : memref<80x128xf32, #tpu.memory_space<vmem>>, vector<1x16xf32>,
      %swap3A_700 = vector.shape_cast %swap3A_699 : vector<1x16xf32> to vector<16xf32>
      %swap3A_701 = vector.shape_cast %max3A_694 : vector<16xf32> to vector<1x16xf32>
      tpu.vector_store %arg14[%swap3A_697, %swap3A_698], %swap3A_701 {strides = array<i32>} : memref<80x128xf32, #tpu.memory_space<vmem>>, vector<1x16xf32>,
      %add3A_702 = arith.constant 2 : i32
      %add3A_703 = arith.addi %mul3A_265, %add3A_702 : i32
      %get3A_704 = arith.index_cast %add3A_703 : i32 to index
      %get3A_705 = arith.constant 48 : index
      %get3A_706 = tpu.vector_load %arg14[%get3A_704, %get3A_705] {strides = array<i32>} : memref<80x128xf32, #tpu.memory_space<vmem>>, vector<1x16xf32>,
      %get3A_707 = vector.shape_cast %get3A_706 : vector<1x16xf32> to vector<16xf32>
      %add3A_708 = arith.constant 2 : i32
      %add3A_709 = arith.addi %mul3A_265, %add3A_708 : i32
      %get3A_710 = arith.index_cast %add3A_709 : i32 to index
      %get3A_711 = arith.constant 48 : index
      %get3A_712 = tpu.vector_load %arg16[%get3A_710, %get3A_711] {strides = array<i32>} : memref<80x128xf32, #tpu.memory_space<vmem>>, vector<1x16xf32>,
      %get3A_713 = vector.shape_cast %get3A_712 : vector<1x16xf32> to vector<16xf32>
      %add3A_714 = arith.addf %get3A_707, %get3A_713 : vector<16xf32>
      %max3A_715 = arith.constant 0.000000e+00 : f32
      %max3A_716 = vector.broadcast %max3A_715 : f32 to vector<16xf32>
      %max3A_717 = arith.maximumf %add3A_714, %max3A_716 : vector<16xf32>
      %add3A_718 = arith.constant 2 : i32
      %add3A_719 = arith.addi %mul3A_265, %add3A_718 : i32
      %swap3A_720 = arith.index_cast %add3A_719 : i32 to index
      %swap3A_721 = arith.constant 48 : index
      %swap3A_722 = tpu.vector_load %arg14[%swap3A_720, %swap3A_721] {strides = array<i32>} : memref<80x128xf32, #tpu.memory_space<vmem>>, vector<1x16xf32>,
      %swap3A_723 = vector.shape_cast %swap3A_722 : vector<1x16xf32> to vector<16xf32>
      %swap3A_724 = vector.shape_cast %max3A_717 : vector<16xf32> to vector<1x16xf32>
      tpu.vector_store %arg14[%swap3A_720, %swap3A_721], %swap3A_724 {strides = array<i32>} : memref<80x128xf32, #tpu.memory_space<vmem>>, vector<1x16xf32>,
      %add3A_725 = arith.constant 2 : i32
      %add3A_726 = arith.addi %mul3A_265, %add3A_725 : i32
      %get3A_727 = arith.index_cast %add3A_726 : i32 to index
      %get3A_728 = arith.constant 64 : index
      %get3A_729 = tpu.vector_load %arg14[%get3A_727, %get3A_728] {strides = array<i32>} : memref<80x128xf32, #tpu.memory_space<vmem>>, vector<1x16xf32>,
      %get3A_730 = vector.shape_cast %get3A_729 : vector<1x16xf32> to vector<16xf32>
      %add3A_731 = arith.constant 2 : i32
      %add3A_732 = arith.addi %mul3A_265, %add3A_731 : i32
      %get3A_733 = arith.index_cast %add3A_732 : i32 to index
      %get3A_734 = arith.constant 64 : index
      %get3A_735 = tpu.vector_load %arg16[%get3A_733, %get3A_734] {strides = array<i32>} : memref<80x128xf32, #tpu.memory_space<vmem>>, vector<1x16xf32>,
      %get3A_736 = vector.shape_cast %get3A_735 : vector<1x16xf32> to vector<16xf32>
      %add3A_737 = arith.addf %get3A_730, %get3A_736 : vector<16xf32>
      %max3A_738 = arith.constant 0.000000e+00 : f32
      %max3A_739 = vector.broadcast %max3A_738 : f32 to vector<16xf32>
      %max3A_740 = arith.maximumf %add3A_737, %max3A_739 : vector<16xf32>
      %add3A_741 = arith.constant 2 : i32
      %add3A_742 = arith.addi %mul3A_265, %add3A_741 : i32
      %swap3A_743 = arith.index_cast %add3A_742 : i32 to index
      %swap3A_744 = arith.constant 64 : index
      %swap3A_745 = tpu.vector_load %arg14[%swap3A_743, %swap3A_744] {strides = array<i32>} : memref<80x128xf32, #tpu.memory_space<vmem>>, vector<1x16xf32>,
      %swap3A_746 = vector.shape_cast %swap3A_745 : vector<1x16xf32> to vector<16xf32>
      %swap3A_747 = vector.shape_cast %max3A_740 : vector<16xf32> to vector<1x16xf32>
      tpu.vector_store %arg14[%swap3A_743, %swap3A_744], %swap3A_747 {strides = array<i32>} : memref<80x128xf32, #tpu.memory_space<vmem>>, vector<1x16xf32>,
      %add3A_748 = arith.constant 2 : i32
      %add3A_749 = arith.addi %mul3A_265, %add3A_748 : i32
      %get3A_750 = arith.index_cast %add3A_749 : i32 to index
      %get3A_751 = arith.constant 80 : index
      %get3A_752 = tpu.vector_load %arg14[%get3A_750, %get3A_751] {strides = array<i32>} : memref<80x128xf32, #tpu.memory_space<vmem>>, vector<1x16xf32>,
      %get3A_753 = vector.shape_cast %get3A_752 : vector<1x16xf32> to vector<16xf32>
      %add3A_754 = arith.constant 2 : i32
      %add3A_755 = arith.addi %mul3A_265, %add3A_754 : i32
      %get3A_756 = arith.index_cast %add3A_755 : i32 to index
      %get3A_757 = arith.constant 80 : index
      %get3A_758 = tpu.vector_load %arg16[%get3A_756, %get3A_757] {strides = array<i32>} : memref<80x128xf32, #tpu.memory_space<vmem>>, vector<1x16xf32>,
      %get3A_759 = vector.shape_cast %get3A_758 : vector<1x16xf32> to vector<16xf32>
      %add3A_760 = arith.addf %get3A_753, %get3A_759 : vector<16xf32>
      %max3A_761 = arith.constant 0.000000e+00 : f32
      %max3A_762 = vector.broadcast %max3A_761 : f32 to vector<16xf32>
      %max3A_763 = arith.maximumf %add3A_760, %max3A_762 : vector<16xf32>
      %add3A_764 = arith.constant 2 : i32
      %add3A_765 = arith.addi %mul3A_265, %add3A_764 : i32
      %swap3A_766 = arith.index_cast %add3A_765 : i32 to index
      %swap3A_767 = arith.constant 80 : index
      %swap3A_768 = tpu.vector_load %arg14[%swap3A_766, %swap3A_767] {strides = array<i32>} : memref<80x128xf32, #tpu.memory_space<vmem>>, vector<1x16xf32>,
      %swap3A_769 = vector.shape_cast %swap3A_768 : vector<1x16xf32> to vector<16xf32>
      %swap3A_770 = vector.shape_cast %max3A_763 : vector<16xf32> to vector<1x16xf32>
      tpu.vector_store %arg14[%swap3A_766, %swap3A_767], %swap3A_770 {strides = array<i32>} : memref<80x128xf32, #tpu.memory_space<vmem>>, vector<1x16xf32>,
      %add3A_771 = arith.constant 2 : i32
      %add3A_772 = arith.addi %mul3A_265, %add3A_771 : i32
      %get3A_773 = arith.index_cast %add3A_772 : i32 to index
      %get3A_774 = arith.constant 96 : index
      %get3A_775 = tpu.vector_load %arg14[%get3A_773, %get3A_774] {strides = array<i32>} : memref<80x128xf32, #tpu.memory_space<vmem>>, vector<1x16xf32>,
      %get3A_776 = vector.shape_cast %get3A_775 : vector<1x16xf32> to vector<16xf32>
      %add3A_777 = arith.constant 2 : i32
      %add3A_778 = arith.addi %mul3A_265, %add3A_777 : i32
      %get3A_779 = arith.index_cast %add3A_778 : i32 to index
      %get3A_780 = arith.constant 96 : index
      %get3A_781 = tpu.vector_load %arg16[%get3A_779, %get3A_780] {strides = array<i32>} : memref<80x128xf32, #tpu.memory_space<vmem>>, vector<1x16xf32>,
      %get3A_782 = vector.shape_cast %get3A_781 : vector<1x16xf32> to vector<16xf32>
      %add3A_783 = arith.addf %get3A_776, %get3A_782 : vector<16xf32>
      %max3A_784 = arith.constant 0.000000e+00 : f32
      %max3A_785 = vector.broadcast %max3A_784 : f32 to vector<16xf32>
      %max3A_786 = arith.maximumf %add3A_783, %max3A_785 : vector<16xf32>
      %add3A_787 = arith.constant 2 : i32
      %add3A_788 = arith.addi %mul3A_265, %add3A_787 : i32
      %swap3A_789 = arith.index_cast %add3A_788 : i32 to index
      %swap3A_790 = arith.constant 96 : index
      %swap3A_791 = tpu.vector_load %arg14[%swap3A_789, %swap3A_790] {strides = array<i32>} : memref<80x128xf32, #tpu.memory_space<vmem>>, vector<1x16xf32>,
      %swap3A_792 = vector.shape_cast %swap3A_791 : vector<1x16xf32> to vector<16xf32>
      %swap3A_793 = vector.shape_cast %max3A_786 : vector<16xf32> to vector<1x16xf32>
      tpu.vector_store %arg14[%swap3A_789, %swap3A_790], %swap3A_793 {strides = array<i32>} : memref<80x128xf32, #tpu.memory_space<vmem>>, vector<1x16xf32>,
      %add3A_794 = arith.constant 2 : i32
      %add3A_795 = arith.addi %mul3A_265, %add3A_794 : i32
      %get3A_796 = arith.index_cast %add3A_795 : i32 to index
      %get3A_797 = arith.constant 112 : index
      %get3A_798 = tpu.vector_load %arg14[%get3A_796, %get3A_797] {strides = array<i32>} : memref<80x128xf32, #tpu.memory_space<vmem>>, vector<1x16xf32>,
      %get3A_799 = vector.shape_cast %get3A_798 : vector<1x16xf32> to vector<16xf32>
      %add3A_800 = arith.constant 2 : i32
      %add3A_801 = arith.addi %mul3A_265, %add3A_800 : i32
      %get3A_802 = arith.index_cast %add3A_801 : i32 to index
      %get3A_803 = arith.constant 112 : index
      %get3A_804 = tpu.vector_load %arg16[%get3A_802, %get3A_803] {strides = array<i32>} : memref<80x128xf32, #tpu.memory_space<vmem>>, vector<1x16xf32>,
      %get3A_805 = vector.shape_cast %get3A_804 : vector<1x16xf32> to vector<16xf32>
      %add3A_806 = arith.addf %get3A_799, %get3A_805 : vector<16xf32>
      %max3A_807 = arith.constant 0.000000e+00 : f32
      %max3A_808 = vector.broadcast %max3A_807 : f32 to vector<16xf32>
      %max3A_809 = arith.maximumf %add3A_806, %max3A_808 : vector<16xf32>
      %add3A_810 = arith.constant 2 : i32
      %add3A_811 = arith.addi %mul3A_265, %add3A_810 : i32
      %swap3A_812 = arith.index_cast %add3A_811 : i32 to index
      %swap3A_813 = arith.constant 112 : index
      %swap3A_814 = tpu.vector_load %arg14[%swap3A_812, %swap3A_813] {strides = array<i32>} : memref<80x128xf32, #tpu.memory_space<vmem>>, vector<1x16xf32>,
      %swap3A_815 = vector.shape_cast %swap3A_814 : vector<1x16xf32> to vector<16xf32>
      %swap3A_816 = vector.shape_cast %max3A_809 : vector<16xf32> to vector<1x16xf32>
      tpu.vector_store %arg14[%swap3A_812, %swap3A_813], %swap3A_816 {strides = array<i32>} : memref<80x128xf32, #tpu.memory_space<vmem>>, vector<1x16xf32>,
      %add3A_817 = arith.constant 3 : i32
      %add3A_818 = arith.addi %mul3A_265, %add3A_817 : i32
      %get3A_819 = arith.index_cast %add3A_818 : i32 to index
      %get3A_820 = arith.constant 0 : index
      %get3A_821 = tpu.vector_load %arg14[%get3A_819, %get3A_820] {strides = array<i32>} : memref<80x128xf32, #tpu.memory_space<vmem>>, vector<1x16xf32>,
      %get3A_822 = vector.shape_cast %get3A_821 : vector<1x16xf32> to vector<16xf32>
      %add3A_823 = arith.constant 3 : i32
      %add3A_824 = arith.addi %mul3A_265, %add3A_823 : i32
      %get3A_825 = arith.index_cast %add3A_824 : i32 to index
      %get3A_826 = arith.constant 0 : index
      %get3A_827 = tpu.vector_load %arg16[%get3A_825, %get3A_826] {strides = array<i32>} : memref<80x128xf32, #tpu.memory_space<vmem>>, vector<1x16xf32>,
      %get3A_828 = vector.shape_cast %get3A_827 : vector<1x16xf32> to vector<16xf32>
      %add3A_829 = arith.addf %get3A_822, %get3A_828 : vector<16xf32>
      %max3A_830 = arith.constant 0.000000e+00 : f32
      %max3A_831 = vector.broadcast %max3A_830 : f32 to vector<16xf32>
      %max3A_832 = arith.maximumf %add3A_829, %max3A_831 : vector<16xf32>
      %add3A_833 = arith.constant 3 : i32
      %add3A_834 = arith.addi %mul3A_265, %add3A_833 : i32
      %swap3A_835 = arith.index_cast %add3A_834 : i32 to index
      %swap3A_836 = arith.constant 0 : index
      %swap3A_837 = tpu.vector_load %arg14[%swap3A_835, %swap3A_836] {strides = array<i32>} : memref<80x128xf32, #tpu.memory_space<vmem>>, vector<1x16xf32>,
      %swap3A_838 = vector.shape_cast %swap3A_837 : vector<1x16xf32> to vector<16xf32>
      %swap3A_839 = vector.shape_cast %max3A_832 : vector<16xf32> to vector<1x16xf32>
      tpu.vector_store %arg14[%swap3A_835, %swap3A_836], %swap3A_839 {strides = array<i32>} : memref<80x128xf32, #tpu.memory_space<vmem>>, vector<1x16xf32>,
      %add3A_840 = arith.constant 3 : i32
      %add3A_841 = arith.addi %mul3A_265, %add3A_840 : i32
      %get3A_842 = arith.index_cast %add3A_841 : i32 to index
      %get3A_843 = arith.constant 16 : index
      %get3A_844 = tpu.vector_load %arg14[%get3A_842, %get3A_843] {strides = array<i32>} : memref<80x128xf32, #tpu.memory_space<vmem>>, vector<1x16xf32>,
      %get3A_845 = vector.shape_cast %get3A_844 : vector<1x16xf32> to vector<16xf32>
      %add3A_846 = arith.constant 3 : i32
      %add3A_847 = arith.addi %mul3A_265, %add3A_846 : i32
      %get3A_848 = arith.index_cast %add3A_847 : i32 to index
      %get3A_849 = arith.constant 16 : index
      %get3A_850 = tpu.vector_load %arg16[%get3A_848, %get3A_849] {strides = array<i32>} : memref<80x128xf32, #tpu.memory_space<vmem>>, vector<1x16xf32>,
      %get3A_851 = vector.shape_cast %get3A_850 : vector<1x16xf32> to vector<16xf32>
      %add3A_852 = arith.addf %get3A_845, %get3A_851 : vector<16xf32>
      %max3A_853 = arith.constant 0.000000e+00 : f32
      %max3A_854 = vector.broadcast %max3A_853 : f32 to vector<16xf32>
      %max3A_855 = arith.maximumf %add3A_852, %max3A_854 : vector<16xf32>
      %add3A_856 = arith.constant 3 : i32
      %add3A_857 = arith.addi %mul3A_265, %add3A_856 : i32
      %swap3A_858 = arith.index_cast %add3A_857 : i32 to index
      %swap3A_859 = arith.constant 16 : index
      %swap3A_860 = tpu.vector_load %arg14[%swap3A_858, %swap3A_859] {strides = array<i32>} : memref<80x128xf32, #tpu.memory_space<vmem>>, vector<1x16xf32>,
      %swap3A_861 = vector.shape_cast %swap3A_860 : vector<1x16xf32> to vector<16xf32>
      %swap3A_862 = vector.shape_cast %max3A_855 : vector<16xf32> to vector<1x16xf32>
      tpu.vector_store %arg14[%swap3A_858, %swap3A_859], %swap3A_862 {strides = array<i32>} : memref<80x128xf32, #tpu.memory_space<vmem>>, vector<1x16xf32>,
      %add3A_863 = arith.constant 3 : i32
      %add3A_864 = arith.addi %mul3A_265, %add3A_863 : i32
      %get3A_865 = arith.index_cast %add3A_864 : i32 to index
      %get3A_866 = arith.constant 32 : index
      %get3A_867 = tpu.vector_load %arg14[%get3A_865, %get3A_866] {strides = array<i32>} : memref<80x128xf32, #tpu.memory_space<vmem>>, vector<1x16xf32>,
      %get3A_868 = vector.shape_cast %get3A_867 : vector<1x16xf32> to vector<16xf32>
      %add3A_869 = arith.constant 3 : i32
      %add3A_870 = arith.addi %mul3A_265, %add3A_869 : i32
      %get3A_871 = arith.index_cast %add3A_870 : i32 to index
      %get3A_872 = arith.constant 32 : index
      %get3A_873 = tpu.vector_load %arg16[%get3A_871, %get3A_872] {strides = array<i32>} : memref<80x128xf32, #tpu.memory_space<vmem>>, vector<1x16xf32>,
      %get3A_874 = vector.shape_cast %get3A_873 : vector<1x16xf32> to vector<16xf32>
      %add3A_875 = arith.addf %get3A_868, %get3A_874 : vector<16xf32>
      %max3A_876 = arith.constant 0.000000e+00 : f32
      %max3A_877 = vector.broadcast %max3A_876 : f32 to vector<16xf32>
      %max3A_878 = arith.maximumf %add3A_875, %max3A_877 : vector<16xf32>
      %add3A_879 = arith.constant 3 : i32
      %add3A_880 = arith.addi %mul3A_265, %add3A_879 : i32
      %swap3A_881 = arith.index_cast %add3A_880 : i32 to index
      %swap3A_882 = arith.constant 32 : index
      %swap3A_883 = tpu.vector_load %arg14[%swap3A_881, %swap3A_882] {strides = array<i32>} : memref<80x128xf32, #tpu.memory_space<vmem>>, vector<1x16xf32>,
      %swap3A_884 = vector.shape_cast %swap3A_883 : vector<1x16xf32> to vector<16xf32>
      %swap3A_885 = vector.shape_cast %max3A_878 : vector<16xf32> to vector<1x16xf32>
      tpu.vector_store %arg14[%swap3A_881, %swap3A_882], %swap3A_885 {strides = array<i32>} : memref<80x128xf32, #tpu.memory_space<vmem>>, vector<1x16xf32>,
      %add3A_886 = arith.constant 3 : i32
      %add3A_887 = arith.addi %mul3A_265, %add3A_886 : i32
      %get3A_888 = arith.index_cast %add3A_887 : i32 to index
      %get3A_889 = arith.constant 48 : index
      %get3A_890 = tpu.vector_load %arg14[%get3A_888, %get3A_889] {strides = array<i32>} : memref<80x128xf32, #tpu.memory_space<vmem>>, vector<1x16xf32>,
      %get3A_891 = vector.shape_cast %get3A_890 : vector<1x16xf32> to vector<16xf32>
      %add3A_892 = arith.constant 3 : i32
      %add3A_893 = arith.addi %mul3A_265, %add3A_892 : i32
      %get3A_894 = arith.index_cast %add3A_893 : i32 to index
      %get3A_895 = arith.constant 48 : index
      %get3A_896 = tpu.vector_load %arg16[%get3A_894, %get3A_895] {strides = array<i32>} : memref<80x128xf32, #tpu.memory_space<vmem>>, vector<1x16xf32>,
      %get3A_897 = vector.shape_cast %get3A_896 : vector<1x16xf32> to vector<16xf32>
      %add3A_898 = arith.addf %get3A_891, %get3A_897 : vector<16xf32>
      %max3A_899 = arith.constant 0.000000e+00 : f32
      %max3A_900 = vector.broadcast %max3A_899 : f32 to vector<16xf32>
      %max3A_901 = arith.maximumf %add3A_898, %max3A_900 : vector<16xf32>
      %add3A_902 = arith.constant 3 : i32
      %add3A_903 = arith.addi %mul3A_265, %add3A_902 : i32
      %swap3A_904 = arith.index_cast %add3A_903 : i32 to index
      %swap3A_905 = arith.constant 48 : index
      %swap3A_906 = tpu.vector_load %arg14[%swap3A_904, %swap3A_905] {strides = array<i32>} : memref<80x128xf32, #tpu.memory_space<vmem>>, vector<1x16xf32>,
      %swap3A_907 = vector.shape_cast %swap3A_906 : vector<1x16xf32> to vector<16xf32>
      %swap3A_908 = vector.shape_cast %max3A_901 : vector<16xf32> to vector<1x16xf32>
      tpu.vector_store %arg14[%swap3A_904, %swap3A_905], %swap3A_908 {strides = array<i32>} : memref<80x128xf32, #tpu.memory_space<vmem>>, vector<1x16xf32>,
      %add3A_909 = arith.constant 3 : i32
      %add3A_910 = arith.addi %mul3A_265, %add3A_909 : i32
      %get3A_911 = arith.index_cast %add3A_910 : i32 to index
      %get3A_912 = arith.constant 64 : index
      %get3A_913 = tpu.vector_load %arg14[%get3A_911, %get3A_912] {strides = array<i32>} : memref<80x128xf32, #tpu.memory_space<vmem>>, vector<1x16xf32>,
      %get3A_914 = vector.shape_cast %get3A_913 : vector<1x16xf32> to vector<16xf32>
      %add3A_915 = arith.constant 3 : i32
      %add3A_916 = arith.addi %mul3A_265, %add3A_915 : i32
      %get3A_917 = arith.index_cast %add3A_916 : i32 to index
      %get3A_918 = arith.constant 64 : index
      %get3A_919 = tpu.vector_load %arg16[%get3A_917, %get3A_918] {strides = array<i32>} : memref<80x128xf32, #tpu.memory_space<vmem>>, vector<1x16xf32>,
      %get3A_920 = vector.shape_cast %get3A_919 : vector<1x16xf32> to vector<16xf32>
      %add3A_921 = arith.addf %get3A_914, %get3A_920 : vector<16xf32>
      %max3A_922 = arith.constant 0.000000e+00 : f32
      %max3A_923 = vector.broadcast %max3A_922 : f32 to vector<16xf32>
      %max3A_924 = arith.maximumf %add3A_921, %max3A_923 : vector<16xf32>
      %add3A_925 = arith.constant 3 : i32
      %add3A_926 = arith.addi %mul3A_265, %add3A_925 : i32
      %swap3A_927 = arith.index_cast %add3A_926 : i32 to index
      %swap3A_928 = arith.constant 64 : index
      %swap3A_929 = tpu.vector_load %arg14[%swap3A_927, %swap3A_928] {strides = array<i32>} : memref<80x128xf32, #tpu.memory_space<vmem>>, vector<1x16xf32>,
      %swap3A_930 = vector.shape_cast %swap3A_929 : vector<1x16xf32> to vector<16xf32>
      %swap3A_931 = vector.shape_cast %max3A_924 : vector<16xf32> to vector<1x16xf32>
      tpu.vector_store %arg14[%swap3A_927, %swap3A_928], %swap3A_931 {strides = array<i32>} : memref<80x128xf32, #tpu.memory_space<vmem>>, vector<1x16xf32>,
      %add3A_932 = arith.constant 3 : i32
      %add3A_933 = arith.addi %mul3A_265, %add3A_932 : i32
      %get3A_934 = arith.index_cast %add3A_933 : i32 to index
      %get3A_935 = arith.constant 80 : index
      %get3A_936 = tpu.vector_load %arg14[%get3A_934, %get3A_935] {strides = array<i32>} : memref<80x128xf32, #tpu.memory_space<vmem>>, vector<1x16xf32>,
      %get3A_937 = vector.shape_cast %get3A_936 : vector<1x16xf32> to vector<16xf32>
      %add3A_938 = arith.constant 3 : i32
      %add3A_939 = arith.addi %mul3A_265, %add3A_938 : i32
      %get3A_940 = arith.index_cast %add3A_939 : i32 to index
      %get3A_941 = arith.constant 80 : index
      %get3A_942 = tpu.vector_load %arg16[%get3A_940, %get3A_941] {strides = array<i32>} : memref<80x128xf32, #tpu.memory_space<vmem>>, vector<1x16xf32>,
      %get3A_943 = vector.shape_cast %get3A_942 : vector<1x16xf32> to vector<16xf32>
      %add3A_944 = arith.addf %get3A_937, %get3A_943 : vector<16xf32>
      %max3A_945 = arith.constant 0.000000e+00 : f32
      %max3A_946 = vector.broadcast %max3A_945 : f32 to vector<16xf32>
      %max3A_947 = arith.maximumf %add3A_944, %max3A_946 : vector<16xf32>
      %add3A_948 = arith.constant 3 : i32
      %add3A_949 = arith.addi %mul3A_265, %add3A_948 : i32
      %swap3A_950 = arith.index_cast %add3A_949 : i32 to index
      %swap3A_951 = arith.constant 80 : index
      %swap3A_952 = tpu.vector_load %arg14[%swap3A_950, %swap3A_951] {strides = array<i32>} : memref<80x128xf32, #tpu.memory_space<vmem>>, vector<1x16xf32>,
      %swap3A_953 = vector.shape_cast %swap3A_952 : vector<1x16xf32> to vector<16xf32>
      %swap3A_954 = vector.shape_cast %max3A_947 : vector<16xf32> to vector<1x16xf32>
      tpu.vector_store %arg14[%swap3A_950, %swap3A_951], %swap3A_954 {strides = array<i32>} : memref<80x128xf32, #tpu.memory_space<vmem>>, vector<1x16xf32>,
      %add3A_955 = arith.constant 3 : i32
      %add3A_956 = arith.addi %mul3A_265, %add3A_955 : i32
      %get3A_957 = arith.index_cast %add3A_956 : i32 to index
      %get3A_958 = arith.constant 96 : index
      %get3A_959 = tpu.vector_load %arg14[%get3A_957, %get3A_958] {strides = array<i32>} : memref<80x128xf32, #tpu.memory_space<vmem>>, vector<1x16xf32>,
      %get3A_960 = vector.shape_cast %get3A_959 : vector<1x16xf32> to vector<16xf32>
      %add3A_961 = arith.constant 3 : i32
      %add3A_962 = arith.addi %mul3A_265, %add3A_961 : i32
      %get3A_963 = arith.index_cast %add3A_962 : i32 to index
      %get3A_964 = arith.constant 96 : index
      %get3A_965 = tpu.vector_load %arg16[%get3A_963, %get3A_964] {strides = array<i32>} : memref<80x128xf32, #tpu.memory_space<vmem>>, vector<1x16xf32>,
      %get3A_966 = vector.shape_cast %get3A_965 : vector<1x16xf32> to vector<16xf32>
      %add3A_967 = arith.addf %get3A_960, %get3A_966 : vector<16xf32>
      %max3A_968 = arith.constant 0.000000e+00 : f32
      %max3A_969 = vector.broadcast %max3A_968 : f32 to vector<16xf32>
      %max3A_970 = arith.maximumf %add3A_967, %max3A_969 : vector<16xf32>
      %add3A_971 = arith.constant 3 : i32
      %add3A_972 = arith.addi %mul3A_265, %add3A_971 : i32
      %swap3A_973 = arith.index_cast %add3A_972 : i32 to index
      %swap3A_974 = arith.constant 96 : index
      %swap3A_975 = tpu.vector_load %arg14[%swap3A_973, %swap3A_974] {strides = array<i32>} : memref<80x128xf32, #tpu.memory_space<vmem>>, vector<1x16xf32>,
      %swap3A_976 = vector.shape_cast %swap3A_975 : vector<1x16xf32> to vector<16xf32>
      %swap3A_977 = vector.shape_cast %max3A_970 : vector<16xf32> to vector<1x16xf32>
      tpu.vector_store %arg14[%swap3A_973, %swap3A_974], %swap3A_977 {strides = array<i32>} : memref<80x128xf32, #tpu.memory_space<vmem>>, vector<1x16xf32>,
      %add3A_978 = arith.constant 3 : i32
      %add3A_979 = arith.addi %mul3A_265, %add3A_978 : i32
      %get3A_980 = arith.index_cast %add3A_979 : i32 to index
      %get3A_981 = arith.constant 112 : index
      %get3A_982 = tpu.vector_load %arg14[%get3A_980, %get3A_981] {strides = array<i32>} : memref<80x128xf32, #tpu.memory_space<vmem>>, vector<1x16xf32>,
      %get3A_983 = vector.shape_cast %get3A_982 : vector<1x16xf32> to vector<16xf32>
      %add3A_984 = arith.constant 3 : i32
      %add3A_985 = arith.addi %mul3A_265, %add3A_984 : i32
      %get3A_986 = arith.index_cast %add3A_985 : i32 to index
      %get3A_987 = arith.constant 112 : index
      %get3A_988 = tpu.vector_load %arg16[%get3A_986, %get3A_987] {strides = array<i32>} : memref<80x128xf32, #tpu.memory_space<vmem>>, vector<1x16xf32>,
      %get3A_989 = vector.shape_cast %get3A_988 : vector<1x16xf32> to vector<16xf32>
      %add3A_990 = arith.addf %get3A_983, %get3A_989 : vector<16xf32>
      %max3A_991 = arith.constant 0.000000e+00 : f32
      %max3A_992 = vector.broadcast %max3A_991 : f32 to vector<16xf32>
      %max3A_993 = arith.maximumf %add3A_990, %max3A_992 : vector<16xf32>
      %add3A_994 = arith.constant 3 : i32
      %add3A_995 = arith.addi %mul3A_265, %add3A_994 : i32
      %swap3A_996 = arith.index_cast %add3A_995 : i32 to index
      %swap3A_997 = arith.constant 112 : index
      %swap3A_998 = tpu.vector_load %arg14[%swap3A_996, %swap3A_997] {strides = array<i32>} : memref<80x128xf32, #tpu.memory_space<vmem>>, vector<1x16xf32>,
      %swap3A_999 = vector.shape_cast %swap3A_998 : vector<1x16xf32> to vector<16xf32>
      %swap3A_1000 = vector.shape_cast %max3A_993 : vector<16xf32> to vector<1x16xf32>
      tpu.vector_store %arg14[%swap3A_996, %swap3A_997], %swap3A_1000 {strides = array<i32>} : memref<80x128xf32, #tpu.memory_space<vmem>>, vector<1x16xf32>,
    }
    %scan3A_248 = arith.constant 20 : i32
    %dma_start3A_249 = arith.constant 0 : i32
    %dma_start3A_250 = arith.constant 0 : i32
    %dma_start3A_251 = tpu.memref_slice %arg18[%dma_start3A_249, %dma_start3A_250] : memref<10240x128xf32, #tpu.memory_space<vmem_shared>> -> memref<10240x128xf32, #tpu.memory_space<vmem_shared>>
    tpu.enqueue_indirect_dma source(%arg14 : memref<80x128xf32, #tpu.memory_space<vmem>>) target(%dma_start3A_251 : memref<10240x128xf32, #tpu.memory_space<vmem_shared>>) offsets(%arg12 : memref<80xi32, #tpu.memory_space<vmem>>) semaphore(%arg25 : memref<!tpu.dma_semaphore, #tpu.memory_space<semaphore_mem>>) {add = true}
    %dma_wait3A_252 = arith.constant 0 : i32
    %dma_wait3A_253 = arith.constant 0 : i32
    %dma_wait3A_254 = tpu.memref_slice %arg18[%dma_wait3A_252, %dma_wait3A_253] : memref<10240x128xf32, #tpu.memory_space<vmem_shared>> -> memref<10240x128xf32, #tpu.memory_space<vmem_shared>>
    tpu.wait_indirect_dma semaphore(%arg26 : memref<!tpu.dma_semaphore, #tpu.memory_space<semaphore_mem>>) src(%arg15 : memref<80x128xf32, #tpu.memory_space<vmem>>) dst(%dma_wait3A_254 : memref<10240x128xf32, #tpu.memory_space<vmem_shared>>)
    %dma_wait3A_255 = tpu.memref_slice %arg2[%mul3A_4] : memref<320000xi32, #tpu.memory_space<hbm>> -> memref<80xi32, #tpu.memory_space<hbm>>
    %dma_wait3A_256 = tpu.memref_slice %arg2[%mul3A_4] : memref<320000xi32, #tpu.memory_space<hbm>> -> memref<80xi32, #tpu.memory_space<hbm>>
    tpu.wait_dma2 semaphore(%arg20 : memref<!tpu.dma_semaphore, #tpu.memory_space<semaphore_mem>>) src(%dma_wait3A_256 : memref<80xi32, #tpu.memory_space<hbm>>) dst(%arg9 : memref<80xi32, #tpu.memory_space<vmem>>)
    %dma_wait3A_257 = tpu.memref_slice %arg3[%mul3A_4] : memref<320000xi32, #tpu.memory_space<hbm>> -> memref<80xi32, #tpu.memory_space<hbm>>
    %dma_wait3A_258 = tpu.memref_slice %arg3[%mul3A_4] : memref<320000xi32, #tpu.memory_space<hbm>> -> memref<80xi32, #tpu.memory_space<hbm>>
    tpu.wait_dma2 semaphore(%arg20 : memref<!tpu.dma_semaphore, #tpu.memory_space<semaphore_mem>>) src(%dma_wait3A_258 : memref<80xi32, #tpu.memory_space<hbm>>) dst(%arg11 : memref<80xi32, #tpu.memory_space<vmem>>)
    %dma_wait3A_259 = arith.constant 0 : i32
    %dma_wait3A_260 = arith.constant 0 : i32
    %dma_wait3A_261 = tpu.memref_slice %arg18[%dma_wait3A_259, %dma_wait3A_260] : memref<10240x128xf32, #tpu.memory_space<vmem_shared>> -> memref<10240x128xf32, #tpu.memory_space<vmem_shared>>
    tpu.wait_indirect_dma semaphore(%arg25 : memref<!tpu.dma_semaphore, #tpu.memory_space<semaphore_mem>>) src(%arg14 : memref<80x128xf32, #tpu.memory_space<vmem>>) dst(%dma_wait3A_261 : memref<10240x128xf32, #tpu.memory_space<vmem_shared>>)
    %barrier3A_262 = arith.constant 0 : index
    tpu.barrier barrier_id(%barrier3A_262)
    "tpu.region"() ({
      %run_scoped3A = tpu.sem_alloc : memref<!tpu.dma_semaphore, #tpu.memory_space<semaphore_mem>>
      %dma_start3A_263 = arith.constant 0 : i32
      %dma_start3A_264 = tpu.memref_slice %arg7[%arg0, %mul3A_2, %dma_start3A_263] : memref<2x10240x128xf32, #tpu.memory_space<hbm>> -> memref<1x640x128xf32, #tpu.memory_space<hbm>>
      %dma_start3A_265 = tpu.memref_squeeze %dma_start3A_264 : memref<1x640x128xf32, #tpu.memory_space<hbm>> -> memref<640x128xf32, #tpu.memory_space<hbm>>
      %dma_start3A_266 = arith.constant 0 : i32
      %dma_start3A_267 = tpu.memref_slice %arg18[%mul3A_2, %dma_start3A_266] : memref<10240x128xf32, #tpu.memory_space<vmem_shared>> -> memref<640x128xf32, #tpu.memory_space<vmem_shared>>
      tpu.enqueue_dma source(%dma_start3A_267 : memref<640x128xf32, #tpu.memory_space<vmem_shared>>) target(%dma_start3A_265 : memref<640x128xf32, #tpu.memory_space<hbm>>) target_semaphore(%run_scoped3A : memref<!tpu.dma_semaphore, #tpu.memory_space<semaphore_mem>>)
      %dma_wait3A_268 = arith.constant 0 : i32
      %dma_wait3A_269 = tpu.memref_slice %arg7[%arg0, %mul3A_2, %dma_wait3A_268] : memref<2x10240x128xf32, #tpu.memory_space<hbm>> -> memref<1x640x128xf32, #tpu.memory_space<hbm>>
      %dma_wait3A_270 = tpu.memref_squeeze %dma_wait3A_269 : memref<1x640x128xf32, #tpu.memory_space<hbm>> -> memref<640x128xf32, #tpu.memory_space<hbm>>
      %dma_wait3A_271 = arith.constant 0 : i32
      %dma_wait3A_272 = tpu.memref_slice %arg18[%mul3A_2, %dma_wait3A_271] : memref<10240x128xf32, #tpu.memory_space<vmem_shared>> -> memref<640x128xf32, #tpu.memory_space<vmem_shared>>
      tpu.wait_dma2 semaphore(%run_scoped3A : memref<!tpu.dma_semaphore, #tpu.memory_space<semaphore_mem>>) src(%dma_wait3A_272 : memref<640x128xf32, #tpu.memory_space<vmem_shared>>) dst(%dma_wait3A_270 : memref<640x128xf32, #tpu.memory_space<hbm>>)
      tpu.yield
    }) : () -> ()
    return
  }
}

module attributes {stable_mosaic.version = 14 : i64} {
  func.func @_edge_lin_body(%arg0: i32, %arg1: memref<2560x10xf32, #tpu.memory_space<vmem>>, %arg2: memref<10x128xf32, #tpu.memory_space<vmem>>, %arg3: memref<1x128xf32, #tpu.memory_space<vmem>>, %arg4: memref<2560x128xf32, #tpu.memory_space<vmem>>) attributes {dimension_semantics = [#tpu.dimension_semantics<arbitrary>], iteration_bounds = array<i64: 125>, scalar_prefetch = 0 : i64, scratch_operands = 0 : i64, tpu.core_type = #tpu.core_type<tc>, window_params = [{transform_indices = @transform_0, window_bounds = array<i64: 2560, 10>}, {pipeline_mode = #tpu.pipeline_mode<synchronous>, transform_indices = @transform_1, window_bounds = array<i64: 10, 128>}, {pipeline_mode = #tpu.pipeline_mode<synchronous>, transform_indices = @transform_2, window_bounds = array<i64: 1, 128>}, {transform_indices = @transform_3, window_bounds = array<i64: 2560, 128>}]} {
    %get3A = arith.constant 0 : index
    %get3A_0 = arith.constant 0 : index
    %get3A_1 = vector.load %arg1[%get3A, %get3A_0] : memref<2560x10xf32, #tpu.memory_space<vmem>>, vector<2560x10xf32>
    %get3A_2 = arith.constant 0 : index
    %get3A_3 = arith.constant 0 : index
    %get3A_4 = vector.load %arg2[%get3A_2, %get3A_3] : memref<10x128xf32, #tpu.memory_space<vmem>>, vector<10x128xf32>
    %dot_general3A = arith.constant dense<0.000000e+00> : vector<2560x128xf32>
    %dot_general3A_5 = tpu.matmul %get3A_1, %get3A_4, %dot_general3A {dimension_numbers = #tpu.dot_dimension_numbers<[1], [0], [0], [1], [0, 0, 1, 1], [], []>, transpose_lhs_hint = false} : vector<2560x10xf32>, vector<10x128xf32>, vector<2560x128xf32> -> vector<2560x128xf32>
    %get3A_6 = arith.constant 0 : index
    %get3A_7 = arith.constant 0 : index
    %get3A_8 = vector.load %arg3[%get3A_6, %get3A_7] : memref<1x128xf32, #tpu.memory_space<vmem>>, vector<1x128xf32>
    %add3A = vector.broadcast %get3A_8 : vector<1x128xf32> to vector<2560x128xf32>
    %add3A_9 = arith.addf %dot_general3A_5, %add3A : vector<2560x128xf32>
    %swap3A = arith.constant 0 : index
    %swap3A_10 = arith.constant 0 : index
    %swap3A_11 = vector.load %arg4[%swap3A, %swap3A_10] : memref<2560x128xf32, #tpu.memory_space<vmem>>, vector<2560x128xf32>
    tpu.vector_store %arg4[%swap3A, %swap3A_10], %add3A_9 {strides = array<i32>} : memref<2560x128xf32, #tpu.memory_space<vmem>>, vector<2560x128xf32>,
    return
  }
  func.func @transform_0(%arg0: i32) -> (i32, i32) {
    %c0_i32 = arith.constant 0 : i32
    %c0_i32_0 = arith.constant 0 : i32
    return %arg0, %c0_i32 : i32, i32
  }
  func.func @transform_1(%arg0: i32) -> (i32, i32) {
    %c0_i32 = arith.constant 0 : i32
    %c0_i32_0 = arith.constant 0 : i32
    %c0_i32_1 = arith.constant 0 : i32
    return %c0_i32, %c0_i32_0 : i32, i32
  }
  func.func @transform_2(%arg0: i32) -> (i32, i32) {
    %c0_i32 = arith.constant 0 : i32
    %c0_i32_0 = arith.constant 0 : i32
    %c0_i32_1 = arith.constant 0 : i32
    return %c0_i32, %c0_i32_0 : i32, i32
  }
  func.func @transform_3(%arg0: i32) -> (i32, i32) {
    %c0_i32 = arith.constant 0 : i32
    %c0_i32_0 = arith.constant 0 : i32
    return %arg0, %c0_i32 : i32, i32
  }
}

module attributes {stable_mosaic.version = 14 : i64} {
  func.func @_mlp_body(%arg0: i32, %arg1: memref<2000x128xf32, #tpu.memory_space<vmem>>, %arg2: memref<1x2000x128xf32, #tpu.memory_space<vmem>>, %arg3: memref<1x2000x128xf32, #tpu.memory_space<vmem>>, %arg4: memref<128x128xf32, #tpu.memory_space<vmem>>, %arg5: memref<1x128xf32, #tpu.memory_space<vmem>>, %arg6: memref<128x128xf32, #tpu.memory_space<vmem>>, %arg7: memref<1x128xf32, #tpu.memory_space<vmem>>, %arg8: memref<2000x128xf32, #tpu.memory_space<vmem>>, %arg9: memref<1x128xf32, #tpu.memory_space<vmem>>, %arg10: memref<1x128xf32, #tpu.memory_space<vmem>>) attributes {dimension_semantics = [#tpu.dimension_semantics<arbitrary>], iteration_bounds = array<i64: 5>, scalar_prefetch = 0 : i64, scratch_operands = 0 : i64, tpu.core_type = #tpu.core_type<tc>, window_params = [{transform_indices = @transform_0, window_bounds = array<i64: 2000, 128>}, {transform_indices = @transform_1, window_bounds = array<i64: 1, 2000, 128>}, {transform_indices = @transform_2, window_bounds = array<i64: 1, 2000, 128>}, {pipeline_mode = #tpu.pipeline_mode<synchronous>, transform_indices = @transform_3, window_bounds = array<i64: 128, 128>}, {pipeline_mode = #tpu.pipeline_mode<synchronous>, transform_indices = @transform_4, window_bounds = array<i64: 1, 128>}, {pipeline_mode = #tpu.pipeline_mode<synchronous>, transform_indices = @transform_5, window_bounds = array<i64: 128, 128>}, {pipeline_mode = #tpu.pipeline_mode<synchronous>, transform_indices = @transform_6, window_bounds = array<i64: 1, 128>}, {transform_indices = @transform_7, window_bounds = array<i64: 2000, 128>}, {pipeline_mode = #tpu.pipeline_mode<synchronous>, transform_indices = @transform_8, window_bounds = array<i64: 1, 128>}, {pipeline_mode = #tpu.pipeline_mode<synchronous>, transform_indices = @transform_9, window_bounds = array<i64: 1, 128>}]} {
    %get3A = arith.constant 0 : index
    %get3A_0 = arith.constant 0 : index
    %get3A_1 = vector.load %arg1[%get3A, %get3A_0] : memref<2000x128xf32, #tpu.memory_space<vmem>>, vector<2000x128xf32>
    %get3A_2 = arith.constant 0 : index
    %get3A_3 = arith.constant 0 : index
    %get3A_4 = arith.constant 0 : index
    %get3A_5 = vector.load %arg2[%get3A_2, %get3A_3, %get3A_4] : memref<1x2000x128xf32, #tpu.memory_space<vmem>>, vector<1x2000x128xf32>
    %get3A_6 = vector.shape_cast %get3A_5 : vector<1x2000x128xf32> to vector<2000x128xf32>
    %add3A = arith.addf %get3A_1, %get3A_6 : vector<2000x128xf32>
    %get3A_7 = arith.constant 0 : index
    %get3A_8 = arith.constant 0 : index
    %get3A_9 = arith.constant 0 : index
    %get3A_10 = vector.load %arg3[%get3A_7, %get3A_8, %get3A_9] : memref<1x2000x128xf32, #tpu.memory_space<vmem>>, vector<1x2000x128xf32>
    %get3A_11 = vector.shape_cast %get3A_10 : vector<1x2000x128xf32> to vector<2000x128xf32>
    %add3A_12 = arith.addf %add3A, %get3A_11 : vector<2000x128xf32>
    %get3A_13 = arith.constant 0 : index
    %get3A_14 = arith.constant 0 : index
    %get3A_15 = vector.load %arg4[%get3A_13, %get3A_14] : memref<128x128xf32, #tpu.memory_space<vmem>>, vector<128x128xf32>
    %dot_general3A = arith.constant dense<0.000000e+00> : vector<2000x128xf32>
    %dot_general3A_16 = tpu.matmul %add3A_12, %get3A_15, %dot_general3A {dimension_numbers = #tpu.dot_dimension_numbers<[1], [0], [0], [1], [0, 0, 1, 1], [], []>, transpose_lhs_hint = false} : vector<2000x128xf32>, vector<128x128xf32>, vector<2000x128xf32> -> vector<2000x128xf32>
    %get3A_17 = arith.constant 0 : index
    %get3A_18 = arith.constant 0 : index
    %get3A_19 = vector.load %arg5[%get3A_17, %get3A_18] : memref<1x128xf32, #tpu.memory_space<vmem>>, vector<1x128xf32>
    %add3A_20 = vector.broadcast %get3A_19 : vector<1x128xf32> to vector<2000x128xf32>
    %add3A_21 = arith.addf %dot_general3A_16, %add3A_20 : vector<2000x128xf32>
    %max3A = arith.constant 0.000000e+00 : f32
    %max3A_22 = vector.broadcast %max3A : f32 to vector<2000x128xf32>
    %max3A_23 = arith.maximumf %add3A_21, %max3A_22 : vector<2000x128xf32>
    %get3A_24 = arith.constant 0 : index
    %get3A_25 = arith.constant 0 : index
    %get3A_26 = vector.load %arg6[%get3A_24, %get3A_25] : memref<128x128xf32, #tpu.memory_space<vmem>>, vector<128x128xf32>
    %dot_general3A_27 = arith.constant dense<0.000000e+00> : vector<2000x128xf32>
    %dot_general3A_28 = tpu.matmul %max3A_23, %get3A_26, %dot_general3A_27 {dimension_numbers = #tpu.dot_dimension_numbers<[1], [0], [0], [1], [0, 0, 1, 1], [], []>, transpose_lhs_hint = false} : vector<2000x128xf32>, vector<128x128xf32>, vector<2000x128xf32> -> vector<2000x128xf32>
    %get3A_29 = arith.constant 0 : index
    %get3A_30 = arith.constant 0 : index
    %get3A_31 = vector.load %arg7[%get3A_29, %get3A_30] : memref<1x128xf32, #tpu.memory_space<vmem>>, vector<1x128xf32>
    %add3A_32 = vector.broadcast %get3A_31 : vector<1x128xf32> to vector<2000x128xf32>
    %add3A_33 = arith.addf %dot_general3A_28, %add3A_32 : vector<2000x128xf32>
    %max3A_34 = arith.constant 0.000000e+00 : f32
    %max3A_35 = vector.broadcast %max3A_34 : f32 to vector<2000x128xf32>
    %max3A_36 = arith.maximumf %add3A_33, %max3A_35 : vector<2000x128xf32>
    %swap3A = arith.constant 0 : index
    %swap3A_37 = arith.constant 0 : index
    %swap3A_38 = vector.load %arg8[%swap3A, %swap3A_37] : memref<2000x128xf32, #tpu.memory_space<vmem>>, vector<2000x128xf32>
    tpu.vector_store %arg8[%swap3A, %swap3A_37], %max3A_36 {strides = array<i32>} : memref<2000x128xf32, #tpu.memory_space<vmem>>, vector<2000x128xf32>,
    %eq3A = arith.constant 0 : i32
    %eq3A_39 = arith.cmpi eq, %arg0, %eq3A : i32
    %convert_element_type3A = arith.extui %eq3A_39 : i1 to i32
    %cond3A = arith.constant 0 : i32
    %cond3A_40 = arith.cmpi ne, %convert_element_type3A, %cond3A : i32
    scf.if %cond3A_40 {
      %broadcast_in_dim3A_59 = arith.constant 0.000000e+00 : f32
      %broadcast_in_dim3A_60 = vector.broadcast %broadcast_in_dim3A_59 : f32 to vector<1x128xf32>
      %swap3A_61 = arith.constant 0 : index
      %swap3A_62 = arith.constant 0 : index
      %swap3A_63 = vector.load %arg9[%swap3A_61, %swap3A_62] : memref<1x128xf32, #tpu.memory_space<vmem>>, vector<1x128xf32>
      tpu.vector_store %arg9[%swap3A_61, %swap3A_62], %broadcast_in_dim3A_60 {strides = array<i32>} : memref<1x128xf32, #tpu.memory_space<vmem>>, vector<1x128xf32>,
      %broadcast_in_dim3A_64 = arith.constant 0.000000e+00 : f32
      %broadcast_in_dim3A_65 = vector.broadcast %broadcast_in_dim3A_64 : f32 to vector<1x128xf32>
      %swap3A_66 = arith.constant 0 : index
      %swap3A_67 = arith.constant 0 : index
      %swap3A_68 = vector.load %arg10[%swap3A_66, %swap3A_67] : memref<1x128xf32, #tpu.memory_space<vmem>>, vector<1x128xf32>
      tpu.vector_store %arg10[%swap3A_66, %swap3A_67], %broadcast_in_dim3A_65 {strides = array<i32>} : memref<1x128xf32, #tpu.memory_space<vmem>>, vector<1x128xf32>,
    } else {
    }
    %get3A_41 = arith.constant 0 : index
    %get3A_42 = arith.constant 0 : index
    %get3A_43 = vector.load %arg9[%get3A_41, %get3A_42] : memref<1x128xf32, #tpu.memory_space<vmem>>, vector<1x128xf32>
    %reduce_sum3A = arith.constant dense<0.000000e+00> : vector<128xf32>
    %reduce_sum3A_44 = vector.multi_reduction <add>, %max3A_36, %reduce_sum3A [0] : vector<2000x128xf32> to vector<128xf32>
    %broadcast_in_dim3A = vector.shape_cast %reduce_sum3A_44 : vector<128xf32> to vector<1x128xf32>
    %add3A_45 = arith.addf %get3A_43, %broadcast_in_dim3A : vector<1x128xf32>
    %swap3A_46 = arith.constant 0 : index
    %swap3A_47 = arith.constant 0 : index
    %swap3A_48 = vector.load %arg9[%swap3A_46, %swap3A_47] : memref<1x128xf32, #tpu.memory_space<vmem>>, vector<1x128xf32>
    tpu.vector_store %arg9[%swap3A_46, %swap3A_47], %add3A_45 {strides = array<i32>} : memref<1x128xf32, #tpu.memory_space<vmem>>, vector<1x128xf32>,
    %get3A_49 = arith.constant 0 : index
    %get3A_50 = arith.constant 0 : index
    %get3A_51 = vector.load %arg10[%get3A_49, %get3A_50] : memref<1x128xf32, #tpu.memory_space<vmem>>, vector<1x128xf32>
    %mul3A = arith.mulf %max3A_36, %max3A_36 : vector<2000x128xf32>
    %reduce_sum3A_52 = arith.constant dense<0.000000e+00> : vector<128xf32>
    %reduce_sum3A_53 = vector.multi_reduction <add>, %mul3A, %reduce_sum3A_52 [0] : vector<2000x128xf32> to vector<128xf32>
    %broadcast_in_dim3A_54 = vector.shape_cast %reduce_sum3A_53 : vector<128xf32> to vector<1x128xf32>
    %add3A_55 = arith.addf %get3A_51, %broadcast_in_dim3A_54 : vector<1x128xf32>
    %swap3A_56 = arith.constant 0 : index
    %swap3A_57 = arith.constant 0 : index
    %swap3A_58 = vector.load %arg10[%swap3A_56, %swap3A_57] : memref<1x128xf32, #tpu.memory_space<vmem>>, vector<1x128xf32>
    tpu.vector_store %arg10[%swap3A_56, %swap3A_57], %add3A_55 {strides = array<i32>} : memref<1x128xf32, #tpu.memory_space<vmem>>, vector<1x128xf32>,
    return
  }
  func.func @transform_0(%arg0: i32) -> (i32, i32) {
    %c0_i32 = arith.constant 0 : i32
    %c0_i32_0 = arith.constant 0 : i32
    return %arg0, %c0_i32 : i32, i32
  }
  func.func @transform_1(%arg0: i32) -> (i32, i32, i32) {
    %c0_i32 = arith.constant 0 : i32
    %c0_i32_0 = arith.constant 0 : i32
    %c0_i32_1 = arith.constant 0 : i32
    return %c0_i32, %arg0, %c0_i32_0 : i32, i32, i32
  }
  func.func @transform_2(%arg0: i32) -> (i32, i32, i32) {
    %c1_i32 = arith.constant 1 : i32
    %c0_i32 = arith.constant 0 : i32
    %c0_i32_0 = arith.constant 0 : i32
    return %c1_i32, %arg0, %c0_i32 : i32, i32, i32
  }
  func.func @transform_3(%arg0: i32) -> (i32, i32) {
    %c0_i32 = arith.constant 0 : i32
    %c0_i32_0 = arith.constant 0 : i32
    %c0_i32_1 = arith.constant 0 : i32
    return %c0_i32, %c0_i32_0 : i32, i32
  }
  func.func @transform_4(%arg0: i32) -> (i32, i32) {
    %c0_i32 = arith.constant 0 : i32
    %c0_i32_0 = arith.constant 0 : i32
    %c0_i32_1 = arith.constant 0 : i32
    return %c0_i32, %c0_i32_0 : i32, i32
  }
  func.func @transform_5(%arg0: i32) -> (i32, i32) {
    %c0_i32 = arith.constant 0 : i32
    %c0_i32_0 = arith.constant 0 : i32
    %c0_i32_1 = arith.constant 0 : i32
    return %c0_i32, %c0_i32_0 : i32, i32
  }
  func.func @transform_6(%arg0: i32) -> (i32, i32) {
    %c0_i32 = arith.constant 0 : i32
    %c0_i32_0 = arith.constant 0 : i32
    %c0_i32_1 = arith.constant 0 : i32
    return %c0_i32, %c0_i32_0 : i32, i32
  }
  func.func @transform_7(%arg0: i32) -> (i32, i32) {
    %c0_i32 = arith.constant 0 : i32
    %c0_i32_0 = arith.constant 0 : i32
    return %arg0, %c0_i32 : i32, i32
  }
  func.func @transform_8(%arg0: i32) -> (i32, i32) {
    %c0_i32 = arith.constant 0 : i32
    %c0_i32_0 = arith.constant 0 : i32
    %c0_i32_1 = arith.constant 0 : i32
    return %c0_i32, %c0_i32_0 : i32, i32
  }
  func.func @transform_9(%arg0: i32) -> (i32, i32) {
    %c0_i32 = arith.constant 0 : i32
    %c0_i32_0 = arith.constant 0 : i32
    %c0_i32_1 = arith.constant 0 : i32
    return %c0_i32, %c0_i32_0 : i32, i32
  }
}

module attributes {stable_mosaic.version = 14 : i64} {
  func.func @_bn_body(%arg0: i32, %arg1: memref<2000x128xf32, #tpu.memory_space<vmem>>, %arg2: memref<1x128xf32, #tpu.memory_space<vmem>>, %arg3: memref<1x128xf32, #tpu.memory_space<vmem>>, %arg4: memref<1x128xf32, #tpu.memory_space<vmem>>, %arg5: memref<1x128xf32, #tpu.memory_space<vmem>>, %arg6: memref<2000x128xf32, #tpu.memory_space<vmem>>) attributes {dimension_semantics = [#tpu.dimension_semantics<arbitrary>], iteration_bounds = array<i64: 5>, scalar_prefetch = 0 : i64, scratch_operands = 0 : i64, tpu.core_type = #tpu.core_type<tc>, window_params = [{transform_indices = @transform_0, window_bounds = array<i64: 2000, 128>}, {pipeline_mode = #tpu.pipeline_mode<synchronous>, transform_indices = @transform_1, window_bounds = array<i64: 1, 128>}, {pipeline_mode = #tpu.pipeline_mode<synchronous>, transform_indices = @transform_2, window_bounds = array<i64: 1, 128>}, {pipeline_mode = #tpu.pipeline_mode<synchronous>, transform_indices = @transform_3, window_bounds = array<i64: 1, 128>}, {pipeline_mode = #tpu.pipeline_mode<synchronous>, transform_indices = @transform_4, window_bounds = array<i64: 1, 128>}, {transform_indices = @transform_5, window_bounds = array<i64: 2000, 128>}]} {
    %get3A = arith.constant 0 : index
    %get3A_0 = arith.constant 0 : index
    %get3A_1 = vector.load %arg2[%get3A, %get3A_0] : memref<1x128xf32, #tpu.memory_space<vmem>>, vector<1x128xf32>
    %mul3A = arith.constant 9.99999974E-5 : f32
    %mul3A_2 = vector.broadcast %mul3A : f32 to vector<1x128xf32>
    %mul3A_3 = arith.mulf %get3A_1, %mul3A_2 : vector<1x128xf32>
    %get3A_4 = arith.constant 0 : index
    %get3A_5 = arith.constant 0 : index
    %get3A_6 = vector.load %arg3[%get3A_4, %get3A_5] : memref<1x128xf32, #tpu.memory_space<vmem>>, vector<1x128xf32>
    %mul3A_7 = arith.constant 9.99999974E-5 : f32
    %mul3A_8 = vector.broadcast %mul3A_7 : f32 to vector<1x128xf32>
    %mul3A_9 = arith.mulf %get3A_6, %mul3A_8 : vector<1x128xf32>
    %mul3A_10 = arith.mulf %mul3A_3, %mul3A_3 : vector<1x128xf32>
    %sub3A = arith.subf %mul3A_9, %mul3A_10 : vector<1x128xf32>
    %add3A = arith.constant 9.99999974E-6 : f32
    %add3A_11 = vector.broadcast %add3A : f32 to vector<1x128xf32>
    %add3A_12 = arith.addf %sub3A, %add3A_11 : vector<1x128xf32>
    %rsqrt3A = math.rsqrt %add3A_12 : vector<1x128xf32>
    %get3A_13 = arith.constant 0 : index
    %get3A_14 = arith.constant 0 : index
    %get3A_15 = vector.load %arg1[%get3A_13, %get3A_14] : memref<2000x128xf32, #tpu.memory_space<vmem>>, vector<2000x128xf32>
    %sub3A_16 = vector.broadcast %mul3A_3 : vector<1x128xf32> to vector<2000x128xf32>
    %sub3A_17 = arith.subf %get3A_15, %sub3A_16 : vector<2000x128xf32>
    %mul3A_18 = vector.broadcast %rsqrt3A : vector<1x128xf32> to vector<2000x128xf32>
    %mul3A_19 = arith.mulf %sub3A_17, %mul3A_18 : vector<2000x128xf32>
    %get3A_20 = arith.constant 0 : index
    %get3A_21 = arith.constant 0 : index
    %get3A_22 = vector.load %arg4[%get3A_20, %get3A_21] : memref<1x128xf32, #tpu.memory_space<vmem>>, vector<1x128xf32>
    %mul3A_23 = vector.broadcast %get3A_22 : vector<1x128xf32> to vector<2000x128xf32>
    %mul3A_24 = arith.mulf %mul3A_19, %mul3A_23 : vector<2000x128xf32>
    %get3A_25 = arith.constant 0 : index
    %get3A_26 = arith.constant 0 : index
    %get3A_27 = vector.load %arg5[%get3A_25, %get3A_26] : memref<1x128xf32, #tpu.memory_space<vmem>>, vector<1x128xf32>
    %add3A_28 = vector.broadcast %get3A_27 : vector<1x128xf32> to vector<2000x128xf32>
    %add3A_29 = arith.addf %mul3A_24, %add3A_28 : vector<2000x128xf32>
    %swap3A = arith.constant 0 : index
    %swap3A_30 = arith.constant 0 : index
    %swap3A_31 = vector.load %arg6[%swap3A, %swap3A_30] : memref<2000x128xf32, #tpu.memory_space<vmem>>, vector<2000x128xf32>
    tpu.vector_store %arg6[%swap3A, %swap3A_30], %add3A_29 {strides = array<i32>} : memref<2000x128xf32, #tpu.memory_space<vmem>>, vector<2000x128xf32>,
    return
  }
  func.func @transform_0(%arg0: i32) -> (i32, i32) {
    %c0_i32 = arith.constant 0 : i32
    %c0_i32_0 = arith.constant 0 : i32
    return %arg0, %c0_i32 : i32, i32
  }
  func.func @transform_1(%arg0: i32) -> (i32, i32) {
    %c0_i32 = arith.constant 0 : i32
    %c0_i32_0 = arith.constant 0 : i32
    %c0_i32_1 = arith.constant 0 : i32
    return %c0_i32, %c0_i32_0 : i32, i32
  }
  func.func @transform_2(%arg0: i32) -> (i32, i32) {
    %c0_i32 = arith.constant 0 : i32
    %c0_i32_0 = arith.constant 0 : i32
    %c0_i32_1 = arith.constant 0 : i32
    return %c0_i32, %c0_i32_0 : i32, i32
  }
  func.func @transform_3(%arg0: i32) -> (i32, i32) {
    %c0_i32 = arith.constant 0 : i32
    %c0_i32_0 = arith.constant 0 : i32
    %c0_i32_1 = arith.constant 0 : i32
    return %c0_i32, %c0_i32_0 : i32, i32
  }
  func.func @transform_4(%arg0: i32) -> (i32, i32) {
    %c0_i32 = arith.constant 0 : i32
    %c0_i32_0 = arith.constant 0 : i32
    %c0_i32_1 = arith.constant 0 : i32
    return %c0_i32, %c0_i32_0 : i32, i32
  }
  func.func @transform_5(%arg0: i32) -> (i32, i32) {
    %c0_i32 = arith.constant 0 : i32
    %c0_i32_0 = arith.constant 0 : i32
    return %arg0, %c0_i32 : i32, i32
  }
}

</mosaic_0001>

<sc_bundles>
// kernel: kernel.6.cloned.1.call-start
scs
__scs_entry_jumppad:
0x0: {  	(pc) =	sbr.rel $0x88, $3  }
0x1: {  	(tag) =	ssettag $0x0;
	lr =	simm.s32 $0x1  }
0x2: {  	[smem:$0x3F96] =	sst lr;
	_ =	strace $0xD0000000  }
0x3: {  	_ = 	snop  }
0x4: {  	_ = 	snop  }
0x5: {  	_ = 	snop  }
0x6: {  	_ = 	snop  }
0x7: {  	_ = 	snop  }
__scs_overlays_trampoline_lowered:
0x8: {  	[smem:$0x3FA5] =	sst s0  }
0x9: {  	[smem:$0x3FA6] =	sst s1  }
0xa: {  	[smem:$0x3FA7] =	sst s2  }
0xb: {  	[smem:$0x3FA8] =	sst s3  }
0xc: {  	[smem:$0x3FA9] =	sst s4  }
0xd: {  	[smem:$0x3FAA] =	sst s5  }
0xe: {  	[smem:$0x3FAB] =	sst s6  }
0xf: {  	[smem:$0x3FAC] =	sst s7  }
0x10: {  	[smem:$0x3FAD] =	sst s8  }
0x11: {  	[smem:$0x3FAE] =	sst s9;
	s0 =	simm.s32 @!p0 $0x0  }
0x12: {  	s1 =	sld [smem:$0x3F94];
	s0 =	simm.s32 @p0 $0x1  }
0x13: {  	[smem:$0x3FAF] =	sst s0;
	s0 =	simm.s32 @!p1 $0x0  }
0x14: {  	s2 =	sld [smem:$0x3F93];
	s0 =	simm.s32 @p1 $0x1  }
0x15: {  	[smem:$0x3FB0] =	sst s0;
	s0 =	simm.s32 @!p2 $0x0  }
0x16: {  	s3 =	sld [smem:$0x3FDB];
	s0 =	simm.s32 @p2 $0x1  }
0x17: {  	s4 =	simm.s32 $0x1BF5;
	[smem:$0x3FB2] =	sst s0  }
0x18: {  	s0 =	sld [smem:$0x3F95];
	_ =	swait.ge [sflag:s4], $0x0  }
0x19: {  	s7 =	sld [smem:$0x3F96]  }
0x1a: {  	s8 =	sadd.s32 $0xFFFFE003, lr  }
0x1b: {  	s9 =	sadd.s32 $0xFFFFFEF7, lr;
	s5 =	simm.s32 $0xFFFFFFFF;
	p2 =	slt.u32 s8, $0xFFFFF086  }
0x1c: {  	p1 =	slt.u32 s9, $0xF7A;
	s5 =	simm.s32 @!p2 $0x0  }
0x1d: {  	s5 =	simm.s32 @p1 $0x1;
	p0 =	seq.s32 s7, s2  }
0x1e: {  	s7 =	smul.u32 @!p0 $0xF7A, s2;
	p2 =	seq.s32 @!p0 s5, $0x0  }
0x1f: {  	s9 =	smul.u32 $0xF7A, s1;
	s8 =	simm.s32 @!p0 $0x1BF5;
	p2 =	por !p2, p0  }
0x20: {  	[sflag:s8] =	ssyncset.s32 @!p0 $0xFFFFF086;
	s6 =	sadd.s32 @!p0 s3, s7;
	s7 =	simm.s32 @!p0 $0x108  }
0x21: {  	s3 =	sadd.s32 s3, s9;
	s6 =	sadd.s32 @!p0 $0x88, s6;
	s7 =	simm.s32 @p2 $0x1082  }
0x22: {  	[simem:s7], [sflag:s8] =	dma.local @!p0 [hbm:s6], $0xF7A  }
0x23: {  	s9 =	sor.u32 $0xD0000000, s2;
	s6 =	simm.s32 $0x108;
	_ =	swait.ge @!p0 [sflag:s8], $0x0  }
0x24: {  	s3 =	sadd.s32 $0x88, s3;
	s6 =	simm.s32 @!p1 $0x1082;
	[sflag:s4] =	ssyncset.s32 $0xFFFFF086  }
0x25: {  	[simem:s6], [sflag:s4] =	dma.local [hbm:s3], $0xF7A  }
0x26: {  	[smem:$0x3F96] =	sst s1;
	(tag) =	ssettag s2;
	_ =	strace s9  }
0x27: {  	s1 =	sld [smem:$0x3FA6]  }
0x28: {  	s2 =	sld [smem:$0x3FA7]  }
0x29: {  	s4 =	sld [smem:$0x3FA9]  }
0x2a: {  	p0 =	seq.s32 s5, $0x0;
	s5 =	sld [smem:$0x3FAA]  }
0x2b: {  	s6 =	sld [smem:$0x3FAB]  }
0x2c: {  	s7 =	sld [smem:$0x3FAC]  }
0x2d: {  	s3 =	simm.s32 $0x108;
	s8 =	sld [smem:$0x3FAD]  }
0x2e: {  	s3 =	simm.s32 @!p0 $0x1082;
	s9 =	sld [smem:$0x3FAE]  }
0x2f: {  	lr =	sadd.s32 s0, s3;
	s0 =	sld [smem:$0x3FA5]  }
0x30: {  	s3 =	sld [smem:$0x3FA8]  }
0x31: {  	[smem:$0x3FB1] =	sst s10  }
0x32: {  	s10 =	sld [smem:$0x3FAF];
	_ =	sdelay $0x3  }
0x33: {  	p0 =	seq.s32 s10, $0x1;
	s10 =	sld [smem:$0x3FB1];
	_ =	sdelay $0x3  }
0x34: {  	[smem:$0x3FB1] =	sst s10  }
0x35: {  	s10 =	sld [smem:$0x3FB0];
	_ =	sdelay $0x3  }
0x36: {  	p1 =	seq.s32 s10, $0x1;
	s10 =	sld [smem:$0x3FB1];
	_ =	sdelay $0x3  }
0x37: {  	[smem:$0x3FB1] =	sst s10  }
0x38: {  	s10 =	sld [smem:$0x3FB2]  }
0x39: {  	_ = 	snop;
	(pc) =	sbr.ind lr, $3  }
0x3a: {  	_ = 	snop  }
0x3b: {  	_ = 	snop  }
0x3c: {  	p2 =	seq.s32 s10, $0x1;
	s10 =	sld [smem:$0x3FB1]  }
0x3d: {  	_ =	shalt  }
0x3e: {  	_ =	shalt  }
0x3f: {  	_ =	shalt  }
0x40: {  	_ =	shalt  }
0x41: {  	_ =	shalt  }
0x42: {  	_ =	shalt  }
0x43: {  	_ =	shalt  }
0x44: {  	_ =	shalt  }
0x45: {  	_ =	shalt  }
0x46: {  	_ =	shalt  }
0x47: {  	_ =	shalt  }
0x48: {  	_ =	shalt  }
0x49: {  	_ =	shalt  }
0x4a: {  	_ =	shalt  }
0x4b: {  	_ =	shalt  }
0x4c: {  	_ =	shalt  }
0x4d: {  	_ =	shalt  }
0x4e: {  	_ =	shalt  }
0x4f: {  	_ =	shalt  }
0x50: {  	_ =	shalt  }
0x51: {  	_ =	shalt  }
0x52: {  	_ =	shalt  }
0x53: {  	_ =	shalt  }
0x54: {  	_ =	shalt  }
0x55: {  	_ =	shalt  }
0x56: {  	_ =	shalt  }
0x57: {  	_ =	shalt  }
0x58: {  	_ =	shalt  }
0x59: {  	_ =	shalt  }
0x5a: {  	_ =	shalt  }
0x5b: {  	_ =	shalt  }
0x5c: {  	_ =	shalt  }
0x5d: {  	_ =	shalt  }
0x5e: {  	_ =	shalt  }
0x5f: {  	_ =	shalt  }
0x60: {  	_ =	shalt  }
0x61: {  	_ =	shalt  }
0x62: {  	_ =	shalt  }
0x63: {  	_ =	shalt  }
0x64: {  	_ =	shalt  }
0x65: {  	_ =	shalt  }
0x66: {  	_ =	shalt  }
0x67: {  	_ =	shalt  }
0x68: {  	_ =	shalt  }
0x69: {  	_ =	shalt  }
0x6a: {  	_ =	shalt  }
0x6b: {  	_ =	shalt  }
0x6c: {  	_ =	shalt  }
0x6d: {  	_ =	shalt  }
0x6e: {  	_ =	shalt  }
0x6f: {  	_ =	shalt  }
0x70: {  	_ =	shalt  }
0x71: {  	_ =	shalt  }
0x72: {  	_ =	shalt  }
0x73: {  	_ =	shalt  }
0x74: {  	_ =	shalt  }
0x75: {  	_ =	shalt  }
0x76: {  	_ =	shalt  }
0x77: {  	_ =	shalt  }
0x78: {  	_ =	shalt  }
0x79: {  	_ =	shalt  }
0x7a: {  	_ =	shalt  }
0x7b: {  	_ =	shalt  }
0x7c: {  	_ =	shalt  }
0x7d: {  	_ =	shalt  }
0x7e: {  	_ =	shalt  }
0x7f: {  	_ =	shalt  }
0x80: {  	_ =	shalt  }
0x81: {  	_ =	shalt  }
0x82: {  	_ =	shalt  }
0x83: {  	_ =	shalt  }
0x84: {  	_ =	shalt  }
0x85: {  	_ =	shalt  }
0x86: {  	_ =	shalt  }
0x87: {  	_ =	shalt  }
.Lfunc_end0:
.L_simem_size_0:
called_computation_lowered:
.L_overlay_start_0:
0x88: {  	s2 =	sld [smem:$0x3FD9]  }
0x89: {  	s3 =	sld [smem:$0x3FFE];
	_ =	sdelay $0x1  }
0x8a: {  	s1 =	srdreg.scid  }
0x8b: {  	s0 =	sand.u32 $0x1, s1  }
0x8c: {  	s17 =	sshll.u32 s0, $0xA;
	s2 =	sadd.s32 s3, s2  }
0x8d: {  	s2 =	sadd.s32 s2, s17  }
0x8e: {  	[smem:$0x3FBD] =	sst s2  }
0x8f: {  	_ = 	snop  }
0x90: {  	s2 =	sld [smem:$0x3FC9]  }
0x91: {  	s18 =	sld [smem:$0x3FD0];
	(tm) =	ssettm $0x1  }
0x92: {  	s4 =	sld [smem:$0x3FFB];
	_ =	sdelay $0x3  }
0x93: {  	_ =	strace s4  }
0x94: {  	s4 =	sld [smem:$0x3FFC];
	_ =	sdelay $0x3  }
0x95: {  	_ =	strace s4  }
0x96: {  	s4 =	sld [smem:$0x3FFD];
	_ =	sdelay $0x3  }
0x97: {  	_ =	strace s4  }
0x98: {  	_ =	strace $0x8FFFFFFF  }
0x99: {  	s19 =	sld [smem:$0x3FDB];
	_ =	sdelay $0x1  }
0x9a: {  	s5 =	simm.s32 $_scs_section_size  }
0x9b: {  	s6 =	simm.s32 $_size__tile_overlayer_lowered;
	s7 =	simm.s32 $_tile_overlayer_lowered  }
0x9c: {  	s22 =	simm.s32 $0x1BFF;
	s21 =	sshll.u32 s7, $0x1;
	s4 =	sadd.s32 s5, s19  }
0x9d: {  	s8 =	simm.s32 $0x0;
	s20 =	sshll.u32 s6, $0x1;
	s6 =	sadd.s32 s21, s4  }
0x9e: {  	[timem:s8], [sflag:s22] =	dma.local [hbm:s6], s20  }
0x9f: {  	_ =	swait.ge [sflag:s22], s20  }
0xa0: {  	s5 =	ssub.s32 $0x0, s20;
	[sflag:s22] =	ssyncset.done $0x0  }
0xa1: {  	[sflag:s22] =	ssyncadd.s32 s5;
	_ =	sdelay $0x1  }
0xa2: {  	s23 =	simm.s32 $0x1B8B  }
0xa3: {  	_ =	swait.ge [sflag:s23], $0x1  }
0xa4: {  	[sflag:s23] =	ssyncset.done $0x0  }
0xa5: {  	s25 =	simm.s32 $0x1B8E;
	s24 =	sld [smem:$0x3FFE];
	[sflag:s23] =	ssyncadd.s32 $0xFFFFFFFF  }
0xa6: {  	s26 =	simm.s32 $execute0_lowered;
	[smem:$0x3FD2] =	sst s25  }
0xa7: {  	s6 =	sshll.u32 s26, $0x1;
	_ =	strace $0x80000046;
	[dreg:$0x1] =	wrdreg $0xFFFFFFFF  }
0xa8: {  	s28 =	simm.s32 $_size_execute0_lowered;
	s4 =	sadd.s32 s4, s6;
	[dreg:$0x0] =	wrdreg $0x0  }
0xa9: {  	s6 =	sshll.u32 s28, $0x1;
	[dreg:$0x2] =	wrdreg s4  }
0xaa: {  	[dreg:$0x3] =	wrdreg s6  }
0xab: {  	[dreg:$0x4] =	wrdreg $0xC0  }
0xac: {  	_ =	task [dreg:s8], $0x5FFFF  }
0xad: {  	[dreg:$0x1] =	wrdreg $0xFFFFFFFF  }
0xae: {  	[dreg:$0x0] =	wrdreg $0x60  }
0xaf: {  	[dreg:$0x2] =	wrdreg s24  }
0xb0: {  	[dreg:$0x3] =	wrdreg s18  }
0xb1: {  	[dreg:$0x4] =	wrdreg s2  }
0xb2: {  	[dreg:$0x5] =	wrdreg $0xA3000  }
0xb3: {  	[dreg:$0x6] =	wrdreg $0x9  }
0xb4: {  	_ =	task.clear_ibuf [dreg:s8], $0x7FFFF;
	_ =	strace $0x90000046  }
0xb5: {  	s29 =	simm.s32 $0x9;
	_ =	strace $0x80000048  }
0xb6: {  	_ =	swait.ge [sflag:s29], $0x1  }
0xb7: {  	[sflag:s29] =	ssyncadd.s32 $0xFFFFFFFF  }
0xb8: {  	_ =	strace $0x90000048  }
0xb9: {  	_ =	sfence  }
0xba: {  	s30 =	sld [smem:$0x0];
	_ =	sdelay $0x2  }
0xbb: {  	s31 =	sshll.u32 s1, $0xD;
	s1 =	sshrl.u32 s1, $0x2  }
0xbc: {  	s3 =	sand.u32 $0x4000, s31;
	s1 =	sadd.s32 s1, s30  }
0xbd: {  	s0 =	sor.u32 s3, s0;
	s1 =	sshll.u32 s1, $0x11  }
0xbe: {  	s0 =	sor.u32 s1, s0  }
0xbf: {  	s0 =	sadd.s32 $0x8F2B, s0  }
0xc0: {  	[sflag:s0] =	ssyncadd.remote.s32 $0x1  }
0xc1: {  	_ =	sfence.sel $0xFFFF  }
0xc2: {  	[dreg:$0x0] =	wrdreg $0xFFFFFFFF;
	(pc) =	sbr.abs _section_cstart, $3  }
0xc3: {  	[dreg:$0x1] =	wrdreg $0xFFFFFFFF  }
0xc4: {  	_ =	task.clear_ibuf [dreg:s8], $0x2FFFF;
	_ =	strace $0x9FFFFFFF  }
0xc5: {  	(tm) =	ssettm $0x7FFFFFFF  }
tec
execute0_lowered:
.L_overlay_start_1:
0x0: {  	(tag) =	ssettag $0x1  }
0x1: {  	s0 =	rddreg [dreg:$0x0]  }
0x2: {  	s2 =	rddreg [dreg:$0x1]  }
0x3: {  	s3 =	rddreg [dreg:$0x2]  }
0x4: {  	s4 =	rddreg [dreg:$0x3];
	s14 =	stileid.u32;
	s5 =	simm.s32 $0x0  }
0x5: {  	s6 =	srdreg.scid;
	s29 =	simm.s32 $0x100;
	s30 =	simm.s32 $0x80  }
0x6: {  	s31 =	simm.s32 $0x180;
	s1 =	smul.u32 $0x14000, s14;
	[smem:$0x7FF] =	sst s5  }
0x7: {  	s8 =	sand.u32 $0x1, s6;
	s6 =	sadd.s32 $0x1200, s0;
	s7 =	sadd.s32 $0x4ED000, s0  }
0x8: {  	s25 =	sshll.u32 s14, $0x1;
	s11 =	smul.u32 $0x50000, s14;
	_ =	strace $0x80000047  }
0x9: {  	s10 =	smul.u32 $0x140000, s8;
	s12 =	ssub.s32 $0x2, s8;
	s8 =	sor.u32 s8, s25  }
0xa: {  	s9 =	sshrl.u32 s1, $0x3;
	s26 =	sshrl.u32 s12, $0x1;
	s13 =	smul.u32 $0x2710, s8  }
0xb: {  	s11 =	sshrl.u32 s11, $0x2;
	s8 =	smul.u32 $0x27100, s8;
	s9 =	sadd.s32 s9, s0  }
0xc: {  	s1 =	sadd.s32 s1, s10;
	s28 =	sadd.s32 s11, s4;
	s10 =	sshll.u32 s14, $0x6  }
0xd: {  	s1 =	sshrl.u32 s1, $0x3;
	[dreg:$0x5] =	wrdreg s28;
	s9 =	sadd.s32 $0xB000, s9  }
0xe: {  	s11 =	sshrl.u32 s13, $0x3;
	s20 =	sor.u32 $0x1C09, s10;
	s14 =	sadd.s32 $0x50, s13  }
0xf: {  	s17 =	sadd.s32 $0xA0, s13;
	s8 =	sadd.s32 s7, s8;
	s0 =	sadd.s32 s1, s0  }
0x10: {  	s1 =	ssub.s32 s12, s26;
	[dreg:$0x6] =	wrdreg s9;
	s12 =	sadd.s32 s6, s11  }
0x11: {  	s10 =	sadd.s32 s2, s11;
	s15 =	sshrl.u32 s14, $0x3;
	[dreg:$0xc] =	wrdreg s8  }
0x12: {  	s18 =	sshll.u32 s14, $0x4;
	s19 =	sshrl.u32 s17, $0x3;
	[dreg:$0x7] =	wrdreg s20  }
0x13: {  	s24 =	sshll.u32 s17, $0x4;
	s9 =	simm.s32 $0x5300;
	[dreg:$0x8] =	wrdreg s12  }
0x14: {  	s11 =	simm.s32 $0x2;
	[dreg:$0x9] =	wrdreg s10;
	s16 =	sadd.s32 s6, s15  }
0x15: {  	s14 =	simm.s32 $0x3;
	s10 =	sadd.s32 s2, s15;
	[dreg:$0xa] =	wrdreg s16  }
0x16: {  	s17 =	simm.s32 $0x4;
	s8 =	sadd.s32 s7, s18;
	[dreg:$0xb] =	wrdreg s10  }
0x17: {  	s21 =	sadd.s32 s6, s19;
	s18 =	sadd.s32 $0xF0, s13;
	[dreg:$0xd] =	wrdreg s8  }
0x18: {  	s22 =	sadd.s32 s2, s19;
	s26 =	sadd.s32 s7, s24;
	[dreg:$0xe] =	wrdreg s21  }
0x19: {  	s24 =	sadd.s32 $0x190, s13;
	s0 =	sadd.s32 $0x33000, s0;
	[dreg:$0xf] =	wrdreg s22  }
0x1a: {  	s28 =	smax.u32 s1, $0x1;
	s1 =	simm.s32 $0x50;
	[dreg:$0x12] =	wrdreg s26  }
0x1b: {  	s12 =	simm.s32 $0x2B00;
	s15 =	simm.s32 $0x5;
	[dreg:$0x13] =	wrdreg s0  }
0x1c: {  	s19 =	simm.s32 $0x6;
	s23 =	sshrl.u32 s18, $0x3;
	[dreg:$0x14] =	wrdreg s28  }
0x1d: {  	s0 =	simm.s32 $0x1;
	s16 =	simm.s32 $0x200;
	s21 =	simm.s32 $0x7  }
0x1e: {  	s22 =	simm.s32 $0x8;
	s25 =	sadd.s32 s6, s23;
	s8 =	sadd.s32 s2, s23  }
0x1f: {  	s23 =	sadd.s32 $0x140, s13;
	s13 =	simm.s32 $0x9;
	[dreg:$0x10] =	wrdreg s25  }
0x20: {  	[dreg:$0x11] =	wrdreg s8;
	s8 =	simm.s32 $0x300;
	s25 =	simm.s32 $0x0  }
.LBB2_1:
0x21: {  	[dreg:$0x15] =	wrdreg s25  }
0x22: {  	s10 =	rddreg [dreg:$0x5]  }
0x23: {  	s28 =	rddreg [dreg:$0x6];
	s26 =	sshrl.u32 s10, $0x3  }
0x24: {  	[dreg:$0x16] =	wrdreg s26  }
0x25: {  	[spmem:s26], [sflag:s20] =	dma.local [hbm:s28], $0x2800  }
0x26: {  	_ =	swait.ge [sflag:s13], $0x2800  }
0x27: {  	[sflag:s13] =	ssyncset.done $0x0  }
0x28: {  	[sflag:s13] =	ssyncadd.s32 $0xFFFFD800  }
0x29: {  	[bflag:$0x0] =	sbarrier.arrive $0xFFFF  }
0x2a: {  	s20 =	rddreg [dreg:$0x8]  }
0x2b: {  	[tilespmem:s5], [sflag:$0x1] =	stream.linear.gather [hbm4b:s20+s5], $0x50, $0x38;
	[tilespmem:$0x1E300] =	vst v63  }
0x2c: {  	s25 =	rddreg [dreg:$0x9]  }
0x2d: {  	[tilespmem:s29], [sflag:$0x1] =	stream.linear.gather [hbm4b:s25+s5], $0x50, $0x38;
	[tilespmem:$0x1E300] =	vst v63  }
0x2e: {  	s26 =	rddreg [dreg:$0xa]  }
0x2f: {  	[tilespmem:s30], [sflag:$0x2] =	stream.linear.gather [hbm4b:s26+s5], $0x50, $0x38;
	[tilespmem:$0x1E300] =	vst v63  }
0x30: {  	s28 =	rddreg [dreg:$0xb]  }
0x31: {  	[tilespmem:s31], [sflag:$0x2] =	stream.linear.gather [hbm4b:s28+s5], $0x50, $0x38;
	[tilespmem:$0x1E300] =	vst v63  }
0x32: {  	_ =	swait.ge [sflag:s0], $0x50  }
0x33: {  	[sflag:s0] =	ssyncset.done $0x0  }
0x34: {  	[sflag:s0] =	ssyncadd.s32 $0xFFFFFFB0  }
0x35: {  	_ =	swait.ge [sflag:s0], $0x50  }
0x36: {  	[sflag:s0] =	ssyncset.done $0x0  }
0x37: {  	[sflag:s0] =	ssyncadd.s32 $0xFFFFFFB0  }
0x38: {  	[tilespmem:s8], [sflag:$0x3] =	stream.indirect.gather [hbm4b:s3+s1], $0x80, s5, s1, $0xb8;
	[tilespmem:$0x1E300] =	vst v63  }
0x39: {  	s13 =	rddreg [dreg:$0xc]  }
0x3a: {  	[tilespmem:s9], [sflag:$0x5] =	stream.linear.gather [hbm4b:s13+s5], $0x2800, $0x38;
	[tilespmem:$0x1E300] =	vst v63  }
0x3b: {  	_ =	swait.ge [sflag:s11], $0x50  }
0x3c: {  	[sflag:s11] =	ssyncset.done $0x0  }
0x3d: {  	[sflag:s11] =	ssyncadd.s32 $0xFFFFFFB0  }
0x3e: {  	_ =	swait.ge [sflag:s11], $0x50  }
0x3f: {  	[sflag:s11] =	ssyncset.done $0x0  }
0x40: {  	[sflag:s11] =	ssyncadd.s32 $0xFFFFFFB0  }
0x41: {  	[tilespmem:s12], [sflag:$0x4] =	stream.indirect.gather [hbm4b:s3+s1], $0x80, s30, s1, $0xb8;
	[tilespmem:$0x1E300] =	vst v63  }
0x42: {  	s25 =	simm.s32 $0x7B00;
	s20 =	rddreg [dreg:$0xd]  }
0x43: {  	[tilespmem:s25], [sflag:$0x6] =	stream.linear.gather [hbm4b:s20+s5], $0x2800, $0x38;
	[tilespmem:$0x1E300] =	vst v63  }
0x44: {  	_ =	swait.ge [sflag:s14], $0x2800  }
0x45: {  	[sflag:s14] =	ssyncset.done $0x0  }
0x46: {  	[sflag:s14] =	ssyncadd.s32 $0xFFFFD800  }
0x47: {  	_ =	swait.ge [sflag:s15], $0x2800  }
0x48: {  	[sflag:s15] =	ssyncset.done $0x0  }
0x49: {  	[sflag:s15] =	ssyncadd.s32 $0xFFFFD800  }
0x4a: {  	v0 =	vld [tilespmem:$0x100]  }
0x4b: {  	v1 =	vld [tilespmem:$0x110]  }
0x4c: {  	v2 =	vld [tilespmem:$0x120]  }
0x4d: {  	v3 =	vld [tilespmem:$0x130]  }
0x4e: {  	v4 =	vld [tilespmem:$0x140]  }
0x4f: {  	[tilespmem:$0x200] =	vst v0  }
0x50: {  	[tilespmem:$0x210] =	vst v1  }
0x51: {  	[tilespmem:$0x220] =	vst v2  }
0x52: {  	[tilespmem:$0x230] =	vst v3  }
0x53: {  	s26 =	rddreg [dreg:$0xe];
	[tilespmem:$0x240] =	vst v4  }
0x54: {  	[tilespmem:s5], [sflag:$0x1] =	stream.linear.gather [hbm4b:s26+s5], $0x50, $0x38;
	[tilespmem:$0x1E300] =	vst v63  }
0x55: {  	s10 =	simm.s32 $0x0;
	s28 =	rddreg [dreg:$0xf]  }
0x56: {  	[tilespmem:s29], [sflag:$0x1] =	stream.linear.gather [hbm4b:s28+s5], $0x50, $0x38;
	[tilespmem:$0x1E300] =	vst v63  }
0x57: {  	v6 =	vld [tilespmem:s10+$0x5300]  }
0x58: {  	v7 =	vld [tilespmem:s10+$0x5310]  }
0x59: {  	v8 =	vld [tilespmem:s10+$0x5320]  }
0x5a: {  	v9 =	vld [tilespmem:s10+$0x5330]  }
0x5b: {  	v10 =	vld [tilespmem:s10+$0x5340]  }
0x5c: {  	v11 =	vld [tilespmem:s10+$0x5350]  }
0x5d: {  	v12 =	vld [tilespmem:s10+$0x5360]  }
0x5e: {  	v13 =	vld [tilespmem:s10+$0x5370]  }
0x5f: {  	v14 =	vld [tilespmem:s10+$0x5380]  }
0x60: {  	v15 =	vld [tilespmem:s10+$0x5390]  }
0x61: {  	v16 =	vld [tilespmem:s10+$0x53A0]  }
0x62: {  	v17 =	vld [tilespmem:s10+$0x53B0]  }
0x63: {  	v18 =	vld [tilespmem:s10+$0x53C0]  }
0x64: {  	v19 =	vld [tilespmem:s10+$0x53D0]  }
0x65: {  	v20 =	vld [tilespmem:s10+$0x53E0]  }
0x66: {  	v21 =	vld [tilespmem:s10+$0x53F0]  }
0x67: {  	v22 =	vld [tilespmem:s10+$0x5400]  }
0x68: {  	v23 =	vld [tilespmem:s10+$0x5410]  }
0x69: {  	v24 =	vld [tilespmem:s10+$0x5420]  }
0x6a: {  	v25 =	vld [tilespmem:s10+$0x5430]  }
0x6b: {  	v26 =	vld [tilespmem:s10+$0x5440]  }
0x6c: {  	v32 =	vld [tilespmem:s10+$0x300]  }
0x6d: {  	v27 =	vld [tilespmem:s10+$0x5450]  }
0x6e: {  	v33 =	vld [tilespmem:s10+$0x310]  }
0x6f: {  	v34 =	vld [tilespmem:s10+$0x320]  }
0x70: {  	v28 =	vld [tilespmem:s10+$0x5460]  }
0x71: {  	v35 =	vld [tilespmem:s10+$0x330];
	v6 =	vadd.f32 v6, v32  }
0x72: {  	v36 =	vld [tilespmem:s10+$0x340]  }
0x73: {  	v29 =	vld [tilespmem:s10+$0x5470];
	v7 =	vadd.f32 v7, v33;
	v6 =	vmax.f32 v6, $0.0e+00  }
0x74: {  	v62 =	vld [tilespmem:s10+$0x350];
	[tilespmem:s10+$0x300] =	vst v6;
	v6 =	vadd.f32 v8, v34  }
0x75: {  	v37 =	vld [tilespmem:s10+$0x360];
	v7 =	vmax.f32 v7, $0.0e+00  }
0x76: {  	v30 =	vld [tilespmem:s10+$0x5480];
	[tilespmem:s10+$0x310] =	vst v7;
	v7 =	vadd.f32 v9, v35;
	v6 =	vmax.f32 v6, $0.0e+00  }
0x77: {  	v63 =	vld [tilespmem:s10+$0x370];
	[tilespmem:s10+$0x320] =	vst v6;
	v6 =	vadd.f32 v10, v36  }
0x78: {  	v8 =	vld [tilespmem:s10+$0x380];
	v7 =	vmax.f32 v7, $0.0e+00  }
0x79: {  	v31 =	vld [tilespmem:s10+$0x5490];
	[tilespmem:s10+$0x330] =	vst v7;
	v7 =	vadd.f32 v11, v62;
	v6 =	vmax.f32 v6, $0.0e+00  }
0x7a: {  	v9 =	vld [tilespmem:s10+$0x390];
	[tilespmem:s10+$0x340] =	vst v6;
	v6 =	vadd.f32 v12, v37  }
0x7b: {  	v10 =	vld [tilespmem:s10+$0x3A0];
	v7 =	vmax.f32 v7, $0.0e+00  }
0x7c: {  	v5 =	vld [tilespmem:s10+$0x54A0];
	[tilespmem:s10+$0x350] =	vst v7;
	v7 =	vadd.f32 v13, v63;
	v6 =	vmax.f32 v6, $0.0e+00  }
0x7d: {  	v11 =	vld [tilespmem:s10+$0x3B0];
	[tilespmem:s10+$0x360] =	vst v6;
	v6 =	vadd.f32 v14, v8  }
0x7e: {  	v12 =	vld [tilespmem:s10+$0x3C0];
	v7 =	vmax.f32 v7, $0.0e+00  }
0x7f: {  	v4 =	vld [tilespmem:s10+$0x54B0];
	[tilespmem:s10+$0x370] =	vst v7;
	v7 =	vadd.f32 v15, v9;
	v6 =	vmax.f32 v6, $0.0e+00  }
0x80: {  	v13 =	vld [tilespmem:s10+$0x3D0];
	[tilespmem:s10+$0x380] =	vst v6;
	v6 =	vadd.f32 v16, v10  }
0x81: {  	v8 =	vld [tilespmem:s10+$0x3E0];
	v7 =	vmax.f32 v7, $0.0e+00  }
0x82: {  	v3 =	vld [tilespmem:s10+$0x54C0];
	[tilespmem:s10+$0x390] =	vst v7;
	v7 =	vadd.f32 v17, v11;
	v6 =	vmax.f32 v6, $0.0e+00  }
0x83: {  	v9 =	vld [tilespmem:s10+$0x3F0];
	[tilespmem:s10+$0x3A0] =	vst v6;
	v6 =	vadd.f32 v18, v12  }
0x84: {  	v10 =	vld [tilespmem:s10+$0x400];
	v7 =	vmax.f32 v7, $0.0e+00  }
0x85: {  	v2 =	vld [tilespmem:s10+$0x54D0];
	[tilespmem:s10+$0x3B0] =	vst v7;
	v7 =	vadd.f32 v19, v13;
	v6 =	vmax.f32 v6, $0.0e+00  }
0x86: {  	v11 =	vld [tilespmem:s10+$0x410];
	[tilespmem:s10+$0x3C0] =	vst v6;
	v6 =	vadd.f32 v20, v8  }
0x87: {  	v12 =	vld [tilespmem:s10+$0x420];
	v7 =	vmax.f32 v7, $0.0e+00  }
0x88: {  	v1 =	vld [tilespmem:s10+$0x54E0];
	[tilespmem:s10+$0x3D0] =	vst v7;
	v7 =	vadd.f32 v21, v9;
	v6 =	vmax.f32 v6, $0.0e+00  }
0x89: {  	v13 =	vld [tilespmem:s10+$0x430];
	[tilespmem:s10+$0x3E0] =	vst v6;
	v6 =	vadd.f32 v22, v10  }
0x8a: {  	v8 =	vld [tilespmem:s10+$0x440];
	v7 =	vmax.f32 v7, $0.0e+00  }
0x8b: {  	v0 =	vld [tilespmem:s10+$0x54F0];
	[tilespmem:s10+$0x3F0] =	vst v7;
	v7 =	vadd.f32 v23, v11;
	v6 =	vmax.f32 v6, $0.0e+00  }
0x8c: {  	v9 =	vld [tilespmem:s10+$0x450];
	[tilespmem:s10+$0x400] =	vst v6;
	v6 =	vadd.f32 v24, v12  }
0x8d: {  	v14 =	vld [tilespmem:s10+$0x460];
	v7 =	vmax.f32 v7, $0.0e+00  }
0x8e: {  	v11 =	vld [tilespmem:s10+$0x470];
	[tilespmem:s10+$0x410] =	vst v7;
	v7 =	vadd.f32 v25, v13;
	v6 =	vmax.f32 v6, $0.0e+00  }
0x8f: {  	v12 =	vld [tilespmem:s10+$0x480];
	[tilespmem:s10+$0x420] =	vst v6;
	v6 =	vadd.f32 v26, v8  }
0x90: {  	v15 =	vld [tilespmem:s10+$0x490];
	v7 =	vmax.f32 v7, $0.0e+00  }
0x91: {  	v10 =	vld [tilespmem:s10+$0x4A0];
	[tilespmem:s10+$0x430] =	vst v7;
	v7 =	vadd.f32 v27, v9;
	v6 =	vmax.f32 v6, $0.0e+00  }
0x92: {  	v9 =	vld [tilespmem:s10+$0x4B0];
	[tilespmem:s10+$0x440] =	vst v6;
	v6 =	vadd.f32 v28, v14  }
0x93: {  	v11 =	vadd.f32 v29, v11;
	v8 =	vld [tilespmem:s10+$0x4C0];
	v7 =	vmax.f32 v7, $0.0e+00  }
0x94: {  	v12 =	vadd.f32 v30, v12;
	[tilespmem:s10+$0x450] =	vst v7;
	v7 =	vld [tilespmem:s10+$0x4D0];
	v6 =	vmax.f32 v6, $0.0e+00  }
0x95: {  	s25 =	simm.s32 $0x800;
	v13 =	vmax.f32 v11, $0.0e+00;
	v11 =	vadd.f32 v31, v15;
	[tilespmem:s10+$0x460] =	vst v6;
	v6 =	vld [tilespmem:s10+$0x4E0]  }
.LBB2_2:
0x96: {  	s13 =	sshra.s32 s25, $0x2;
	p0 =	sne.s32 s25, $0x9800;
	[tilespmem:s10+$0x470] =	vst v13;
	v12 =	vmax.f32 v12, $0.0e+00;
	v5 =	vadd.f32 v5, v10;
	v10 =	vld [tilespmem:s10+$0x4F0]  }
0x97: {  	v13 =	vld [tilespmem:s13+$0x5300];
	[tilespmem:s10+$0x480] =	vst v12;
	v11 =	vmax.f32 v11, $0.0e+00;
	v4 =	vadd.f32 v4, v9  }
0x98: {  	v12 =	vld [tilespmem:s13+$0x5310];
	[tilespmem:s10+$0x490] =	vst v11;
	v5 =	vmax.f32 v5, $0.0e+00;
	v3 =	vadd.f32 v3, v8  }
0x99: {  	v14 =	vld [tilespmem:s13+$0x5320];
	[tilespmem:s10+$0x4A0] =	vst v5;
	v4 =	vmax.f32 v4, $0.0e+00;
	v2 =	vadd.f32 v2, v7  }
0x9a: {  	v15 =	vld [tilespmem:s13+$0x5330];
	[tilespmem:s10+$0x4B0] =	vst v4;
	v3 =	vmax.f32 v3, $0.0e+00;
	v1 =	vadd.f32 v1, v6  }
0x9b: {  	v16 =	vld [tilespmem:s13+$0x5340];
	[tilespmem:s10+$0x4C0] =	vst v3;
	v2 =	vmax.f32 v2, $0.0e+00;
	v0 =	vadd.f32 v0, v10  }
0x9c: {  	v17 =	vld [tilespmem:s13+$0x5350];
	[tilespmem:s10+$0x4D0] =	vst v2;
	v1 =	vmax.f32 v1, $0.0e+00  }
0x9d: {  	v18 =	vld [tilespmem:s13+$0x5360];
	[tilespmem:s10+$0x4E0] =	vst v1;
	v0 =	vmax.f32 v0, $0.0e+00  }
0x9e: {  	v19 =	vld [tilespmem:s13+$0x5370];
	[tilespmem:s10+$0x4F0] =	vst v0;
	s10 =	smov.u32 s13  }
0x9f: {  	v20 =	vld [tilespmem:s10+$0x5380]  }
0xa0: {  	v21 =	vld [tilespmem:s10+$0x5390]  }
0xa1: {  	v22 =	vld [tilespmem:s10+$0x53A0]  }
0xa2: {  	v23 =	vld [tilespmem:s10+$0x53B0]  }
0xa3: {  	v24 =	vld [tilespmem:s10+$0x53C0]  }
0xa4: {  	v25 =	vld [tilespmem:s10+$0x53D0]  }
0xa5: {  	v26 =	vld [tilespmem:s10+$0x53E0]  }
0xa6: {  	v27 =	vld [tilespmem:s10+$0x53F0]  }
0xa7: {  	v28 =	vld [tilespmem:s10+$0x5400]  }
0xa8: {  	v29 =	vld [tilespmem:s10+$0x5410]  }
0xa9: {  	v30 =	vld [tilespmem:s10+$0x5420]  }
0xaa: {  	v31 =	vld [tilespmem:s10+$0x5430]  }
0xab: {  	v11 =	vld [tilespmem:s10+$0x5440]  }
0xac: {  	v10 =	vld [tilespmem:s10+$0x5450]  }
0xad: {  	v9 =	vld [tilespmem:s10+$0x5460]  }
0xae: {  	v8 =	vld [tilespmem:s10+$0x5470]  }
0xaf: {  	v7 =	vld [tilespmem:s10+$0x5480]  }
0xb0: {  	v6 =	vld [tilespmem:s10+$0x5490]  }
0xb1: {  	v5 =	vld [tilespmem:s10+$0x54A0]  }
0xb2: {  	v4 =	vld [tilespmem:s10+$0x54B0]  }
0xb3: {  	v3 =	vld [tilespmem:s10+$0x54C0]  }
0xb4: {  	v2 =	vld [tilespmem:s10+$0x54D0]  }
0xb5: {  	v1 =	vld [tilespmem:s10+$0x54E0]  }
0xb6: {  	v0 =	vld [tilespmem:s10+$0x54F0]  }
0xb7: {  	v32 =	vld [tilespmem:s10+$0x300]  }
0xb8: {  	v33 =	vld [tilespmem:s10+$0x310]  }
0xb9: {  	v34 =	vld [tilespmem:s10+$0x320]  }
0xba: {  	v35 =	vld [tilespmem:s10+$0x330]  }
0xbb: {  	v36 =	vld [tilespmem:s10+$0x340]  }
0xbc: {  	v13 =	vadd.f32 v13, v32;
	v32 =	vld [tilespmem:s10+$0x350]  }
0xbd: {  	v12 =	vadd.f32 v12, v33;
	v33 =	vld [tilespmem:s10+$0x360]  }
0xbe: {  	v13 =	vmax.f32 v13, $0.0e+00;
	v14 =	vadd.f32 v14, v34;
	v34 =	vld [tilespmem:s10+$0x370]  }
0xbf: {  	[tilespmem:s10+$0x300] =	vst v13;
	v12 =	vmax.f32 v12, $0.0e+00;
	v13 =	vadd.f32 v15, v35;
	v15 =	vld [tilespmem:s10+$0x380]  }
0xc0: {  	[tilespmem:s10+$0x310] =	vst v12;
	v12 =	vmax.f32 v14, $0.0e+00;
	v14 =	vadd.f32 v16, v36;
	v16 =	vld [tilespmem:s10+$0x390]  }
0xc1: {  	[tilespmem:s10+$0x320] =	vst v12;
	v12 =	vmax.f32 v13, $0.0e+00;
	v13 =	vadd.f32 v17, v32;
	v17 =	vld [tilespmem:s10+$0x3A0]  }
0xc2: {  	[tilespmem:s10+$0x330] =	vst v12;
	v12 =	vmax.f32 v14, $0.0e+00;
	v14 =	vadd.f32 v18, v33;
	v18 =	vld [tilespmem:s10+$0x3B0]  }
0xc3: {  	[tilespmem:s10+$0x340] =	vst v12;
	v12 =	vmax.f32 v13, $0.0e+00;
	v13 =	vadd.f32 v19, v34;
	v19 =	vld [tilespmem:s10+$0x3C0]  }
0xc4: {  	[tilespmem:s10+$0x350] =	vst v12;
	v12 =	vmax.f32 v14, $0.0e+00;
	v14 =	vadd.f32 v20, v15;
	v15 =	vld [tilespmem:s10+$0x3D0]  }
0xc5: {  	[tilespmem:s10+$0x360] =	vst v12;
	v12 =	vmax.f32 v13, $0.0e+00;
	v13 =	vadd.f32 v21, v16;
	v16 =	vld [tilespmem:s10+$0x3E0]  }
0xc6: {  	[tilespmem:s10+$0x370] =	vst v12;
	v12 =	vmax.f32 v14, $0.0e+00;
	v14 =	vadd.f32 v22, v17;
	v17 =	vld [tilespmem:s10+$0x3F0]  }
0xc7: {  	[tilespmem:s10+$0x380] =	vst v12;
	v12 =	vmax.f32 v13, $0.0e+00;
	v13 =	vadd.f32 v23, v18;
	v18 =	vld [tilespmem:s10+$0x400]  }
0xc8: {  	[tilespmem:s10+$0x390] =	vst v12;
	v12 =	vmax.f32 v14, $0.0e+00;
	v14 =	vadd.f32 v24, v19;
	v19 =	vld [tilespmem:s10+$0x410]  }
0xc9: {  	[tilespmem:s10+$0x3A0] =	vst v12;
	v12 =	vmax.f32 v13, $0.0e+00;
	v13 =	vadd.f32 v25, v15;
	v15 =	vld [tilespmem:s10+$0x420]  }
0xca: {  	[tilespmem:s10+$0x3B0] =	vst v12;
	v12 =	vmax.f32 v14, $0.0e+00;
	v14 =	vadd.f32 v26, v16;
	v16 =	vld [tilespmem:s10+$0x430]  }
0xcb: {  	[tilespmem:s10+$0x3C0] =	vst v12;
	v12 =	vmax.f32 v13, $0.0e+00;
	v13 =	vadd.f32 v27, v17;
	v17 =	vld [tilespmem:s10+$0x440]  }
0xcc: {  	[tilespmem:s10+$0x3D0] =	vst v12;
	v12 =	vmax.f32 v14, $0.0e+00;
	v14 =	vadd.f32 v28, v18;
	v18 =	vld [tilespmem:s10+$0x450]  }
0xcd: {  	[tilespmem:s10+$0x3E0] =	vst v12;
	v12 =	vmax.f32 v13, $0.0e+00;
	v13 =	vadd.f32 v29, v19;
	v19 =	vld [tilespmem:s10+$0x460]  }
0xce: {  	[tilespmem:s10+$0x3F0] =	vst v12;
	v12 =	vmax.f32 v14, $0.0e+00;
	v14 =	vadd.f32 v30, v15;
	v15 =	vld [tilespmem:s10+$0x470]  }
0xcf: {  	[tilespmem:s10+$0x400] =	vst v12;
	v12 =	vmax.f32 v13, $0.0e+00;
	v13 =	vadd.f32 v31, v16;
	v16 =	vld [tilespmem:s10+$0x480]  }
0xd0: {  	[tilespmem:s10+$0x410] =	vst v12;
	v12 =	vmax.f32 v14, $0.0e+00;
	v11 =	vadd.f32 v11, v17;
	v14 =	vld [tilespmem:s10+$0x490]  }
.Ltmp0:
0xd1: {  	[tilespmem:s10+$0x420] =	vst v12;
	v12 =	vmax.f32 v13, $0.0e+00;
	v13 =	vadd.f32 v10, v18;
	v10 =	vld [tilespmem:s10+$0x4A0];
	(pc) =	sbr.rel @p0 .LBB2_2-.Ltmp0, $4  }
0xd2: {  	[tilespmem:s10+$0x430] =	vst v12;
	v11 =	vmax.f32 v11, $0.0e+00;
	v12 =	vadd.f32 v9, v19;
	v9 =	vld [tilespmem:s10+$0x4B0]  }
0xd3: {  	[tilespmem:s10+$0x440] =	vst v11;
	v11 =	vmax.f32 v13, $0.0e+00;
	v13 =	vadd.f32 v8, v15;
	v8 =	vld [tilespmem:s10+$0x4C0]  }
0xd4: {  	[tilespmem:s10+$0x450] =	vst v11;
	v11 =	vmax.f32 v12, $0.0e+00;
	v12 =	vadd.f32 v7, v16;
	v7 =	vld [tilespmem:s10+$0x4D0]  }
0xd5: {  	s25 =	sadd.s32 $0x800, s25;
	[tilespmem:s10+$0x460] =	vst v11;
	v13 =	vmax.f32 v13, $0.0e+00;
	v11 =	vadd.f32 v6, v14;
	v6 =	vld [tilespmem:s10+$0x4E0]  }
0xd6: {  	[tilespmem:s10+$0x470] =	vst v13;
	v12 =	vmax.f32 v12, $0.0e+00;
	v5 =	vadd.f32 v5, v10;
	v10 =	vld [tilespmem:s10+$0x4F0]  }
0xd7: {  	[tilespmem:s10+$0x480] =	vst v12;
	v11 =	vmax.f32 v11, $0.0e+00;
	v4 =	vadd.f32 v4, v9  }
0xd8: {  	[tilespmem:s10+$0x490] =	vst v11;
	v5 =	vmax.f32 v5, $0.0e+00;
	v3 =	vadd.f32 v3, v8  }
0xd9: {  	[tilespmem:s10+$0x4A0] =	vst v5;
	v4 =	vmax.f32 v4, $0.0e+00;
	v2 =	vadd.f32 v2, v7  }
0xda: {  	[tilespmem:s10+$0x4B0] =	vst v4;
	v3 =	vmax.f32 v3, $0.0e+00;
	v1 =	vadd.f32 v1, v6  }
0xdb: {  	[tilespmem:s10+$0x4C0] =	vst v3;
	v2 =	vmax.f32 v2, $0.0e+00;
	v0 =	vadd.f32 v0, v10  }
0xdc: {  	[tilespmem:s10+$0x4D0] =	vst v2;
	v1 =	vmax.f32 v1, $0.0e+00  }
0xdd: {  	[tilespmem:s10+$0x4E0] =	vst v1;
	v0 =	vmax.f32 v0, $0.0e+00  }
0xde: {  	[tilespmem:s10+$0x4F0] =	vst v0  }
0xdf: {  	[spmem:s4] =	stream.indirect.scatter.add.f32 [tilespmem:s8], [sflag:$0x7], $0x80, s16, s1, $0xb8;
	[tilespmem:$0x1E300] =	vst v63  }
0xe0: {  	_ =	swait.ge [sflag:s17], $0x2800  }
0xe1: {  	[sflag:s17] =	ssyncset.done $0x0  }
0xe2: {  	[sflag:s17] =	ssyncadd.s32 $0xFFFFD800  }
0xe3: {  	_ =	swait.ge [sflag:s19], $0x2800  }
0xe4: {  	[sflag:s19] =	ssyncset.done $0x0  }
0xe5: {  	[sflag:s19] =	ssyncadd.s32 $0xFFFFD800  }
0xe6: {  	v0 =	vld [tilespmem:$0x180]  }
0xe7: {  	v1 =	vld [tilespmem:$0x190]  }
0xe8: {  	v2 =	vld [tilespmem:$0x1A0]  }
0xe9: {  	v3 =	vld [tilespmem:$0x1B0]  }
0xea: {  	v4 =	vld [tilespmem:$0x1C0]  }
0xeb: {  	[tilespmem:$0x280] =	vst v0  }
0xec: {  	[tilespmem:$0x290] =	vst v1  }
0xed: {  	[tilespmem:$0x2A0] =	vst v2  }
0xee: {  	[tilespmem:$0x2B0] =	vst v3  }
0xef: {  	s26 =	simm.s32 $0x0;
	s13 =	rddreg [dreg:$0x10];
	[tilespmem:$0x2C0] =	vst v4  }
0xf0: {  	[tilespmem:s30], [sflag:$0x2] =	stream.linear.gather [hbm4b:s13+s26], $0x50, $0x38;
	[tilespmem:$0x1E300] =	vst v63  }
0xf1: {  	s10 =	simm.s32 $0x0;
	s28 =	rddreg [dreg:$0x11]  }
0xf2: {  	[tilespmem:s31], [sflag:$0x2] =	stream.linear.gather [hbm4b:s28+s26], $0x50, $0x38;
	[tilespmem:$0x1E300] =	vst v63  }
0xf3: {  	v6 =	vld [tilespmem:s10+$0x7B00]  }
0xf4: {  	v7 =	vld [tilespmem:s10+$0x7B10]  }
0xf5: {  	v8 =	vld [tilespmem:s10+$0x7B20]  }
0xf6: {  	v9 =	vld [tilespmem:s10+$0x7B30]  }
0xf7: {  	v10 =	vld [tilespmem:s10+$0x7B40]  }
0xf8: {  	v11 =	vld [tilespmem:s10+$0x7B50]  }
0xf9: {  	v12 =	vld [tilespmem:s10+$0x7B60]  }
0xfa: {  	v13 =	vld [tilespmem:s10+$0x7B70]  }
0xfb: {  	v14 =	vld [tilespmem:s10+$0x7B80]  }
0xfc: {  	v15 =	vld [tilespmem:s10+$0x7B90]  }
0xfd: {  	v16 =	vld [tilespmem:s10+$0x7BA0]  }
0xfe: {  	v17 =	vld [tilespmem:s10+$0x7BB0]  }
0xff: {  	v18 =	vld [tilespmem:s10+$0x7BC0]  }
0x100: {  	v19 =	vld [tilespmem:s10+$0x7BD0]  }
0x101: {  	v20 =	vld [tilespmem:s10+$0x7BE0]  }
0x102: {  	v21 =	vld [tilespmem:s10+$0x7BF0]  }
0x103: {  	v22 =	vld [tilespmem:s10+$0x7C00]  }
0x104: {  	v23 =	vld [tilespmem:s10+$0x7C10]  }
0x105: {  	v24 =	vld [tilespmem:s10+$0x7C20]  }
0x106: {  	v25 =	vld [tilespmem:s10+$0x7C30]  }
0x107: {  	v26 =	vld [tilespmem:s10+$0x7C40]  }
0x108: {  	v32 =	vld [tilespmem:s10+$0x2B00]  }
0x109: {  	v27 =	vld [tilespmem:s10+$0x7C50]  }
0x10a: {  	v33 =	vld [tilespmem:s10+$0x2B10]  }
0x10b: {  	v34 =	vld [tilespmem:s10+$0x2B20]  }
0x10c: {  	v28 =	vld [tilespmem:s10+$0x7C60]  }
0x10d: {  	v35 =	vld [tilespmem:s10+$0x2B30];
	v6 =	vadd.f32 v6, v32  }
0x10e: {  	v36 =	vld [tilespmem:s10+$0x2B40]  }
0x10f: {  	v29 =	vld [tilespmem:s10+$0x7C70];
	v7 =	vadd.f32 v7, v33;
	v6 =	vmax.f32 v6, $0.0e+00  }
0x110: {  	v62 =	vld [tilespmem:s10+$0x2B50];
	[tilespmem:s10+$0x2B00] =	vst v6;
	v6 =	vadd.f32 v8, v34  }
0x111: {  	v37 =	vld [tilespmem:s10+$0x2B60];
	v7 =	vmax.f32 v7, $0.0e+00  }
0x112: {  	v30 =	vld [tilespmem:s10+$0x7C80];
	[tilespmem:s10+$0x2B10] =	vst v7;
	v7 =	vadd.f32 v9, v35;
	v6 =	vmax.f32 v6, $0.0e+00  }
0x113: {  	v63 =	vld [tilespmem:s10+$0x2B70];
	[tilespmem:s10+$0x2B20] =	vst v6;
	v6 =	vadd.f32 v10, v36  }
0x114: {  	v8 =	vld [tilespmem:s10+$0x2B80];
	v7 =	vmax.f32 v7, $0.0e+00  }
0x115: {  	v31 =	vld [tilespmem:s10+$0x7C90];
	[tilespmem:s10+$0x2B30] =	vst v7;
	v7 =	vadd.f32 v11, v62;
	v6 =	vmax.f32 v6, $0.0e+00  }
0x116: {  	v9 =	vld [tilespmem:s10+$0x2B90];
	[tilespmem:s10+$0x2B40] =	vst v6;
	v6 =	vadd.f32 v12, v37  }
0x117: {  	v10 =	vld [tilespmem:s10+$0x2BA0];
	v7 =	vmax.f32 v7, $0.0e+00  }
0x118: {  	v5 =	vld [tilespmem:s10+$0x7CA0];
	[tilespmem:s10+$0x2B50] =	vst v7;
	v7 =	vadd.f32 v13, v63;
	v6 =	vmax.f32 v6, $0.0e+00  }
0x119: {  	v11 =	vld [tilespmem:s10+$0x2BB0];
	[tilespmem:s10+$0x2B60] =	vst v6;
	v6 =	vadd.f32 v14, v8  }
0x11a: {  	v12 =	vld [tilespmem:s10+$0x2BC0];
	v7 =	vmax.f32 v7, $0.0e+00  }
0x11b: {  	v4 =	vld [tilespmem:s10+$0x7CB0];
	[tilespmem:s10+$0x2B70] =	vst v7;
	v7 =	vadd.f32 v15, v9;
	v6 =	vmax.f32 v6, $0.0e+00  }
0x11c: {  	v13 =	vld [tilespmem:s10+$0x2BD0];
	[tilespmem:s10+$0x2B80] =	vst v6;
	v6 =	vadd.f32 v16, v10  }
0x11d: {  	v8 =	vld [tilespmem:s10+$0x2BE0];
	v7 =	vmax.f32 v7, $0.0e+00  }
0x11e: {  	v3 =	vld [tilespmem:s10+$0x7CC0];
	[tilespmem:s10+$0x2B90] =	vst v7;
	v7 =	vadd.f32 v17, v11;
	v6 =	vmax.f32 v6, $0.0e+00  }
0x11f: {  	v9 =	vld [tilespmem:s10+$0x2BF0];
	[tilespmem:s10+$0x2BA0] =	vst v6;
	v6 =	vadd.f32 v18, v12  }
0x120: {  	v10 =	vld [tilespmem:s10+$0x2C00];
	v7 =	vmax.f32 v7, $0.0e+00  }
0x121: {  	v2 =	vld [tilespmem:s10+$0x7CD0];
	[tilespmem:s10+$0x2BB0] =	vst v7;
	v7 =	vadd.f32 v19, v13;
	v6 =	vmax.f32 v6, $0.0e+00  }
0x122: {  	v11 =	vld [tilespmem:s10+$0x2C10];
	[tilespmem:s10+$0x2BC0] =	vst v6;
	v6 =	vadd.f32 v20, v8  }
0x123: {  	v12 =	vld [tilespmem:s10+$0x2C20];
	v7 =	vmax.f32 v7, $0.0e+00  }
0x124: {  	v1 =	vld [tilespmem:s10+$0x7CE0];
	[tilespmem:s10+$0x2BD0] =	vst v7;
	v7 =	vadd.f32 v21, v9;
	v6 =	vmax.f32 v6, $0.0e+00  }
0x125: {  	v13 =	vld [tilespmem:s10+$0x2C30];
	[tilespmem:s10+$0x2BE0] =	vst v6;
	v6 =	vadd.f32 v22, v10  }
0x126: {  	v8 =	vld [tilespmem:s10+$0x2C40];
	v7 =	vmax.f32 v7, $0.0e+00  }
0x127: {  	v0 =	vld [tilespmem:s10+$0x7CF0];
	[tilespmem:s10+$0x2BF0] =	vst v7;
	v7 =	vadd.f32 v23, v11;
	v6 =	vmax.f32 v6, $0.0e+00  }
0x128: {  	v9 =	vld [tilespmem:s10+$0x2C50];
	[tilespmem:s10+$0x2C00] =	vst v6;
	v6 =	vadd.f32 v24, v12  }
0x129: {  	v14 =	vld [tilespmem:s10+$0x2C60];
	v7 =	vmax.f32 v7, $0.0e+00  }
0x12a: {  	v11 =	vld [tilespmem:s10+$0x2C70];
	[tilespmem:s10+$0x2C10] =	vst v7;
	v7 =	vadd.f32 v25, v13;
	v6 =	vmax.f32 v6, $0.0e+00  }
0x12b: {  	v12 =	vld [tilespmem:s10+$0x2C80];
	[tilespmem:s10+$0x2C20] =	vst v6;
	v6 =	vadd.f32 v26, v8  }
0x12c: {  	v15 =	vld [tilespmem:s10+$0x2C90];
	v7 =	vmax.f32 v7, $0.0e+00  }
0x12d: {  	v10 =	vld [tilespmem:s10+$0x2CA0];
	[tilespmem:s10+$0x2C30] =	vst v7;
	v7 =	vadd.f32 v27, v9;
	v6 =	vmax.f32 v6, $0.0e+00  }
0x12e: {  	v9 =	vld [tilespmem:s10+$0x2CB0];
	[tilespmem:s10+$0x2C40] =	vst v6;
	v6 =	vadd.f32 v28, v14  }
0x12f: {  	v11 =	vadd.f32 v29, v11;
	v8 =	vld [tilespmem:s10+$0x2CC0];
	v7 =	vmax.f32 v7, $0.0e+00  }
0x130: {  	v12 =	vadd.f32 v30, v12;
	[tilespmem:s10+$0x2C50] =	vst v7;
	v7 =	vld [tilespmem:s10+$0x2CD0];
	v6 =	vmax.f32 v6, $0.0e+00  }
0x131: {  	s25 =	simm.s32 $0x800;
	v13 =	vmax.f32 v11, $0.0e+00;
	v11 =	vadd.f32 v31, v15;
	[tilespmem:s10+$0x2C60] =	vst v6;
	v6 =	vld [tilespmem:s10+$0x2CE0]  }
.LBB2_4:
0x132: {  	s13 =	sshra.s32 s25, $0x2;
	p0 =	sne.s32 s25, $0x9800;
	[tilespmem:s10+$0x2C70] =	vst v13;
	v12 =	vmax.f32 v12, $0.0e+00;
	v5 =	vadd.f32 v5, v10;
	v10 =	vld [tilespmem:s10+$0x2CF0]  }
0x133: {  	v13 =	vld [tilespmem:s13+$0x7B00];
	[tilespmem:s10+$0x2C80] =	vst v12;
	v11 =	vmax.f32 v11, $0.0e+00;
	v4 =	vadd.f32 v4, v9  }
0x134: {  	v12 =	vld [tilespmem:s13+$0x7B10];
	[tilespmem:s10+$0x2C90] =	vst v11;
	v5 =	vmax.f32 v5, $0.0e+00;
	v3 =	vadd.f32 v3, v8  }
0x135: {  	v14 =	vld [tilespmem:s13+$0x7B20];
	[tilespmem:s10+$0x2CA0] =	vst v5;
	v4 =	vmax.f32 v4, $0.0e+00;
	v2 =	vadd.f32 v2, v7  }
0x136: {  	v15 =	vld [tilespmem:s13+$0x7B30];
	[tilespmem:s10+$0x2CB0] =	vst v4;
	v3 =	vmax.f32 v3, $0.0e+00;
	v1 =	vadd.f32 v1, v6  }
0x137: {  	v16 =	vld [tilespmem:s13+$0x7B40];
	[tilespmem:s10+$0x2CC0] =	vst v3;
	v2 =	vmax.f32 v2, $0.0e+00;
	v0 =	vadd.f32 v0, v10  }
0x138: {  	v17 =	vld [tilespmem:s13+$0x7B50];
	[tilespmem:s10+$0x2CD0] =	vst v2;
	v1 =	vmax.f32 v1, $0.0e+00  }
0x139: {  	v18 =	vld [tilespmem:s13+$0x7B60];
	[tilespmem:s10+$0x2CE0] =	vst v1;
	v0 =	vmax.f32 v0, $0.0e+00  }
0x13a: {  	v19 =	vld [tilespmem:s13+$0x7B70];
	[tilespmem:s10+$0x2CF0] =	vst v0;
	s10 =	smov.u32 s13  }
0x13b: {  	v20 =	vld [tilespmem:s10+$0x7B80]  }
0x13c: {  	v21 =	vld [tilespmem:s10+$0x7B90]  }
0x13d: {  	v22 =	vld [tilespmem:s10+$0x7BA0]  }
0x13e: {  	v23 =	vld [tilespmem:s10+$0x7BB0]  }
0x13f: {  	v24 =	vld [tilespmem:s10+$0x7BC0]  }
0x140: {  	v25 =	vld [tilespmem:s10+$0x7BD0]  }
0x141: {  	v26 =	vld [tilespmem:s10+$0x7BE0]  }
0x142: {  	v27 =	vld [tilespmem:s10+$0x7BF0]  }
0x143: {  	v28 =	vld [tilespmem:s10+$0x7C00]  }
0x144: {  	v29 =	vld [tilespmem:s10+$0x7C10]  }
0x145: {  	v30 =	vld [tilespmem:s10+$0x7C20]  }
0x146: {  	v31 =	vld [tilespmem:s10+$0x7C30]  }
0x147: {  	v11 =	vld [tilespmem:s10+$0x7C40]  }
0x148: {  	v10 =	vld [tilespmem:s10+$0x7C50]  }
0x149: {  	v9 =	vld [tilespmem:s10+$0x7C60]  }
0x14a: {  	v8 =	vld [tilespmem:s10+$0x7C70]  }
0x14b: {  	v7 =	vld [tilespmem:s10+$0x7C80]  }
0x14c: {  	v6 =	vld [tilespmem:s10+$0x7C90]  }
0x14d: {  	v5 =	vld [tilespmem:s10+$0x7CA0]  }
0x14e: {  	v4 =	vld [tilespmem:s10+$0x7CB0]  }
0x14f: {  	v3 =	vld [tilespmem:s10+$0x7CC0]  }
0x150: {  	v2 =	vld [tilespmem:s10+$0x7CD0]  }
0x151: {  	v1 =	vld [tilespmem:s10+$0x7CE0]  }
0x152: {  	v0 =	vld [tilespmem:s10+$0x7CF0]  }
0x153: {  	v32 =	vld [tilespmem:s10+$0x2B00]  }
0x154: {  	v33 =	vld [tilespmem:s10+$0x2B10]  }
0x155: {  	v34 =	vld [tilespmem:s10+$0x2B20]  }
0x156: {  	v35 =	vld [tilespmem:s10+$0x2B30]  }
0x157: {  	v36 =	vld [tilespmem:s10+$0x2B40]  }
0x158: {  	v13 =	vadd.f32 v13, v32;
	v32 =	vld [tilespmem:s10+$0x2B50]  }
0x159: {  	v12 =	vadd.f32 v12, v33;
	v33 =	vld [tilespmem:s10+$0x2B60]  }
0x15a: {  	v13 =	vmax.f32 v13, $0.0e+00;
	v14 =	vadd.f32 v14, v34;
	v34 =	vld [tilespmem:s10+$0x2B70]  }
0x15b: {  	[tilespmem:s10+$0x2B00] =	vst v13;
	v12 =	vmax.f32 v12, $0.0e+00;
	v13 =	vadd.f32 v15, v35;
	v15 =	vld [tilespmem:s10+$0x2B80]  }
0x15c: {  	[tilespmem:s10+$0x2B10] =	vst v12;
	v12 =	vmax.f32 v14, $0.0e+00;
	v14 =	vadd.f32 v16, v36;
	v16 =	vld [tilespmem:s10+$0x2B90]  }
0x15d: {  	[tilespmem:s10+$0x2B20] =	vst v12;
	v12 =	vmax.f32 v13, $0.0e+00;
	v13 =	vadd.f32 v17, v32;
	v17 =	vld [tilespmem:s10+$0x2BA0]  }
0x15e: {  	[tilespmem:s10+$0x2B30] =	vst v12;
	v12 =	vmax.f32 v14, $0.0e+00;
	v14 =	vadd.f32 v18, v33;
	v18 =	vld [tilespmem:s10+$0x2BB0]  }
0x15f: {  	[tilespmem:s10+$0x2B40] =	vst v12;
	v12 =	vmax.f32 v13, $0.0e+00;
	v13 =	vadd.f32 v19, v34;
	v19 =	vld [tilespmem:s10+$0x2BC0]  }
0x160: {  	[tilespmem:s10+$0x2B50] =	vst v12;
	v12 =	vmax.f32 v14, $0.0e+00;
	v14 =	vadd.f32 v20, v15;
	v15 =	vld [tilespmem:s10+$0x2BD0]  }
0x161: {  	[tilespmem:s10+$0x2B60] =	vst v12;
	v12 =	vmax.f32 v13, $0.0e+00;
	v13 =	vadd.f32 v21, v16;
	v16 =	vld [tilespmem:s10+$0x2BE0]  }
0x162: {  	[tilespmem:s10+$0x2B70] =	vst v12;
	v12 =	vmax.f32 v14, $0.0e+00;
	v14 =	vadd.f32 v22, v17;
	v17 =	vld [tilespmem:s10+$0x2BF0]  }
0x163: {  	[tilespmem:s10+$0x2B80] =	vst v12;
	v12 =	vmax.f32 v13, $0.0e+00;
	v13 =	vadd.f32 v23, v18;
	v18 =	vld [tilespmem:s10+$0x2C00]  }
0x164: {  	[tilespmem:s10+$0x2B90] =	vst v12;
	v12 =	vmax.f32 v14, $0.0e+00;
	v14 =	vadd.f32 v24, v19;
	v19 =	vld [tilespmem:s10+$0x2C10]  }
0x165: {  	[tilespmem:s10+$0x2BA0] =	vst v12;
	v12 =	vmax.f32 v13, $0.0e+00;
	v13 =	vadd.f32 v25, v15;
	v15 =	vld [tilespmem:s10+$0x2C20]  }
0x166: {  	[tilespmem:s10+$0x2BB0] =	vst v12;
	v12 =	vmax.f32 v14, $0.0e+00;
	v14 =	vadd.f32 v26, v16;
	v16 =	vld [tilespmem:s10+$0x2C30]  }
0x167: {  	[tilespmem:s10+$0x2BC0] =	vst v12;
	v12 =	vmax.f32 v13, $0.0e+00;
	v13 =	vadd.f32 v27, v17;
	v17 =	vld [tilespmem:s10+$0x2C40]  }
0x168: {  	[tilespmem:s10+$0x2BD0] =	vst v12;
	v12 =	vmax.f32 v14, $0.0e+00;
	v14 =	vadd.f32 v28, v18;
	v18 =	vld [tilespmem:s10+$0x2C50]  }
0x169: {  	[tilespmem:s10+$0x2BE0] =	vst v12;
	v12 =	vmax.f32 v13, $0.0e+00;
	v13 =	vadd.f32 v29, v19;
	v19 =	vld [tilespmem:s10+$0x2C60]  }
0x16a: {  	[tilespmem:s10+$0x2BF0] =	vst v12;
	v12 =	vmax.f32 v14, $0.0e+00;
	v14 =	vadd.f32 v30, v15;
	v15 =	vld [tilespmem:s10+$0x2C70]  }
0x16b: {  	[tilespmem:s10+$0x2C00] =	vst v12;
	v12 =	vmax.f32 v13, $0.0e+00;
	v13 =	vadd.f32 v31, v16;
	v16 =	vld [tilespmem:s10+$0x2C80]  }
0x16c: {  	[tilespmem:s10+$0x2C10] =	vst v12;
	v12 =	vmax.f32 v14, $0.0e+00;
	v11 =	vadd.f32 v11, v17;
	v14 =	vld [tilespmem:s10+$0x2C90]  }
.Ltmp1:
0x16d: {  	[tilespmem:s10+$0x2C20] =	vst v12;
	v12 =	vmax.f32 v13, $0.0e+00;
	v13 =	vadd.f32 v10, v18;
	v10 =	vld [tilespmem:s10+$0x2CA0];
	(pc) =	sbr.rel @p0 .LBB2_4-.Ltmp1, $4  }
0x16e: {  	[tilespmem:s10+$0x2C30] =	vst v12;
	v11 =	vmax.f32 v11, $0.0e+00;
	v12 =	vadd.f32 v9, v19;
	v9 =	vld [tilespmem:s10+$0x2CB0]  }
0x16f: {  	[tilespmem:s10+$0x2C40] =	vst v11;
	v11 =	vmax.f32 v13, $0.0e+00;
	v13 =	vadd.f32 v8, v15;
	v8 =	vld [tilespmem:s10+$0x2CC0]  }
0x170: {  	[tilespmem:s10+$0x2C50] =	vst v11;
	v11 =	vmax.f32 v12, $0.0e+00;
	v12 =	vadd.f32 v7, v16;
	v7 =	vld [tilespmem:s10+$0x2CD0]  }
0x171: {  	s25 =	sadd.s32 $0x800, s25;
	[tilespmem:s10+$0x2C60] =	vst v11;
	v13 =	vmax.f32 v13, $0.0e+00;
	v11 =	vadd.f32 v6, v14;
	v6 =	vld [tilespmem:s10+$0x2CE0]  }
0x172: {  	[tilespmem:s10+$0x2C70] =	vst v13;
	v12 =	vmax.f32 v12, $0.0e+00;
	v5 =	vadd.f32 v5, v10;
	v63 =	vld [tilespmem:s10+$0x2CF0]  }
0x173: {  	[tilespmem:s10+$0x2C80] =	vst v12;
	v11 =	vmax.f32 v11, $0.0e+00;
	v4 =	vadd.f32 v4, v9  }
0x174: {  	[tilespmem:s10+$0x2C90] =	vst v11;
	v5 =	vmax.f32 v5, $0.0e+00;
	v3 =	vadd.f32 v3, v8  }
0x175: {  	[tilespmem:s10+$0x2CA0] =	vst v5;
	v4 =	vmax.f32 v4, $0.0e+00;
	v2 =	vadd.f32 v2, v7  }
0x176: {  	[tilespmem:s10+$0x2CB0] =	vst v4;
	v3 =	vmax.f32 v3, $0.0e+00;
	v1 =	vadd.f32 v1, v6  }
0x177: {  	[tilespmem:s10+$0x2CC0] =	vst v3;
	v2 =	vmax.f32 v2, $0.0e+00;
	v0 =	vadd.f32 v0, v63  }
0x178: {  	[tilespmem:s10+$0x2CD0] =	vst v2;
	v1 =	vmax.f32 v1, $0.0e+00  }
0x179: {  	[tilespmem:s10+$0x2CE0] =	vst v1;
	v0 =	vmax.f32 v0, $0.0e+00  }
0x17a: {  	s26 =	simm.s32 $0x280;
	[tilespmem:s10+$0x2CF0] =	vst v0  }
0x17b: {  	[spmem:s4] =	stream.indirect.scatter.add.f32 [tilespmem:s12], [sflag:$0x8], $0x80, s26, s1, $0xb8;
	[tilespmem:$0x1E300] =	vst v63  }
0x17c: {  	_ =	swait.ge [sflag:s21], $0x2800  }
0x17d: {  	[sflag:s21] =	ssyncset.done $0x0  }
0x17e: {  	[sflag:s21] =	ssyncadd.s32 $0xFFFFD800  }
0x17f: {  	_ =	swait.ge [sflag:s0], $0x50  }
0x180: {  	[sflag:s0] =	ssyncset.done $0x0  }
0x181: {  	[sflag:s0] =	ssyncadd.s32 $0xFFFFFFB0  }
0x182: {  	_ =	swait.ge [sflag:s0], $0x50  }
0x183: {  	[sflag:s0] =	ssyncset.done $0x0  }
0x184: {  	s10 =	simm.s32 $0x0;
	[sflag:s0] =	ssyncadd.s32 $0xFFFFFFB0  }
0x185: {  	[tilespmem:s8], [sflag:$0x3] =	stream.indirect.gather [hbm4b:s3+s1], $0x80, s10, s1, $0xb8;
	[tilespmem:$0x1E300] =	vst v63  }
0x186: {  	s28 =	simm.s32 $0x0;
	s13 =	rddreg [dreg:$0x12]  }
0x187: {  	[tilespmem:s9], [sflag:$0x5] =	stream.linear.gather [hbm4b:s13+s10], $0x2800, $0x38;
	[tilespmem:$0x1E300] =	vst v63  }
.LBB2_6:
0x188: {  	_ =	swait.ge [sflag:s22], $0x2800  }
0x189: {  	[sflag:s22] =	ssyncset.done $0x0  }
0x18a: {  	[sflag:s22] =	ssyncadd.s32 $0xFFFFD800  }
0x18b: {  	_ =	swait.ge [sflag:s11], $0x50  }
0x18c: {  	[sflag:s11] =	ssyncset.done $0x0  }
0x18d: {  	s13 =	smul.u32 $0xA0, s28;
	[sflag:s11] =	ssyncadd.s32 $0xFFFFFFB0  }
0x18e: {  	_ =	swait.ge [sflag:s11], $0x50  }
0x18f: {  	s25 =	sadd.s32 s13, s18;
	[sflag:s11] =	ssyncset.done $0x0  }
0x190: {  	s25 =	sshll.u32 s25, $0x4;
	[sflag:s11] =	ssyncadd.s32 $0xFFFFFFB0  }
0x191: {  	[tilespmem:s12], [sflag:$0x4] =	stream.indirect.gather [hbm4b:s3+s1], $0x80, s30, s1, $0xb8;
	[tilespmem:$0x1E300] =	vst v63  }
0x192: {  	s20 =	simm.s32 $0x7B00;
	s25 =	sadd.s32 s7, s25  }
0x193: {  	[tilespmem:s20], [sflag:$0x6] =	stream.linear.gather [hbm4b:s25+s10], $0x2800, $0x38;
	[tilespmem:$0x1E300] =	vst v63  }
0x194: {  	_ =	swait.ge [sflag:s14], $0x2800  }
0x195: {  	[sflag:s14] =	ssyncset.done $0x0  }
0x196: {  	[sflag:s14] =	ssyncadd.s32 $0xFFFFD800  }
0x197: {  	_ =	swait.ge [sflag:s15], $0x2800  }
0x198: {  	[sflag:s15] =	ssyncset.done $0x0  }
0x199: {  	[sflag:s15] =	ssyncadd.s32 $0xFFFFD800  }
0x19a: {  	v0 =	vld [tilespmem:$0x100]  }
0x19b: {  	v1 =	vld [tilespmem:$0x110]  }
0x19c: {  	v2 =	vld [tilespmem:$0x120]  }
0x19d: {  	v3 =	vld [tilespmem:$0x130]  }
0x19e: {  	v4 =	vld [tilespmem:$0x140]  }
0x19f: {  	[tilespmem:$0x200] =	vst v0  }
0x1a0: {  	[tilespmem:$0x210] =	vst v1  }
0x1a1: {  	s26 =	sadd.s32 s13, s23;
	[tilespmem:$0x220] =	vst v2  }
0x1a2: {  	s13 =	sshrl.u32 s26, $0x3;
	[tilespmem:$0x230] =	vst v3  }
0x1a3: {  	s20 =	sadd.s32 s6, s13;
	[tilespmem:$0x240] =	vst v4  }
0x1a4: {  	[tilespmem:s10], [sflag:$0x1] =	stream.linear.gather [hbm4b:s20+s10], $0x50, $0x38;
	[tilespmem:$0x1E300] =	vst v63  }
0x1a5: {  	s13 =	sadd.s32 s2, s13;
	s25 =	simm.s32 $0x0  }
0x1a6: {  	[tilespmem:s29], [sflag:$0x1] =	stream.linear.gather [hbm4b:s13+s10], $0x50, $0x38;
	[tilespmem:$0x1E300] =	vst v63  }
0x1a7: {  	v6 =	vld [tilespmem:s25+$0x5300]  }
0x1a8: {  	v7 =	vld [tilespmem:s25+$0x5310]  }
0x1a9: {  	v8 =	vld [tilespmem:s25+$0x5320]  }
0x1aa: {  	v9 =	vld [tilespmem:s25+$0x5330]  }
0x1ab: {  	v10 =	vld [tilespmem:s25+$0x5340]  }
0x1ac: {  	v11 =	vld [tilespmem:s25+$0x5350]  }
0x1ad: {  	v12 =	vld [tilespmem:s25+$0x5360]  }
0x1ae: {  	v13 =	vld [tilespmem:s25+$0x5370]  }
0x1af: {  	v14 =	vld [tilespmem:s25+$0x5380]  }
0x1b0: {  	v15 =	vld [tilespmem:s25+$0x5390]  }
0x1b1: {  	v16 =	vld [tilespmem:s25+$0x53A0]  }
0x1b2: {  	v17 =	vld [tilespmem:s25+$0x53B0]  }
0x1b3: {  	v18 =	vld [tilespmem:s25+$0x53C0]  }
0x1b4: {  	v19 =	vld [tilespmem:s25+$0x53D0]  }
0x1b5: {  	v20 =	vld [tilespmem:s25+$0x53E0]  }
0x1b6: {  	v21 =	vld [tilespmem:s25+$0x53F0]  }
0x1b7: {  	v22 =	vld [tilespmem:s25+$0x5400]  }
0x1b8: {  	v23 =	vld [tilespmem:s25+$0x5410]  }
0x1b9: {  	v24 =	vld [tilespmem:s25+$0x5420]  }
0x1ba: {  	v25 =	vld [tilespmem:s25+$0x5430]  }
0x1bb: {  	v26 =	vld [tilespmem:s25+$0x5440]  }
0x1bc: {  	v32 =	vld [tilespmem:s25+$0x300]  }
0x1bd: {  	v27 =	vld [tilespmem:s25+$0x5450]  }
0x1be: {  	v33 =	vld [tilespmem:s25+$0x310]  }
0x1bf: {  	v34 =	vld [tilespmem:s25+$0x320]  }
0x1c0: {  	v28 =	vld [tilespmem:s25+$0x5460]  }
0x1c1: {  	v35 =	vld [tilespmem:s25+$0x330];
	v6 =	vadd.f32 v6, v32  }
0x1c2: {  	v36 =	vld [tilespmem:s25+$0x340]  }
0x1c3: {  	v29 =	vld [tilespmem:s25+$0x5470];
	v7 =	vadd.f32 v7, v33;
	v6 =	vmax.f32 v6, $0.0e+00  }
0x1c4: {  	v62 =	vld [tilespmem:s25+$0x350];
	[tilespmem:s25+$0x300] =	vst v6;
	v6 =	vadd.f32 v8, v34  }
0x1c5: {  	v37 =	vld [tilespmem:s25+$0x360];
	v7 =	vmax.f32 v7, $0.0e+00  }
0x1c6: {  	v30 =	vld [tilespmem:s25+$0x5480];
	[tilespmem:s25+$0x310] =	vst v7;
	v7 =	vadd.f32 v9, v35;
	v6 =	vmax.f32 v6, $0.0e+00  }
0x1c7: {  	v63 =	vld [tilespmem:s25+$0x370];
	[tilespmem:s25+$0x320] =	vst v6;
	v6 =	vadd.f32 v10, v36  }
0x1c8: {  	v8 =	vld [tilespmem:s25+$0x380];
	v7 =	vmax.f32 v7, $0.0e+00  }
0x1c9: {  	v31 =	vld [tilespmem:s25+$0x5490];
	[tilespmem:s25+$0x330] =	vst v7;
	v7 =	vadd.f32 v11, v62;
	v6 =	vmax.f32 v6, $0.0e+00  }
0x1ca: {  	v9 =	vld [tilespmem:s25+$0x390];
	[tilespmem:s25+$0x340] =	vst v6;
	v6 =	vadd.f32 v12, v37  }
0x1cb: {  	v10 =	vld [tilespmem:s25+$0x3A0];
	v7 =	vmax.f32 v7, $0.0e+00  }
0x1cc: {  	v5 =	vld [tilespmem:s25+$0x54A0];
	[tilespmem:s25+$0x350] =	vst v7;
	v7 =	vadd.f32 v13, v63;
	v6 =	vmax.f32 v6, $0.0e+00  }
0x1cd: {  	v11 =	vld [tilespmem:s25+$0x3B0];
	[tilespmem:s25+$0x360] =	vst v6;
	v6 =	vadd.f32 v14, v8  }
0x1ce: {  	v12 =	vld [tilespmem:s25+$0x3C0];
	v7 =	vmax.f32 v7, $0.0e+00  }
0x1cf: {  	v4 =	vld [tilespmem:s25+$0x54B0];
	[tilespmem:s25+$0x370] =	vst v7;
	v7 =	vadd.f32 v15, v9;
	v6 =	vmax.f32 v6, $0.0e+00  }
0x1d0: {  	v13 =	vld [tilespmem:s25+$0x3D0];
	[tilespmem:s25+$0x380] =	vst v6;
	v6 =	vadd.f32 v16, v10  }
0x1d1: {  	v8 =	vld [tilespmem:s25+$0x3E0];
	v7 =	vmax.f32 v7, $0.0e+00  }
0x1d2: {  	v3 =	vld [tilespmem:s25+$0x54C0];
	[tilespmem:s25+$0x390] =	vst v7;
	v7 =	vadd.f32 v17, v11;
	v6 =	vmax.f32 v6, $0.0e+00  }
0x1d3: {  	v9 =	vld [tilespmem:s25+$0x3F0];
	[tilespmem:s25+$0x3A0] =	vst v6;
	v6 =	vadd.f32 v18, v12  }
0x1d4: {  	v10 =	vld [tilespmem:s25+$0x400];
	v7 =	vmax.f32 v7, $0.0e+00  }
0x1d5: {  	v2 =	vld [tilespmem:s25+$0x54D0];
	[tilespmem:s25+$0x3B0] =	vst v7;
	v7 =	vadd.f32 v19, v13;
	v6 =	vmax.f32 v6, $0.0e+00  }
0x1d6: {  	v11 =	vld [tilespmem:s25+$0x410];
	[tilespmem:s25+$0x3C0] =	vst v6;
	v6 =	vadd.f32 v20, v8  }
0x1d7: {  	v12 =	vld [tilespmem:s25+$0x420];
	v7 =	vmax.f32 v7, $0.0e+00  }
0x1d8: {  	v1 =	vld [tilespmem:s25+$0x54E0];
	[tilespmem:s25+$0x3D0] =	vst v7;
	v7 =	vadd.f32 v21, v9;
	v6 =	vmax.f32 v6, $0.0e+00  }
0x1d9: {  	v13 =	vld [tilespmem:s25+$0x430];
	[tilespmem:s25+$0x3E0] =	vst v6;
	v6 =	vadd.f32 v22, v10  }
0x1da: {  	v8 =	vld [tilespmem:s25+$0x440];
	v7 =	vmax.f32 v7, $0.0e+00  }
0x1db: {  	v0 =	vld [tilespmem:s25+$0x54F0];
	[tilespmem:s25+$0x3F0] =	vst v7;
	v7 =	vadd.f32 v23, v11;
	v6 =	vmax.f32 v6, $0.0e+00  }
0x1dc: {  	v9 =	vld [tilespmem:s25+$0x450];
	[tilespmem:s25+$0x400] =	vst v6;
	v6 =	vadd.f32 v24, v12  }
0x1dd: {  	v14 =	vld [tilespmem:s25+$0x460];
	v7 =	vmax.f32 v7, $0.0e+00  }
0x1de: {  	v11 =	vld [tilespmem:s25+$0x470];
	[tilespmem:s25+$0x410] =	vst v7;
	v7 =	vadd.f32 v25, v13;
	v6 =	vmax.f32 v6, $0.0e+00  }
0x1df: {  	v12 =	vld [tilespmem:s25+$0x480];
	[tilespmem:s25+$0x420] =	vst v6;
	v6 =	vadd.f32 v26, v8  }
0x1e0: {  	v15 =	vld [tilespmem:s25+$0x490];
	v7 =	vmax.f32 v7, $0.0e+00  }
0x1e1: {  	v10 =	vld [tilespmem:s25+$0x4A0];
	[tilespmem:s25+$0x430] =	vst v7;
	v7 =	vadd.f32 v27, v9;
	v6 =	vmax.f32 v6, $0.0e+00  }
0x1e2: {  	v9 =	vld [tilespmem:s25+$0x4B0];
	[tilespmem:s25+$0x440] =	vst v6;
	v6 =	vadd.f32 v28, v14  }
0x1e3: {  	v11 =	vadd.f32 v29, v11;
	v8 =	vld [tilespmem:s25+$0x4C0];
	v7 =	vmax.f32 v7, $0.0e+00  }
0x1e4: {  	v12 =	vadd.f32 v30, v12;
	[tilespmem:s25+$0x450] =	vst v7;
	v7 =	vld [tilespmem:s25+$0x4D0];
	v6 =	vmax.f32 v6, $0.0e+00  }
0x1e5: {  	s13 =	simm.s32 $0x800;
	v13 =	vmax.f32 v11, $0.0e+00;
	v11 =	vadd.f32 v31, v15;
	[tilespmem:s25+$0x460] =	vst v6;
	v6 =	vld [tilespmem:s25+$0x4E0]  }
.LBB2_7:
0x1e6: {  	s20 =	sshra.s32 s13, $0x2;
	p0 =	sne.s32 s13, $0x9800;
	[tilespmem:s25+$0x470] =	vst v13;
	v12 =	vmax.f32 v12, $0.0e+00;
	v5 =	vadd.f32 v5, v10;
	v10 =	vld [tilespmem:s25+$0x4F0]  }
0x1e7: {  	v13 =	vld [tilespmem:s20+$0x5300];
	[tilespmem:s25+$0x480] =	vst v12;
	v11 =	vmax.f32 v11, $0.0e+00;
	v4 =	vadd.f32 v4, v9  }
0x1e8: {  	v12 =	vld [tilespmem:s20+$0x5310];
	[tilespmem:s25+$0x490] =	vst v11;
	v5 =	vmax.f32 v5, $0.0e+00;
	v3 =	vadd.f32 v3, v8  }
0x1e9: {  	v14 =	vld [tilespmem:s20+$0x5320];
	[tilespmem:s25+$0x4A0] =	vst v5;
	v4 =	vmax.f32 v4, $0.0e+00;
	v2 =	vadd.f32 v2, v7  }
0x1ea: {  	v15 =	vld [tilespmem:s20+$0x5330];
	[tilespmem:s25+$0x4B0] =	vst v4;
	v3 =	vmax.f32 v3, $0.0e+00;
	v1 =	vadd.f32 v1, v6  }
0x1eb: {  	v16 =	vld [tilespmem:s20+$0x5340];
	[tilespmem:s25+$0x4C0] =	vst v3;
	v2 =	vmax.f32 v2, $0.0e+00;
	v0 =	vadd.f32 v0, v10  }
0x1ec: {  	v17 =	vld [tilespmem:s20+$0x5350];
	[tilespmem:s25+$0x4D0] =	vst v2;
	v1 =	vmax.f32 v1, $0.0e+00  }
0x1ed: {  	v18 =	vld [tilespmem:s20+$0x5360];
	[tilespmem:s25+$0x4E0] =	vst v1;
	v0 =	vmax.f32 v0, $0.0e+00  }
0x1ee: {  	v19 =	vld [tilespmem:s20+$0x5370];
	[tilespmem:s25+$0x4F0] =	vst v0;
	s25 =	smov.u32 s20  }
0x1ef: {  	v20 =	vld [tilespmem:s25+$0x5380]  }
0x1f0: {  	v21 =	vld [tilespmem:s25+$0x5390]  }
0x1f1: {  	v22 =	vld [tilespmem:s25+$0x53A0]  }
0x1f2: {  	v23 =	vld [tilespmem:s25+$0x53B0]  }
0x1f3: {  	v24 =	vld [tilespmem:s25+$0x53C0]  }
0x1f4: {  	v25 =	vld [tilespmem:s25+$0x53D0]  }
0x1f5: {  	v26 =	vld [tilespmem:s25+$0x53E0]  }
0x1f6: {  	v27 =	vld [tilespmem:s25+$0x53F0]  }
0x1f7: {  	v28 =	vld [tilespmem:s25+$0x5400]  }
0x1f8: {  	v29 =	vld [tilespmem:s25+$0x5410]  }
0x1f9: {  	v30 =	vld [tilespmem:s25+$0x5420]  }
0x1fa: {  	v31 =	vld [tilespmem:s25+$0x5430]  }
0x1fb: {  	v11 =	vld [tilespmem:s25+$0x5440]  }
0x1fc: {  	v10 =	vld [tilespmem:s25+$0x5450]  }
0x1fd: {  	v9 =	vld [tilespmem:s25+$0x5460]  }
0x1fe: {  	v8 =	vld [tilespmem:s25+$0x5470]  }
0x1ff: {  	v7 =	vld [tilespmem:s25+$0x5480]  }
0x200: {  	v6 =	vld [tilespmem:s25+$0x5490]  }
0x201: {  	v5 =	vld [tilespmem:s25+$0x54A0]  }
0x202: {  	v4 =	vld [tilespmem:s25+$0x54B0]  }
0x203: {  	v3 =	vld [tilespmem:s25+$0x54C0]  }
0x204: {  	v2 =	vld [tilespmem:s25+$0x54D0]  }
0x205: {  	v1 =	vld [tilespmem:s25+$0x54E0]  }
0x206: {  	v0 =	vld [tilespmem:s25+$0x54F0]  }
0x207: {  	v32 =	vld [tilespmem:s25+$0x300]  }
0x208: {  	v33 =	vld [tilespmem:s25+$0x310]  }
0x209: {  	v34 =	vld [tilespmem:s25+$0x320]  }
0x20a: {  	v35 =	vld [tilespmem:s25+$0x330]  }
0x20b: {  	v36 =	vld [tilespmem:s25+$0x340]  }
0x20c: {  	v13 =	vadd.f32 v13, v32;
	v32 =	vld [tilespmem:s25+$0x350]  }
0x20d: {  	v12 =	vadd.f32 v12, v33;
	v33 =	vld [tilespmem:s25+$0x360]  }
0x20e: {  	v13 =	vmax.f32 v13, $0.0e+00;
	v14 =	vadd.f32 v14, v34;
	v34 =	vld [tilespmem:s25+$0x370]  }
0x20f: {  	[tilespmem:s25+$0x300] =	vst v13;
	v12 =	vmax.f32 v12, $0.0e+00;
	v13 =	vadd.f32 v15, v35;
	v15 =	vld [tilespmem:s25+$0x380]  }
0x210: {  	[tilespmem:s25+$0x310] =	vst v12;
	v12 =	vmax.f32 v14, $0.0e+00;
	v14 =	vadd.f32 v16, v36;
	v16 =	vld [tilespmem:s25+$0x390]  }
0x211: {  	[tilespmem:s25+$0x320] =	vst v12;
	v12 =	vmax.f32 v13, $0.0e+00;
	v13 =	vadd.f32 v17, v32;
	v17 =	vld [tilespmem:s25+$0x3A0]  }
0x212: {  	[tilespmem:s25+$0x330] =	vst v12;
	v12 =	vmax.f32 v14, $0.0e+00;
	v14 =	vadd.f32 v18, v33;
	v18 =	vld [tilespmem:s25+$0x3B0]  }
0x213: {  	[tilespmem:s25+$0x340] =	vst v12;
	v12 =	vmax.f32 v13, $0.0e+00;
	v13 =	vadd.f32 v19, v34;
	v19 =	vld [tilespmem:s25+$0x3C0]  }
0x214: {  	[tilespmem:s25+$0x350] =	vst v12;
	v12 =	vmax.f32 v14, $0.0e+00;
	v14 =	vadd.f32 v20, v15;
	v15 =	vld [tilespmem:s25+$0x3D0]  }
0x215: {  	[tilespmem:s25+$0x360] =	vst v12;
	v12 =	vmax.f32 v13, $0.0e+00;
	v13 =	vadd.f32 v21, v16;
	v16 =	vld [tilespmem:s25+$0x3E0]  }
0x216: {  	[tilespmem:s25+$0x370] =	vst v12;
	v12 =	vmax.f32 v14, $0.0e+00;
	v14 =	vadd.f32 v22, v17;
	v17 =	vld [tilespmem:s25+$0x3F0]  }
0x217: {  	[tilespmem:s25+$0x380] =	vst v12;
	v12 =	vmax.f32 v13, $0.0e+00;
	v13 =	vadd.f32 v23, v18;
	v18 =	vld [tilespmem:s25+$0x400]  }
0x218: {  	[tilespmem:s25+$0x390] =	vst v12;
	v12 =	vmax.f32 v14, $0.0e+00;
	v14 =	vadd.f32 v24, v19;
	v19 =	vld [tilespmem:s25+$0x410]  }
0x219: {  	[tilespmem:s25+$0x3A0] =	vst v12;
	v12 =	vmax.f32 v13, $0.0e+00;
	v13 =	vadd.f32 v25, v15;
	v15 =	vld [tilespmem:s25+$0x420]  }
0x21a: {  	[tilespmem:s25+$0x3B0] =	vst v12;
	v12 =	vmax.f32 v14, $0.0e+00;
	v14 =	vadd.f32 v26, v16;
	v16 =	vld [tilespmem:s25+$0x430]  }
0x21b: {  	[tilespmem:s25+$0x3C0] =	vst v12;
	v12 =	vmax.f32 v13, $0.0e+00;
	v13 =	vadd.f32 v27, v17;
	v17 =	vld [tilespmem:s25+$0x440]  }
0x21c: {  	[tilespmem:s25+$0x3D0] =	vst v12;
	v12 =	vmax.f32 v14, $0.0e+00;
	v14 =	vadd.f32 v28, v18;
	v18 =	vld [tilespmem:s25+$0x450]  }
0x21d: {  	[tilespmem:s25+$0x3E0] =	vst v12;
	v12 =	vmax.f32 v13, $0.0e+00;
	v13 =	vadd.f32 v29, v19;
	v19 =	vld [tilespmem:s25+$0x460]  }
0x21e: {  	[tilespmem:s25+$0x3F0] =	vst v12;
	v12 =	vmax.f32 v14, $0.0e+00;
	v14 =	vadd.f32 v30, v15;
	v15 =	vld [tilespmem:s25+$0x470]  }
0x21f: {  	[tilespmem:s25+$0x400] =	vst v12;
	v12 =	vmax.f32 v13, $0.0e+00;
	v13 =	vadd.f32 v31, v16;
	v16 =	vld [tilespmem:s25+$0x480]  }
0x220: {  	[tilespmem:s25+$0x410] =	vst v12;
	v12 =	vmax.f32 v14, $0.0e+00;
	v11 =	vadd.f32 v11, v17;
	v14 =	vld [tilespmem:s25+$0x490]  }
.Ltmp2:
0x221: {  	[tilespmem:s25+$0x420] =	vst v12;
	v12 =	vmax.f32 v13, $0.0e+00;
	v13 =	vadd.f32 v10, v18;
	v10 =	vld [tilespmem:s25+$0x4A0];
	(pc) =	sbr.rel @p0 .LBB2_7-.Ltmp2, $4  }
0x222: {  	[tilespmem:s25+$0x430] =	vst v12;
	v11 =	vmax.f32 v11, $0.0e+00;
	v12 =	vadd.f32 v9, v19;
	v9 =	vld [tilespmem:s25+$0x4B0]  }
0x223: {  	[tilespmem:s25+$0x440] =	vst v11;
	v11 =	vmax.f32 v13, $0.0e+00;
	v13 =	vadd.f32 v8, v15;
	v8 =	vld [tilespmem:s25+$0x4C0]  }
0x224: {  	[tilespmem:s25+$0x450] =	vst v11;
	v11 =	vmax.f32 v12, $0.0e+00;
	v12 =	vadd.f32 v7, v16;
	v7 =	vld [tilespmem:s25+$0x4D0]  }
0x225: {  	s13 =	sadd.s32 $0x800, s13;
	[tilespmem:s25+$0x460] =	vst v11;
	v13 =	vmax.f32 v13, $0.0e+00;
	v11 =	vadd.f32 v6, v14;
	v6 =	vld [tilespmem:s25+$0x4E0]  }
0x226: {  	[tilespmem:s25+$0x470] =	vst v13;
	v12 =	vmax.f32 v12, $0.0e+00;
	v5 =	vadd.f32 v5, v10;
	v10 =	vld [tilespmem:s25+$0x4F0]  }
0x227: {  	[tilespmem:s25+$0x480] =	vst v12;
	v11 =	vmax.f32 v11, $0.0e+00;
	v4 =	vadd.f32 v4, v9  }
0x228: {  	[tilespmem:s25+$0x490] =	vst v11;
	v5 =	vmax.f32 v5, $0.0e+00;
	v3 =	vadd.f32 v3, v8  }
0x229: {  	[tilespmem:s25+$0x4A0] =	vst v5;
	v4 =	vmax.f32 v4, $0.0e+00;
	v2 =	vadd.f32 v2, v7  }
0x22a: {  	[tilespmem:s25+$0x4B0] =	vst v4;
	v3 =	vmax.f32 v3, $0.0e+00;
	v1 =	vadd.f32 v1, v6  }
0x22b: {  	[tilespmem:s25+$0x4C0] =	vst v3;
	v2 =	vmax.f32 v2, $0.0e+00;
	v0 =	vadd.f32 v0, v10  }
0x22c: {  	[tilespmem:s25+$0x4D0] =	vst v2;
	v1 =	vmax.f32 v1, $0.0e+00  }
0x22d: {  	[tilespmem:s25+$0x4E0] =	vst v1;
	v0 =	vmax.f32 v0, $0.0e+00  }
0x22e: {  	[tilespmem:s25+$0x4F0] =	vst v0  }
0x22f: {  	[spmem:s4] =	stream.indirect.scatter.add.f32 [tilespmem:s8], [sflag:$0x7], $0x80, s16, s1, $0xb8;
	[tilespmem:$0x1E300] =	vst v63  }
0x230: {  	_ =	swait.ge [sflag:s17], $0x2800  }
0x231: {  	[sflag:s17] =	ssyncset.done $0x0  }
0x232: {  	[sflag:s17] =	ssyncadd.s32 $0xFFFFD800  }
0x233: {  	_ =	swait.ge [sflag:s19], $0x2800  }
0x234: {  	[sflag:s19] =	ssyncset.done $0x0  }
0x235: {  	[sflag:s19] =	ssyncadd.s32 $0xFFFFD800  }
0x236: {  	v0 =	vld [tilespmem:$0x180]  }
0x237: {  	v1 =	vld [tilespmem:$0x190]  }
0x238: {  	v2 =	vld [tilespmem:$0x1A0]  }
0x239: {  	s13 =	sshll.u32 s28, $0x1;
	v3 =	vld [tilespmem:$0x1B0]  }
0x23a: {  	s13 =	smin.u32 s13, $0x77;
	v4 =	vld [tilespmem:$0x1C0]  }
0x23b: {  	s13 =	smul.u32 $0x50, s13;
	[tilespmem:$0x280] =	vst v0  }
0x23c: {  	[tilespmem:$0x290] =	vst v1  }
0x23d: {  	s13 =	sadd.s32 s13, s24;
	[tilespmem:$0x2A0] =	vst v2  }
0x23e: {  	s13 =	sshrl.u32 s13, $0x3;
	[tilespmem:$0x2B0] =	vst v3  }
0x23f: {  	s20 =	sadd.s32 s6, s13;
	s25 =	simm.s32 $0x0;
	[tilespmem:$0x2C0] =	vst v4  }
0x240: {  	[tilespmem:s30], [sflag:$0x2] =	stream.linear.gather [hbm4b:s20+s25], $0x50, $0x38;
	[tilespmem:$0x1E300] =	vst v63  }
0x241: {  	s13 =	sadd.s32 s2, s13  }
0x242: {  	[tilespmem:s31], [sflag:$0x2] =	stream.linear.gather [hbm4b:s13+s25], $0x50, $0x38;
	[tilespmem:$0x1E300] =	vst v63  }
0x243: {  	s25 =	simm.s32 $0x0  }
0x244: {  	v6 =	vld [tilespmem:s25+$0x7B00]  }
0x245: {  	v7 =	vld [tilespmem:s25+$0x7B10]  }
0x246: {  	v8 =	vld [tilespmem:s25+$0x7B20]  }
0x247: {  	v9 =	vld [tilespmem:s25+$0x7B30]  }
0x248: {  	v10 =	vld [tilespmem:s25+$0x7B40]  }
0x249: {  	v11 =	vld [tilespmem:s25+$0x7B50]  }
0x24a: {  	v12 =	vld [tilespmem:s25+$0x7B60]  }
0x24b: {  	v13 =	vld [tilespmem:s25+$0x7B70]  }
0x24c: {  	v14 =	vld [tilespmem:s25+$0x7B80]  }
0x24d: {  	v15 =	vld [tilespmem:s25+$0x7B90]  }
0x24e: {  	v16 =	vld [tilespmem:s25+$0x7BA0]  }
0x24f: {  	v17 =	vld [tilespmem:s25+$0x7BB0]  }
0x250: {  	v18 =	vld [tilespmem:s25+$0x7BC0]  }
0x251: {  	v19 =	vld [tilespmem:s25+$0x7BD0]  }
0x252: {  	v20 =	vld [tilespmem:s25+$0x7BE0]  }
0x253: {  	v21 =	vld [tilespmem:s25+$0x7BF0]  }
0x254: {  	v22 =	vld [tilespmem:s25+$0x7C00]  }
0x255: {  	v23 =	vld [tilespmem:s25+$0x7C10]  }
0x256: {  	v24 =	vld [tilespmem:s25+$0x7C20]  }
0x257: {  	v25 =	vld [tilespmem:s25+$0x7C30]  }
0x258: {  	v26 =	vld [tilespmem:s25+$0x7C40]  }
0x259: {  	v32 =	vld [tilespmem:s25+$0x2B00]  }
0x25a: {  	v27 =	vld [tilespmem:s25+$0x7C50]  }
0x25b: {  	v33 =	vld [tilespmem:s25+$0x2B10]  }
0x25c: {  	v34 =	vld [tilespmem:s25+$0x2B20]  }
0x25d: {  	v28 =	vld [tilespmem:s25+$0x7C60]  }
0x25e: {  	v35 =	vld [tilespmem:s25+$0x2B30];
	v6 =	vadd.f32 v6, v32  }
0x25f: {  	v36 =	vld [tilespmem:s25+$0x2B40]  }
0x260: {  	v29 =	vld [tilespmem:s25+$0x7C70];
	v7 =	vadd.f32 v7, v33;
	v6 =	vmax.f32 v6, $0.0e+00  }
0x261: {  	v62 =	vld [tilespmem:s25+$0x2B50];
	[tilespmem:s25+$0x2B00] =	vst v6;
	v6 =	vadd.f32 v8, v34  }
0x262: {  	v37 =	vld [tilespmem:s25+$0x2B60];
	v7 =	vmax.f32 v7, $0.0e+00  }
0x263: {  	v30 =	vld [tilespmem:s25+$0x7C80];
	[tilespmem:s25+$0x2B10] =	vst v7;
	v7 =	vadd.f32 v9, v35;
	v6 =	vmax.f32 v6, $0.0e+00  }
0x264: {  	v63 =	vld [tilespmem:s25+$0x2B70];
	[tilespmem:s25+$0x2B20] =	vst v6;
	v6 =	vadd.f32 v10, v36  }
0x265: {  	v8 =	vld [tilespmem:s25+$0x2B80];
	v7 =	vmax.f32 v7, $0.0e+00  }
0x266: {  	v31 =	vld [tilespmem:s25+$0x7C90];
	[tilespmem:s25+$0x2B30] =	vst v7;
	v7 =	vadd.f32 v11, v62;
	v6 =	vmax.f32 v6, $0.0e+00  }
0x267: {  	v9 =	vld [tilespmem:s25+$0x2B90];
	[tilespmem:s25+$0x2B40] =	vst v6;
	v6 =	vadd.f32 v12, v37  }
0x268: {  	v10 =	vld [tilespmem:s25+$0x2BA0];
	v7 =	vmax.f32 v7, $0.0e+00  }
0x269: {  	v5 =	vld [tilespmem:s25+$0x7CA0];
	[tilespmem:s25+$0x2B50] =	vst v7;
	v7 =	vadd.f32 v13, v63;
	v6 =	vmax.f32 v6, $0.0e+00  }
0x26a: {  	v11 =	vld [tilespmem:s25+$0x2BB0];
	[tilespmem:s25+$0x2B60] =	vst v6;
	v6 =	vadd.f32 v14, v8  }
0x26b: {  	v12 =	vld [tilespmem:s25+$0x2BC0];
	v7 =	vmax.f32 v7, $0.0e+00  }
0x26c: {  	v4 =	vld [tilespmem:s25+$0x7CB0];
	[tilespmem:s25+$0x2B70] =	vst v7;
	v7 =	vadd.f32 v15, v9;
	v6 =	vmax.f32 v6, $0.0e+00  }
0x26d: {  	v13 =	vld [tilespmem:s25+$0x2BD0];
	[tilespmem:s25+$0x2B80] =	vst v6;
	v6 =	vadd.f32 v16, v10  }
0x26e: {  	v8 =	vld [tilespmem:s25+$0x2BE0];
	v7 =	vmax.f32 v7, $0.0e+00  }
0x26f: {  	v3 =	vld [tilespmem:s25+$0x7CC0];
	[tilespmem:s25+$0x2B90] =	vst v7;
	v7 =	vadd.f32 v17, v11;
	v6 =	vmax.f32 v6, $0.0e+00  }
0x270: {  	v9 =	vld [tilespmem:s25+$0x2BF0];
	[tilespmem:s25+$0x2BA0] =	vst v6;
	v6 =	vadd.f32 v18, v12  }
0x271: {  	v10 =	vld [tilespmem:s25+$0x2C00];
	v7 =	vmax.f32 v7, $0.0e+00  }
0x272: {  	v2 =	vld [tilespmem:s25+$0x7CD0];
	[tilespmem:s25+$0x2BB0] =	vst v7;
	v7 =	vadd.f32 v19, v13;
	v6 =	vmax.f32 v6, $0.0e+00  }
0x273: {  	v11 =	vld [tilespmem:s25+$0x2C10];
	[tilespmem:s25+$0x2BC0] =	vst v6;
	v6 =	vadd.f32 v20, v8  }
0x274: {  	v12 =	vld [tilespmem:s25+$0x2C20];
	v7 =	vmax.f32 v7, $0.0e+00  }
0x275: {  	v1 =	vld [tilespmem:s25+$0x7CE0];
	[tilespmem:s25+$0x2BD0] =	vst v7;
	v7 =	vadd.f32 v21, v9;
	v6 =	vmax.f32 v6, $0.0e+00  }
0x276: {  	v13 =	vld [tilespmem:s25+$0x2C30];
	[tilespmem:s25+$0x2BE0] =	vst v6;
	v6 =	vadd.f32 v22, v10  }
0x277: {  	v8 =	vld [tilespmem:s25+$0x2C40];
	v7 =	vmax.f32 v7, $0.0e+00  }
0x278: {  	v0 =	vld [tilespmem:s25+$0x7CF0];
	[tilespmem:s25+$0x2BF0] =	vst v7;
	v7 =	vadd.f32 v23, v11;
	v6 =	vmax.f32 v6, $0.0e+00  }
0x279: {  	v9 =	vld [tilespmem:s25+$0x2C50];
	[tilespmem:s25+$0x2C00] =	vst v6;
	v6 =	vadd.f32 v24, v12  }
0x27a: {  	v14 =	vld [tilespmem:s25+$0x2C60];
	v7 =	vmax.f32 v7, $0.0e+00  }
0x27b: {  	v11 =	vld [tilespmem:s25+$0x2C70];
	[tilespmem:s25+$0x2C10] =	vst v7;
	v7 =	vadd.f32 v25, v13;
	v6 =	vmax.f32 v6, $0.0e+00  }
0x27c: {  	v12 =	vld [tilespmem:s25+$0x2C80];
	[tilespmem:s25+$0x2C20] =	vst v6;
	v6 =	vadd.f32 v26, v8  }
0x27d: {  	v15 =	vld [tilespmem:s25+$0x2C90];
	v7 =	vmax.f32 v7, $0.0e+00  }
0x27e: {  	v10 =	vld [tilespmem:s25+$0x2CA0];
	[tilespmem:s25+$0x2C30] =	vst v7;
	v7 =	vadd.f32 v27, v9;
	v6 =	vmax.f32 v6, $0.0e+00  }
0x27f: {  	v9 =	vld [tilespmem:s25+$0x2CB0];
	[tilespmem:s25+$0x2C40] =	vst v6;
	v6 =	vadd.f32 v28, v14  }
0x280: {  	v11 =	vadd.f32 v29, v11;
	v8 =	vld [tilespmem:s25+$0x2CC0];
	v7 =	vmax.f32 v7, $0.0e+00  }
0x281: {  	v12 =	vadd.f32 v30, v12;
	[tilespmem:s25+$0x2C50] =	vst v7;
	v7 =	vld [tilespmem:s25+$0x2CD0];
	v6 =	vmax.f32 v6, $0.0e+00  }
0x282: {  	s13 =	simm.s32 $0x800;
	v13 =	vmax.f32 v11, $0.0e+00;
	v11 =	vadd.f32 v31, v15;
	[tilespmem:s25+$0x2C60] =	vst v6;
	v6 =	vld [tilespmem:s25+$0x2CE0]  }
.LBB2_9:
0x283: {  	s20 =	sshra.s32 s13, $0x2;
	p0 =	sne.s32 s13, $0x9800;
	[tilespmem:s25+$0x2C70] =	vst v13;
	v12 =	vmax.f32 v12, $0.0e+00;
	v5 =	vadd.f32 v5, v10;
	v10 =	vld [tilespmem:s25+$0x2CF0]  }
0x284: {  	v13 =	vld [tilespmem:s20+$0x7B00];
	[tilespmem:s25+$0x2C80] =	vst v12;
	v11 =	vmax.f32 v11, $0.0e+00;
	v4 =	vadd.f32 v4, v9  }
0x285: {  	v12 =	vld [tilespmem:s20+$0x7B10];
	[tilespmem:s25+$0x2C90] =	vst v11;
	v5 =	vmax.f32 v5, $0.0e+00;
	v3 =	vadd.f32 v3, v8  }
0x286: {  	v14 =	vld [tilespmem:s20+$0x7B20];
	[tilespmem:s25+$0x2CA0] =	vst v5;
	v4 =	vmax.f32 v4, $0.0e+00;
	v2 =	vadd.f32 v2, v7  }
0x287: {  	v15 =	vld [tilespmem:s20+$0x7B30];
	[tilespmem:s25+$0x2CB0] =	vst v4;
	v3 =	vmax.f32 v3, $0.0e+00;
	v1 =	vadd.f32 v1, v6  }
0x288: {  	v16 =	vld [tilespmem:s20+$0x7B40];
	[tilespmem:s25+$0x2CC0] =	vst v3;
	v2 =	vmax.f32 v2, $0.0e+00;
	v0 =	vadd.f32 v0, v10  }
0x289: {  	v17 =	vld [tilespmem:s20+$0x7B50];
	[tilespmem:s25+$0x2CD0] =	vst v2;
	v1 =	vmax.f32 v1, $0.0e+00  }
0x28a: {  	v18 =	vld [tilespmem:s20+$0x7B60];
	[tilespmem:s25+$0x2CE0] =	vst v1;
	v0 =	vmax.f32 v0, $0.0e+00  }
0x28b: {  	v19 =	vld [tilespmem:s20+$0x7B70];
	[tilespmem:s25+$0x2CF0] =	vst v0;
	s25 =	smov.u32 s20  }
0x28c: {  	v20 =	vld [tilespmem:s25+$0x7B80]  }
0x28d: {  	v21 =	vld [tilespmem:s25+$0x7B90]  }
0x28e: {  	v22 =	vld [tilespmem:s25+$0x7BA0]  }
0x28f: {  	v23 =	vld [tilespmem:s25+$0x7BB0]  }
0x290: {  	v24 =	vld [tilespmem:s25+$0x7BC0]  }
0x291: {  	v25 =	vld [tilespmem:s25+$0x7BD0]  }
0x292: {  	v26 =	vld [tilespmem:s25+$0x7BE0]  }
0x293: {  	v27 =	vld [tilespmem:s25+$0x7BF0]  }
0x294: {  	v28 =	vld [tilespmem:s25+$0x7C00]  }
0x295: {  	v29 =	vld [tilespmem:s25+$0x7C10]  }
0x296: {  	v30 =	vld [tilespmem:s25+$0x7C20]  }
0x297: {  	v31 =	vld [tilespmem:s25+$0x7C30]  }
0x298: {  	v11 =	vld [tilespmem:s25+$0x7C40]  }
0x299: {  	v10 =	vld [tilespmem:s25+$0x7C50]  }
0x29a: {  	v9 =	vld [tilespmem:s25+$0x7C60]  }
0x29b: {  	v8 =	vld [tilespmem:s25+$0x7C70]  }
0x29c: {  	v7 =	vld [tilespmem:s25+$0x7C80]  }
0x29d: {  	v6 =	vld [tilespmem:s25+$0x7C90]  }
0x29e: {  	v5 =	vld [tilespmem:s25+$0x7CA0]  }
0x29f: {  	v4 =	vld [tilespmem:s25+$0x7CB0]  }
0x2a0: {  	v3 =	vld [tilespmem:s25+$0x7CC0]  }
0x2a1: {  	v2 =	vld [tilespmem:s25+$0x7CD0]  }
0x2a2: {  	v1 =	vld [tilespmem:s25+$0x7CE0]  }
0x2a3: {  	v0 =	vld [tilespmem:s25+$0x7CF0]  }
0x2a4: {  	v32 =	vld [tilespmem:s25+$0x2B00]  }
0x2a5: {  	v33 =	vld [tilespmem:s25+$0x2B10]  }
0x2a6: {  	v34 =	vld [tilespmem:s25+$0x2B20]  }
0x2a7: {  	v35 =	vld [tilespmem:s25+$0x2B30]  }
0x2a8: {  	v36 =	vld [tilespmem:s25+$0x2B40]  }
0x2a9: {  	v13 =	vadd.f32 v13, v32;
	v32 =	vld [tilespmem:s25+$0x2B50]  }
0x2aa: {  	v12 =	vadd.f32 v12, v33;
	v33 =	vld [tilespmem:s25+$0x2B60]  }
0x2ab: {  	v13 =	vmax.f32 v13, $0.0e+00;
	v14 =	vadd.f32 v14, v34;
	v34 =	vld [tilespmem:s25+$0x2B70]  }
0x2ac: {  	[tilespmem:s25+$0x2B00] =	vst v13;
	v12 =	vmax.f32 v12, $0.0e+00;
	v13 =	vadd.f32 v15, v35;
	v15 =	vld [tilespmem:s25+$0x2B80]  }
0x2ad: {  	[tilespmem:s25+$0x2B10] =	vst v12;
	v12 =	vmax.f32 v14, $0.0e+00;
	v14 =	vadd.f32 v16, v36;
	v16 =	vld [tilespmem:s25+$0x2B90]  }
0x2ae: {  	[tilespmem:s25+$0x2B20] =	vst v12;
	v12 =	vmax.f32 v13, $0.0e+00;
	v13 =	vadd.f32 v17, v32;
	v17 =	vld [tilespmem:s25+$0x2BA0]  }
0x2af: {  	[tilespmem:s25+$0x2B30] =	vst v12;
	v12 =	vmax.f32 v14, $0.0e+00;
	v14 =	vadd.f32 v18, v33;
	v18 =	vld [tilespmem:s25+$0x2BB0]  }
0x2b0: {  	[tilespmem:s25+$0x2B40] =	vst v12;
	v12 =	vmax.f32 v13, $0.0e+00;
	v13 =	vadd.f32 v19, v34;
	v19 =	vld [tilespmem:s25+$0x2BC0]  }
0x2b1: {  	[tilespmem:s25+$0x2B50] =	vst v12;
	v12 =	vmax.f32 v14, $0.0e+00;
	v14 =	vadd.f32 v20, v15;
	v15 =	vld [tilespmem:s25+$0x2BD0]  }
0x2b2: {  	[tilespmem:s25+$0x2B60] =	vst v12;
	v12 =	vmax.f32 v13, $0.0e+00;
	v13 =	vadd.f32 v21, v16;
	v16 =	vld [tilespmem:s25+$0x2BE0]  }
0x2b3: {  	[tilespmem:s25+$0x2B70] =	vst v12;
	v12 =	vmax.f32 v14, $0.0e+00;
	v14 =	vadd.f32 v22, v17;
	v17 =	vld [tilespmem:s25+$0x2BF0]  }
0x2b4: {  	[tilespmem:s25+$0x2B80] =	vst v12;
	v12 =	vmax.f32 v13, $0.0e+00;
	v13 =	vadd.f32 v23, v18;
	v18 =	vld [tilespmem:s25+$0x2C00]  }
0x2b5: {  	[tilespmem:s25+$0x2B90] =	vst v12;
	v12 =	vmax.f32 v14, $0.0e+00;
	v14 =	vadd.f32 v24, v19;
	v19 =	vld [tilespmem:s25+$0x2C10]  }
0x2b6: {  	[tilespmem:s25+$0x2BA0] =	vst v12;
	v12 =	vmax.f32 v13, $0.0e+00;
	v13 =	vadd.f32 v25, v15;
	v15 =	vld [tilespmem:s25+$0x2C20]  }
0x2b7: {  	[tilespmem:s25+$0x2BB0] =	vst v12;
	v12 =	vmax.f32 v14, $0.0e+00;
	v14 =	vadd.f32 v26, v16;
	v16 =	vld [tilespmem:s25+$0x2C30]  }
0x2b8: {  	[tilespmem:s25+$0x2BC0] =	vst v12;
	v12 =	vmax.f32 v13, $0.0e+00;
	v13 =	vadd.f32 v27, v17;
	v17 =	vld [tilespmem:s25+$0x2C40]  }
0x2b9: {  	[tilespmem:s25+$0x2BD0] =	vst v12;
	v12 =	vmax.f32 v14, $0.0e+00;
	v14 =	vadd.f32 v28, v18;
	v18 =	vld [tilespmem:s25+$0x2C50]  }
0x2ba: {  	[tilespmem:s25+$0x2BE0] =	vst v12;
	v12 =	vmax.f32 v13, $0.0e+00;
	v13 =	vadd.f32 v29, v19;
	v19 =	vld [tilespmem:s25+$0x2C60]  }
0x2bb: {  	[tilespmem:s25+$0x2BF0] =	vst v12;
	v12 =	vmax.f32 v14, $0.0e+00;
	v14 =	vadd.f32 v30, v15;
	v15 =	vld [tilespmem:s25+$0x2C70]  }
0x2bc: {  	[tilespmem:s25+$0x2C00] =	vst v12;
	v12 =	vmax.f32 v13, $0.0e+00;
	v13 =	vadd.f32 v31, v16;
	v16 =	vld [tilespmem:s25+$0x2C80]  }
0x2bd: {  	[tilespmem:s25+$0x2C10] =	vst v12;
	v12 =	vmax.f32 v14, $0.0e+00;
	v11 =	vadd.f32 v11, v17;
	v14 =	vld [tilespmem:s25+$0x2C90]  }
.Ltmp3:
0x2be: {  	[tilespmem:s25+$0x2C20] =	vst v12;
	v12 =	vmax.f32 v13, $0.0e+00;
	v13 =	vadd.f32 v10, v18;
	v10 =	vld [tilespmem:s25+$0x2CA0];
	(pc) =	sbr.rel @p0 .LBB2_9-.Ltmp3, $4  }
0x2bf: {  	[tilespmem:s25+$0x2C30] =	vst v12;
	v11 =	vmax.f32 v11, $0.0e+00;
	v12 =	vadd.f32 v9, v19;
	v9 =	vld [tilespmem:s25+$0x2CB0]  }
0x2c0: {  	[tilespmem:s25+$0x2C40] =	vst v11;
	v11 =	vmax.f32 v13, $0.0e+00;
	v13 =	vadd.f32 v8, v15;
	v8 =	vld [tilespmem:s25+$0x2CC0]  }
0x2c1: {  	[tilespmem:s25+$0x2C50] =	vst v11;
	v11 =	vmax.f32 v12, $0.0e+00;
	v12 =	vadd.f32 v7, v16;
	v7 =	vld [tilespmem:s25+$0x2CD0]  }
0x2c2: {  	s13 =	sadd.s32 $0x800, s13;
	[tilespmem:s25+$0x2C60] =	vst v11;
	v13 =	vmax.f32 v13, $0.0e+00;
	v11 =	vadd.f32 v6, v14;
	v6 =	vld [tilespmem:s25+$0x2CE0]  }
0x2c3: {  	[tilespmem:s25+$0x2C70] =	vst v13;
	v12 =	vmax.f32 v12, $0.0e+00;
	v5 =	vadd.f32 v5, v10;
	v63 =	vld [tilespmem:s25+$0x2CF0]  }
0x2c4: {  	[tilespmem:s25+$0x2C80] =	vst v12;
	v11 =	vmax.f32 v11, $0.0e+00;
	v4 =	vadd.f32 v4, v9  }
0x2c5: {  	[tilespmem:s25+$0x2C90] =	vst v11;
	v5 =	vmax.f32 v5, $0.0e+00;
	v3 =	vadd.f32 v3, v8  }
0x2c6: {  	[tilespmem:s25+$0x2CA0] =	vst v5;
	v4 =	vmax.f32 v4, $0.0e+00;
	v2 =	vadd.f32 v2, v7  }
0x2c7: {  	[tilespmem:s25+$0x2CB0] =	vst v4;
	v3 =	vmax.f32 v3, $0.0e+00;
	v1 =	vadd.f32 v1, v6  }
0x2c8: {  	[tilespmem:s25+$0x2CC0] =	vst v3;
	v2 =	vmax.f32 v2, $0.0e+00;
	v0 =	vadd.f32 v0, v63  }
0x2c9: {  	[tilespmem:s25+$0x2CD0] =	vst v2;
	v1 =	vmax.f32 v1, $0.0e+00  }
0x2ca: {  	[tilespmem:s25+$0x2CE0] =	vst v1;
	v0 =	vmax.f32 v0, $0.0e+00  }
0x2cb: {  	s13 =	simm.s32 $0x280;
	[tilespmem:s25+$0x2CF0] =	vst v0  }
0x2cc: {  	[spmem:s4] =	stream.indirect.scatter.add.f32 [tilespmem:s12], [sflag:$0x8], $0x80, s13, s1, $0xb8;
	[tilespmem:$0x1E300] =	vst v63  }
0x2cd: {  	_ =	swait.ge [sflag:s21], $0x2800  }
0x2ce: {  	[sflag:s21] =	ssyncset.done $0x0  }
0x2cf: {  	[sflag:s21] =	ssyncadd.s32 $0xFFFFD800  }
0x2d0: {  	_ =	swait.ge [sflag:s0], $0x50  }
0x2d1: {  	[sflag:s0] =	ssyncset.done $0x0  }
0x2d2: {  	s28 =	sadd.s32 $0x1, s28;
	[sflag:s0] =	ssyncadd.s32 $0xFFFFFFB0  }
0x2d3: {  	p0 =	sne.s32 s28, $0x3D;
	_ =	swait.ge [sflag:s0], $0x50  }
.Ltmp4:
0x2d4: {  	[sflag:s0] =	ssyncset.done $0x0;
	(pc) =	sbr.rel @p0 .LBB2_6-.Ltmp4, $4  }
0x2d5: {  	s26 =	sshll.u32 s26, $0x4;
	[sflag:s0] =	ssyncadd.s32 $0xFFFFFFB0  }
0x2d6: {  	[tilespmem:s8], [sflag:$0x3] =	stream.indirect.gather [hbm4b:s3+s1], $0x80, s5, s1, $0xb8;
	[tilespmem:$0x1E300] =	vst v63  }
0x2d7: {  	s13 =	sadd.s32 s7, s26  }
0x2d8: {  	[tilespmem:s9], [sflag:$0x5] =	stream.linear.gather [hbm4b:s13+s5], $0x2800, $0x38;
	[tilespmem:$0x1E300] =	vst v63  }
0x2d9: {  	_ =	swait.ge [sflag:s14], $0x2800  }
0x2da: {  	[sflag:s14] =	ssyncset.done $0x0  }
0x2db: {  	[sflag:s14] =	ssyncadd.s32 $0xFFFFD800  }
0x2dc: {  	_ =	swait.ge [sflag:s15], $0x2800  }
0x2dd: {  	[sflag:s15] =	ssyncset.done $0x0  }
0x2de: {  	[sflag:s15] =	ssyncadd.s32 $0xFFFFD800  }
0x2df: {  	v0 =	vld [tilespmem:$0x100]  }
0x2e0: {  	v1 =	vld [tilespmem:$0x110]  }
0x2e1: {  	v2 =	vld [tilespmem:$0x120]  }
0x2e2: {  	v3 =	vld [tilespmem:$0x130]  }
0x2e3: {  	v4 =	vld [tilespmem:$0x140]  }
0x2e4: {  	[tilespmem:$0x200] =	vst v0  }
0x2e5: {  	[tilespmem:$0x210] =	vst v1  }
0x2e6: {  	[tilespmem:$0x220] =	vst v2  }
0x2e7: {  	[tilespmem:$0x230] =	vst v3  }
0x2e8: {  	s10 =	simm.s32 $0x0;
	[tilespmem:$0x240] =	vst v4  }
0x2e9: {  	v6 =	vld [tilespmem:s10+$0x5300]  }
0x2ea: {  	v7 =	vld [tilespmem:s10+$0x5310]  }
0x2eb: {  	v8 =	vld [tilespmem:s10+$0x5320]  }
0x2ec: {  	v9 =	vld [tilespmem:s10+$0x5330]  }
0x2ed: {  	v10 =	vld [tilespmem:s10+$0x5340]  }
0x2ee: {  	v11 =	vld [tilespmem:s10+$0x5350]  }
0x2ef: {  	v12 =	vld [tilespmem:s10+$0x5360]  }
0x2f0: {  	v13 =	vld [tilespmem:s10+$0x5370]  }
0x2f1: {  	v14 =	vld [tilespmem:s10+$0x5380]  }
0x2f2: {  	v15 =	vld [tilespmem:s10+$0x5390]  }
0x2f3: {  	v16 =	vld [tilespmem:s10+$0x53A0]  }
0x2f4: {  	v17 =	vld [tilespmem:s10+$0x53B0]  }
0x2f5: {  	v18 =	vld [tilespmem:s10+$0x53C0]  }
0x2f6: {  	v19 =	vld [tilespmem:s10+$0x53D0]  }
0x2f7: {  	v20 =	vld [tilespmem:s10+$0x53E0]  }
0x2f8: {  	v21 =	vld [tilespmem:s10+$0x53F0]  }
0x2f9: {  	v22 =	vld [tilespmem:s10+$0x5400]  }
0x2fa: {  	v23 =	vld [tilespmem:s10+$0x5410]  }
0x2fb: {  	v24 =	vld [tilespmem:s10+$0x5420]  }
0x2fc: {  	v25 =	vld [tilespmem:s10+$0x5430]  }
0x2fd: {  	v26 =	vld [tilespmem:s10+$0x5440]  }
0x2fe: {  	v32 =	vld [tilespmem:s10+$0x300]  }
0x2ff: {  	v27 =	vld [tilespmem:s10+$0x5450]  }
0x300: {  	v33 =	vld [tilespmem:s10+$0x310]  }
0x301: {  	v34 =	vld [tilespmem:s10+$0x320]  }
0x302: {  	v28 =	vld [tilespmem:s10+$0x5460]  }
0x303: {  	v35 =	vld [tilespmem:s10+$0x330];
	v6 =	vadd.f32 v6, v32  }
0x304: {  	v36 =	vld [tilespmem:s10+$0x340]  }
0x305: {  	v29 =	vld [tilespmem:s10+$0x5470];
	v7 =	vadd.f32 v7, v33;
	v6 =	vmax.f32 v6, $0.0e+00  }
0x306: {  	v62 =	vld [tilespmem:s10+$0x350];
	[tilespmem:s10+$0x300] =	vst v6;
	v6 =	vadd.f32 v8, v34  }
0x307: {  	v37 =	vld [tilespmem:s10+$0x360];
	v7 =	vmax.f32 v7, $0.0e+00  }
0x308: {  	v30 =	vld [tilespmem:s10+$0x5480];
	[tilespmem:s10+$0x310] =	vst v7;
	v7 =	vadd.f32 v9, v35;
	v6 =	vmax.f32 v6, $0.0e+00  }
0x309: {  	v63 =	vld [tilespmem:s10+$0x370];
	[tilespmem:s10+$0x320] =	vst v6;
	v6 =	vadd.f32 v10, v36  }
0x30a: {  	v8 =	vld [tilespmem:s10+$0x380];
	v7 =	vmax.f32 v7, $0.0e+00  }
0x30b: {  	v31 =	vld [tilespmem:s10+$0x5490];
	[tilespmem:s10+$0x330] =	vst v7;
	v7 =	vadd.f32 v11, v62;
	v6 =	vmax.f32 v6, $0.0e+00  }
0x30c: {  	v9 =	vld [tilespmem:s10+$0x390];
	[tilespmem:s10+$0x340] =	vst v6;
	v6 =	vadd.f32 v12, v37  }
0x30d: {  	v10 =	vld [tilespmem:s10+$0x3A0];
	v7 =	vmax.f32 v7, $0.0e+00  }
0x30e: {  	v5 =	vld [tilespmem:s10+$0x54A0];
	[tilespmem:s10+$0x350] =	vst v7;
	v7 =	vadd.f32 v13, v63;
	v6 =	vmax.f32 v6, $0.0e+00  }
0x30f: {  	v11 =	vld [tilespmem:s10+$0x3B0];
	[tilespmem:s10+$0x360] =	vst v6;
	v6 =	vadd.f32 v14, v8  }
0x310: {  	v12 =	vld [tilespmem:s10+$0x3C0];
	v7 =	vmax.f32 v7, $0.0e+00  }
0x311: {  	v4 =	vld [tilespmem:s10+$0x54B0];
	[tilespmem:s10+$0x370] =	vst v7;
	v7 =	vadd.f32 v15, v9;
	v6 =	vmax.f32 v6, $0.0e+00  }
0x312: {  	v13 =	vld [tilespmem:s10+$0x3D0];
	[tilespmem:s10+$0x380] =	vst v6;
	v6 =	vadd.f32 v16, v10  }
0x313: {  	v8 =	vld [tilespmem:s10+$0x3E0];
	v7 =	vmax.f32 v7, $0.0e+00  }
0x314: {  	v3 =	vld [tilespmem:s10+$0x54C0];
	[tilespmem:s10+$0x390] =	vst v7;
	v7 =	vadd.f32 v17, v11;
	v6 =	vmax.f32 v6, $0.0e+00  }
0x315: {  	v9 =	vld [tilespmem:s10+$0x3F0];
	[tilespmem:s10+$0x3A0] =	vst v6;
	v6 =	vadd.f32 v18, v12  }
0x316: {  	v10 =	vld [tilespmem:s10+$0x400];
	v7 =	vmax.f32 v7, $0.0e+00  }
0x317: {  	v2 =	vld [tilespmem:s10+$0x54D0];
	[tilespmem:s10+$0x3B0] =	vst v7;
	v7 =	vadd.f32 v19, v13;
	v6 =	vmax.f32 v6, $0.0e+00  }
0x318: {  	v11 =	vld [tilespmem:s10+$0x410];
	[tilespmem:s10+$0x3C0] =	vst v6;
	v6 =	vadd.f32 v20, v8  }
0x319: {  	v12 =	vld [tilespmem:s10+$0x420];
	v7 =	vmax.f32 v7, $0.0e+00  }
0x31a: {  	v1 =	vld [tilespmem:s10+$0x54E0];
	[tilespmem:s10+$0x3D0] =	vst v7;
	v7 =	vadd.f32 v21, v9;
	v6 =	vmax.f32 v6, $0.0e+00  }
0x31b: {  	v13 =	vld [tilespmem:s10+$0x430];
	[tilespmem:s10+$0x3E0] =	vst v6;
	v6 =	vadd.f32 v22, v10  }
0x31c: {  	v8 =	vld [tilespmem:s10+$0x440];
	v7 =	vmax.f32 v7, $0.0e+00  }
0x31d: {  	v0 =	vld [tilespmem:s10+$0x54F0];
	[tilespmem:s10+$0x3F0] =	vst v7;
	v7 =	vadd.f32 v23, v11;
	v6 =	vmax.f32 v6, $0.0e+00  }
0x31e: {  	v9 =	vld [tilespmem:s10+$0x450];
	[tilespmem:s10+$0x400] =	vst v6;
	v6 =	vadd.f32 v24, v12  }
0x31f: {  	v14 =	vld [tilespmem:s10+$0x460];
	v7 =	vmax.f32 v7, $0.0e+00  }
0x320: {  	v11 =	vld [tilespmem:s10+$0x470];
	[tilespmem:s10+$0x410] =	vst v7;
	v7 =	vadd.f32 v25, v13;
	v6 =	vmax.f32 v6, $0.0e+00  }
0x321: {  	v12 =	vld [tilespmem:s10+$0x480];
	[tilespmem:s10+$0x420] =	vst v6;
	v6 =	vadd.f32 v26, v8  }
0x322: {  	v15 =	vld [tilespmem:s10+$0x490];
	v7 =	vmax.f32 v7, $0.0e+00  }
0x323: {  	v10 =	vld [tilespmem:s10+$0x4A0];
	[tilespmem:s10+$0x430] =	vst v7;
	v7 =	vadd.f32 v27, v9;
	v6 =	vmax.f32 v6, $0.0e+00  }
0x324: {  	v9 =	vld [tilespmem:s10+$0x4B0];
	[tilespmem:s10+$0x440] =	vst v6;
	v6 =	vadd.f32 v28, v14  }
0x325: {  	v11 =	vadd.f32 v29, v11;
	v8 =	vld [tilespmem:s10+$0x4C0];
	v7 =	vmax.f32 v7, $0.0e+00  }
0x326: {  	v12 =	vadd.f32 v30, v12;
	[tilespmem:s10+$0x450] =	vst v7;
	v7 =	vld [tilespmem:s10+$0x4D0];
	v6 =	vmax.f32 v6, $0.0e+00  }
0x327: {  	s13 =	simm.s32 $0x800;
	v13 =	vmax.f32 v11, $0.0e+00;
	v11 =	vadd.f32 v31, v15;
	[tilespmem:s10+$0x460] =	vst v6;
	v6 =	vld [tilespmem:s10+$0x4E0]  }
.LBB2_12:
0x328: {  	s20 =	sshra.s32 s13, $0x2;
	p0 =	sne.s32 s13, $0x9800;
	[tilespmem:s10+$0x470] =	vst v13;
	v12 =	vmax.f32 v12, $0.0e+00;
	v5 =	vadd.f32 v5, v10;
	v10 =	vld [tilespmem:s10+$0x4F0]  }
0x329: {  	v13 =	vld [tilespmem:s20+$0x5300];
	[tilespmem:s10+$0x480] =	vst v12;
	v11 =	vmax.f32 v11, $0.0e+00;
	v4 =	vadd.f32 v4, v9  }
0x32a: {  	v12 =	vld [tilespmem:s20+$0x5310];
	[tilespmem:s10+$0x490] =	vst v11;
	v5 =	vmax.f32 v5, $0.0e+00;
	v3 =	vadd.f32 v3, v8  }
0x32b: {  	v14 =	vld [tilespmem:s20+$0x5320];
	[tilespmem:s10+$0x4A0] =	vst v5;
	v4 =	vmax.f32 v4, $0.0e+00;
	v2 =	vadd.f32 v2, v7  }
0x32c: {  	v15 =	vld [tilespmem:s20+$0x5330];
	[tilespmem:s10+$0x4B0] =	vst v4;
	v3 =	vmax.f32 v3, $0.0e+00;
	v1 =	vadd.f32 v1, v6  }
0x32d: {  	v16 =	vld [tilespmem:s20+$0x5340];
	[tilespmem:s10+$0x4C0] =	vst v3;
	v2 =	vmax.f32 v2, $0.0e+00;
	v0 =	vadd.f32 v0, v10  }
0x32e: {  	v17 =	vld [tilespmem:s20+$0x5350];
	[tilespmem:s10+$0x4D0] =	vst v2;
	v1 =	vmax.f32 v1, $0.0e+00  }
0x32f: {  	v18 =	vld [tilespmem:s20+$0x5360];
	[tilespmem:s10+$0x4E0] =	vst v1;
	v0 =	vmax.f32 v0, $0.0e+00  }
0x330: {  	v19 =	vld [tilespmem:s20+$0x5370];
	[tilespmem:s10+$0x4F0] =	vst v0;
	s10 =	smov.u32 s20  }
0x331: {  	v20 =	vld [tilespmem:s10+$0x5380]  }
0x332: {  	v21 =	vld [tilespmem:s10+$0x5390]  }
0x333: {  	v22 =	vld [tilespmem:s10+$0x53A0]  }
0x334: {  	v23 =	vld [tilespmem:s10+$0x53B0]  }
0x335: {  	v24 =	vld [tilespmem:s10+$0x53C0]  }
0x336: {  	v25 =	vld [tilespmem:s10+$0x53D0]  }
0x337: {  	v26 =	vld [tilespmem:s10+$0x53E0]  }
0x338: {  	v27 =	vld [tilespmem:s10+$0x53F0]  }
0x339: {  	v28 =	vld [tilespmem:s10+$0x5400]  }
0x33a: {  	v29 =	vld [tilespmem:s10+$0x5410]  }
0x33b: {  	v30 =	vld [tilespmem:s10+$0x5420]  }
0x33c: {  	v31 =	vld [tilespmem:s10+$0x5430]  }
0x33d: {  	v11 =	vld [tilespmem:s10+$0x5440]  }
0x33e: {  	v10 =	vld [tilespmem:s10+$0x5450]  }
0x33f: {  	v9 =	vld [tilespmem:s10+$0x5460]  }
0x340: {  	v8 =	vld [tilespmem:s10+$0x5470]  }
0x341: {  	v7 =	vld [tilespmem:s10+$0x5480]  }
0x342: {  	v6 =	vld [tilespmem:s10+$0x5490]  }
0x343: {  	v5 =	vld [tilespmem:s10+$0x54A0]  }
0x344: {  	v4 =	vld [tilespmem:s10+$0x54B0]  }
0x345: {  	v3 =	vld [tilespmem:s10+$0x54C0]  }
0x346: {  	v2 =	vld [tilespmem:s10+$0x54D0]  }
0x347: {  	v1 =	vld [tilespmem:s10+$0x54E0]  }
0x348: {  	v0 =	vld [tilespmem:s10+$0x54F0]  }
0x349: {  	v32 =	vld [tilespmem:s10+$0x300]  }
0x34a: {  	v33 =	vld [tilespmem:s10+$0x310]  }
0x34b: {  	v34 =	vld [tilespmem:s10+$0x320]  }
0x34c: {  	v35 =	vld [tilespmem:s10+$0x330]  }
0x34d: {  	v36 =	vld [tilespmem:s10+$0x340]  }
0x34e: {  	v13 =	vadd.f32 v13, v32;
	v32 =	vld [tilespmem:s10+$0x350]  }
0x34f: {  	v12 =	vadd.f32 v12, v33;
	v33 =	vld [tilespmem:s10+$0x360]  }
0x350: {  	v13 =	vmax.f32 v13, $0.0e+00;
	v14 =	vadd.f32 v14, v34;
	v34 =	vld [tilespmem:s10+$0x370]  }
0x351: {  	[tilespmem:s10+$0x300] =	vst v13;
	v12 =	vmax.f32 v12, $0.0e+00;
	v13 =	vadd.f32 v15, v35;
	v15 =	vld [tilespmem:s10+$0x380]  }
0x352: {  	[tilespmem:s10+$0x310] =	vst v12;
	v12 =	vmax.f32 v14, $0.0e+00;
	v14 =	vadd.f32 v16, v36;
	v16 =	vld [tilespmem:s10+$0x390]  }
0x353: {  	[tilespmem:s10+$0x320] =	vst v12;
	v12 =	vmax.f32 v13, $0.0e+00;
	v13 =	vadd.f32 v17, v32;
	v17 =	vld [tilespmem:s10+$0x3A0]  }
0x354: {  	[tilespmem:s10+$0x330] =	vst v12;
	v12 =	vmax.f32 v14, $0.0e+00;
	v14 =	vadd.f32 v18, v33;
	v18 =	vld [tilespmem:s10+$0x3B0]  }
0x355: {  	[tilespmem:s10+$0x340] =	vst v12;
	v12 =	vmax.f32 v13, $0.0e+00;
	v13 =	vadd.f32 v19, v34;
	v19 =	vld [tilespmem:s10+$0x3C0]  }
0x356: {  	[tilespmem:s10+$0x350] =	vst v12;
	v12 =	vmax.f32 v14, $0.0e+00;
	v14 =	vadd.f32 v20, v15;
	v15 =	vld [tilespmem:s10+$0x3D0]  }
0x357: {  	[tilespmem:s10+$0x360] =	vst v12;
	v12 =	vmax.f32 v13, $0.0e+00;
	v13 =	vadd.f32 v21, v16;
	v16 =	vld [tilespmem:s10+$0x3E0]  }
0x358: {  	[tilespmem:s10+$0x370] =	vst v12;
	v12 =	vmax.f32 v14, $0.0e+00;
	v14 =	vadd.f32 v22, v17;
	v17 =	vld [tilespmem:s10+$0x3F0]  }
0x359: {  	[tilespmem:s10+$0x380] =	vst v12;
	v12 =	vmax.f32 v13, $0.0e+00;
	v13 =	vadd.f32 v23, v18;
	v18 =	vld [tilespmem:s10+$0x400]  }
0x35a: {  	[tilespmem:s10+$0x390] =	vst v12;
	v12 =	vmax.f32 v14, $0.0e+00;
	v14 =	vadd.f32 v24, v19;
	v19 =	vld [tilespmem:s10+$0x410]  }
0x35b: {  	[tilespmem:s10+$0x3A0] =	vst v12;
	v12 =	vmax.f32 v13, $0.0e+00;
	v13 =	vadd.f32 v25, v15;
	v15 =	vld [tilespmem:s10+$0x420]  }
0x35c: {  	[tilespmem:s10+$0x3B0] =	vst v12;
	v12 =	vmax.f32 v14, $0.0e+00;
	v14 =	vadd.f32 v26, v16;
	v16 =	vld [tilespmem:s10+$0x430]  }
0x35d: {  	[tilespmem:s10+$0x3C0] =	vst v12;
	v12 =	vmax.f32 v13, $0.0e+00;
	v13 =	vadd.f32 v27, v17;
	v17 =	vld [tilespmem:s10+$0x440]  }
0x35e: {  	[tilespmem:s10+$0x3D0] =	vst v12;
	v12 =	vmax.f32 v14, $0.0e+00;
	v14 =	vadd.f32 v28, v18;
	v18 =	vld [tilespmem:s10+$0x450]  }
0x35f: {  	[tilespmem:s10+$0x3E0] =	vst v12;
	v12 =	vmax.f32 v13, $0.0e+00;
	v13 =	vadd.f32 v29, v19;
	v19 =	vld [tilespmem:s10+$0x460]  }
0x360: {  	[tilespmem:s10+$0x3F0] =	vst v12;
	v12 =	vmax.f32 v14, $0.0e+00;
	v14 =	vadd.f32 v30, v15;
	v15 =	vld [tilespmem:s10+$0x470]  }
0x361: {  	[tilespmem:s10+$0x400] =	vst v12;
	v12 =	vmax.f32 v13, $0.0e+00;
	v13 =	vadd.f32 v31, v16;
	v16 =	vld [tilespmem:s10+$0x480]  }
0x362: {  	[tilespmem:s10+$0x410] =	vst v12;
	v12 =	vmax.f32 v14, $0.0e+00;
	v11 =	vadd.f32 v11, v17;
	v14 =	vld [tilespmem:s10+$0x490]  }
.Ltmp5:
0x363: {  	[tilespmem:s10+$0x420] =	vst v12;
	v12 =	vmax.f32 v13, $0.0e+00;
	v13 =	vadd.f32 v10, v18;
	v10 =	vld [tilespmem:s10+$0x4A0];
	(pc) =	sbr.rel @p0 .LBB2_12-.Ltmp5, $4  }
0x364: {  	[tilespmem:s10+$0x430] =	vst v12;
	v11 =	vmax.f32 v11, $0.0e+00;
	v12 =	vadd.f32 v9, v19;
	v9 =	vld [tilespmem:s10+$0x4B0]  }
0x365: {  	[tilespmem:s10+$0x440] =	vst v11;
	v11 =	vmax.f32 v13, $0.0e+00;
	v13 =	vadd.f32 v8, v15;
	v8 =	vld [tilespmem:s10+$0x4C0]  }
0x366: {  	[tilespmem:s10+$0x450] =	vst v11;
	v11 =	vmax.f32 v12, $0.0e+00;
	v12 =	vadd.f32 v7, v16;
	v7 =	vld [tilespmem:s10+$0x4D0]  }
0x367: {  	s13 =	sadd.s32 $0x800, s13;
	[tilespmem:s10+$0x460] =	vst v11;
	v13 =	vmax.f32 v13, $0.0e+00;
	v11 =	vadd.f32 v6, v14;
	v6 =	vld [tilespmem:s10+$0x4E0]  }
0x368: {  	[tilespmem:s10+$0x470] =	vst v13;
	v12 =	vmax.f32 v12, $0.0e+00;
	v5 =	vadd.f32 v5, v10;
	v63 =	vld [tilespmem:s10+$0x4F0]  }
0x369: {  	[tilespmem:s10+$0x480] =	vst v12;
	v11 =	vmax.f32 v11, $0.0e+00;
	v4 =	vadd.f32 v4, v9  }
0x36a: {  	[tilespmem:s10+$0x490] =	vst v11;
	v5 =	vmax.f32 v5, $0.0e+00;
	v3 =	vadd.f32 v3, v8  }
0x36b: {  	[tilespmem:s10+$0x4A0] =	vst v5;
	v4 =	vmax.f32 v4, $0.0e+00;
	v2 =	vadd.f32 v2, v7  }
0x36c: {  	[tilespmem:s10+$0x4B0] =	vst v4;
	v3 =	vmax.f32 v3, $0.0e+00;
	v1 =	vadd.f32 v1, v6  }
0x36d: {  	[tilespmem:s10+$0x4C0] =	vst v3;
	v2 =	vmax.f32 v2, $0.0e+00;
	v0 =	vadd.f32 v0, v63  }
0x36e: {  	[tilespmem:s10+$0x4D0] =	vst v2;
	v1 =	vmax.f32 v1, $0.0e+00  }
0x36f: {  	[tilespmem:s10+$0x4E0] =	vst v1;
	v0 =	vmax.f32 v0, $0.0e+00  }
0x370: {  	[tilespmem:s10+$0x4F0] =	vst v0  }
0x371: {  	[spmem:s4] =	stream.indirect.scatter.add.f32 [tilespmem:s8], [sflag:$0x7], $0x80, s16, s1, $0xb8;
	[tilespmem:$0x1E300] =	vst v63  }
0x372: {  	_ =	swait.ge [sflag:s22], $0x2800  }
0x373: {  	[sflag:s22] =	ssyncset.done $0x0  }
0x374: {  	[sflag:s22] =	ssyncadd.s32 $0xFFFFD800  }
0x375: {  	_ =	swait.ge [sflag:s11], $0x50  }
0x376: {  	[sflag:s11] =	ssyncset.done $0x0  }
0x377: {  	[sflag:s11] =	ssyncadd.s32 $0xFFFFFFB0  }
0x378: {  	_ =	swait.ge [sflag:s11], $0x50  }
0x379: {  	[sflag:s11] =	ssyncset.done $0x0  }
0x37a: {  	[sflag:s11] =	ssyncadd.s32 $0xFFFFFFB0  }
0x37b: {  	_ =	swait.ge [sflag:s21], $0x2800  }
0x37c: {  	[sflag:s21] =	ssyncset.done $0x0  }
0x37d: {  	[sflag:s21] =	ssyncadd.s32 $0xFFFFD800  }
0x37e: {  	[bflag:$0x0] =	sbarrier.arrive $0xFFFF  }
0x37f: {  	s20 =	rddreg [dreg:$0x7]  }
0x380: {  	s26 =	rddreg [dreg:$0x13]  }
0x381: {  	s13 =	rddreg [dreg:$0x16]  }
0x382: {  	[hbm:s26], [sflag:s20] =	dma.local [spmem:s13], $0x2800  }
0x383: {  	s13 =	simm.s32 $0x9  }
0x384: {  	_ =	swait.ge [sflag:s13], $0x2800  }
0x385: {  	s25 =	rddreg [dreg:$0x15]  }
0x386: {  	s28 =	rddreg [dreg:$0x14];
	s25 =	sadd.s32 $0x1, s25  }
0x387: {  	p0 =	sne.s32 s25, s28  }
.Ltmp6:
0x388: {  	_ = 	snop;
	(pc) =	sbr.rel @p0 .LBB2_1-.Ltmp6, $3  }
0x389: {  	_ =	sdelay $0x1  }
0x38a: {  	[sflag:s13] =	ssyncset.done $0x0  }
0x38b: {  	[sflag:s13] =	ssyncadd.s32 $0xFFFFD800  }
0x38c: {  	_ =	sfence.sel $0x180000  }
0x38d: {  	[bflag:$0x0] =	sbarrier.arrive $0xFFFF  }
0x38e: {  	_ =	strace $0x90000047  }
0x38f: {  	s0 =	stileid.u32;
	[bflag:$0x2] =	sbarrier.arrive $0xFFFF  }
0x390: {  	p0 =	sne.s32 s0, $0x0;
	s0 =	rddreg [dreg:$0x4]  }
0x391: {  	s0 =	sadd.s32 @!p0 $0x100000, s0  }
0x392: {  	[sflag:s0] =	ssyncadd.tile.s32 @!p0 $0x1;
	_ =	shalt  }
.Lfunc_end2:
_tile_overlayer_lowered:
.L_overlay_start_2:
0x393: {  	(tag) =	ssettag $0x2  }
0x394: {  	s0 =	rddreg [dreg:$0x0];
	s2 =	stileid.u32  }
0x395: {  	s1 =	rddreg [dreg:$0x1];
	p0 =	sne.s32 s2, $0x0  }
0x396: {  	s3 =	rddreg [dreg:$0x2];
	[bflag:$0x3] =	sbarrier.arrive $0xFFFF;
	s2 =	simm.s32 @!p0 $0x1C09  }
0x397: {  	[timem:s3], [sflag:s2] =	dma.local @!p0 [hbm:s0], s1  }
0x398: {  	s0 =	simm.s32 @!p0 $0x9  }
0x399: {  	_ =	swait.ge @!p0 [sflag:s0], s1  }
0x39a: {  	s1 =	ssub.s32 @!p0 $0x0, s1;
	[sflag:s0] =	ssyncset.done @!p0 $0x0  }
0x39b: {  	[sflag:s0] =	ssyncadd.s32 @!p0 s1  }
0x39c: {  	[bflag:$0x3] =	sbarrier.arrive $0xFFFF  }
0x39d: {  	_ =	shalt  }

</sc_bundles>
